<compile_context>
chip_gen: v7x
topology: tpu7x:2x2x1
jax: 0.10.2.dev20260603
libtpu: 0.0.44.dev20260713+nightly
codegen_flags: <defaults>
</compile_context>

<pallas_src>
import functools

import jax
import jax.numpy as jnp
from jax import lax
from jax.experimental import pallas as pl
from jax.experimental.pallas import tpu as pltpu
from jax.experimental.pallas import tpu_sc as plsc

_N = 4096
_E = 8192
_G = 256
_D = 64
_H = 128
_NUM_LAYER = 5
_STEPS = 3

_NW = 32
_EPW = _E // _NW
_CH = 128
_NCH = _EPW // _CH
_NPS = _N // 16
_DP = 128

_f32 = jnp.float32



@functools.cache
def _build_sc_gather():
    mesh = plsc.VectorSubcoreMesh(core_axis_name="c", subcore_axis_name="s")

    @functools.partial(
        pl.kernel,
        out_type=jax.ShapeDtypeStruct((_E, _DP), _f32),
        mesh=mesh,
        scratch_types=[
            pltpu.VMEM((_NCH, _CH), jnp.int32),
            pltpu.VMEM((_EPW, _DP), _f32),
            [pltpu.SemaphoreType.DMA] * _NCH,
        ],
    )
    def gather(h_hbm, src_hbm, out_hbm, idx_v, rows_v, sems):
        wid = lax.axis_index("s") * 2 + lax.axis_index("c")
        base = wid * _EPW
        idx_cp = [pltpu.async_copy(src_hbm.at[pl.ds(base + j * _CH, _CH)],
                                   idx_v.at[j], sems[j])
                  for j in range(_NCH)]
        row_cp = []
        for j in range(_NCH):
            idx_cp[j].wait()
            row_cp.append(pltpu.async_copy(h_hbm.at[idx_v.at[j]],
                                           rows_v.at[pl.ds(j * _CH, _CH)],
                                           sems[j]))
        out_cp = []
        for j in range(_NCH):
            row_cp[j].wait()
            out_cp.append(pltpu.async_copy(
                rows_v.at[pl.ds(j * _CH, _CH)],
                out_hbm.at[pl.ds(base + j * _CH, _CH)], sems[j]))
        for cp in out_cp:
            cp.wait()

    return gather


@functools.cache
def _build_sc_scatter_add():
    mesh = plsc.VectorSubcoreMesh(core_axis_name="c", subcore_axis_name="s")

    @functools.partial(
        pl.kernel,
        out_type=jax.ShapeDtypeStruct((2, _N, _DP), _f32),
        mesh=mesh,
        scratch_types=[
            pltpu.VMEM((_NCH, _CH), jnp.int32),
            pltpu.VMEM((_EPW, _DP), _f32),
            pltpu.VMEM_SHARED((_N, _DP), _f32),
            [pltpu.SemaphoreType.DMA] * 3,
        ],
    )
    def scatter_add(msg_hbm, dst_hbm, zero_hbm, out_hbm, idx_v, rows_v,
                    aggr_sh, sems):
        c = lax.axis_index("c")
        s = lax.axis_index("s")
        base = (s * 2 + c) * _EPW
        nb = s * _NPS
        z_cp = pltpu.async_copy(zero_hbm.at[pl.ds(nb, _NPS)],
                                aggr_sh.at[pl.ds(nb, _NPS)], sems[0])
        m_cp = pltpu.async_copy(msg_hbm.at[pl.ds(base, _EPW)], rows_v,
                                sems[1])
        i_cp = [pltpu.async_copy(dst_hbm.at[pl.ds(base + j * _CH, _CH)],
                                 idx_v.at[j], sems[2])
                for j in range(_NCH)]
        z_cp.wait()
        m_cp.wait()
        for cp in i_cp:
            cp.wait()
        plsc.subcore_barrier()
        for j in range(_NCH):
            pltpu.sync_copy(rows_v.at[pl.ds(j * _CH, _CH)],
                            aggr_sh.at[idx_v.at[j]], add=True)
        plsc.subcore_barrier()
        pltpu.sync_copy(aggr_sh.at[pl.ds(nb, _NPS)],
                        out_hbm.at[c, pl.ds(nb, _NPS)])

    return scatter_add


def _sc_gather(h, src):
    return _build_sc_gather()(h, src)


def _sc_scatter_add(msg, dst, zeros_n):
    return _build_sc_scatter_add()(msg, dst, zeros_n)



def _dotT(a, b):
    return lax.dot_general(a, b, (((1,), (1,)), ((), ())),
                           preferred_element_type=_f32)


def _pre_body(x_ref, w0_ref, b0_ref, ea_ref, we1_ref, be1_ref, we2_ref,
              h0_ref, hid_ref, we2b_ref, zn_ref, oe_ref):
    h0 = _dotT(x_ref[...], w0_ref[...]) + b0_ref[...][None, :]
    h0_ref[...] = jnp.concatenate(
        [jnp.maximum(h0, 0.0), jnp.zeros((_N, _DP - _D), _f32)], axis=1)
    hid = _dotT(ea_ref[...], we1_ref[...]) + be1_ref[...][None, :]
    hid_ref[...] = jnp.maximum(hid, 0.0).astype(jnp.bfloat16)
    we2b_ref[...] = we2_ref[...].astype(jnp.bfloat16)
    zn_ref[...] = jnp.zeros((_N, _DP), _f32)
    oe_ref[...] = jnp.ones((_E, _DP), _f32)


_EB = 1024


def _msg_body(hid_ref, xs_ref, we2_ref, be2m_ref, msg_ref):
    wt = lax.dot_general(we2_ref[...], hid_ref[...], (((1,), (1,)), ((), ())),
                         preferred_element_type=_f32)
    xs = xs_ref[...][:, 0:_D]
    xst = xs.T
    acc = wt[0:_D, :] * xst[0:1, :]
    for i in range(1, _D):
        acc = acc + wt[i * _D:(i + 1) * _D, :] * xst[i:i + 1, :]
    msg = acc.T + jnp.dot(xs, be2m_ref[...], preferred_element_type=_f32)
    msg_ref[...] = jnp.concatenate(
        [msg, jnp.zeros((_EB, _DP - _D), _f32)], axis=1)


def _gru_update(ap_ref, dp_ref, h, root_ref, cb_ref, wg_ref, bg_ref):
    aggr = ap_ref[0][:, 0:_D] + ap_ref[1][:, 0:_D]
    deg = jnp.maximum(dp_ref[0][:, 0:_D] + dp_ref[1][:, 0:_D], 1.0)
    m = jnp.maximum(aggr / deg
                    + jnp.dot(h, root_ref[...], preferred_element_type=_f32)
                    + cb_ref[...][None, :], 0.0)
    g = (lax.dot_general(jnp.concatenate([m, h], axis=1), wg_ref[...],
                         (((1,), (1,)), ((), ())),
                         preferred_element_type=_f32)
         + bg_ref[...][None, :])
    r = jax.nn.sigmoid(g[:, :_D])
    z = jax.nn.sigmoid(g[:, _D:2 * _D])
    n = jnp.tanh(g[:, 2 * _D:3 * _D] + r * g[:, 3 * _D:])
    return (1.0 - z) * n + z * h


def _update_body(ap_ref, dp_ref, h_ref, root_ref, cb_ref, wg_ref, bg_ref,
                 out_ref):
    h = h_ref[...][:, 0:_D]
    out_ref[...] = jnp.concatenate(
        [_gru_update(ap_ref, dp_ref, h, root_ref, cb_ref, wg_ref, bg_ref),
         jnp.zeros((_N, _DP - _D), _f32)], axis=1)


def _s2s_body(h_ref, batch_ref, lwih_ref, lwhh_ref, lbih_ref, lbhh_ref,
              w1_ref, b1_ref, w2_ref, b2_ref, out_ref):
    out = h_ref[...][:, 0:_D]
    seg = lax.broadcasted_iota(jnp.int32, (_N, _G), 1)
    mb = batch_ref[...][:, None] == seg
    mf = jnp.where(mb, 1.0, 0.0)
    q_star = jnp.zeros((_G, 2 * _D), _f32)
    hh = jnp.zeros((_G, _D), _f32)
    cc = jnp.zeros((_G, _D), _f32)
    for _ in range(_STEPS):
        g = (_dotT(q_star, lwih_ref[...]) + lbih_ref[...][None, :]
             + _dotT(hh, lwhh_ref[...]) + lbhh_ref[...][None, :])
        ig = jax.nn.sigmoid(g[:, :_D])
        fg = jax.nn.sigmoid(g[:, _D:2 * _D])
        gg = jnp.tanh(g[:, 2 * _D:3 * _D])
        og = jax.nn.sigmoid(g[:, 3 * _D:])
        cc = fg * cc + ig * gg
        hh = og * jnp.tanh(cc)
        qb = jnp.dot(mf, hh, preferred_element_type=_f32)
        e = jnp.sum(out * qb, axis=1, keepdims=True)
        em = jnp.where(mb, e, -jnp.inf)
        emax = jnp.max(em, axis=0, keepdims=True)
        emax = jnp.where(jnp.isfinite(emax), emax, 0.0)
        eshift = e - jnp.sum(mf * emax, axis=1, keepdims=True)
        ew = jnp.exp(eshift)
        denom = lax.dot_general(mf, ew, (((0,), (0,)), ((), ())),
                                preferred_element_type=_f32)
        rden = 1.0 / jnp.maximum(denom, 1e-16)
        a = ew * jnp.dot(mf, rden, preferred_element_type=_f32)
        rvec = lax.dot_general(mf, a * out, (((0,), (0,)), ((), ())),
                               preferred_element_type=_f32)
        q_star = jnp.concatenate([hh, rvec], axis=1)
    o1 = _dotT(q_star, w1_ref[...]) + b1_ref[...][None, :]
    o2 = _dotT(o1, w2_ref[...]) + b2_ref[...][None, :]
    out_ref[...] = jnp.where(o2 > 0.0, o2, 0.01 * o2)


def kernel(x, edge_index, edge_attr, batch, W0, b0, We1, be1, We2, be2, root,
           cbias, gWih, gWhh, gbih, gbhh, lWih, lWhh, lbih, lbhh, W1, b1,
           W2, b2):
    src_idx = edge_index[0]
    dst_idx = edge_index[1]
    h0, hidden, we2b, zeros_n, ones_e = pl.pallas_call(
        _pre_body,
        out_shape=(jax.ShapeDtypeStruct((_N, _DP), _f32),
                   jax.ShapeDtypeStruct((_E, _H), jnp.bfloat16),
                   jax.ShapeDtypeStruct((_D * _D, _H), jnp.bfloat16),
                   jax.ShapeDtypeStruct((_N, _DP), _f32),
                   jax.ShapeDtypeStruct((_E, _DP), _f32)),
    )(x, W0, b0, edge_attr, We1, be1, We2)

    deg_parts = _sc_scatter_add(ones_e, dst_idx, zeros_n)

    z64 = jnp.zeros((_D, _D), _f32)
    wg = jnp.concatenate([
        jnp.concatenate([gWih[:2 * _D], gWhh[:2 * _D]], axis=1),
        jnp.concatenate([gWih[2 * _D:], z64], axis=1),
        jnp.concatenate([z64, gWhh[2 * _D:]], axis=1),
    ], axis=0)
    bg = jnp.concatenate([gbih[:2 * _D] + gbhh[:2 * _D],
                          gbih[2 * _D:], gbhh[2 * _D:]])

    msg_call = pl.pallas_call(
        _msg_body,
        grid=(_E // _EB,),
        in_specs=[
            pl.BlockSpec((_EB, _H), lambda i: (i, 0)),
            pl.BlockSpec((_EB, _DP), lambda i: (i, 0)),
            pl.BlockSpec((_D * _D, _H), lambda i: (0, 0)),
            pl.BlockSpec((_D, _D), lambda i: (0, 0)),
        ],
        out_specs=pl.BlockSpec((_EB, _DP), lambda i: (i, 0)),
        out_shape=jax.ShapeDtypeStruct((_E, _DP), _f32),
    )
    update_call = pl.pallas_call(
        _update_body,
        out_shape=jax.ShapeDtypeStruct((_N, _DP), _f32),
    )

    be2m = be2.reshape(_D, _D)
    h = h0
    for _ in range(_NUM_LAYER):
        xs = _sc_gather(h, src_idx)
        msg = msg_call(hidden, xs, we2b, be2m)
        aggr_parts = _sc_scatter_add(msg, dst_idx, zeros_n)
        h = update_call(aggr_parts, deg_parts, h, root, cbias, wg, bg)

    return pl.pallas_call(
        _s2s_body,
        out_shape=jax.ShapeDtypeStruct((_G, 300), _f32),
    )(h, batch, lWih, lWhh, lbih, lbhh, W1, b1, W2, b2)

# --- scband reference (transcript-rebuilt; emitter-appended) ---
"""Pipeline reference for scband-net-67877663146195 (READ-ONLY COPY).

The authoritative reference and input builder live on the scoring server;
editing this copy changes nothing except your own understanding.
"""

import jax, jax.numpy as jnp
import numpy as np

N = 4096
E = 8192
G = 256
DIM = 64
NUM_LAYER = 5
STEPS = 3


def setup_inputs(seed: int = 0) -> dict:
    key = jax.random.key(seed)
    ks = jax.random.split(key, 26)
    d = DIM
    s = 0.1
    inp = {}
    inp['x'] = jax.random.normal(ks[0], (N, 6), dtype=jnp.float32)
    inp['edge_index'] = jax.random.randint(ks[1], (2, E), 0, N)
    inp['edge_attr'] = jax.random.normal(ks[2], (E, 2), dtype=jnp.float32)
    inp['batch'] = jnp.sort(jax.random.randint(ks[3], (N,), 0, G))
    inp['W0'] = s * jax.random.normal(ks[4], (d, 6), dtype=jnp.float32)
    inp['b0'] = s * jax.random.normal(ks[5], (d,), dtype=jnp.float32)
    inp['We1'] = s * jax.random.normal(ks[6], (128, 2), dtype=jnp.float32)
    inp['be1'] = s * jax.random.normal(ks[7], (128,), dtype=jnp.float32)
    inp['We2'] = (s / 4.0) * jax.random.normal(ks[8], (d * d, 128), dtype=jnp.float32)
    inp['be2'] = (s / 4.0) * jax.random.normal(ks[9], (d * d,), dtype=jnp.float32)
    inp['root'] = s * jax.random.normal(ks[10], (d, d), dtype=jnp.float32)
    inp['cbias'] = s * jax.random.normal(ks[11], (d,), dtype=jnp.float32)
    inp['gWih'] = s * jax.random.normal(ks[12], (3 * d, d), dtype=jnp.float32)
    inp['gWhh'] = s * jax.random.normal(ks[13], (3 * d, d), dtype=jnp.float32)
    inp['gbih'] = s * jax.random.normal(ks[14], (3 * d,), dtype=jnp.float32)
    inp['gbhh'] = s * jax.random.normal(ks[15], (3 * d,), dtype=jnp.float32)
    inp['lWih'] = s * jax.random.normal(ks[16], (4 * d, 2 * d), dtype=jnp.float32)
    inp['lWhh'] = s * jax.random.normal(ks[17], (4 * d, d), dtype=jnp.float32)
    inp['lbih'] = s * jax.random.normal(ks[18], (4 * d,), dtype=jnp.float32)
    inp['lbhh'] = s * jax.random.normal(ks[19], (4 * d,), dtype=jnp.float32)
    inp['W1'] = s * jax.random.normal(ks[20], (d, 2 * d), dtype=jnp.float32)
    inp['b1'] = s * jax.random.normal(ks[21], (d,), dtype=jnp.float32)
    inp['W2'] = s * jax.random.normal(ks[22], (300, d), dtype=jnp.float32)
    inp['b2'] = s * jax.random.normal(ks[23], (300,), dtype=jnp.float32)
    return inp


def reference(x, edge_index, edge_attr, batch, W0, b0, We1, be1, We2, be2, root, cbias,
              gWih, gWhh, gbih, gbhh, lWih, lWhh, lbih, lbhh, W1, b1, W2, b2):
    d = DIM
    src = edge_index[0]
    dst = edge_index[1]
    out = jax.nn.relu(x @ W0.T + b0)
    h = out
    deg = jax.ops.segment_sum(jnp.ones((E,), jnp.float32), dst, num_segments=N)
    deg = jnp.clip(deg, 1.0, None)
    ea = edge_attr.astype(jnp.float32)
    for _ in range(NUM_LAYER):
        hidden = jax.nn.relu(ea @ We1.T + be1)
        w = (hidden @ We2.T + be2).reshape(E, d, d)
        msg = jnp.einsum('ei,eio->eo', out[src], w)
        aggr = jax.ops.segment_sum(msg, dst, num_segments=N) / deg[:, None]
        m = jax.nn.relu(aggr + out @ root + cbias)
        gi = m @ gWih.T + gbih
        gh = h @ gWhh.T + gbhh
        ir, iz, inn = jnp.split(gi, 3, axis=-1)
        hr, hz, hn = jnp.split(gh, 3, axis=-1)
        r = jax.nn.sigmoid(ir + hr)
        z = jax.nn.sigmoid(iz + hz)
        n = jnp.tanh(inn + r * hn)
        h = (1.0 - z) * n + z * h
        out = h
    q_star = jnp.zeros((G, 2 * d), jnp.float32)
    hh = jnp.zeros((G, d), jnp.float32)
    cc = jnp.zeros((G, d), jnp.float32)
    for _ in range(STEPS):
        g = q_star @ lWih.T + lbih + hh @ lWhh.T + lbhh
        ig, fg, gg, og = jnp.split(g, 4, axis=-1)
        ig = jax.nn.sigmoid(ig)
        fg = jax.nn.sigmoid(fg)
        gg = jnp.tanh(gg)
        og = jax.nn.sigmoid(og)
        cc = fg * cc + ig * gg
        hh = og * jnp.tanh(cc)
        q = hh
        e = jnp.sum(out * q[batch], axis=-1)
        emax = jax.ops.segment_max(e, batch, num_segments=G)
        emax = jnp.where(jnp.isfinite(emax), emax, 0.0)
        ew = jnp.exp(e - emax[batch])
        denom = jax.ops.segment_sum(ew, batch, num_segments=G)
        a = ew / jnp.clip(denom, 1e-16, None)[batch]
        rvec = jax.ops.segment_sum(a[:, None] * out, batch, num_segments=G)
        q_star = jnp.concatenate([q, rvec], axis=-1)
    o1 = q_star @ W1.T + b1
    o2 = o1 @ W2.T + b2
    return jax.nn.leaky_relu(o2, negative_slope=0.01)

if __name__ == "__main__":
    import jax
    _d = setup_inputs()
    print(jax.jit(kernel)(*tuple(_d.values())))

</pallas_src>

<mosaic_0001>
#map = affine_map<(d0, d1) -> (0, 0)>
#map1 = affine_map<(d0, d1) -> (0)>
module attributes {stable_mosaic.version = 14 : i64} {
  func.func @gather(%arg0: i32, %arg1: i32, %arg2: memref<4096x128xf32, #tpu.memory_space<hbm>>, %arg3: memref<8192xi32, #tpu.memory_space<hbm>>, %arg4: memref<8192x128xf32, #tpu.memory_space<hbm>>, %arg5: memref<2x128xi32, #tpu.memory_space<vmem>>, %arg6: memref<256x128xf32, #tpu.memory_space<vmem>>, %arg7: memref<!tpu.dma_semaphore, #tpu.memory_space<semaphore_mem>>, %arg8: memref<!tpu.dma_semaphore, #tpu.memory_space<semaphore_mem>>) attributes {dimension_semantics = [#tpu.dimension_semantics<core_parallel>, #tpu.dimension_semantics<subcore_parallel>], iteration_bounds = array<i64: 2, 16>, scalar_prefetch = 0 : i64, scratch_operands = 4 : i64, tpu.core_type = #tpu.core_type<sc_vector_subcore>, window_params = [{transform_indices = #map}, {transform_indices = #map1}, {transform_indices = #map}]} {
    %mul3A = arith.constant 2 : i32
    %mul3A_0 = arith.muli %arg1, %mul3A : i32
    %add3A = arith.addi %mul3A_0, %arg0 : i32
    %mul3A_1 = arith.constant 256 : i32
    %mul3A_2 = arith.muli %add3A, %mul3A_1 : i32
    %add3A_3 = arith.constant 0 : i32
    %add3A_4 = arith.addi %mul3A_2, %add3A_3 : i32
    %dma_start3A = arith.constant 0 : i32
    %dma_start3A_5 = arith.constant 0 : i32
    %dma_start3A_6 = tpu.memref_slice %arg5[%dma_start3A, %dma_start3A_5] : memref<2x128xi32, #tpu.memory_space<vmem>> -> memref<1x128xi32, #tpu.memory_space<vmem>>
    %dma_start3A_7 = tpu.memref_squeeze %dma_start3A_6 : memref<1x128xi32, #tpu.memory_space<vmem>> -> memref<128xi32, #tpu.memory_space<vmem>>
    %dma_start3A_8 = tpu.memref_slice %arg3[%add3A_4] : memref<8192xi32, #tpu.memory_space<hbm>> -> memref<128xi32, #tpu.memory_space<hbm>>
    %dma_start3A_9 = arith.constant 0 : i32
    %dma_start3A_10 = tpu.memref_slice %arg5[%dma_start3A, %dma_start3A_9] : memref<2x128xi32, #tpu.memory_space<vmem>> -> memref<1x128xi32, #tpu.memory_space<vmem>>
    %dma_start3A_11 = tpu.memref_squeeze %dma_start3A_10 : memref<1x128xi32, #tpu.memory_space<vmem>> -> memref<128xi32, #tpu.memory_space<vmem>>
    %dma_start3A_12 = tpu.memref_slice %arg3[%add3A_4] : memref<8192xi32, #tpu.memory_space<hbm>> -> memref<128xi32, #tpu.memory_space<hbm>>
    tpu.enqueue_dma source(%dma_start3A_12 : memref<128xi32, #tpu.memory_space<hbm>>) target(%dma_start3A_11 : memref<128xi32, #tpu.memory_space<vmem>>) target_semaphore(%arg7 : memref<!tpu.dma_semaphore, #tpu.memory_space<semaphore_mem>>)
    %add3A_13 = arith.constant 128 : i32
    %add3A_14 = arith.addi %mul3A_2, %add3A_13 : i32
    %dma_start3A_15 = arith.constant 1 : i32
    %dma_start3A_16 = arith.constant 0 : i32
    %dma_start3A_17 = tpu.memref_slice %arg5[%dma_start3A_15, %dma_start3A_16] : memref<2x128xi32, #tpu.memory_space<vmem>> -> memref<1x128xi32, #tpu.memory_space<vmem>>
    %dma_start3A_18 = tpu.memref_squeeze %dma_start3A_17 : memref<1x128xi32, #tpu.memory_space<vmem>> -> memref<128xi32, #tpu.memory_space<vmem>>
    %dma_start3A_19 = tpu.memref_slice %arg3[%add3A_14] : memref<8192xi32, #tpu.memory_space<hbm>> -> memref<128xi32, #tpu.memory_space<hbm>>
    %dma_start3A_20 = arith.constant 0 : i32
    %dma_start3A_21 = tpu.memref_slice %arg5[%dma_start3A_15, %dma_start3A_20] : memref<2x128xi32, #tpu.memory_space<vmem>> -> memref<1x128xi32, #tpu.memory_space<vmem>>
    %dma_start3A_22 = tpu.memref_squeeze %dma_start3A_21 : memref<1x128xi32, #tpu.memory_space<vmem>> -> memref<128xi32, #tpu.memory_space<vmem>>
    %dma_start3A_23 = tpu.memref_slice %arg3[%add3A_14] : memref<8192xi32, #tpu.memory_space<hbm>> -> memref<128xi32, #tpu.memory_space<hbm>>
    tpu.enqueue_dma source(%dma_start3A_23 : memref<128xi32, #tpu.memory_space<hbm>>) target(%dma_start3A_22 : memref<128xi32, #tpu.memory_space<vmem>>) target_semaphore(%arg8 : memref<!tpu.dma_semaphore, #tpu.memory_space<semaphore_mem>>)
    %dma_wait3A = arith.constant 0 : i32
    %dma_wait3A_24 = arith.constant 0 : i32
    %dma_wait3A_25 = tpu.memref_slice %arg5[%dma_wait3A, %dma_wait3A_24] : memref<2x128xi32, #tpu.memory_space<vmem>> -> memref<1x128xi32, #tpu.memory_space<vmem>>
    %dma_wait3A_26 = tpu.memref_squeeze %dma_wait3A_25 : memref<1x128xi32, #tpu.memory_space<vmem>> -> memref<128xi32, #tpu.memory_space<vmem>>
    %dma_wait3A_27 = tpu.memref_slice %arg3[%add3A_4] : memref<8192xi32, #tpu.memory_space<hbm>> -> memref<128xi32, #tpu.memory_space<hbm>>
    %dma_wait3A_28 = arith.constant 0 : i32
    %dma_wait3A_29 = tpu.memref_slice %arg5[%dma_wait3A, %dma_wait3A_28] : memref<2x128xi32, #tpu.memory_space<vmem>> -> memref<1x128xi32, #tpu.memory_space<vmem>>
    %dma_wait3A_30 = tpu.memref_squeeze %dma_wait3A_29 : memref<1x128xi32, #tpu.memory_space<vmem>> -> memref<128xi32, #tpu.memory_space<vmem>>
    %dma_wait3A_31 = tpu.memref_slice %arg3[%add3A_4] : memref<8192xi32, #tpu.memory_space<hbm>> -> memref<128xi32, #tpu.memory_space<hbm>>
    tpu.wait_dma2 semaphore(%arg7 : memref<!tpu.dma_semaphore, #tpu.memory_space<semaphore_mem>>) src(%dma_wait3A_31 : memref<128xi32, #tpu.memory_space<hbm>>) dst(%dma_wait3A_30 : memref<128xi32, #tpu.memory_space<vmem>>)
    %dma_start3A_32 = arith.constant 0 : i32
    %dma_start3A_33 = arith.constant 0 : i32
    %dma_start3A_34 = arith.constant 0 : i32
    %dma_start3A_35 = tpu.memref_slice %arg6[%dma_start3A_33, %dma_start3A_34] : memref<256x128xf32, #tpu.memory_space<vmem>> -> memref<128x128xf32, #tpu.memory_space<vmem>>
    %dma_start3A_36 = arith.constant 0 : i32
    %dma_start3A_37 = tpu.memref_slice %arg5[%dma_start3A_32, %dma_start3A_36] : memref<2x128xi32, #tpu.memory_space<vmem>> -> memref<1x128xi32, #tpu.memory_space<vmem>>
    %dma_start3A_38 = tpu.memref_squeeze %dma_start3A_37 : memref<1x128xi32, #tpu.memory_space<vmem>> -> memref<128xi32, #tpu.memory_space<vmem>>
    %dma_start3A_39 = arith.constant 0 : i32
    %dma_start3A_40 = arith.constant 0 : i32
    %dma_start3A_41 = tpu.memref_slice %arg2[%dma_start3A_39, %dma_start3A_40] : memref<4096x128xf32, #tpu.memory_space<hbm>> -> memref<4096x128xf32, #tpu.memory_space<hbm>>
    tpu.enqueue_indirect_dma source(%dma_start3A_41 : memref<4096x128xf32, #tpu.memory_space<hbm>>) target(%dma_start3A_35 : memref<128x128xf32, #tpu.memory_space<vmem>>) offsets(%dma_start3A_38 : memref<128xi32, #tpu.memory_space<vmem>>) semaphore(%arg7 : memref<!tpu.dma_semaphore, #tpu.memory_space<semaphore_mem>>)
    %dma_wait3A_42 = arith.constant 1 : i32
    %dma_wait3A_43 = arith.constant 0 : i32
    %dma_wait3A_44 = tpu.memref_slice %arg5[%dma_wait3A_42, %dma_wait3A_43] : memref<2x128xi32, #tpu.memory_space<vmem>> -> memref<1x128xi32, #tpu.memory_space<vmem>>
    %dma_wait3A_45 = tpu.memref_squeeze %dma_wait3A_44 : memref<1x128xi32, #tpu.memory_space<vmem>> -> memref<128xi32, #tpu.memory_space<vmem>>
    %dma_wait3A_46 = tpu.memref_slice %arg3[%add3A_14] : memref<8192xi32, #tpu.memory_space<hbm>> -> memref<128xi32, #tpu.memory_space<hbm>>
    %dma_wait3A_47 = arith.constant 0 : i32
    %dma_wait3A_48 = tpu.memref_slice %arg5[%dma_wait3A_42, %dma_wait3A_47] : memref<2x128xi32, #tpu.memory_space<vmem>> -> memref<1x128xi32, #tpu.memory_space<vmem>>
    %dma_wait3A_49 = tpu.memref_squeeze %dma_wait3A_48 : memref<1x128xi32, #tpu.memory_space<vmem>> -> memref<128xi32, #tpu.memory_space<vmem>>
    %dma_wait3A_50 = tpu.memref_slice %arg3[%add3A_14] : memref<8192xi32, #tpu.memory_space<hbm>> -> memref<128xi32, #tpu.memory_space<hbm>>
    tpu.wait_dma2 semaphore(%arg8 : memref<!tpu.dma_semaphore, #tpu.memory_space<semaphore_mem>>) src(%dma_wait3A_50 : memref<128xi32, #tpu.memory_space<hbm>>) dst(%dma_wait3A_49 : memref<128xi32, #tpu.memory_space<vmem>>)
    %dma_start3A_51 = arith.constant 1 : i32
    %dma_start3A_52 = arith.constant 128 : i32
    %dma_start3A_53 = arith.constant 0 : i32
    %dma_start3A_54 = tpu.memref_slice %arg6[%dma_start3A_52, %dma_start3A_53] : memref<256x128xf32, #tpu.memory_space<vmem>> -> memref<128x128xf32, #tpu.memory_space<vmem>>
    %dma_start3A_55 = arith.constant 0 : i32
    %dma_start3A_56 = tpu.memref_slice %arg5[%dma_start3A_51, %dma_start3A_55] : memref<2x128xi32, #tpu.memory_space<vmem>> -> memref<1x128xi32, #tpu.memory_space<vmem>>
    %dma_start3A_57 = tpu.memref_squeeze %dma_start3A_56 : memref<1x128xi32, #tpu.memory_space<vmem>> -> memref<128xi32, #tpu.memory_space<vmem>>
    %dma_start3A_58 = arith.constant 0 : i32
    %dma_start3A_59 = arith.constant 0 : i32
    %dma_start3A_60 = tpu.memref_slice %arg2[%dma_start3A_58, %dma_start3A_59] : memref<4096x128xf32, #tpu.memory_space<hbm>> -> memref<4096x128xf32, #tpu.memory_space<hbm>>
    tpu.enqueue_indirect_dma source(%dma_start3A_60 : memref<4096x128xf32, #tpu.memory_space<hbm>>) target(%dma_start3A_54 : memref<128x128xf32, #tpu.memory_space<vmem>>) offsets(%dma_start3A_57 : memref<128xi32, #tpu.memory_space<vmem>>) semaphore(%arg8 : memref<!tpu.dma_semaphore, #tpu.memory_space<semaphore_mem>>)
    %dma_wait3A_61 = arith.constant 0 : i32
    %dma_wait3A_62 = arith.constant 0 : i32
    %dma_wait3A_63 = arith.constant 0 : i32
    %dma_wait3A_64 = tpu.memref_slice %arg6[%dma_wait3A_62, %dma_wait3A_63] : memref<256x128xf32, #tpu.memory_space<vmem>> -> memref<128x128xf32, #tpu.memory_space<vmem>>
    %dma_wait3A_65 = arith.constant 0 : i32
    %dma_wait3A_66 = tpu.memref_slice %arg5[%dma_wait3A_61, %dma_wait3A_65] : memref<2x128xi32, #tpu.memory_space<vmem>> -> memref<1x128xi32, #tpu.memory_space<vmem>>
    %dma_wait3A_67 = tpu.memref_squeeze %dma_wait3A_66 : memref<1x128xi32, #tpu.memory_space<vmem>> -> memref<128xi32, #tpu.memory_space<vmem>>
    %dma_wait3A_68 = arith.constant 0 : i32
    %dma_wait3A_69 = arith.constant 0 : i32
    %dma_wait3A_70 = tpu.memref_slice %arg2[%dma_wait3A_68, %dma_wait3A_69] : memref<4096x128xf32, #tpu.memory_space<hbm>> -> memref<4096x128xf32, #tpu.memory_space<hbm>>
    tpu.wait_indirect_dma semaphore(%arg7 : memref<!tpu.dma_semaphore, #tpu.memory_space<semaphore_mem>>) src(%dma_wait3A_70 : memref<4096x128xf32, #tpu.memory_space<hbm>>) dst(%dma_wait3A_64 : memref<128x128xf32, #tpu.memory_space<vmem>>)
    %add3A_71 = arith.constant 0 : i32
    %add3A_72 = arith.addi %mul3A_2, %add3A_71 : i32
    %dma_start3A_73 = arith.constant 0 : i32
    %dma_start3A_74 = arith.constant 0 : i32
    %dma_start3A_75 = tpu.memref_slice %arg6[%dma_start3A_73, %dma_start3A_74] : memref<256x128xf32, #tpu.memory_space<vmem>> -> memref<128x128xf32, #tpu.memory_space<vmem>>
    %dma_start3A_76 = arith.constant 0 : i32
    %dma_start3A_77 = tpu.memref_slice %arg4[%add3A_72, %dma_start3A_76] : memref<8192x128xf32, #tpu.memory_space<hbm>> -> memref<128x128xf32, #tpu.memory_space<hbm>>
    %dma_start3A_78 = arith.constant 0 : i32
    %dma_start3A_79 = tpu.memref_slice %arg4[%add3A_72, %dma_start3A_78] : memref<8192x128xf32, #tpu.memory_space<hbm>> -> memref<128x128xf32, #tpu.memory_space<hbm>>
    %dma_start3A_80 = arith.constant 0 : i32
    %dma_start3A_81 = arith.constant 0 : i32
    %dma_start3A_82 = tpu.memref_slice %arg6[%dma_start3A_80, %dma_start3A_81] : memref<256x128xf32, #tpu.memory_space<vmem>> -> memref<128x128xf32, #tpu.memory_space<vmem>>
    tpu.enqueue_dma source(%dma_start3A_82 : memref<128x128xf32, #tpu.memory_space<vmem>>) target(%dma_start3A_79 : memref<128x128xf32, #tpu.memory_space<hbm>>) target_semaphore(%arg7 : memref<!tpu.dma_semaphore, #tpu.memory_space<semaphore_mem>>)
    %dma_wait3A_83 = arith.constant 1 : i32
    %dma_wait3A_84 = arith.constant 128 : i32
    %dma_wait3A_85 = arith.constant 0 : i32
    %dma_wait3A_86 = tpu.memref_slice %arg6[%dma_wait3A_84, %dma_wait3A_85] : memref<256x128xf32, #tpu.memory_space<vmem>> -> memref<128x128xf32, #tpu.memory_space<vmem>>
    %dma_wait3A_87 = arith.constant 0 : i32
    %dma_wait3A_88 = tpu.memref_slice %arg5[%dma_wait3A_83, %dma_wait3A_87] : memref<2x128xi32, #tpu.memory_space<vmem>> -> memref<1x128xi32, #tpu.memory_space<vmem>>
    %dma_wait3A_89 = tpu.memref_squeeze %dma_wait3A_88 : memref<1x128xi32, #tpu.memory_space<vmem>> -> memref<128xi32, #tpu.memory_space<vmem>>
    %dma_wait3A_90 = arith.constant 0 : i32
    %dma_wait3A_91 = arith.constant 0 : i32
    %dma_wait3A_92 = tpu.memref_slice %arg2[%dma_wait3A_90, %dma_wait3A_91] : memref<4096x128xf32, #tpu.memory_space<hbm>> -> memref<4096x128xf32, #tpu.memory_space<hbm>>
    tpu.wait_indirect_dma semaphore(%arg8 : memref<!tpu.dma_semaphore, #tpu.memory_space<semaphore_mem>>) src(%dma_wait3A_92 : memref<4096x128xf32, #tpu.memory_space<hbm>>) dst(%dma_wait3A_86 : memref<128x128xf32, #tpu.memory_space<vmem>>)
    %add3A_93 = arith.constant 128 : i32
    %add3A_94 = arith.addi %mul3A_2, %add3A_93 : i32
    %dma_start3A_95 = arith.constant 128 : i32
    %dma_start3A_96 = arith.constant 0 : i32
    %dma_start3A_97 = tpu.memref_slice %arg6[%dma_start3A_95, %dma_start3A_96] : memref<256x128xf32, #tpu.memory_space<vmem>> -> memref<128x128xf32, #tpu.memory_space<vmem>>
    %dma_start3A_98 = arith.constant 0 : i32
    %dma_start3A_99 = tpu.memref_slice %arg4[%add3A_94, %dma_start3A_98] : memref<8192x128xf32, #tpu.memory_space<hbm>> -> memref<128x128xf32, #tpu.memory_space<hbm>>
    %dma_start3A_100 = arith.constant 0 : i32
    %dma_start3A_101 = tpu.memref_slice %arg4[%add3A_94, %dma_start3A_100] : memref<8192x128xf32, #tpu.memory_space<hbm>> -> memref<128x128xf32, #tpu.memory_space<hbm>>
    %dma_start3A_102 = arith.constant 128 : i32
    %dma_start3A_103 = arith.constant 0 : i32
    %dma_start3A_104 = tpu.memref_slice %arg6[%dma_start3A_102, %dma_start3A_103] : memref<256x128xf32, #tpu.memory_space<vmem>> -> memref<128x128xf32, #tpu.memory_space<vmem>>
    tpu.enqueue_dma source(%dma_start3A_104 : memref<128x128xf32, #tpu.memory_space<vmem>>) target(%dma_start3A_101 : memref<128x128xf32, #tpu.memory_space<hbm>>) target_semaphore(%arg8 : memref<!tpu.dma_semaphore, #tpu.memory_space<semaphore_mem>>)
    %dma_wait3A_105 = arith.constant 0 : i32
    %dma_wait3A_106 = arith.constant 0 : i32
    %dma_wait3A_107 = tpu.memref_slice %arg6[%dma_wait3A_105, %dma_wait3A_106] : memref<256x128xf32, #tpu.memory_space<vmem>> -> memref<128x128xf32, #tpu.memory_space<vmem>>
    %dma_wait3A_108 = arith.constant 0 : i32
    %dma_wait3A_109 = tpu.memref_slice %arg4[%add3A_72, %dma_wait3A_108] : memref<8192x128xf32, #tpu.memory_space<hbm>> -> memref<128x128xf32, #tpu.memory_space<hbm>>
    %dma_wait3A_110 = arith.constant 0 : i32
    %dma_wait3A_111 = tpu.memref_slice %arg4[%add3A_72, %dma_wait3A_110] : memref<8192x128xf32, #tpu.memory_space<hbm>> -> memref<128x128xf32, #tpu.memory_space<hbm>>
    %dma_wait3A_112 = arith.constant 0 : i32
    %dma_wait3A_113 = arith.constant 0 : i32
    %dma_wait3A_114 = tpu.memref_slice %arg6[%dma_wait3A_112, %dma_wait3A_113] : memref<256x128xf32, #tpu.memory_space<vmem>> -> memref<128x128xf32, #tpu.memory_space<vmem>>
    tpu.wait_dma2 semaphore(%arg7 : memref<!tpu.dma_semaphore, #tpu.memory_space<semaphore_mem>>) src(%dma_wait3A_114 : memref<128x128xf32, #tpu.memory_space<vmem>>) dst(%dma_wait3A_111 : memref<128x128xf32, #tpu.memory_space<hbm>>)
    %dma_wait3A_115 = arith.constant 128 : i32
    %dma_wait3A_116 = arith.constant 0 : i32
    %dma_wait3A_117 = tpu.memref_slice %arg6[%dma_wait3A_115, %dma_wait3A_116] : memref<256x128xf32, #tpu.memory_space<vmem>> -> memref<128x128xf32, #tpu.memory_space<vmem>>
    %dma_wait3A_118 = arith.constant 0 : i32
    %dma_wait3A_119 = tpu.memref_slice %arg4[%add3A_94, %dma_wait3A_118] : memref<8192x128xf32, #tpu.memory_space<hbm>> -> memref<128x128xf32, #tpu.memory_space<hbm>>
    %dma_wait3A_120 = arith.constant 0 : i32
    %dma_wait3A_121 = tpu.memref_slice %arg4[%add3A_94, %dma_wait3A_120] : memref<8192x128xf32, #tpu.memory_space<hbm>> -> memref<128x128xf32, #tpu.memory_space<hbm>>
    %dma_wait3A_122 = arith.constant 128 : i32
    %dma_wait3A_123 = arith.constant 0 : i32
    %dma_wait3A_124 = tpu.memref_slice %arg6[%dma_wait3A_122, %dma_wait3A_123] : memref<256x128xf32, #tpu.memory_space<vmem>> -> memref<128x128xf32, #tpu.memory_space<vmem>>
    tpu.wait_dma2 semaphore(%arg8 : memref<!tpu.dma_semaphore, #tpu.memory_space<semaphore_mem>>) src(%dma_wait3A_124 : memref<128x128xf32, #tpu.memory_space<vmem>>) dst(%dma_wait3A_121 : memref<128x128xf32, #tpu.memory_space<hbm>>)
    return
  }
}

#map = affine_map<(d0, d1) -> (0, 0)>
#map1 = affine_map<(d0, d1) -> (0)>
module attributes {stable_mosaic.version = 14 : i64} {
  func.func @gather(%arg0: i32, %arg1: i32, %arg2: memref<4096x128xf32, #tpu.memory_space<hbm>>, %arg3: memref<8192xi32, #tpu.memory_space<hbm>>, %arg4: memref<8192x128xf32, #tpu.memory_space<hbm>>, %arg5: memref<2x128xi32, #tpu.memory_space<vmem>>, %arg6: memref<256x128xf32, #tpu.memory_space<vmem>>, %arg7: memref<!tpu.dma_semaphore, #tpu.memory_space<semaphore_mem>>, %arg8: memref<!tpu.dma_semaphore, #tpu.memory_space<semaphore_mem>>) attributes {dimension_semantics = [#tpu.dimension_semantics<core_parallel>, #tpu.dimension_semantics<subcore_parallel>], iteration_bounds = array<i64: 2, 16>, scalar_prefetch = 0 : i64, scratch_operands = 4 : i64, tpu.core_type = #tpu.core_type<sc_vector_subcore>, window_params = [{transform_indices = #map}, {transform_indices = #map1}, {transform_indices = #map}]} {
    %mul3A = arith.constant 2 : i32
    %mul3A_0 = arith.muli %arg1, %mul3A : i32
    %add3A = arith.addi %mul3A_0, %arg0 : i32
    %mul3A_1 = arith.constant 256 : i32
    %mul3A_2 = arith.muli %add3A, %mul3A_1 : i32
    %add3A_3 = arith.constant 0 : i32
    %add3A_4 = arith.addi %mul3A_2, %add3A_3 : i32
    %dma_start3A = arith.constant 0 : i32
    %dma_start3A_5 = arith.constant 0 : i32
    %dma_start3A_6 = tpu.memref_slice %arg5[%dma_start3A, %dma_start3A_5] : memref<2x128xi32, #tpu.memory_space<vmem>> -> memref<1x128xi32, #tpu.memory_space<vmem>>
    %dma_start3A_7 = tpu.memref_squeeze %dma_start3A_6 : memref<1x128xi32, #tpu.memory_space<vmem>> -> memref<128xi32, #tpu.memory_space<vmem>>
    %dma_start3A_8 = tpu.memref_slice %arg3[%add3A_4] : memref<8192xi32, #tpu.memory_space<hbm>> -> memref<128xi32, #tpu.memory_space<hbm>>
    %dma_start3A_9 = arith.constant 0 : i32
    %dma_start3A_10 = tpu.memref_slice %arg5[%dma_start3A, %dma_start3A_9] : memref<2x128xi32, #tpu.memory_space<vmem>> -> memref<1x128xi32, #tpu.memory_space<vmem>>
    %dma_start3A_11 = tpu.memref_squeeze %dma_start3A_10 : memref<1x128xi32, #tpu.memory_space<vmem>> -> memref<128xi32, #tpu.memory_space<vmem>>
    %dma_start3A_12 = tpu.memref_slice %arg3[%add3A_4] : memref<8192xi32, #tpu.memory_space<hbm>> -> memref<128xi32, #tpu.memory_space<hbm>>
    tpu.enqueue_dma source(%dma_start3A_12 : memref<128xi32, #tpu.memory_space<hbm>>) target(%dma_start3A_11 : memref<128xi32, #tpu.memory_space<vmem>>) target_semaphore(%arg7 : memref<!tpu.dma_semaphore, #tpu.memory_space<semaphore_mem>>)
    %add3A_13 = arith.constant 128 : i32
    %add3A_14 = arith.addi %mul3A_2, %add3A_13 : i32
    %dma_start3A_15 = arith.constant 1 : i32
    %dma_start3A_16 = arith.constant 0 : i32
    %dma_start3A_17 = tpu.memref_slice %arg5[%dma_start3A_15, %dma_start3A_16] : memref<2x128xi32, #tpu.memory_space<vmem>> -> memref<1x128xi32, #tpu.memory_space<vmem>>
    %dma_start3A_18 = tpu.memref_squeeze %dma_start3A_17 : memref<1x128xi32, #tpu.memory_space<vmem>> -> memref<128xi32, #tpu.memory_space<vmem>>
    %dma_start3A_19 = tpu.memref_slice %arg3[%add3A_14] : memref<8192xi32, #tpu.memory_space<hbm>> -> memref<128xi32, #tpu.memory_space<hbm>>
    %dma_start3A_20 = arith.constant 0 : i32
    %dma_start3A_21 = tpu.memref_slice %arg5[%dma_start3A_15, %dma_start3A_20] : memref<2x128xi32, #tpu.memory_space<vmem>> -> memref<1x128xi32, #tpu.memory_space<vmem>>
    %dma_start3A_22 = tpu.memref_squeeze %dma_start3A_21 : memref<1x128xi32, #tpu.memory_space<vmem>> -> memref<128xi32, #tpu.memory_space<vmem>>
    %dma_start3A_23 = tpu.memref_slice %arg3[%add3A_14] : memref<8192xi32, #tpu.memory_space<hbm>> -> memref<128xi32, #tpu.memory_space<hbm>>
    tpu.enqueue_dma source(%dma_start3A_23 : memref<128xi32, #tpu.memory_space<hbm>>) target(%dma_start3A_22 : memref<128xi32, #tpu.memory_space<vmem>>) target_semaphore(%arg8 : memref<!tpu.dma_semaphore, #tpu.memory_space<semaphore_mem>>)
    %dma_wait3A = arith.constant 0 : i32
    %dma_wait3A_24 = arith.constant 0 : i32
    %dma_wait3A_25 = tpu.memref_slice %arg5[%dma_wait3A, %dma_wait3A_24] : memref<2x128xi32, #tpu.memory_space<vmem>> -> memref<1x128xi32, #tpu.memory_space<vmem>>
    %dma_wait3A_26 = tpu.memref_squeeze %dma_wait3A_25 : memref<1x128xi32, #tpu.memory_space<vmem>> -> memref<128xi32, #tpu.memory_space<vmem>>
    %dma_wait3A_27 = tpu.memref_slice %arg3[%add3A_4] : memref<8192xi32, #tpu.memory_space<hbm>> -> memref<128xi32, #tpu.memory_space<hbm>>
    %dma_wait3A_28 = arith.constant 0 : i32
    %dma_wait3A_29 = tpu.memref_slice %arg5[%dma_wait3A, %dma_wait3A_28] : memref<2x128xi32, #tpu.memory_space<vmem>> -> memref<1x128xi32, #tpu.memory_space<vmem>>
    %dma_wait3A_30 = tpu.memref_squeeze %dma_wait3A_29 : memref<1x128xi32, #tpu.memory_space<vmem>> -> memref<128xi32, #tpu.memory_space<vmem>>
    %dma_wait3A_31 = tpu.memref_slice %arg3[%add3A_4] : memref<8192xi32, #tpu.memory_space<hbm>> -> memref<128xi32, #tpu.memory_space<hbm>>
    tpu.wait_dma2 semaphore(%arg7 : memref<!tpu.dma_semaphore, #tpu.memory_space<semaphore_mem>>) src(%dma_wait3A_31 : memref<128xi32, #tpu.memory_space<hbm>>) dst(%dma_wait3A_30 : memref<128xi32, #tpu.memory_space<vmem>>)
    %dma_start3A_32 = arith.constant 0 : i32
    %dma_start3A_33 = arith.constant 0 : i32
    %dma_start3A_34 = arith.constant 0 : i32
    %dma_start3A_35 = tpu.memref_slice %arg6[%dma_start3A_33, %dma_start3A_34] : memref<256x128xf32, #tpu.memory_space<vmem>> -> memref<128x128xf32, #tpu.memory_space<vmem>>
    %dma_start3A_36 = arith.constant 0 : i32
    %dma_start3A_37 = tpu.memref_slice %arg5[%dma_start3A_32, %dma_start3A_36] : memref<2x128xi32, #tpu.memory_space<vmem>> -> memref<1x128xi32, #tpu.memory_space<vmem>>
    %dma_start3A_38 = tpu.memref_squeeze %dma_start3A_37 : memref<1x128xi32, #tpu.memory_space<vmem>> -> memref<128xi32, #tpu.memory_space<vmem>>
    %dma_start3A_39 = arith.constant 0 : i32
    %dma_start3A_40 = arith.constant 0 : i32
    %dma_start3A_41 = tpu.memref_slice %arg2[%dma_start3A_39, %dma_start3A_40] : memref<4096x128xf32, #tpu.memory_space<hbm>> -> memref<4096x128xf32, #tpu.memory_space<hbm>>
    tpu.enqueue_indirect_dma source(%dma_start3A_41 : memref<4096x128xf32, #tpu.memory_space<hbm>>) target(%dma_start3A_35 : memref<128x128xf32, #tpu.memory_space<vmem>>) offsets(%dma_start3A_38 : memref<128xi32, #tpu.memory_space<vmem>>) semaphore(%arg7 : memref<!tpu.dma_semaphore, #tpu.memory_space<semaphore_mem>>)
    %dma_wait3A_42 = arith.constant 1 : i32
    %dma_wait3A_43 = arith.constant 0 : i32
    %dma_wait3A_44 = tpu.memref_slice %arg5[%dma_wait3A_42, %dma_wait3A_43] : memref<2x128xi32, #tpu.memory_space<vmem>> -> memref<1x128xi32, #tpu.memory_space<vmem>>
    %dma_wait3A_45 = tpu.memref_squeeze %dma_wait3A_44 : memref<1x128xi32, #tpu.memory_space<vmem>> -> memref<128xi32, #tpu.memory_space<vmem>>
    %dma_wait3A_46 = tpu.memref_slice %arg3[%add3A_14] : memref<8192xi32, #tpu.memory_space<hbm>> -> memref<128xi32, #tpu.memory_space<hbm>>
    %dma_wait3A_47 = arith.constant 0 : i32
    %dma_wait3A_48 = tpu.memref_slice %arg5[%dma_wait3A_42, %dma_wait3A_47] : memref<2x128xi32, #tpu.memory_space<vmem>> -> memref<1x128xi32, #tpu.memory_space<vmem>>
    %dma_wait3A_49 = tpu.memref_squeeze %dma_wait3A_48 : memref<1x128xi32, #tpu.memory_space<vmem>> -> memref<128xi32, #tpu.memory_space<vmem>>
    %dma_wait3A_50 = tpu.memref_slice %arg3[%add3A_14] : memref<8192xi32, #tpu.memory_space<hbm>> -> memref<128xi32, #tpu.memory_space<hbm>>
    tpu.wait_dma2 semaphore(%arg8 : memref<!tpu.dma_semaphore, #tpu.memory_space<semaphore_mem>>) src(%dma_wait3A_50 : memref<128xi32, #tpu.memory_space<hbm>>) dst(%dma_wait3A_49 : memref<128xi32, #tpu.memory_space<vmem>>)
    %dma_start3A_51 = arith.constant 1 : i32
    %dma_start3A_52 = arith.constant 128 : i32
    %dma_start3A_53 = arith.constant 0 : i32
    %dma_start3A_54 = tpu.memref_slice %arg6[%dma_start3A_52, %dma_start3A_53] : memref<256x128xf32, #tpu.memory_space<vmem>> -> memref<128x128xf32, #tpu.memory_space<vmem>>
    %dma_start3A_55 = arith.constant 0 : i32
    %dma_start3A_56 = tpu.memref_slice %arg5[%dma_start3A_51, %dma_start3A_55] : memref<2x128xi32, #tpu.memory_space<vmem>> -> memref<1x128xi32, #tpu.memory_space<vmem>>
    %dma_start3A_57 = tpu.memref_squeeze %dma_start3A_56 : memref<1x128xi32, #tpu.memory_space<vmem>> -> memref<128xi32, #tpu.memory_space<vmem>>
    %dma_start3A_58 = arith.constant 0 : i32
    %dma_start3A_59 = arith.constant 0 : i32
    %dma_start3A_60 = tpu.memref_slice %arg2[%dma_start3A_58, %dma_start3A_59] : memref<4096x128xf32, #tpu.memory_space<hbm>> -> memref<4096x128xf32, #tpu.memory_space<hbm>>
    tpu.enqueue_indirect_dma source(%dma_start3A_60 : memref<4096x128xf32, #tpu.memory_space<hbm>>) target(%dma_start3A_54 : memref<128x128xf32, #tpu.memory_space<vmem>>) offsets(%dma_start3A_57 : memref<128xi32, #tpu.memory_space<vmem>>) semaphore(%arg8 : memref<!tpu.dma_semaphore, #tpu.memory_space<semaphore_mem>>)
    %dma_wait3A_61 = arith.constant 0 : i32
    %dma_wait3A_62 = arith.constant 0 : i32
    %dma_wait3A_63 = arith.constant 0 : i32
    %dma_wait3A_64 = tpu.memref_slice %arg6[%dma_wait3A_62, %dma_wait3A_63] : memref<256x128xf32, #tpu.memory_space<vmem>> -> memref<128x128xf32, #tpu.memory_space<vmem>>
    %dma_wait3A_65 = arith.constant 0 : i32
    %dma_wait3A_66 = tpu.memref_slice %arg5[%dma_wait3A_61, %dma_wait3A_65] : memref<2x128xi32, #tpu.memory_space<vmem>> -> memref<1x128xi32, #tpu.memory_space<vmem>>
    %dma_wait3A_67 = tpu.memref_squeeze %dma_wait3A_66 : memref<1x128xi32, #tpu.memory_space<vmem>> -> memref<128xi32, #tpu.memory_space<vmem>>
    %dma_wait3A_68 = arith.constant 0 : i32
    %dma_wait3A_69 = arith.constant 0 : i32
    %dma_wait3A_70 = tpu.memref_slice %arg2[%dma_wait3A_68, %dma_wait3A_69] : memref<4096x128xf32, #tpu.memory_space<hbm>> -> memref<4096x128xf32, #tpu.memory_space<hbm>>
    tpu.wait_indirect_dma semaphore(%arg7 : memref<!tpu.dma_semaphore, #tpu.memory_space<semaphore_mem>>) src(%dma_wait3A_70 : memref<4096x128xf32, #tpu.memory_space<hbm>>) dst(%dma_wait3A_64 : memref<128x128xf32, #tpu.memory_space<vmem>>)
    %add3A_71 = arith.constant 0 : i32
    %add3A_72 = arith.addi %mul3A_2, %add3A_71 : i32
    %dma_start3A_73 = arith.constant 0 : i32
    %dma_start3A_74 = arith.constant 0 : i32
    %dma_start3A_75 = tpu.memref_slice %arg6[%dma_start3A_73, %dma_start3A_74] : memref<256x128xf32, #tpu.memory_space<vmem>> -> memref<128x128xf32, #tpu.memory_space<vmem>>
    %dma_start3A_76 = arith.constant 0 : i32
    %dma_start3A_77 = tpu.memref_slice %arg4[%add3A_72, %dma_start3A_76] : memref<8192x128xf32, #tpu.memory_space<hbm>> -> memref<128x128xf32, #tpu.memory_space<hbm>>
    %dma_start3A_78 = arith.constant 0 : i32
    %dma_start3A_79 = tpu.memref_slice %arg4[%add3A_72, %dma_start3A_78] : memref<8192x128xf32, #tpu.memory_space<hbm>> -> memref<128x128xf32, #tpu.memory_space<hbm>>
    %dma_start3A_80 = arith.constant 0 : i32
    %dma_start3A_81 = arith.constant 0 : i32
    %dma_start3A_82 = tpu.memref_slice %arg6[%dma_start3A_80, %dma_start3A_81] : memref<256x128xf32, #tpu.memory_space<vmem>> -> memref<128x128xf32, #tpu.memory_space<vmem>>
    tpu.enqueue_dma source(%dma_start3A_82 : memref<128x128xf32, #tpu.memory_space<vmem>>) target(%dma_start3A_79 : memref<128x128xf32, #tpu.memory_space<hbm>>) target_semaphore(%arg7 : memref<!tpu.dma_semaphore, #tpu.memory_space<semaphore_mem>>)
    %dma_wait3A_83 = arith.constant 1 : i32
    %dma_wait3A_84 = arith.constant 128 : i32
    %dma_wait3A_85 = arith.constant 0 : i32
    %dma_wait3A_86 = tpu.memref_slice %arg6[%dma_wait3A_84, %dma_wait3A_85] : memref<256x128xf32, #tpu.memory_space<vmem>> -> memref<128x128xf32, #tpu.memory_space<vmem>>
    %dma_wait3A_87 = arith.constant 0 : i32
    %dma_wait3A_88 = tpu.memref_slice %arg5[%dma_wait3A_83, %dma_wait3A_87] : memref<2x128xi32, #tpu.memory_space<vmem>> -> memref<1x128xi32, #tpu.memory_space<vmem>>
    %dma_wait3A_89 = tpu.memref_squeeze %dma_wait3A_88 : memref<1x128xi32, #tpu.memory_space<vmem>> -> memref<128xi32, #tpu.memory_space<vmem>>
    %dma_wait3A_90 = arith.constant 0 : i32
    %dma_wait3A_91 = arith.constant 0 : i32
    %dma_wait3A_92 = tpu.memref_slice %arg2[%dma_wait3A_90, %dma_wait3A_91] : memref<4096x128xf32, #tpu.memory_space<hbm>> -> memref<4096x128xf32, #tpu.memory_space<hbm>>
    tpu.wait_indirect_dma semaphore(%arg8 : memref<!tpu.dma_semaphore, #tpu.memory_space<semaphore_mem>>) src(%dma_wait3A_92 : memref<4096x128xf32, #tpu.memory_space<hbm>>) dst(%dma_wait3A_86 : memref<128x128xf32, #tpu.memory_space<vmem>>)
    %add3A_93 = arith.constant 128 : i32
    %add3A_94 = arith.addi %mul3A_2, %add3A_93 : i32
    %dma_start3A_95 = arith.constant 128 : i32
    %dma_start3A_96 = arith.constant 0 : i32
    %dma_start3A_97 = tpu.memref_slice %arg6[%dma_start3A_95, %dma_start3A_96] : memref<256x128xf32, #tpu.memory_space<vmem>> -> memref<128x128xf32, #tpu.memory_space<vmem>>
    %dma_start3A_98 = arith.constant 0 : i32
    %dma_start3A_99 = tpu.memref_slice %arg4[%add3A_94, %dma_start3A_98] : memref<8192x128xf32, #tpu.memory_space<hbm>> -> memref<128x128xf32, #tpu.memory_space<hbm>>
    %dma_start3A_100 = arith.constant 0 : i32
    %dma_start3A_101 = tpu.memref_slice %arg4[%add3A_94, %dma_start3A_100] : memref<8192x128xf32, #tpu.memory_space<hbm>> -> memref<128x128xf32, #tpu.memory_space<hbm>>
    %dma_start3A_102 = arith.constant 128 : i32
    %dma_start3A_103 = arith.constant 0 : i32
    %dma_start3A_104 = tpu.memref_slice %arg6[%dma_start3A_102, %dma_start3A_103] : memref<256x128xf32, #tpu.memory_space<vmem>> -> memref<128x128xf32, #tpu.memory_space<vmem>>
    tpu.enqueue_dma source(%dma_start3A_104 : memref<128x128xf32, #tpu.memory_space<vmem>>) target(%dma_start3A_101 : memref<128x128xf32, #tpu.memory_space<hbm>>) target_semaphore(%arg8 : memref<!tpu.dma_semaphore, #tpu.memory_space<semaphore_mem>>)
    %dma_wait3A_105 = arith.constant 0 : i32
    %dma_wait3A_106 = arith.constant 0 : i32
    %dma_wait3A_107 = tpu.memref_slice %arg6[%dma_wait3A_105, %dma_wait3A_106] : memref<256x128xf32, #tpu.memory_space<vmem>> -> memref<128x128xf32, #tpu.memory_space<vmem>>
    %dma_wait3A_108 = arith.constant 0 : i32
    %dma_wait3A_109 = tpu.memref_slice %arg4[%add3A_72, %dma_wait3A_108] : memref<8192x128xf32, #tpu.memory_space<hbm>> -> memref<128x128xf32, #tpu.memory_space<hbm>>
    %dma_wait3A_110 = arith.constant 0 : i32
    %dma_wait3A_111 = tpu.memref_slice %arg4[%add3A_72, %dma_wait3A_110] : memref<8192x128xf32, #tpu.memory_space<hbm>> -> memref<128x128xf32, #tpu.memory_space<hbm>>
    %dma_wait3A_112 = arith.constant 0 : i32
    %dma_wait3A_113 = arith.constant 0 : i32
    %dma_wait3A_114 = tpu.memref_slice %arg6[%dma_wait3A_112, %dma_wait3A_113] : memref<256x128xf32, #tpu.memory_space<vmem>> -> memref<128x128xf32, #tpu.memory_space<vmem>>
    tpu.wait_dma2 semaphore(%arg7 : memref<!tpu.dma_semaphore, #tpu.memory_space<semaphore_mem>>) src(%dma_wait3A_114 : memref<128x128xf32, #tpu.memory_space<vmem>>) dst(%dma_wait3A_111 : memref<128x128xf32, #tpu.memory_space<hbm>>)
    %dma_wait3A_115 = arith.constant 128 : i32
    %dma_wait3A_116 = arith.constant 0 : i32
    %dma_wait3A_117 = tpu.memref_slice %arg6[%dma_wait3A_115, %dma_wait3A_116] : memref<256x128xf32, #tpu.memory_space<vmem>> -> memref<128x128xf32, #tpu.memory_space<vmem>>
    %dma_wait3A_118 = arith.constant 0 : i32
    %dma_wait3A_119 = tpu.memref_slice %arg4[%add3A_94, %dma_wait3A_118] : memref<8192x128xf32, #tpu.memory_space<hbm>> -> memref<128x128xf32, #tpu.memory_space<hbm>>
    %dma_wait3A_120 = arith.constant 0 : i32
    %dma_wait3A_121 = tpu.memref_slice %arg4[%add3A_94, %dma_wait3A_120] : memref<8192x128xf32, #tpu.memory_space<hbm>> -> memref<128x128xf32, #tpu.memory_space<hbm>>
    %dma_wait3A_122 = arith.constant 128 : i32
    %dma_wait3A_123 = arith.constant 0 : i32
    %dma_wait3A_124 = tpu.memref_slice %arg6[%dma_wait3A_122, %dma_wait3A_123] : memref<256x128xf32, #tpu.memory_space<vmem>> -> memref<128x128xf32, #tpu.memory_space<vmem>>
    tpu.wait_dma2 semaphore(%arg8 : memref<!tpu.dma_semaphore, #tpu.memory_space<semaphore_mem>>) src(%dma_wait3A_124 : memref<128x128xf32, #tpu.memory_space<vmem>>) dst(%dma_wait3A_121 : memref<128x128xf32, #tpu.memory_space<hbm>>)
    return
  }
}

#map = affine_map<(d0, d1) -> (0, 0)>
#map1 = affine_map<(d0, d1) -> (0)>
#map2 = affine_map<(d0, d1) -> (0, 0, 0)>
module attributes {stable_mosaic.version = 14 : i64} {
  func.func @scatter_add(%arg0: i32, %arg1: i32, %arg2: memref<8192x128xf32, #tpu.memory_space<hbm>>, %arg3: memref<8192xi32, #tpu.memory_space<hbm>>, %arg4: memref<4096x128xf32, #tpu.memory_space<hbm>>, %arg5: memref<2x4096x128xf32, #tpu.memory_space<hbm>>, %arg6: memref<2x128xi32, #tpu.memory_space<vmem>>, %arg7: memref<256x128xf32, #tpu.memory_space<vmem>>, %arg8: memref<4096x128xf32, #tpu.memory_space<vmem_shared>>, %arg9: memref<!tpu.dma_semaphore, #tpu.memory_space<semaphore_mem>>, %arg10: memref<!tpu.dma_semaphore, #tpu.memory_space<semaphore_mem>>, %arg11: memref<!tpu.dma_semaphore, #tpu.memory_space<semaphore_mem>>) attributes {dimension_semantics = [#tpu.dimension_semantics<core_parallel>, #tpu.dimension_semantics<subcore_parallel>], iteration_bounds = array<i64: 2, 16>, scalar_prefetch = 0 : i64, scratch_operands = 6 : i64, tpu.core_type = #tpu.core_type<sc_vector_subcore>, window_params = [{transform_indices = #map}, {transform_indices = #map1}, {transform_indices = #map}, {transform_indices = #map2}]} {
    %mul3A = arith.constant 2 : i32
    %mul3A_0 = arith.muli %arg1, %mul3A : i32
    %add3A = arith.addi %mul3A_0, %arg0 : i32
    %mul3A_1 = arith.constant 256 : i32
    %mul3A_2 = arith.muli %add3A, %mul3A_1 : i32
    %mul3A_3 = arith.constant 256 : i32
    %mul3A_4 = arith.muli %arg1, %mul3A_3 : i32
    %dma_start3A = arith.constant 0 : i32
    %dma_start3A_5 = tpu.memref_slice %arg8[%mul3A_4, %dma_start3A] : memref<4096x128xf32, #tpu.memory_space<vmem_shared>> -> memref<256x128xf32, #tpu.memory_space<vmem_shared>>
    %dma_start3A_6 = arith.constant 0 : i32
    %dma_start3A_7 = tpu.memref_slice %arg4[%mul3A_4, %dma_start3A_6] : memref<4096x128xf32, #tpu.memory_space<hbm>> -> memref<256x128xf32, #tpu.memory_space<hbm>>
    tpu.enqueue_dma source(%dma_start3A_7 : memref<256x128xf32, #tpu.memory_space<hbm>>) target(%dma_start3A_5 : memref<256x128xf32, #tpu.memory_space<vmem_shared>>) target_semaphore(%arg9 : memref<!tpu.dma_semaphore, #tpu.memory_space<semaphore_mem>>)
    %dma_start3A_8 = arith.constant 0 : i32
    %dma_start3A_9 = tpu.memref_slice %arg2[%mul3A_2, %dma_start3A_8] : memref<8192x128xf32, #tpu.memory_space<hbm>> -> memref<256x128xf32, #tpu.memory_space<hbm>>
    %dma_start3A_10 = arith.constant 0 : i32
    %dma_start3A_11 = tpu.memref_slice %arg2[%mul3A_2, %dma_start3A_10] : memref<8192x128xf32, #tpu.memory_space<hbm>> -> memref<256x128xf32, #tpu.memory_space<hbm>>
    tpu.enqueue_dma source(%dma_start3A_11 : memref<256x128xf32, #tpu.memory_space<hbm>>) target(%arg7 : memref<256x128xf32, #tpu.memory_space<vmem>>) target_semaphore(%arg10 : memref<!tpu.dma_semaphore, #tpu.memory_space<semaphore_mem>>)
    %add3A_12 = arith.constant 0 : i32
    %add3A_13 = arith.addi %mul3A_2, %add3A_12 : i32
    %dma_start3A_14 = arith.constant 0 : i32
    %dma_start3A_15 = arith.constant 0 : i32
    %dma_start3A_16 = tpu.memref_slice %arg6[%dma_start3A_14, %dma_start3A_15] : memref<2x128xi32, #tpu.memory_space<vmem>> -> memref<1x128xi32, #tpu.memory_space<vmem>>
    %dma_start3A_17 = tpu.memref_squeeze %dma_start3A_16 : memref<1x128xi32, #tpu.memory_space<vmem>> -> memref<128xi32, #tpu.memory_space<vmem>>
    %dma_start3A_18 = tpu.memref_slice %arg3[%add3A_13] : memref<8192xi32, #tpu.memory_space<hbm>> -> memref<128xi32, #tpu.memory_space<hbm>>
    %dma_start3A_19 = arith.constant 0 : i32
    %dma_start3A_20 = tpu.memref_slice %arg6[%dma_start3A_14, %dma_start3A_19] : memref<2x128xi32, #tpu.memory_space<vmem>> -> memref<1x128xi32, #tpu.memory_space<vmem>>
    %dma_start3A_21 = tpu.memref_squeeze %dma_start3A_20 : memref<1x128xi32, #tpu.memory_space<vmem>> -> memref<128xi32, #tpu.memory_space<vmem>>
    %dma_start3A_22 = tpu.memref_slice %arg3[%add3A_13] : memref<8192xi32, #tpu.memory_space<hbm>> -> memref<128xi32, #tpu.memory_space<hbm>>
    tpu.enqueue_dma source(%dma_start3A_22 : memref<128xi32, #tpu.memory_space<hbm>>) target(%dma_start3A_21 : memref<128xi32, #tpu.memory_space<vmem>>) target_semaphore(%arg11 : memref<!tpu.dma_semaphore, #tpu.memory_space<semaphore_mem>>)
    %add3A_23 = arith.constant 128 : i32
    %add3A_24 = arith.addi %mul3A_2, %add3A_23 : i32
    %dma_start3A_25 = arith.constant 1 : i32
    %dma_start3A_26 = arith.constant 0 : i32
    %dma_start3A_27 = tpu.memref_slice %arg6[%dma_start3A_25, %dma_start3A_26] : memref<2x128xi32, #tpu.memory_space<vmem>> -> memref<1x128xi32, #tpu.memory_space<vmem>>
    %dma_start3A_28 = tpu.memref_squeeze %dma_start3A_27 : memref<1x128xi32, #tpu.memory_space<vmem>> -> memref<128xi32, #tpu.memory_space<vmem>>
    %dma_start3A_29 = tpu.memref_slice %arg3[%add3A_24] : memref<8192xi32, #tpu.memory_space<hbm>> -> memref<128xi32, #tpu.memory_space<hbm>>
    %dma_start3A_30 = arith.constant 0 : i32
    %dma_start3A_31 = tpu.memref_slice %arg6[%dma_start3A_25, %dma_start3A_30] : memref<2x128xi32, #tpu.memory_space<vmem>> -> memref<1x128xi32, #tpu.memory_space<vmem>>
    %dma_start3A_32 = tpu.memref_squeeze %dma_start3A_31 : memref<1x128xi32, #tpu.memory_space<vmem>> -> memref<128xi32, #tpu.memory_space<vmem>>
    %dma_start3A_33 = tpu.memref_slice %arg3[%add3A_24] : memref<8192xi32, #tpu.memory_space<hbm>> -> memref<128xi32, #tpu.memory_space<hbm>>
    tpu.enqueue_dma source(%dma_start3A_33 : memref<128xi32, #tpu.memory_space<hbm>>) target(%dma_start3A_32 : memref<128xi32, #tpu.memory_space<vmem>>) target_semaphore(%arg11 : memref<!tpu.dma_semaphore, #tpu.memory_space<semaphore_mem>>)
    %dma_wait3A = arith.constant 0 : i32
    %dma_wait3A_34 = tpu.memref_slice %arg8[%mul3A_4, %dma_wait3A] : memref<4096x128xf32, #tpu.memory_space<vmem_shared>> -> memref<256x128xf32, #tpu.memory_space<vmem_shared>>
    %dma_wait3A_35 = arith.constant 0 : i32
    %dma_wait3A_36 = tpu.memref_slice %arg4[%mul3A_4, %dma_wait3A_35] : memref<4096x128xf32, #tpu.memory_space<hbm>> -> memref<256x128xf32, #tpu.memory_space<hbm>>
    tpu.wait_dma2 semaphore(%arg9 : memref<!tpu.dma_semaphore, #tpu.memory_space<semaphore_mem>>) src(%dma_wait3A_36 : memref<256x128xf32, #tpu.memory_space<hbm>>) dst(%dma_wait3A_34 : memref<256x128xf32, #tpu.memory_space<vmem_shared>>)
    %dma_wait3A_37 = arith.constant 0 : i32
    %dma_wait3A_38 = tpu.memref_slice %arg2[%mul3A_2, %dma_wait3A_37] : memref<8192x128xf32, #tpu.memory_space<hbm>> -> memref<256x128xf32, #tpu.memory_space<hbm>>
    %dma_wait3A_39 = arith.constant 0 : i32
    %dma_wait3A_40 = tpu.memref_slice %arg2[%mul3A_2, %dma_wait3A_39] : memref<8192x128xf32, #tpu.memory_space<hbm>> -> memref<256x128xf32, #tpu.memory_space<hbm>>
    tpu.wait_dma2 semaphore(%arg10 : memref<!tpu.dma_semaphore, #tpu.memory_space<semaphore_mem>>) src(%dma_wait3A_40 : memref<256x128xf32, #tpu.memory_space<hbm>>) dst(%arg7 : memref<256x128xf32, #tpu.memory_space<vmem>>)
    %dma_wait3A_41 = arith.constant 0 : i32
    %dma_wait3A_42 = arith.constant 0 : i32
    %dma_wait3A_43 = tpu.memref_slice %arg6[%dma_wait3A_41, %dma_wait3A_42] : memref<2x128xi32, #tpu.memory_space<vmem>> -> memref<1x128xi32, #tpu.memory_space<vmem>>
    %dma_wait3A_44 = tpu.memref_squeeze %dma_wait3A_43 : memref<1x128xi32, #tpu.memory_space<vmem>> -> memref<128xi32, #tpu.memory_space<vmem>>
    %dma_wait3A_45 = tpu.memref_slice %arg3[%add3A_13] : memref<8192xi32, #tpu.memory_space<hbm>> -> memref<128xi32, #tpu.memory_space<hbm>>
    %dma_wait3A_46 = arith.constant 0 : i32
    %dma_wait3A_47 = tpu.memref_slice %arg6[%dma_wait3A_41, %dma_wait3A_46] : memref<2x128xi32, #tpu.memory_space<vmem>> -> memref<1x128xi32, #tpu.memory_space<vmem>>
    %dma_wait3A_48 = tpu.memref_squeeze %dma_wait3A_47 : memref<1x128xi32, #tpu.memory_space<vmem>> -> memref<128xi32, #tpu.memory_space<vmem>>
    %dma_wait3A_49 = tpu.memref_slice %arg3[%add3A_13] : memref<8192xi32, #tpu.memory_space<hbm>> -> memref<128xi32, #tpu.memory_space<hbm>>
    tpu.wait_dma2 semaphore(%arg11 : memref<!tpu.dma_semaphore, #tpu.memory_space<semaphore_mem>>) src(%dma_wait3A_49 : memref<128xi32, #tpu.memory_space<hbm>>) dst(%dma_wait3A_48 : memref<128xi32, #tpu.memory_space<vmem>>)
    %dma_wait3A_50 = arith.constant 1 : i32
    %dma_wait3A_51 = arith.constant 0 : i32
    %dma_wait3A_52 = tpu.memref_slice %arg6[%dma_wait3A_50, %dma_wait3A_51] : memref<2x128xi32, #tpu.memory_space<vmem>> -> memref<1x128xi32, #tpu.memory_space<vmem>>
    %dma_wait3A_53 = tpu.memref_squeeze %dma_wait3A_52 : memref<1x128xi32, #tpu.memory_space<vmem>> -> memref<128xi32, #tpu.memory_space<vmem>>
    %dma_wait3A_54 = tpu.memref_slice %arg3[%add3A_24] : memref<8192xi32, #tpu.memory_space<hbm>> -> memref<128xi32, #tpu.memory_space<hbm>>
    %dma_wait3A_55 = arith.constant 0 : i32
    %dma_wait3A_56 = tpu.memref_slice %arg6[%dma_wait3A_50, %dma_wait3A_55] : memref<2x128xi32, #tpu.memory_space<vmem>> -> memref<1x128xi32, #tpu.memory_space<vmem>>
    %dma_wait3A_57 = tpu.memref_squeeze %dma_wait3A_56 : memref<1x128xi32, #tpu.memory_space<vmem>> -> memref<128xi32, #tpu.memory_space<vmem>>
    %dma_wait3A_58 = tpu.memref_slice %arg3[%add3A_24] : memref<8192xi32, #tpu.memory_space<hbm>> -> memref<128xi32, #tpu.memory_space<hbm>>
    tpu.wait_dma2 semaphore(%arg11 : memref<!tpu.dma_semaphore, #tpu.memory_space<semaphore_mem>>) src(%dma_wait3A_58 : memref<128xi32, #tpu.memory_space<hbm>>) dst(%dma_wait3A_57 : memref<128xi32, #tpu.memory_space<vmem>>)
    %barrier3A = arith.constant 0 : index
    tpu.barrier barrier_id(%barrier3A)
    %run_scoped3A = arith.constant 0 : i32
    "tpu.region"() ({
      %run_scoped3A_61 = tpu.sem_alloc : memref<!tpu.dma_semaphore, #tpu.memory_space<semaphore_mem>>
      %dma_start3A_62 = arith.constant 0 : i32
      %dma_start3A_63 = arith.constant 0 : i32
      %dma_start3A_64 = tpu.memref_slice %arg7[%dma_start3A_62, %dma_start3A_63] : memref<256x128xf32, #tpu.memory_space<vmem>> -> memref<128x128xf32, #tpu.memory_space<vmem>>
      %dma_start3A_65 = arith.constant 0 : i32
      %dma_start3A_66 = tpu.memref_slice %arg6[%run_scoped3A, %dma_start3A_65] : memref<2x128xi32, #tpu.memory_space<vmem>> -> memref<1x128xi32, #tpu.memory_space<vmem>>
      %dma_start3A_67 = tpu.memref_squeeze %dma_start3A_66 : memref<1x128xi32, #tpu.memory_space<vmem>> -> memref<128xi32, #tpu.memory_space<vmem>>
      %dma_start3A_68 = arith.constant 0 : i32
      %dma_start3A_69 = arith.constant 0 : i32
      %dma_start3A_70 = tpu.memref_slice %arg8[%dma_start3A_68, %dma_start3A_69] : memref<4096x128xf32, #tpu.memory_space<vmem_shared>> -> memref<4096x128xf32, #tpu.memory_space<vmem_shared>>
      tpu.enqueue_indirect_dma source(%dma_start3A_64 : memref<128x128xf32, #tpu.memory_space<vmem>>) target(%dma_start3A_70 : memref<4096x128xf32, #tpu.memory_space<vmem_shared>>) offsets(%dma_start3A_67 : memref<128xi32, #tpu.memory_space<vmem>>) semaphore(%run_scoped3A_61 : memref<!tpu.dma_semaphore, #tpu.memory_space<semaphore_mem>>) {add = true}
      %dma_wait3A_71 = arith.constant 0 : i32
      %dma_wait3A_72 = arith.constant 0 : i32
      %dma_wait3A_73 = tpu.memref_slice %arg7[%dma_wait3A_71, %dma_wait3A_72] : memref<256x128xf32, #tpu.memory_space<vmem>> -> memref<128x128xf32, #tpu.memory_space<vmem>>
      %dma_wait3A_74 = arith.constant 0 : i32
      %dma_wait3A_75 = tpu.memref_slice %arg6[%run_scoped3A, %dma_wait3A_74] : memref<2x128xi32, #tpu.memory_space<vmem>> -> memref<1x128xi32, #tpu.memory_space<vmem>>
      %dma_wait3A_76 = tpu.memref_squeeze %dma_wait3A_75 : memref<1x128xi32, #tpu.memory_space<vmem>> -> memref<128xi32, #tpu.memory_space<vmem>>
      %dma_wait3A_77 = arith.constant 0 : i32
      %dma_wait3A_78 = arith.constant 0 : i32
      %dma_wait3A_79 = tpu.memref_slice %arg8[%dma_wait3A_77, %dma_wait3A_78] : memref<4096x128xf32, #tpu.memory_space<vmem_shared>> -> memref<4096x128xf32, #tpu.memory_space<vmem_shared>>
      tpu.wait_indirect_dma semaphore(%run_scoped3A_61 : memref<!tpu.dma_semaphore, #tpu.memory_space<semaphore_mem>>) src(%dma_wait3A_73 : memref<128x128xf32, #tpu.memory_space<vmem>>) dst(%dma_wait3A_79 : memref<4096x128xf32, #tpu.memory_space<vmem_shared>>)
      tpu.yield
    }) : () -> ()
    %run_scoped3A_59 = arith.constant 1 : i32
    "tpu.region"() ({
      %run_scoped3A_61 = tpu.sem_alloc : memref<!tpu.dma_semaphore, #tpu.memory_space<semaphore_mem>>
      %dma_start3A_62 = arith.constant 128 : i32
      %dma_start3A_63 = arith.constant 0 : i32
      %dma_start3A_64 = tpu.memref_slice %arg7[%dma_start3A_62, %dma_start3A_63] : memref<256x128xf32, #tpu.memory_space<vmem>> -> memref<128x128xf32, #tpu.memory_space<vmem>>
      %dma_start3A_65 = arith.constant 0 : i32
      %dma_start3A_66 = tpu.memref_slice %arg6[%run_scoped3A_59, %dma_start3A_65] : memref<2x128xi32, #tpu.memory_space<vmem>> -> memref<1x128xi32, #tpu.memory_space<vmem>>
      %dma_start3A_67 = tpu.memref_squeeze %dma_start3A_66 : memref<1x128xi32, #tpu.memory_space<vmem>> -> memref<128xi32, #tpu.memory_space<vmem>>
      %dma_start3A_68 = arith.constant 0 : i32
      %dma_start3A_69 = arith.constant 0 : i32
      %dma_start3A_70 = tpu.memref_slice %arg8[%dma_start3A_68, %dma_start3A_69] : memref<4096x128xf32, #tpu.memory_space<vmem_shared>> -> memref<4096x128xf32, #tpu.memory_space<vmem_shared>>
      tpu.enqueue_indirect_dma source(%dma_start3A_64 : memref<128x128xf32, #tpu.memory_space<vmem>>) target(%dma_start3A_70 : memref<4096x128xf32, #tpu.memory_space<vmem_shared>>) offsets(%dma_start3A_67 : memref<128xi32, #tpu.memory_space<vmem>>) semaphore(%run_scoped3A_61 : memref<!tpu.dma_semaphore, #tpu.memory_space<semaphore_mem>>) {add = true}
      %dma_wait3A_71 = arith.constant 128 : i32
      %dma_wait3A_72 = arith.constant 0 : i32
      %dma_wait3A_73 = tpu.memref_slice %arg7[%dma_wait3A_71, %dma_wait3A_72] : memref<256x128xf32, #tpu.memory_space<vmem>> -> memref<128x128xf32, #tpu.memory_space<vmem>>
      %dma_wait3A_74 = arith.constant 0 : i32
      %dma_wait3A_75 = tpu.memref_slice %arg6[%run_scoped3A_59, %dma_wait3A_74] : memref<2x128xi32, #tpu.memory_space<vmem>> -> memref<1x128xi32, #tpu.memory_space<vmem>>
      %dma_wait3A_76 = tpu.memref_squeeze %dma_wait3A_75 : memref<1x128xi32, #tpu.memory_space<vmem>> -> memref<128xi32, #tpu.memory_space<vmem>>
      %dma_wait3A_77 = arith.constant 0 : i32
      %dma_wait3A_78 = arith.constant 0 : i32
      %dma_wait3A_79 = tpu.memref_slice %arg8[%dma_wait3A_77, %dma_wait3A_78] : memref<4096x128xf32, #tpu.memory_space<vmem_shared>> -> memref<4096x128xf32, #tpu.memory_space<vmem_shared>>
      tpu.wait_indirect_dma semaphore(%run_scoped3A_61 : memref<!tpu.dma_semaphore, #tpu.memory_space<semaphore_mem>>) src(%dma_wait3A_73 : memref<128x128xf32, #tpu.memory_space<vmem>>) dst(%dma_wait3A_79 : memref<4096x128xf32, #tpu.memory_space<vmem_shared>>)
      tpu.yield
    }) : () -> ()
    %barrier3A_60 = arith.constant 0 : index
    tpu.barrier barrier_id(%barrier3A_60)
    "tpu.region"() ({
      %run_scoped3A_61 = tpu.sem_alloc : memref<!tpu.dma_semaphore, #tpu.memory_space<semaphore_mem>>
      %dma_start3A_62 = arith.constant 0 : i32
      %dma_start3A_63 = tpu.memref_slice %arg5[%arg0, %mul3A_4, %dma_start3A_62] : memref<2x4096x128xf32, #tpu.memory_space<hbm>> -> memref<1x256x128xf32, #tpu.memory_space<hbm>>
      %dma_start3A_64 = tpu.memref_squeeze %dma_start3A_63 : memref<1x256x128xf32, #tpu.memory_space<hbm>> -> memref<256x128xf32, #tpu.memory_space<hbm>>
      %dma_start3A_65 = arith.constant 0 : i32
      %dma_start3A_66 = tpu.memref_slice %arg8[%mul3A_4, %dma_start3A_65] : memref<4096x128xf32, #tpu.memory_space<vmem_shared>> -> memref<256x128xf32, #tpu.memory_space<vmem_shared>>
      tpu.enqueue_dma source(%dma_start3A_66 : memref<256x128xf32, #tpu.memory_space<vmem_shared>>) target(%dma_start3A_64 : memref<256x128xf32, #tpu.memory_space<hbm>>) target_semaphore(%run_scoped3A_61 : memref<!tpu.dma_semaphore, #tpu.memory_space<semaphore_mem>>)
      %dma_wait3A_67 = arith.constant 0 : i32
      %dma_wait3A_68 = tpu.memref_slice %arg5[%arg0, %mul3A_4, %dma_wait3A_67] : memref<2x4096x128xf32, #tpu.memory_space<hbm>> -> memref<1x256x128xf32, #tpu.memory_space<hbm>>
      %dma_wait3A_69 = tpu.memref_squeeze %dma_wait3A_68 : memref<1x256x128xf32, #tpu.memory_space<hbm>> -> memref<256x128xf32, #tpu.memory_space<hbm>>
      %dma_wait3A_70 = arith.constant 0 : i32
      %dma_wait3A_71 = tpu.memref_slice %arg8[%mul3A_4, %dma_wait3A_70] : memref<4096x128xf32, #tpu.memory_space<vmem_shared>> -> memref<256x128xf32, #tpu.memory_space<vmem_shared>>
      tpu.wait_dma2 semaphore(%run_scoped3A_61 : memref<!tpu.dma_semaphore, #tpu.memory_space<semaphore_mem>>) src(%dma_wait3A_71 : memref<256x128xf32, #tpu.memory_space<vmem_shared>>) dst(%dma_wait3A_69 : memref<256x128xf32, #tpu.memory_space<hbm>>)
      tpu.yield
    }) : () -> ()
    return
  }
}

#map = affine_map<(d0, d1) -> (0, 0)>
#map1 = affine_map<(d0, d1) -> (0)>
#map2 = affine_map<(d0, d1) -> (0, 0, 0)>
module attributes {stable_mosaic.version = 14 : i64} {
  func.func @scatter_add(%arg0: i32, %arg1: i32, %arg2: memref<8192x128xf32, #tpu.memory_space<hbm>>, %arg3: memref<8192xi32, #tpu.memory_space<hbm>>, %arg4: memref<4096x128xf32, #tpu.memory_space<hbm>>, %arg5: memref<2x4096x128xf32, #tpu.memory_space<hbm>>, %arg6: memref<2x128xi32, #tpu.memory_space<vmem>>, %arg7: memref<256x128xf32, #tpu.memory_space<vmem>>, %arg8: memref<4096x128xf32, #tpu.memory_space<vmem_shared>>, %arg9: memref<!tpu.dma_semaphore, #tpu.memory_space<semaphore_mem>>, %arg10: memref<!tpu.dma_semaphore, #tpu.memory_space<semaphore_mem>>, %arg11: memref<!tpu.dma_semaphore, #tpu.memory_space<semaphore_mem>>) attributes {dimension_semantics = [#tpu.dimension_semantics<core_parallel>, #tpu.dimension_semantics<subcore_parallel>], iteration_bounds = array<i64: 2, 16>, scalar_prefetch = 0 : i64, scratch_operands = 6 : i64, tpu.core_type = #tpu.core_type<sc_vector_subcore>, window_params = [{transform_indices = #map}, {transform_indices = #map1}, {transform_indices = #map}, {transform_indices = #map2}]} {
    %mul3A = arith.constant 2 : i32
    %mul3A_0 = arith.muli %arg1, %mul3A : i32
    %add3A = arith.addi %mul3A_0, %arg0 : i32
    %mul3A_1 = arith.constant 256 : i32
    %mul3A_2 = arith.muli %add3A, %mul3A_1 : i32
    %mul3A_3 = arith.constant 256 : i32
    %mul3A_4 = arith.muli %arg1, %mul3A_3 : i32
    %dma_start3A = arith.constant 0 : i32
    %dma_start3A_5 = tpu.memref_slice %arg8[%mul3A_4, %dma_start3A] : memref<4096x128xf32, #tpu.memory_space<vmem_shared>> -> memref<256x128xf32, #tpu.memory_space<vmem_shared>>
    %dma_start3A_6 = arith.constant 0 : i32
    %dma_start3A_7 = tpu.memref_slice %arg4[%mul3A_4, %dma_start3A_6] : memref<4096x128xf32, #tpu.memory_space<hbm>> -> memref<256x128xf32, #tpu.memory_space<hbm>>
    tpu.enqueue_dma source(%dma_start3A_7 : memref<256x128xf32, #tpu.memory_space<hbm>>) target(%dma_start3A_5 : memref<256x128xf32, #tpu.memory_space<vmem_shared>>) target_semaphore(%arg9 : memref<!tpu.dma_semaphore, #tpu.memory_space<semaphore_mem>>)
    %dma_start3A_8 = arith.constant 0 : i32
    %dma_start3A_9 = tpu.memref_slice %arg2[%mul3A_2, %dma_start3A_8] : memref<8192x128xf32, #tpu.memory_space<hbm>> -> memref<256x128xf32, #tpu.memory_space<hbm>>
    %dma_start3A_10 = arith.constant 0 : i32
    %dma_start3A_11 = tpu.memref_slice %arg2[%mul3A_2, %dma_start3A_10] : memref<8192x128xf32, #tpu.memory_space<hbm>> -> memref<256x128xf32, #tpu.memory_space<hbm>>
    tpu.enqueue_dma source(%dma_start3A_11 : memref<256x128xf32, #tpu.memory_space<hbm>>) target(%arg7 : memref<256x128xf32, #tpu.memory_space<vmem>>) target_semaphore(%arg10 : memref<!tpu.dma_semaphore, #tpu.memory_space<semaphore_mem>>)
    %add3A_12 = arith.constant 0 : i32
    %add3A_13 = arith.addi %mul3A_2, %add3A_12 : i32
    %dma_start3A_14 = arith.constant 0 : i32
    %dma_start3A_15 = arith.constant 0 : i32
    %dma_start3A_16 = tpu.memref_slice %arg6[%dma_start3A_14, %dma_start3A_15] : memref<2x128xi32, #tpu.memory_space<vmem>> -> memref<1x128xi32, #tpu.memory_space<vmem>>
    %dma_start3A_17 = tpu.memref_squeeze %dma_start3A_16 : memref<1x128xi32, #tpu.memory_space<vmem>> -> memref<128xi32, #tpu.memory_space<vmem>>
    %dma_start3A_18 = tpu.memref_slice %arg3[%add3A_13] : memref<8192xi32, #tpu.memory_space<hbm>> -> memref<128xi32, #tpu.memory_space<hbm>>
    %dma_start3A_19 = arith.constant 0 : i32
    %dma_start3A_20 = tpu.memref_slice %arg6[%dma_start3A_14, %dma_start3A_19] : memref<2x128xi32, #tpu.memory_space<vmem>> -> memref<1x128xi32, #tpu.memory_space<vmem>>
    %dma_start3A_21 = tpu.memref_squeeze %dma_start3A_20 : memref<1x128xi32, #tpu.memory_space<vmem>> -> memref<128xi32, #tpu.memory_space<vmem>>
    %dma_start3A_22 = tpu.memref_slice %arg3[%add3A_13] : memref<8192xi32, #tpu.memory_space<hbm>> -> memref<128xi32, #tpu.memory_space<hbm>>
    tpu.enqueue_dma source(%dma_start3A_22 : memref<128xi32, #tpu.memory_space<hbm>>) target(%dma_start3A_21 : memref<128xi32, #tpu.memory_space<vmem>>) target_semaphore(%arg11 : memref<!tpu.dma_semaphore, #tpu.memory_space<semaphore_mem>>)
    %add3A_23 = arith.constant 128 : i32
    %add3A_24 = arith.addi %mul3A_2, %add3A_23 : i32
    %dma_start3A_25 = arith.constant 1 : i32
    %dma_start3A_26 = arith.constant 0 : i32
    %dma_start3A_27 = tpu.memref_slice %arg6[%dma_start3A_25, %dma_start3A_26] : memref<2x128xi32, #tpu.memory_space<vmem>> -> memref<1x128xi32, #tpu.memory_space<vmem>>
    %dma_start3A_28 = tpu.memref_squeeze %dma_start3A_27 : memref<1x128xi32, #tpu.memory_space<vmem>> -> memref<128xi32, #tpu.memory_space<vmem>>
    %dma_start3A_29 = tpu.memref_slice %arg3[%add3A_24] : memref<8192xi32, #tpu.memory_space<hbm>> -> memref<128xi32, #tpu.memory_space<hbm>>
    %dma_start3A_30 = arith.constant 0 : i32
    %dma_start3A_31 = tpu.memref_slice %arg6[%dma_start3A_25, %dma_start3A_30] : memref<2x128xi32, #tpu.memory_space<vmem>> -> memref<1x128xi32, #tpu.memory_space<vmem>>
    %dma_start3A_32 = tpu.memref_squeeze %dma_start3A_31 : memref<1x128xi32, #tpu.memory_space<vmem>> -> memref<128xi32, #tpu.memory_space<vmem>>
    %dma_start3A_33 = tpu.memref_slice %arg3[%add3A_24] : memref<8192xi32, #tpu.memory_space<hbm>> -> memref<128xi32, #tpu.memory_space<hbm>>
    tpu.enqueue_dma source(%dma_start3A_33 : memref<128xi32, #tpu.memory_space<hbm>>) target(%dma_start3A_32 : memref<128xi32, #tpu.memory_space<vmem>>) target_semaphore(%arg11 : memref<!tpu.dma_semaphore, #tpu.memory_space<semaphore_mem>>)
    %dma_wait3A = arith.constant 0 : i32
    %dma_wait3A_34 = tpu.memref_slice %arg8[%mul3A_4, %dma_wait3A] : memref<4096x128xf32, #tpu.memory_space<vmem_shared>> -> memref<256x128xf32, #tpu.memory_space<vmem_shared>>
    %dma_wait3A_35 = arith.constant 0 : i32
    %dma_wait3A_36 = tpu.memref_slice %arg4[%mul3A_4, %dma_wait3A_35] : memref<4096x128xf32, #tpu.memory_space<hbm>> -> memref<256x128xf32, #tpu.memory_space<hbm>>
    tpu.wait_dma2 semaphore(%arg9 : memref<!tpu.dma_semaphore, #tpu.memory_space<semaphore_mem>>) src(%dma_wait3A_36 : memref<256x128xf32, #tpu.memory_space<hbm>>) dst(%dma_wait3A_34 : memref<256x128xf32, #tpu.memory_space<vmem_shared>>)
    %dma_wait3A_37 = arith.constant 0 : i32
    %dma_wait3A_38 = tpu.memref_slice %arg2[%mul3A_2, %dma_wait3A_37] : memref<8192x128xf32, #tpu.memory_space<hbm>> -> memref<256x128xf32, #tpu.memory_space<hbm>>
    %dma_wait3A_39 = arith.constant 0 : i32
    %dma_wait3A_40 = tpu.memref_slice %arg2[%mul3A_2, %dma_wait3A_39] : memref<8192x128xf32, #tpu.memory_space<hbm>> -> memref<256x128xf32, #tpu.memory_space<hbm>>
    tpu.wait_dma2 semaphore(%arg10 : memref<!tpu.dma_semaphore, #tpu.memory_space<semaphore_mem>>) src(%dma_wait3A_40 : memref<256x128xf32, #tpu.memory_space<hbm>>) dst(%arg7 : memref<256x128xf32, #tpu.memory_space<vmem>>)
    %dma_wait3A_41 = arith.constant 0 : i32
    %dma_wait3A_42 = arith.constant 0 : i32
    %dma_wait3A_43 = tpu.memref_slice %arg6[%dma_wait3A_41, %dma_wait3A_42] : memref<2x128xi32, #tpu.memory_space<vmem>> -> memref<1x128xi32, #tpu.memory_space<vmem>>
    %dma_wait3A_44 = tpu.memref_squeeze %dma_wait3A_43 : memref<1x128xi32, #tpu.memory_space<vmem>> -> memref<128xi32, #tpu.memory_space<vmem>>
    %dma_wait3A_45 = tpu.memref_slice %arg3[%add3A_13] : memref<8192xi32, #tpu.memory_space<hbm>> -> memref<128xi32, #tpu.memory_space<hbm>>
    %dma_wait3A_46 = arith.constant 0 : i32
    %dma_wait3A_47 = tpu.memref_slice %arg6[%dma_wait3A_41, %dma_wait3A_46] : memref<2x128xi32, #tpu.memory_space<vmem>> -> memref<1x128xi32, #tpu.memory_space<vmem>>
    %dma_wait3A_48 = tpu.memref_squeeze %dma_wait3A_47 : memref<1x128xi32, #tpu.memory_space<vmem>> -> memref<128xi32, #tpu.memory_space<vmem>>
    %dma_wait3A_49 = tpu.memref_slice %arg3[%add3A_13] : memref<8192xi32, #tpu.memory_space<hbm>> -> memref<128xi32, #tpu.memory_space<hbm>>
    tpu.wait_dma2 semaphore(%arg11 : memref<!tpu.dma_semaphore, #tpu.memory_space<semaphore_mem>>) src(%dma_wait3A_49 : memref<128xi32, #tpu.memory_space<hbm>>) dst(%dma_wait3A_48 : memref<128xi32, #tpu.memory_space<vmem>>)
    %dma_wait3A_50 = arith.constant 1 : i32
    %dma_wait3A_51 = arith.constant 0 : i32
    %dma_wait3A_52 = tpu.memref_slice %arg6[%dma_wait3A_50, %dma_wait3A_51] : memref<2x128xi32, #tpu.memory_space<vmem>> -> memref<1x128xi32, #tpu.memory_space<vmem>>
    %dma_wait3A_53 = tpu.memref_squeeze %dma_wait3A_52 : memref<1x128xi32, #tpu.memory_space<vmem>> -> memref<128xi32, #tpu.memory_space<vmem>>
    %dma_wait3A_54 = tpu.memref_slice %arg3[%add3A_24] : memref<8192xi32, #tpu.memory_space<hbm>> -> memref<128xi32, #tpu.memory_space<hbm>>
    %dma_wait3A_55 = arith.constant 0 : i32
    %dma_wait3A_56 = tpu.memref_slice %arg6[%dma_wait3A_50, %dma_wait3A_55] : memref<2x128xi32, #tpu.memory_space<vmem>> -> memref<1x128xi32, #tpu.memory_space<vmem>>
    %dma_wait3A_57 = tpu.memref_squeeze %dma_wait3A_56 : memref<1x128xi32, #tpu.memory_space<vmem>> -> memref<128xi32, #tpu.memory_space<vmem>>
    %dma_wait3A_58 = tpu.memref_slice %arg3[%add3A_24] : memref<8192xi32, #tpu.memory_space<hbm>> -> memref<128xi32, #tpu.memory_space<hbm>>
    tpu.wait_dma2 semaphore(%arg11 : memref<!tpu.dma_semaphore, #tpu.memory_space<semaphore_mem>>) src(%dma_wait3A_58 : memref<128xi32, #tpu.memory_space<hbm>>) dst(%dma_wait3A_57 : memref<128xi32, #tpu.memory_space<vmem>>)
    %barrier3A = arith.constant 0 : index
    tpu.barrier barrier_id(%barrier3A)
    %run_scoped3A = arith.constant 0 : i32
    "tpu.region"() ({
      %run_scoped3A_61 = tpu.sem_alloc : memref<!tpu.dma_semaphore, #tpu.memory_space<semaphore_mem>>
      %dma_start3A_62 = arith.constant 0 : i32
      %dma_start3A_63 = arith.constant 0 : i32
      %dma_start3A_64 = tpu.memref_slice %arg7[%dma_start3A_62, %dma_start3A_63] : memref<256x128xf32, #tpu.memory_space<vmem>> -> memref<128x128xf32, #tpu.memory_space<vmem>>
      %dma_start3A_65 = arith.constant 0 : i32
      %dma_start3A_66 = tpu.memref_slice %arg6[%run_scoped3A, %dma_start3A_65] : memref<2x128xi32, #tpu.memory_space<vmem>> -> memref<1x128xi32, #tpu.memory_space<vmem>>
      %dma_start3A_67 = tpu.memref_squeeze %dma_start3A_66 : memref<1x128xi32, #tpu.memory_space<vmem>> -> memref<128xi32, #tpu.memory_space<vmem>>
      %dma_start3A_68 = arith.constant 0 : i32
      %dma_start3A_69 = arith.constant 0 : i32
      %dma_start3A_70 = tpu.memref_slice %arg8[%dma_start3A_68, %dma_start3A_69] : memref<4096x128xf32, #tpu.memory_space<vmem_shared>> -> memref<4096x128xf32, #tpu.memory_space<vmem_shared>>
      tpu.enqueue_indirect_dma source(%dma_start3A_64 : memref<128x128xf32, #tpu.memory_space<vmem>>) target(%dma_start3A_70 : memref<4096x128xf32, #tpu.memory_space<vmem_shared>>) offsets(%dma_start3A_67 : memref<128xi32, #tpu.memory_space<vmem>>) semaphore(%run_scoped3A_61 : memref<!tpu.dma_semaphore, #tpu.memory_space<semaphore_mem>>) {add = true}
      %dma_wait3A_71 = arith.constant 0 : i32
      %dma_wait3A_72 = arith.constant 0 : i32
      %dma_wait3A_73 = tpu.memref_slice %arg7[%dma_wait3A_71, %dma_wait3A_72] : memref<256x128xf32, #tpu.memory_space<vmem>> -> memref<128x128xf32, #tpu.memory_space<vmem>>
      %dma_wait3A_74 = arith.constant 0 : i32
      %dma_wait3A_75 = tpu.memref_slice %arg6[%run_scoped3A, %dma_wait3A_74] : memref<2x128xi32, #tpu.memory_space<vmem>> -> memref<1x128xi32, #tpu.memory_space<vmem>>
      %dma_wait3A_76 = tpu.memref_squeeze %dma_wait3A_75 : memref<1x128xi32, #tpu.memory_space<vmem>> -> memref<128xi32, #tpu.memory_space<vmem>>
      %dma_wait3A_77 = arith.constant 0 : i32
      %dma_wait3A_78 = arith.constant 0 : i32
      %dma_wait3A_79 = tpu.memref_slice %arg8[%dma_wait3A_77, %dma_wait3A_78] : memref<4096x128xf32, #tpu.memory_space<vmem_shared>> -> memref<4096x128xf32, #tpu.memory_space<vmem_shared>>
      tpu.wait_indirect_dma semaphore(%run_scoped3A_61 : memref<!tpu.dma_semaphore, #tpu.memory_space<semaphore_mem>>) src(%dma_wait3A_73 : memref<128x128xf32, #tpu.memory_space<vmem>>) dst(%dma_wait3A_79 : memref<4096x128xf32, #tpu.memory_space<vmem_shared>>)
      tpu.yield
    }) : () -> ()
    %run_scoped3A_59 = arith.constant 1 : i32
    "tpu.region"() ({
      %run_scoped3A_61 = tpu.sem_alloc : memref<!tpu.dma_semaphore, #tpu.memory_space<semaphore_mem>>
      %dma_start3A_62 = arith.constant 128 : i32
      %dma_start3A_63 = arith.constant 0 : i32
      %dma_start3A_64 = tpu.memref_slice %arg7[%dma_start3A_62, %dma_start3A_63] : memref<256x128xf32, #tpu.memory_space<vmem>> -> memref<128x128xf32, #tpu.memory_space<vmem>>
      %dma_start3A_65 = arith.constant 0 : i32
      %dma_start3A_66 = tpu.memref_slice %arg6[%run_scoped3A_59, %dma_start3A_65] : memref<2x128xi32, #tpu.memory_space<vmem>> -> memref<1x128xi32, #tpu.memory_space<vmem>>
      %dma_start3A_67 = tpu.memref_squeeze %dma_start3A_66 : memref<1x128xi32, #tpu.memory_space<vmem>> -> memref<128xi32, #tpu.memory_space<vmem>>
      %dma_start3A_68 = arith.constant 0 : i32
      %dma_start3A_69 = arith.constant 0 : i32
      %dma_start3A_70 = tpu.memref_slice %arg8[%dma_start3A_68, %dma_start3A_69] : memref<4096x128xf32, #tpu.memory_space<vmem_shared>> -> memref<4096x128xf32, #tpu.memory_space<vmem_shared>>
      tpu.enqueue_indirect_dma source(%dma_start3A_64 : memref<128x128xf32, #tpu.memory_space<vmem>>) target(%dma_start3A_70 : memref<4096x128xf32, #tpu.memory_space<vmem_shared>>) offsets(%dma_start3A_67 : memref<128xi32, #tpu.memory_space<vmem>>) semaphore(%run_scoped3A_61 : memref<!tpu.dma_semaphore, #tpu.memory_space<semaphore_mem>>) {add = true}
      %dma_wait3A_71 = arith.constant 128 : i32
      %dma_wait3A_72 = arith.constant 0 : i32
      %dma_wait3A_73 = tpu.memref_slice %arg7[%dma_wait3A_71, %dma_wait3A_72] : memref<256x128xf32, #tpu.memory_space<vmem>> -> memref<128x128xf32, #tpu.memory_space<vmem>>
      %dma_wait3A_74 = arith.constant 0 : i32
      %dma_wait3A_75 = tpu.memref_slice %arg6[%run_scoped3A_59, %dma_wait3A_74] : memref<2x128xi32, #tpu.memory_space<vmem>> -> memref<1x128xi32, #tpu.memory_space<vmem>>
      %dma_wait3A_76 = tpu.memref_squeeze %dma_wait3A_75 : memref<1x128xi32, #tpu.memory_space<vmem>> -> memref<128xi32, #tpu.memory_space<vmem>>
      %dma_wait3A_77 = arith.constant 0 : i32
      %dma_wait3A_78 = arith.constant 0 : i32
      %dma_wait3A_79 = tpu.memref_slice %arg8[%dma_wait3A_77, %dma_wait3A_78] : memref<4096x128xf32, #tpu.memory_space<vmem_shared>> -> memref<4096x128xf32, #tpu.memory_space<vmem_shared>>
      tpu.wait_indirect_dma semaphore(%run_scoped3A_61 : memref<!tpu.dma_semaphore, #tpu.memory_space<semaphore_mem>>) src(%dma_wait3A_73 : memref<128x128xf32, #tpu.memory_space<vmem>>) dst(%dma_wait3A_79 : memref<4096x128xf32, #tpu.memory_space<vmem_shared>>)
      tpu.yield
    }) : () -> ()
    %barrier3A_60 = arith.constant 0 : index
    tpu.barrier barrier_id(%barrier3A_60)
    "tpu.region"() ({
      %run_scoped3A_61 = tpu.sem_alloc : memref<!tpu.dma_semaphore, #tpu.memory_space<semaphore_mem>>
      %dma_start3A_62 = arith.constant 0 : i32
      %dma_start3A_63 = tpu.memref_slice %arg5[%arg0, %mul3A_4, %dma_start3A_62] : memref<2x4096x128xf32, #tpu.memory_space<hbm>> -> memref<1x256x128xf32, #tpu.memory_space<hbm>>
      %dma_start3A_64 = tpu.memref_squeeze %dma_start3A_63 : memref<1x256x128xf32, #tpu.memory_space<hbm>> -> memref<256x128xf32, #tpu.memory_space<hbm>>
      %dma_start3A_65 = arith.constant 0 : i32
      %dma_start3A_66 = tpu.memref_slice %arg8[%mul3A_4, %dma_start3A_65] : memref<4096x128xf32, #tpu.memory_space<vmem_shared>> -> memref<256x128xf32, #tpu.memory_space<vmem_shared>>
      tpu.enqueue_dma source(%dma_start3A_66 : memref<256x128xf32, #tpu.memory_space<vmem_shared>>) target(%dma_start3A_64 : memref<256x128xf32, #tpu.memory_space<hbm>>) target_semaphore(%run_scoped3A_61 : memref<!tpu.dma_semaphore, #tpu.memory_space<semaphore_mem>>)
      %dma_wait3A_67 = arith.constant 0 : i32
      %dma_wait3A_68 = tpu.memref_slice %arg5[%arg0, %mul3A_4, %dma_wait3A_67] : memref<2x4096x128xf32, #tpu.memory_space<hbm>> -> memref<1x256x128xf32, #tpu.memory_space<hbm>>
      %dma_wait3A_69 = tpu.memref_squeeze %dma_wait3A_68 : memref<1x256x128xf32, #tpu.memory_space<hbm>> -> memref<256x128xf32, #tpu.memory_space<hbm>>
      %dma_wait3A_70 = arith.constant 0 : i32
      %dma_wait3A_71 = tpu.memref_slice %arg8[%mul3A_4, %dma_wait3A_70] : memref<4096x128xf32, #tpu.memory_space<vmem_shared>> -> memref<256x128xf32, #tpu.memory_space<vmem_shared>>
      tpu.wait_dma2 semaphore(%run_scoped3A_61 : memref<!tpu.dma_semaphore, #tpu.memory_space<semaphore_mem>>) src(%dma_wait3A_71 : memref<256x128xf32, #tpu.memory_space<vmem_shared>>) dst(%dma_wait3A_69 : memref<256x128xf32, #tpu.memory_space<hbm>>)
      tpu.yield
    }) : () -> ()
    return
  }
}

#map = affine_map<(d0, d1) -> (0, 0)>
#map1 = affine_map<(d0, d1) -> (0)>
#map2 = affine_map<(d0, d1) -> (0, 0, 0)>
module attributes {stable_mosaic.version = 14 : i64} {
  func.func @scatter_add(%arg0: i32, %arg1: i32, %arg2: memref<8192x128xf32, #tpu.memory_space<hbm>>, %arg3: memref<8192xi32, #tpu.memory_space<hbm>>, %arg4: memref<4096x128xf32, #tpu.memory_space<hbm>>, %arg5: memref<2x4096x128xf32, #tpu.memory_space<hbm>>, %arg6: memref<2x128xi32, #tpu.memory_space<vmem>>, %arg7: memref<256x128xf32, #tpu.memory_space<vmem>>, %arg8: memref<4096x128xf32, #tpu.memory_space<vmem_shared>>, %arg9: memref<!tpu.dma_semaphore, #tpu.memory_space<semaphore_mem>>, %arg10: memref<!tpu.dma_semaphore, #tpu.memory_space<semaphore_mem>>, %arg11: memref<!tpu.dma_semaphore, #tpu.memory_space<semaphore_mem>>) attributes {dimension_semantics = [#tpu.dimension_semantics<core_parallel>, #tpu.dimension_semantics<subcore_parallel>], iteration_bounds = array<i64: 2, 16>, scalar_prefetch = 0 : i64, scratch_operands = 6 : i64, tpu.core_type = #tpu.core_type<sc_vector_subcore>, window_params = [{transform_indices = #map}, {transform_indices = #map1}, {transform_indices = #map}, {transform_indices = #map2}]} {
    %mul3A = arith.constant 2 : i32
    %mul3A_0 = arith.muli %arg1, %mul3A : i32
    %add3A = arith.addi %mul3A_0, %arg0 : i32
    %mul3A_1 = arith.constant 256 : i32
    %mul3A_2 = arith.muli %add3A, %mul3A_1 : i32
    %mul3A_3 = arith.constant 256 : i32
    %mul3A_4 = arith.muli %arg1, %mul3A_3 : i32
    %dma_start3A = arith.constant 0 : i32
    %dma_start3A_5 = tpu.memref_slice %arg8[%mul3A_4, %dma_start3A] : memref<4096x128xf32, #tpu.memory_space<vmem_shared>> -> memref<256x128xf32, #tpu.memory_space<vmem_shared>>
    %dma_start3A_6 = arith.constant 0 : i32
    %dma_start3A_7 = tpu.memref_slice %arg4[%mul3A_4, %dma_start3A_6] : memref<4096x128xf32, #tpu.memory_space<hbm>> -> memref<256x128xf32, #tpu.memory_space<hbm>>
    tpu.enqueue_dma source(%dma_start3A_7 : memref<256x128xf32, #tpu.memory_space<hbm>>) target(%dma_start3A_5 : memref<256x128xf32, #tpu.memory_space<vmem_shared>>) target_semaphore(%arg9 : memref<!tpu.dma_semaphore, #tpu.memory_space<semaphore_mem>>)
    %dma_start3A_8 = arith.constant 0 : i32
    %dma_start3A_9 = tpu.memref_slice %arg2[%mul3A_2, %dma_start3A_8] : memref<8192x128xf32, #tpu.memory_space<hbm>> -> memref<256x128xf32, #tpu.memory_space<hbm>>
    %dma_start3A_10 = arith.constant 0 : i32
    %dma_start3A_11 = tpu.memref_slice %arg2[%mul3A_2, %dma_start3A_10] : memref<8192x128xf32, #tpu.memory_space<hbm>> -> memref<256x128xf32, #tpu.memory_space<hbm>>
    tpu.enqueue_dma source(%dma_start3A_11 : memref<256x128xf32, #tpu.memory_space<hbm>>) target(%arg7 : memref<256x128xf32, #tpu.memory_space<vmem>>) target_semaphore(%arg10 : memref<!tpu.dma_semaphore, #tpu.memory_space<semaphore_mem>>)
    %add3A_12 = arith.constant 0 : i32
    %add3A_13 = arith.addi %mul3A_2, %add3A_12 : i32
    %dma_start3A_14 = arith.constant 0 : i32
    %dma_start3A_15 = arith.constant 0 : i32
    %dma_start3A_16 = tpu.memref_slice %arg6[%dma_start3A_14, %dma_start3A_15] : memref<2x128xi32, #tpu.memory_space<vmem>> -> memref<1x128xi32, #tpu.memory_space<vmem>>
    %dma_start3A_17 = tpu.memref_squeeze %dma_start3A_16 : memref<1x128xi32, #tpu.memory_space<vmem>> -> memref<128xi32, #tpu.memory_space<vmem>>
    %dma_start3A_18 = tpu.memref_slice %arg3[%add3A_13] : memref<8192xi32, #tpu.memory_space<hbm>> -> memref<128xi32, #tpu.memory_space<hbm>>
    %dma_start3A_19 = arith.constant 0 : i32
    %dma_start3A_20 = tpu.memref_slice %arg6[%dma_start3A_14, %dma_start3A_19] : memref<2x128xi32, #tpu.memory_space<vmem>> -> memref<1x128xi32, #tpu.memory_space<vmem>>
    %dma_start3A_21 = tpu.memref_squeeze %dma_start3A_20 : memref<1x128xi32, #tpu.memory_space<vmem>> -> memref<128xi32, #tpu.memory_space<vmem>>
    %dma_start3A_22 = tpu.memref_slice %arg3[%add3A_13] : memref<8192xi32, #tpu.memory_space<hbm>> -> memref<128xi32, #tpu.memory_space<hbm>>
    tpu.enqueue_dma source(%dma_start3A_22 : memref<128xi32, #tpu.memory_space<hbm>>) target(%dma_start3A_21 : memref<128xi32, #tpu.memory_space<vmem>>) target_semaphore(%arg11 : memref<!tpu.dma_semaphore, #tpu.memory_space<semaphore_mem>>)
    %add3A_23 = arith.constant 128 : i32
    %add3A_24 = arith.addi %mul3A_2, %add3A_23 : i32
    %dma_start3A_25 = arith.constant 1 : i32
    %dma_start3A_26 = arith.constant 0 : i32
    %dma_start3A_27 = tpu.memref_slice %arg6[%dma_start3A_25, %dma_start3A_26] : memref<2x128xi32, #tpu.memory_space<vmem>> -> memref<1x128xi32, #tpu.memory_space<vmem>>
    %dma_start3A_28 = tpu.memref_squeeze %dma_start3A_27 : memref<1x128xi32, #tpu.memory_space<vmem>> -> memref<128xi32, #tpu.memory_space<vmem>>
    %dma_start3A_29 = tpu.memref_slice %arg3[%add3A_24] : memref<8192xi32, #tpu.memory_space<hbm>> -> memref<128xi32, #tpu.memory_space<hbm>>
    %dma_start3A_30 = arith.constant 0 : i32
    %dma_start3A_31 = tpu.memref_slice %arg6[%dma_start3A_25, %dma_start3A_30] : memref<2x128xi32, #tpu.memory_space<vmem>> -> memref<1x128xi32, #tpu.memory_space<vmem>>
    %dma_start3A_32 = tpu.memref_squeeze %dma_start3A_31 : memref<1x128xi32, #tpu.memory_space<vmem>> -> memref<128xi32, #tpu.memory_space<vmem>>
    %dma_start3A_33 = tpu.memref_slice %arg3[%add3A_24] : memref<8192xi32, #tpu.memory_space<hbm>> -> memref<128xi32, #tpu.memory_space<hbm>>
    tpu.enqueue_dma source(%dma_start3A_33 : memref<128xi32, #tpu.memory_space<hbm>>) target(%dma_start3A_32 : memref<128xi32, #tpu.memory_space<vmem>>) target_semaphore(%arg11 : memref<!tpu.dma_semaphore, #tpu.memory_space<semaphore_mem>>)
    %dma_wait3A = arith.constant 0 : i32
    %dma_wait3A_34 = tpu.memref_slice %arg8[%mul3A_4, %dma_wait3A] : memref<4096x128xf32, #tpu.memory_space<vmem_shared>> -> memref<256x128xf32, #tpu.memory_space<vmem_shared>>
    %dma_wait3A_35 = arith.constant 0 : i32
    %dma_wait3A_36 = tpu.memref_slice %arg4[%mul3A_4, %dma_wait3A_35] : memref<4096x128xf32, #tpu.memory_space<hbm>> -> memref<256x128xf32, #tpu.memory_space<hbm>>
    tpu.wait_dma2 semaphore(%arg9 : memref<!tpu.dma_semaphore, #tpu.memory_space<semaphore_mem>>) src(%dma_wait3A_36 : memref<256x128xf32, #tpu.memory_space<hbm>>) dst(%dma_wait3A_34 : memref<256x128xf32, #tpu.memory_space<vmem_shared>>)
    %dma_wait3A_37 = arith.constant 0 : i32
    %dma_wait3A_38 = tpu.memref_slice %arg2[%mul3A_2, %dma_wait3A_37] : memref<8192x128xf32, #tpu.memory_space<hbm>> -> memref<256x128xf32, #tpu.memory_space<hbm>>
    %dma_wait3A_39 = arith.constant 0 : i32
    %dma_wait3A_40 = tpu.memref_slice %arg2[%mul3A_2, %dma_wait3A_39] : memref<8192x128xf32, #tpu.memory_space<hbm>> -> memref<256x128xf32, #tpu.memory_space<hbm>>
    tpu.wait_dma2 semaphore(%arg10 : memref<!tpu.dma_semaphore, #tpu.memory_space<semaphore_mem>>) src(%dma_wait3A_40 : memref<256x128xf32, #tpu.memory_space<hbm>>) dst(%arg7 : memref<256x128xf32, #tpu.memory_space<vmem>>)
    %dma_wait3A_41 = arith.constant 0 : i32
    %dma_wait3A_42 = arith.constant 0 : i32
    %dma_wait3A_43 = tpu.memref_slice %arg6[%dma_wait3A_41, %dma_wait3A_42] : memref<2x128xi32, #tpu.memory_space<vmem>> -> memref<1x128xi32, #tpu.memory_space<vmem>>
    %dma_wait3A_44 = tpu.memref_squeeze %dma_wait3A_43 : memref<1x128xi32, #tpu.memory_space<vmem>> -> memref<128xi32, #tpu.memory_space<vmem>>
    %dma_wait3A_45 = tpu.memref_slice %arg3[%add3A_13] : memref<8192xi32, #tpu.memory_space<hbm>> -> memref<128xi32, #tpu.memory_space<hbm>>
    %dma_wait3A_46 = arith.constant 0 : i32
    %dma_wait3A_47 = tpu.memref_slice %arg6[%dma_wait3A_41, %dma_wait3A_46] : memref<2x128xi32, #tpu.memory_space<vmem>> -> memref<1x128xi32, #tpu.memory_space<vmem>>
    %dma_wait3A_48 = tpu.memref_squeeze %dma_wait3A_47 : memref<1x128xi32, #tpu.memory_space<vmem>> -> memref<128xi32, #tpu.memory_space<vmem>>
    %dma_wait3A_49 = tpu.memref_slice %arg3[%add3A_13] : memref<8192xi32, #tpu.memory_space<hbm>> -> memref<128xi32, #tpu.memory_space<hbm>>
    tpu.wait_dma2 semaphore(%arg11 : memref<!tpu.dma_semaphore, #tpu.memory_space<semaphore_mem>>) src(%dma_wait3A_49 : memref<128xi32, #tpu.memory_space<hbm>>) dst(%dma_wait3A_48 : memref<128xi32, #tpu.memory_space<vmem>>)
    %dma_wait3A_50 = arith.constant 1 : i32
    %dma_wait3A_51 = arith.constant 0 : i32
    %dma_wait3A_52 = tpu.memref_slice %arg6[%dma_wait3A_50, %dma_wait3A_51] : memref<2x128xi32, #tpu.memory_space<vmem>> -> memref<1x128xi32, #tpu.memory_space<vmem>>
    %dma_wait3A_53 = tpu.memref_squeeze %dma_wait3A_52 : memref<1x128xi32, #tpu.memory_space<vmem>> -> memref<128xi32, #tpu.memory_space<vmem>>
    %dma_wait3A_54 = tpu.memref_slice %arg3[%add3A_24] : memref<8192xi32, #tpu.memory_space<hbm>> -> memref<128xi32, #tpu.memory_space<hbm>>
    %dma_wait3A_55 = arith.constant 0 : i32
    %dma_wait3A_56 = tpu.memref_slice %arg6[%dma_wait3A_50, %dma_wait3A_55] : memref<2x128xi32, #tpu.memory_space<vmem>> -> memref<1x128xi32, #tpu.memory_space<vmem>>
    %dma_wait3A_57 = tpu.memref_squeeze %dma_wait3A_56 : memref<1x128xi32, #tpu.memory_space<vmem>> -> memref<128xi32, #tpu.memory_space<vmem>>
    %dma_wait3A_58 = tpu.memref_slice %arg3[%add3A_24] : memref<8192xi32, #tpu.memory_space<hbm>> -> memref<128xi32, #tpu.memory_space<hbm>>
    tpu.wait_dma2 semaphore(%arg11 : memref<!tpu.dma_semaphore, #tpu.memory_space<semaphore_mem>>) src(%dma_wait3A_58 : memref<128xi32, #tpu.memory_space<hbm>>) dst(%dma_wait3A_57 : memref<128xi32, #tpu.memory_space<vmem>>)
    %barrier3A = arith.constant 0 : index
    tpu.barrier barrier_id(%barrier3A)
    %run_scoped3A = arith.constant 0 : i32
    "tpu.region"() ({
      %run_scoped3A_61 = tpu.sem_alloc : memref<!tpu.dma_semaphore, #tpu.memory_space<semaphore_mem>>
      %dma_start3A_62 = arith.constant 0 : i32
      %dma_start3A_63 = arith.constant 0 : i32
      %dma_start3A_64 = tpu.memref_slice %arg7[%dma_start3A_62, %dma_start3A_63] : memref<256x128xf32, #tpu.memory_space<vmem>> -> memref<128x128xf32, #tpu.memory_space<vmem>>
      %dma_start3A_65 = arith.constant 0 : i32
      %dma_start3A_66 = tpu.memref_slice %arg6[%run_scoped3A, %dma_start3A_65] : memref<2x128xi32, #tpu.memory_space<vmem>> -> memref<1x128xi32, #tpu.memory_space<vmem>>
      %dma_start3A_67 = tpu.memref_squeeze %dma_start3A_66 : memref<1x128xi32, #tpu.memory_space<vmem>> -> memref<128xi32, #tpu.memory_space<vmem>>
      %dma_start3A_68 = arith.constant 0 : i32
      %dma_start3A_69 = arith.constant 0 : i32
      %dma_start3A_70 = tpu.memref_slice %arg8[%dma_start3A_68, %dma_start3A_69] : memref<4096x128xf32, #tpu.memory_space<vmem_shared>> -> memref<4096x128xf32, #tpu.memory_space<vmem_shared>>
      tpu.enqueue_indirect_dma source(%dma_start3A_64 : memref<128x128xf32, #tpu.memory_space<vmem>>) target(%dma_start3A_70 : memref<4096x128xf32, #tpu.memory_space<vmem_shared>>) offsets(%dma_start3A_67 : memref<128xi32, #tpu.memory_space<vmem>>) semaphore(%run_scoped3A_61 : memref<!tpu.dma_semaphore, #tpu.memory_space<semaphore_mem>>) {add = true}
      %dma_wait3A_71 = arith.constant 0 : i32
      %dma_wait3A_72 = arith.constant 0 : i32
      %dma_wait3A_73 = tpu.memref_slice %arg7[%dma_wait3A_71, %dma_wait3A_72] : memref<256x128xf32, #tpu.memory_space<vmem>> -> memref<128x128xf32, #tpu.memory_space<vmem>>
      %dma_wait3A_74 = arith.constant 0 : i32
      %dma_wait3A_75 = tpu.memref_slice %arg6[%run_scoped3A, %dma_wait3A_74] : memref<2x128xi32, #tpu.memory_space<vmem>> -> memref<1x128xi32, #tpu.memory_space<vmem>>
      %dma_wait3A_76 = tpu.memref_squeeze %dma_wait3A_75 : memref<1x128xi32, #tpu.memory_space<vmem>> -> memref<128xi32, #tpu.memory_space<vmem>>
      %dma_wait3A_77 = arith.constant 0 : i32
      %dma_wait3A_78 = arith.constant 0 : i32
      %dma_wait3A_79 = tpu.memref_slice %arg8[%dma_wait3A_77, %dma_wait3A_78] : memref<4096x128xf32, #tpu.memory_space<vmem_shared>> -> memref<4096x128xf32, #tpu.memory_space<vmem_shared>>
      tpu.wait_indirect_dma semaphore(%run_scoped3A_61 : memref<!tpu.dma_semaphore, #tpu.memory_space<semaphore_mem>>) src(%dma_wait3A_73 : memref<128x128xf32, #tpu.memory_space<vmem>>) dst(%dma_wait3A_79 : memref<4096x128xf32, #tpu.memory_space<vmem_shared>>)
      tpu.yield
    }) : () -> ()
    %run_scoped3A_59 = arith.constant 1 : i32
    "tpu.region"() ({
      %run_scoped3A_61 = tpu.sem_alloc : memref<!tpu.dma_semaphore, #tpu.memory_space<semaphore_mem>>
      %dma_start3A_62 = arith.constant 128 : i32
      %dma_start3A_63 = arith.constant 0 : i32
      %dma_start3A_64 = tpu.memref_slice %arg7[%dma_start3A_62, %dma_start3A_63] : memref<256x128xf32, #tpu.memory_space<vmem>> -> memref<128x128xf32, #tpu.memory_space<vmem>>
      %dma_start3A_65 = arith.constant 0 : i32
      %dma_start3A_66 = tpu.memref_slice %arg6[%run_scoped3A_59, %dma_start3A_65] : memref<2x128xi32, #tpu.memory_space<vmem>> -> memref<1x128xi32, #tpu.memory_space<vmem>>
      %dma_start3A_67 = tpu.memref_squeeze %dma_start3A_66 : memref<1x128xi32, #tpu.memory_space<vmem>> -> memref<128xi32, #tpu.memory_space<vmem>>
      %dma_start3A_68 = arith.constant 0 : i32
      %dma_start3A_69 = arith.constant 0 : i32
      %dma_start3A_70 = tpu.memref_slice %arg8[%dma_start3A_68, %dma_start3A_69] : memref<4096x128xf32, #tpu.memory_space<vmem_shared>> -> memref<4096x128xf32, #tpu.memory_space<vmem_shared>>
      tpu.enqueue_indirect_dma source(%dma_start3A_64 : memref<128x128xf32, #tpu.memory_space<vmem>>) target(%dma_start3A_70 : memref<4096x128xf32, #tpu.memory_space<vmem_shared>>) offsets(%dma_start3A_67 : memref<128xi32, #tpu.memory_space<vmem>>) semaphore(%run_scoped3A_61 : memref<!tpu.dma_semaphore, #tpu.memory_space<semaphore_mem>>) {add = true}
      %dma_wait3A_71 = arith.constant 128 : i32
      %dma_wait3A_72 = arith.constant 0 : i32
      %dma_wait3A_73 = tpu.memref_slice %arg7[%dma_wait3A_71, %dma_wait3A_72] : memref<256x128xf32, #tpu.memory_space<vmem>> -> memref<128x128xf32, #tpu.memory_space<vmem>>
      %dma_wait3A_74 = arith.constant 0 : i32
      %dma_wait3A_75 = tpu.memref_slice %arg6[%run_scoped3A_59, %dma_wait3A_74] : memref<2x128xi32, #tpu.memory_space<vmem>> -> memref<1x128xi32, #tpu.memory_space<vmem>>
      %dma_wait3A_76 = tpu.memref_squeeze %dma_wait3A_75 : memref<1x128xi32, #tpu.memory_space<vmem>> -> memref<128xi32, #tpu.memory_space<vmem>>
      %dma_wait3A_77 = arith.constant 0 : i32
      %dma_wait3A_78 = arith.constant 0 : i32
      %dma_wait3A_79 = tpu.memref_slice %arg8[%dma_wait3A_77, %dma_wait3A_78] : memref<4096x128xf32, #tpu.memory_space<vmem_shared>> -> memref<4096x128xf32, #tpu.memory_space<vmem_shared>>
      tpu.wait_indirect_dma semaphore(%run_scoped3A_61 : memref<!tpu.dma_semaphore, #tpu.memory_space<semaphore_mem>>) src(%dma_wait3A_73 : memref<128x128xf32, #tpu.memory_space<vmem>>) dst(%dma_wait3A_79 : memref<4096x128xf32, #tpu.memory_space<vmem_shared>>)
      tpu.yield
    }) : () -> ()
    %barrier3A_60 = arith.constant 0 : index
    tpu.barrier barrier_id(%barrier3A_60)
    "tpu.region"() ({
      %run_scoped3A_61 = tpu.sem_alloc : memref<!tpu.dma_semaphore, #tpu.memory_space<semaphore_mem>>
      %dma_start3A_62 = arith.constant 0 : i32
      %dma_start3A_63 = tpu.memref_slice %arg5[%arg0, %mul3A_4, %dma_start3A_62] : memref<2x4096x128xf32, #tpu.memory_space<hbm>> -> memref<1x256x128xf32, #tpu.memory_space<hbm>>
      %dma_start3A_64 = tpu.memref_squeeze %dma_start3A_63 : memref<1x256x128xf32, #tpu.memory_space<hbm>> -> memref<256x128xf32, #tpu.memory_space<hbm>>
      %dma_start3A_65 = arith.constant 0 : i32
      %dma_start3A_66 = tpu.memref_slice %arg8[%mul3A_4, %dma_start3A_65] : memref<4096x128xf32, #tpu.memory_space<vmem_shared>> -> memref<256x128xf32, #tpu.memory_space<vmem_shared>>
      tpu.enqueue_dma source(%dma_start3A_66 : memref<256x128xf32, #tpu.memory_space<vmem_shared>>) target(%dma_start3A_64 : memref<256x128xf32, #tpu.memory_space<hbm>>) target_semaphore(%run_scoped3A_61 : memref<!tpu.dma_semaphore, #tpu.memory_space<semaphore_mem>>)
      %dma_wait3A_67 = arith.constant 0 : i32
      %dma_wait3A_68 = tpu.memref_slice %arg5[%arg0, %mul3A_4, %dma_wait3A_67] : memref<2x4096x128xf32, #tpu.memory_space<hbm>> -> memref<1x256x128xf32, #tpu.memory_space<hbm>>
      %dma_wait3A_69 = tpu.memref_squeeze %dma_wait3A_68 : memref<1x256x128xf32, #tpu.memory_space<hbm>> -> memref<256x128xf32, #tpu.memory_space<hbm>>
      %dma_wait3A_70 = arith.constant 0 : i32
      %dma_wait3A_71 = tpu.memref_slice %arg8[%mul3A_4, %dma_wait3A_70] : memref<4096x128xf32, #tpu.memory_space<vmem_shared>> -> memref<256x128xf32, #tpu.memory_space<vmem_shared>>
      tpu.wait_dma2 semaphore(%run_scoped3A_61 : memref<!tpu.dma_semaphore, #tpu.memory_space<semaphore_mem>>) src(%dma_wait3A_71 : memref<256x128xf32, #tpu.memory_space<vmem_shared>>) dst(%dma_wait3A_69 : memref<256x128xf32, #tpu.memory_space<hbm>>)
      tpu.yield
    }) : () -> ()
    return
  }
}

#map = affine_map<(d0, d1) -> (0, 0)>
#map1 = affine_map<(d0, d1) -> (0)>
module attributes {stable_mosaic.version = 14 : i64} {
  func.func @gather(%arg0: i32, %arg1: i32, %arg2: memref<4096x128xf32, #tpu.memory_space<hbm>>, %arg3: memref<8192xi32, #tpu.memory_space<hbm>>, %arg4: memref<8192x128xf32, #tpu.memory_space<hbm>>, %arg5: memref<2x128xi32, #tpu.memory_space<vmem>>, %arg6: memref<256x128xf32, #tpu.memory_space<vmem>>, %arg7: memref<!tpu.dma_semaphore, #tpu.memory_space<semaphore_mem>>, %arg8: memref<!tpu.dma_semaphore, #tpu.memory_space<semaphore_mem>>) attributes {dimension_semantics = [#tpu.dimension_semantics<core_parallel>, #tpu.dimension_semantics<subcore_parallel>], iteration_bounds = array<i64: 2, 16>, scalar_prefetch = 0 : i64, scratch_operands = 4 : i64, tpu.core_type = #tpu.core_type<sc_vector_subcore>, window_params = [{transform_indices = #map}, {transform_indices = #map1}, {transform_indices = #map}]} {
    %mul3A = arith.constant 2 : i32
    %mul3A_0 = arith.muli %arg1, %mul3A : i32
    %add3A = arith.addi %mul3A_0, %arg0 : i32
    %mul3A_1 = arith.constant 256 : i32
    %mul3A_2 = arith.muli %add3A, %mul3A_1 : i32
    %add3A_3 = arith.constant 0 : i32
    %add3A_4 = arith.addi %mul3A_2, %add3A_3 : i32
    %dma_start3A = arith.constant 0 : i32
    %dma_start3A_5 = arith.constant 0 : i32
    %dma_start3A_6 = tpu.memref_slice %arg5[%dma_start3A, %dma_start3A_5] : memref<2x128xi32, #tpu.memory_space<vmem>> -> memref<1x128xi32, #tpu.memory_space<vmem>>
    %dma_start3A_7 = tpu.memref_squeeze %dma_start3A_6 : memref<1x128xi32, #tpu.memory_space<vmem>> -> memref<128xi32, #tpu.memory_space<vmem>>
    %dma_start3A_8 = tpu.memref_slice %arg3[%add3A_4] : memref<8192xi32, #tpu.memory_space<hbm>> -> memref<128xi32, #tpu.memory_space<hbm>>
    %dma_start3A_9 = arith.constant 0 : i32
    %dma_start3A_10 = tpu.memref_slice %arg5[%dma_start3A, %dma_start3A_9] : memref<2x128xi32, #tpu.memory_space<vmem>> -> memref<1x128xi32, #tpu.memory_space<vmem>>
    %dma_start3A_11 = tpu.memref_squeeze %dma_start3A_10 : memref<1x128xi32, #tpu.memory_space<vmem>> -> memref<128xi32, #tpu.memory_space<vmem>>
    %dma_start3A_12 = tpu.memref_slice %arg3[%add3A_4] : memref<8192xi32, #tpu.memory_space<hbm>> -> memref<128xi32, #tpu.memory_space<hbm>>
    tpu.enqueue_dma source(%dma_start3A_12 : memref<128xi32, #tpu.memory_space<hbm>>) target(%dma_start3A_11 : memref<128xi32, #tpu.memory_space<vmem>>) target_semaphore(%arg7 : memref<!tpu.dma_semaphore, #tpu.memory_space<semaphore_mem>>)
    %add3A_13 = arith.constant 128 : i32
    %add3A_14 = arith.addi %mul3A_2, %add3A_13 : i32
    %dma_start3A_15 = arith.constant 1 : i32
    %dma_start3A_16 = arith.constant 0 : i32
    %dma_start3A_17 = tpu.memref_slice %arg5[%dma_start3A_15, %dma_start3A_16] : memref<2x128xi32, #tpu.memory_space<vmem>> -> memref<1x128xi32, #tpu.memory_space<vmem>>
    %dma_start3A_18 = tpu.memref_squeeze %dma_start3A_17 : memref<1x128xi32, #tpu.memory_space<vmem>> -> memref<128xi32, #tpu.memory_space<vmem>>
    %dma_start3A_19 = tpu.memref_slice %arg3[%add3A_14] : memref<8192xi32, #tpu.memory_space<hbm>> -> memref<128xi32, #tpu.memory_space<hbm>>
    %dma_start3A_20 = arith.constant 0 : i32
    %dma_start3A_21 = tpu.memref_slice %arg5[%dma_start3A_15, %dma_start3A_20] : memref<2x128xi32, #tpu.memory_space<vmem>> -> memref<1x128xi32, #tpu.memory_space<vmem>>
    %dma_start3A_22 = tpu.memref_squeeze %dma_start3A_21 : memref<1x128xi32, #tpu.memory_space<vmem>> -> memref<128xi32, #tpu.memory_space<vmem>>
    %dma_start3A_23 = tpu.memref_slice %arg3[%add3A_14] : memref<8192xi32, #tpu.memory_space<hbm>> -> memref<128xi32, #tpu.memory_space<hbm>>
    tpu.enqueue_dma source(%dma_start3A_23 : memref<128xi32, #tpu.memory_space<hbm>>) target(%dma_start3A_22 : memref<128xi32, #tpu.memory_space<vmem>>) target_semaphore(%arg8 : memref<!tpu.dma_semaphore, #tpu.memory_space<semaphore_mem>>)
    %dma_wait3A = arith.constant 0 : i32
    %dma_wait3A_24 = arith.constant 0 : i32
    %dma_wait3A_25 = tpu.memref_slice %arg5[%dma_wait3A, %dma_wait3A_24] : memref<2x128xi32, #tpu.memory_space<vmem>> -> memref<1x128xi32, #tpu.memory_space<vmem>>
    %dma_wait3A_26 = tpu.memref_squeeze %dma_wait3A_25 : memref<1x128xi32, #tpu.memory_space<vmem>> -> memref<128xi32, #tpu.memory_space<vmem>>
    %dma_wait3A_27 = tpu.memref_slice %arg3[%add3A_4] : memref<8192xi32, #tpu.memory_space<hbm>> -> memref<128xi32, #tpu.memory_space<hbm>>
    %dma_wait3A_28 = arith.constant 0 : i32
    %dma_wait3A_29 = tpu.memref_slice %arg5[%dma_wait3A, %dma_wait3A_28] : memref<2x128xi32, #tpu.memory_space<vmem>> -> memref<1x128xi32, #tpu.memory_space<vmem>>
    %dma_wait3A_30 = tpu.memref_squeeze %dma_wait3A_29 : memref<1x128xi32, #tpu.memory_space<vmem>> -> memref<128xi32, #tpu.memory_space<vmem>>
    %dma_wait3A_31 = tpu.memref_slice %arg3[%add3A_4] : memref<8192xi32, #tpu.memory_space<hbm>> -> memref<128xi32, #tpu.memory_space<hbm>>
    tpu.wait_dma2 semaphore(%arg7 : memref<!tpu.dma_semaphore, #tpu.memory_space<semaphore_mem>>) src(%dma_wait3A_31 : memref<128xi32, #tpu.memory_space<hbm>>) dst(%dma_wait3A_30 : memref<128xi32, #tpu.memory_space<vmem>>)
    %dma_start3A_32 = arith.constant 0 : i32
    %dma_start3A_33 = arith.constant 0 : i32
    %dma_start3A_34 = arith.constant 0 : i32
    %dma_start3A_35 = tpu.memref_slice %arg6[%dma_start3A_33, %dma_start3A_34] : memref<256x128xf32, #tpu.memory_space<vmem>> -> memref<128x128xf32, #tpu.memory_space<vmem>>
    %dma_start3A_36 = arith.constant 0 : i32
    %dma_start3A_37 = tpu.memref_slice %arg5[%dma_start3A_32, %dma_start3A_36] : memref<2x128xi32, #tpu.memory_space<vmem>> -> memref<1x128xi32, #tpu.memory_space<vmem>>
    %dma_start3A_38 = tpu.memref_squeeze %dma_start3A_37 : memref<1x128xi32, #tpu.memory_space<vmem>> -> memref<128xi32, #tpu.memory_space<vmem>>
    %dma_start3A_39 = arith.constant 0 : i32
    %dma_start3A_40 = arith.constant 0 : i32
    %dma_start3A_41 = tpu.memref_slice %arg2[%dma_start3A_39, %dma_start3A_40] : memref<4096x128xf32, #tpu.memory_space<hbm>> -> memref<4096x128xf32, #tpu.memory_space<hbm>>
    tpu.enqueue_indirect_dma source(%dma_start3A_41 : memref<4096x128xf32, #tpu.memory_space<hbm>>) target(%dma_start3A_35 : memref<128x128xf32, #tpu.memory_space<vmem>>) offsets(%dma_start3A_38 : memref<128xi32, #tpu.memory_space<vmem>>) semaphore(%arg7 : memref<!tpu.dma_semaphore, #tpu.memory_space<semaphore_mem>>)
    %dma_wait3A_42 = arith.constant 1 : i32
    %dma_wait3A_43 = arith.constant 0 : i32
    %dma_wait3A_44 = tpu.memref_slice %arg5[%dma_wait3A_42, %dma_wait3A_43] : memref<2x128xi32, #tpu.memory_space<vmem>> -> memref<1x128xi32, #tpu.memory_space<vmem>>
    %dma_wait3A_45 = tpu.memref_squeeze %dma_wait3A_44 : memref<1x128xi32, #tpu.memory_space<vmem>> -> memref<128xi32, #tpu.memory_space<vmem>>
    %dma_wait3A_46 = tpu.memref_slice %arg3[%add3A_14] : memref<8192xi32, #tpu.memory_space<hbm>> -> memref<128xi32, #tpu.memory_space<hbm>>
    %dma_wait3A_47 = arith.constant 0 : i32
    %dma_wait3A_48 = tpu.memref_slice %arg5[%dma_wait3A_42, %dma_wait3A_47] : memref<2x128xi32, #tpu.memory_space<vmem>> -> memref<1x128xi32, #tpu.memory_space<vmem>>
    %dma_wait3A_49 = tpu.memref_squeeze %dma_wait3A_48 : memref<1x128xi32, #tpu.memory_space<vmem>> -> memref<128xi32, #tpu.memory_space<vmem>>
    %dma_wait3A_50 = tpu.memref_slice %arg3[%add3A_14] : memref<8192xi32, #tpu.memory_space<hbm>> -> memref<128xi32, #tpu.memory_space<hbm>>
    tpu.wait_dma2 semaphore(%arg8 : memref<!tpu.dma_semaphore, #tpu.memory_space<semaphore_mem>>) src(%dma_wait3A_50 : memref<128xi32, #tpu.memory_space<hbm>>) dst(%dma_wait3A_49 : memref<128xi32, #tpu.memory_space<vmem>>)
    %dma_start3A_51 = arith.constant 1 : i32
    %dma_start3A_52 = arith.constant 128 : i32
    %dma_start3A_53 = arith.constant 0 : i32
    %dma_start3A_54 = tpu.memref_slice %arg6[%dma_start3A_52, %dma_start3A_53] : memref<256x128xf32, #tpu.memory_space<vmem>> -> memref<128x128xf32, #tpu.memory_space<vmem>>
    %dma_start3A_55 = arith.constant 0 : i32
    %dma_start3A_56 = tpu.memref_slice %arg5[%dma_start3A_51, %dma_start3A_55] : memref<2x128xi32, #tpu.memory_space<vmem>> -> memref<1x128xi32, #tpu.memory_space<vmem>>
    %dma_start3A_57 = tpu.memref_squeeze %dma_start3A_56 : memref<1x128xi32, #tpu.memory_space<vmem>> -> memref<128xi32, #tpu.memory_space<vmem>>
    %dma_start3A_58 = arith.constant 0 : i32
    %dma_start3A_59 = arith.constant 0 : i32
    %dma_start3A_60 = tpu.memref_slice %arg2[%dma_start3A_58, %dma_start3A_59] : memref<4096x128xf32, #tpu.memory_space<hbm>> -> memref<4096x128xf32, #tpu.memory_space<hbm>>
    tpu.enqueue_indirect_dma source(%dma_start3A_60 : memref<4096x128xf32, #tpu.memory_space<hbm>>) target(%dma_start3A_54 : memref<128x128xf32, #tpu.memory_space<vmem>>) offsets(%dma_start3A_57 : memref<128xi32, #tpu.memory_space<vmem>>) semaphore(%arg8 : memref<!tpu.dma_semaphore, #tpu.memory_space<semaphore_mem>>)
    %dma_wait3A_61 = arith.constant 0 : i32
    %dma_wait3A_62 = arith.constant 0 : i32
    %dma_wait3A_63 = arith.constant 0 : i32
    %dma_wait3A_64 = tpu.memref_slice %arg6[%dma_wait3A_62, %dma_wait3A_63] : memref<256x128xf32, #tpu.memory_space<vmem>> -> memref<128x128xf32, #tpu.memory_space<vmem>>
    %dma_wait3A_65 = arith.constant 0 : i32
    %dma_wait3A_66 = tpu.memref_slice %arg5[%dma_wait3A_61, %dma_wait3A_65] : memref<2x128xi32, #tpu.memory_space<vmem>> -> memref<1x128xi32, #tpu.memory_space<vmem>>
    %dma_wait3A_67 = tpu.memref_squeeze %dma_wait3A_66 : memref<1x128xi32, #tpu.memory_space<vmem>> -> memref<128xi32, #tpu.memory_space<vmem>>
    %dma_wait3A_68 = arith.constant 0 : i32
    %dma_wait3A_69 = arith.constant 0 : i32
    %dma_wait3A_70 = tpu.memref_slice %arg2[%dma_wait3A_68, %dma_wait3A_69] : memref<4096x128xf32, #tpu.memory_space<hbm>> -> memref<4096x128xf32, #tpu.memory_space<hbm>>
    tpu.wait_indirect_dma semaphore(%arg7 : memref<!tpu.dma_semaphore, #tpu.memory_space<semaphore_mem>>) src(%dma_wait3A_70 : memref<4096x128xf32, #tpu.memory_space<hbm>>) dst(%dma_wait3A_64 : memref<128x128xf32, #tpu.memory_space<vmem>>)
    %add3A_71 = arith.constant 0 : i32
    %add3A_72 = arith.addi %mul3A_2, %add3A_71 : i32
    %dma_start3A_73 = arith.constant 0 : i32
    %dma_start3A_74 = arith.constant 0 : i32
    %dma_start3A_75 = tpu.memref_slice %arg6[%dma_start3A_73, %dma_start3A_74] : memref<256x128xf32, #tpu.memory_space<vmem>> -> memref<128x128xf32, #tpu.memory_space<vmem>>
    %dma_start3A_76 = arith.constant 0 : i32
    %dma_start3A_77 = tpu.memref_slice %arg4[%add3A_72, %dma_start3A_76] : memref<8192x128xf32, #tpu.memory_space<hbm>> -> memref<128x128xf32, #tpu.memory_space<hbm>>
    %dma_start3A_78 = arith.constant 0 : i32
    %dma_start3A_79 = tpu.memref_slice %arg4[%add3A_72, %dma_start3A_78] : memref<8192x128xf32, #tpu.memory_space<hbm>> -> memref<128x128xf32, #tpu.memory_space<hbm>>
    %dma_start3A_80 = arith.constant 0 : i32
    %dma_start3A_81 = arith.constant 0 : i32
    %dma_start3A_82 = tpu.memref_slice %arg6[%dma_start3A_80, %dma_start3A_81] : memref<256x128xf32, #tpu.memory_space<vmem>> -> memref<128x128xf32, #tpu.memory_space<vmem>>
    tpu.enqueue_dma source(%dma_start3A_82 : memref<128x128xf32, #tpu.memory_space<vmem>>) target(%dma_start3A_79 : memref<128x128xf32, #tpu.memory_space<hbm>>) target_semaphore(%arg7 : memref<!tpu.dma_semaphore, #tpu.memory_space<semaphore_mem>>)
    %dma_wait3A_83 = arith.constant 1 : i32
    %dma_wait3A_84 = arith.constant 128 : i32
    %dma_wait3A_85 = arith.constant 0 : i32
    %dma_wait3A_86 = tpu.memref_slice %arg6[%dma_wait3A_84, %dma_wait3A_85] : memref<256x128xf32, #tpu.memory_space<vmem>> -> memref<128x128xf32, #tpu.memory_space<vmem>>
    %dma_wait3A_87 = arith.constant 0 : i32
    %dma_wait3A_88 = tpu.memref_slice %arg5[%dma_wait3A_83, %dma_wait3A_87] : memref<2x128xi32, #tpu.memory_space<vmem>> -> memref<1x128xi32, #tpu.memory_space<vmem>>
    %dma_wait3A_89 = tpu.memref_squeeze %dma_wait3A_88 : memref<1x128xi32, #tpu.memory_space<vmem>> -> memref<128xi32, #tpu.memory_space<vmem>>
    %dma_wait3A_90 = arith.constant 0 : i32
    %dma_wait3A_91 = arith.constant 0 : i32
    %dma_wait3A_92 = tpu.memref_slice %arg2[%dma_wait3A_90, %dma_wait3A_91] : memref<4096x128xf32, #tpu.memory_space<hbm>> -> memref<4096x128xf32, #tpu.memory_space<hbm>>
    tpu.wait_indirect_dma semaphore(%arg8 : memref<!tpu.dma_semaphore, #tpu.memory_space<semaphore_mem>>) src(%dma_wait3A_92 : memref<4096x128xf32, #tpu.memory_space<hbm>>) dst(%dma_wait3A_86 : memref<128x128xf32, #tpu.memory_space<vmem>>)
    %add3A_93 = arith.constant 128 : i32
    %add3A_94 = arith.addi %mul3A_2, %add3A_93 : i32
    %dma_start3A_95 = arith.constant 128 : i32
    %dma_start3A_96 = arith.constant 0 : i32
    %dma_start3A_97 = tpu.memref_slice %arg6[%dma_start3A_95, %dma_start3A_96] : memref<256x128xf32, #tpu.memory_space<vmem>> -> memref<128x128xf32, #tpu.memory_space<vmem>>
    %dma_start3A_98 = arith.constant 0 : i32
    %dma_start3A_99 = tpu.memref_slice %arg4[%add3A_94, %dma_start3A_98] : memref<8192x128xf32, #tpu.memory_space<hbm>> -> memref<128x128xf32, #tpu.memory_space<hbm>>
    %dma_start3A_100 = arith.constant 0 : i32
    %dma_start3A_101 = tpu.memref_slice %arg4[%add3A_94, %dma_start3A_100] : memref<8192x128xf32, #tpu.memory_space<hbm>> -> memref<128x128xf32, #tpu.memory_space<hbm>>
    %dma_start3A_102 = arith.constant 128 : i32
    %dma_start3A_103 = arith.constant 0 : i32
    %dma_start3A_104 = tpu.memref_slice %arg6[%dma_start3A_102, %dma_start3A_103] : memref<256x128xf32, #tpu.memory_space<vmem>> -> memref<128x128xf32, #tpu.memory_space<vmem>>
    tpu.enqueue_dma source(%dma_start3A_104 : memref<128x128xf32, #tpu.memory_space<vmem>>) target(%dma_start3A_101 : memref<128x128xf32, #tpu.memory_space<hbm>>) target_semaphore(%arg8 : memref<!tpu.dma_semaphore, #tpu.memory_space<semaphore_mem>>)
    %dma_wait3A_105 = arith.constant 0 : i32
    %dma_wait3A_106 = arith.constant 0 : i32
    %dma_wait3A_107 = tpu.memref_slice %arg6[%dma_wait3A_105, %dma_wait3A_106] : memref<256x128xf32, #tpu.memory_space<vmem>> -> memref<128x128xf32, #tpu.memory_space<vmem>>
    %dma_wait3A_108 = arith.constant 0 : i32
    %dma_wait3A_109 = tpu.memref_slice %arg4[%add3A_72, %dma_wait3A_108] : memref<8192x128xf32, #tpu.memory_space<hbm>> -> memref<128x128xf32, #tpu.memory_space<hbm>>
    %dma_wait3A_110 = arith.constant 0 : i32
    %dma_wait3A_111 = tpu.memref_slice %arg4[%add3A_72, %dma_wait3A_110] : memref<8192x128xf32, #tpu.memory_space<hbm>> -> memref<128x128xf32, #tpu.memory_space<hbm>>
    %dma_wait3A_112 = arith.constant 0 : i32
    %dma_wait3A_113 = arith.constant 0 : i32
    %dma_wait3A_114 = tpu.memref_slice %arg6[%dma_wait3A_112, %dma_wait3A_113] : memref<256x128xf32, #tpu.memory_space<vmem>> -> memref<128x128xf32, #tpu.memory_space<vmem>>
    tpu.wait_dma2 semaphore(%arg7 : memref<!tpu.dma_semaphore, #tpu.memory_space<semaphore_mem>>) src(%dma_wait3A_114 : memref<128x128xf32, #tpu.memory_space<vmem>>) dst(%dma_wait3A_111 : memref<128x128xf32, #tpu.memory_space<hbm>>)
    %dma_wait3A_115 = arith.constant 128 : i32
    %dma_wait3A_116 = arith.constant 0 : i32
    %dma_wait3A_117 = tpu.memref_slice %arg6[%dma_wait3A_115, %dma_wait3A_116] : memref<256x128xf32, #tpu.memory_space<vmem>> -> memref<128x128xf32, #tpu.memory_space<vmem>>
    %dma_wait3A_118 = arith.constant 0 : i32
    %dma_wait3A_119 = tpu.memref_slice %arg4[%add3A_94, %dma_wait3A_118] : memref<8192x128xf32, #tpu.memory_space<hbm>> -> memref<128x128xf32, #tpu.memory_space<hbm>>
    %dma_wait3A_120 = arith.constant 0 : i32
    %dma_wait3A_121 = tpu.memref_slice %arg4[%add3A_94, %dma_wait3A_120] : memref<8192x128xf32, #tpu.memory_space<hbm>> -> memref<128x128xf32, #tpu.memory_space<hbm>>
    %dma_wait3A_122 = arith.constant 128 : i32
    %dma_wait3A_123 = arith.constant 0 : i32
    %dma_wait3A_124 = tpu.memref_slice %arg6[%dma_wait3A_122, %dma_wait3A_123] : memref<256x128xf32, #tpu.memory_space<vmem>> -> memref<128x128xf32, #tpu.memory_space<vmem>>
    tpu.wait_dma2 semaphore(%arg8 : memref<!tpu.dma_semaphore, #tpu.memory_space<semaphore_mem>>) src(%dma_wait3A_124 : memref<128x128xf32, #tpu.memory_space<vmem>>) dst(%dma_wait3A_121 : memref<128x128xf32, #tpu.memory_space<hbm>>)
    return
  }
}

#map = affine_map<(d0, d1) -> (0, 0)>
#map1 = affine_map<(d0, d1) -> (0)>
module attributes {stable_mosaic.version = 14 : i64} {
  func.func @gather(%arg0: i32, %arg1: i32, %arg2: memref<4096x128xf32, #tpu.memory_space<hbm>>, %arg3: memref<8192xi32, #tpu.memory_space<hbm>>, %arg4: memref<8192x128xf32, #tpu.memory_space<hbm>>, %arg5: memref<2x128xi32, #tpu.memory_space<vmem>>, %arg6: memref<256x128xf32, #tpu.memory_space<vmem>>, %arg7: memref<!tpu.dma_semaphore, #tpu.memory_space<semaphore_mem>>, %arg8: memref<!tpu.dma_semaphore, #tpu.memory_space<semaphore_mem>>) attributes {dimension_semantics = [#tpu.dimension_semantics<core_parallel>, #tpu.dimension_semantics<subcore_parallel>], iteration_bounds = array<i64: 2, 16>, scalar_prefetch = 0 : i64, scratch_operands = 4 : i64, tpu.core_type = #tpu.core_type<sc_vector_subcore>, window_params = [{transform_indices = #map}, {transform_indices = #map1}, {transform_indices = #map}]} {
    %mul3A = arith.constant 2 : i32
    %mul3A_0 = arith.muli %arg1, %mul3A : i32
    %add3A = arith.addi %mul3A_0, %arg0 : i32
    %mul3A_1 = arith.constant 256 : i32
    %mul3A_2 = arith.muli %add3A, %mul3A_1 : i32
    %add3A_3 = arith.constant 0 : i32
    %add3A_4 = arith.addi %mul3A_2, %add3A_3 : i32
    %dma_start3A = arith.constant 0 : i32
    %dma_start3A_5 = arith.constant 0 : i32
    %dma_start3A_6 = tpu.memref_slice %arg5[%dma_start3A, %dma_start3A_5] : memref<2x128xi32, #tpu.memory_space<vmem>> -> memref<1x128xi32, #tpu.memory_space<vmem>>
    %dma_start3A_7 = tpu.memref_squeeze %dma_start3A_6 : memref<1x128xi32, #tpu.memory_space<vmem>> -> memref<128xi32, #tpu.memory_space<vmem>>
    %dma_start3A_8 = tpu.memref_slice %arg3[%add3A_4] : memref<8192xi32, #tpu.memory_space<hbm>> -> memref<128xi32, #tpu.memory_space<hbm>>
    %dma_start3A_9 = arith.constant 0 : i32
    %dma_start3A_10 = tpu.memref_slice %arg5[%dma_start3A, %dma_start3A_9] : memref<2x128xi32, #tpu.memory_space<vmem>> -> memref<1x128xi32, #tpu.memory_space<vmem>>
    %dma_start3A_11 = tpu.memref_squeeze %dma_start3A_10 : memref<1x128xi32, #tpu.memory_space<vmem>> -> memref<128xi32, #tpu.memory_space<vmem>>
    %dma_start3A_12 = tpu.memref_slice %arg3[%add3A_4] : memref<8192xi32, #tpu.memory_space<hbm>> -> memref<128xi32, #tpu.memory_space<hbm>>
    tpu.enqueue_dma source(%dma_start3A_12 : memref<128xi32, #tpu.memory_space<hbm>>) target(%dma_start3A_11 : memref<128xi32, #tpu.memory_space<vmem>>) target_semaphore(%arg7 : memref<!tpu.dma_semaphore, #tpu.memory_space<semaphore_mem>>)
    %add3A_13 = arith.constant 128 : i32
    %add3A_14 = arith.addi %mul3A_2, %add3A_13 : i32
    %dma_start3A_15 = arith.constant 1 : i32
    %dma_start3A_16 = arith.constant 0 : i32
    %dma_start3A_17 = tpu.memref_slice %arg5[%dma_start3A_15, %dma_start3A_16] : memref<2x128xi32, #tpu.memory_space<vmem>> -> memref<1x128xi32, #tpu.memory_space<vmem>>
    %dma_start3A_18 = tpu.memref_squeeze %dma_start3A_17 : memref<1x128xi32, #tpu.memory_space<vmem>> -> memref<128xi32, #tpu.memory_space<vmem>>
    %dma_start3A_19 = tpu.memref_slice %arg3[%add3A_14] : memref<8192xi32, #tpu.memory_space<hbm>> -> memref<128xi32, #tpu.memory_space<hbm>>
    %dma_start3A_20 = arith.constant 0 : i32
    %dma_start3A_21 = tpu.memref_slice %arg5[%dma_start3A_15, %dma_start3A_20] : memref<2x128xi32, #tpu.memory_space<vmem>> -> memref<1x128xi32, #tpu.memory_space<vmem>>
    %dma_start3A_22 = tpu.memref_squeeze %dma_start3A_21 : memref<1x128xi32, #tpu.memory_space<vmem>> -> memref<128xi32, #tpu.memory_space<vmem>>
    %dma_start3A_23 = tpu.memref_slice %arg3[%add3A_14] : memref<8192xi32, #tpu.memory_space<hbm>> -> memref<128xi32, #tpu.memory_space<hbm>>
    tpu.enqueue_dma source(%dma_start3A_23 : memref<128xi32, #tpu.memory_space<hbm>>) target(%dma_start3A_22 : memref<128xi32, #tpu.memory_space<vmem>>) target_semaphore(%arg8 : memref<!tpu.dma_semaphore, #tpu.memory_space<semaphore_mem>>)
    %dma_wait3A = arith.constant 0 : i32
    %dma_wait3A_24 = arith.constant 0 : i32
    %dma_wait3A_25 = tpu.memref_slice %arg5[%dma_wait3A, %dma_wait3A_24] : memref<2x128xi32, #tpu.memory_space<vmem>> -> memref<1x128xi32, #tpu.memory_space<vmem>>
    %dma_wait3A_26 = tpu.memref_squeeze %dma_wait3A_25 : memref<1x128xi32, #tpu.memory_space<vmem>> -> memref<128xi32, #tpu.memory_space<vmem>>
    %dma_wait3A_27 = tpu.memref_slice %arg3[%add3A_4] : memref<8192xi32, #tpu.memory_space<hbm>> -> memref<128xi32, #tpu.memory_space<hbm>>
    %dma_wait3A_28 = arith.constant 0 : i32
    %dma_wait3A_29 = tpu.memref_slice %arg5[%dma_wait3A, %dma_wait3A_28] : memref<2x128xi32, #tpu.memory_space<vmem>> -> memref<1x128xi32, #tpu.memory_space<vmem>>
    %dma_wait3A_30 = tpu.memref_squeeze %dma_wait3A_29 : memref<1x128xi32, #tpu.memory_space<vmem>> -> memref<128xi32, #tpu.memory_space<vmem>>
    %dma_wait3A_31 = tpu.memref_slice %arg3[%add3A_4] : memref<8192xi32, #tpu.memory_space<hbm>> -> memref<128xi32, #tpu.memory_space<hbm>>
    tpu.wait_dma2 semaphore(%arg7 : memref<!tpu.dma_semaphore, #tpu.memory_space<semaphore_mem>>) src(%dma_wait3A_31 : memref<128xi32, #tpu.memory_space<hbm>>) dst(%dma_wait3A_30 : memref<128xi32, #tpu.memory_space<vmem>>)
    %dma_start3A_32 = arith.constant 0 : i32
    %dma_start3A_33 = arith.constant 0 : i32
    %dma_start3A_34 = arith.constant 0 : i32
    %dma_start3A_35 = tpu.memref_slice %arg6[%dma_start3A_33, %dma_start3A_34] : memref<256x128xf32, #tpu.memory_space<vmem>> -> memref<128x128xf32, #tpu.memory_space<vmem>>
    %dma_start3A_36 = arith.constant 0 : i32
    %dma_start3A_37 = tpu.memref_slice %arg5[%dma_start3A_32, %dma_start3A_36] : memref<2x128xi32, #tpu.memory_space<vmem>> -> memref<1x128xi32, #tpu.memory_space<vmem>>
    %dma_start3A_38 = tpu.memref_squeeze %dma_start3A_37 : memref<1x128xi32, #tpu.memory_space<vmem>> -> memref<128xi32, #tpu.memory_space<vmem>>
    %dma_start3A_39 = arith.constant 0 : i32
    %dma_start3A_40 = arith.constant 0 : i32
    %dma_start3A_41 = tpu.memref_slice %arg2[%dma_start3A_39, %dma_start3A_40] : memref<4096x128xf32, #tpu.memory_space<hbm>> -> memref<4096x128xf32, #tpu.memory_space<hbm>>
    tpu.enqueue_indirect_dma source(%dma_start3A_41 : memref<4096x128xf32, #tpu.memory_space<hbm>>) target(%dma_start3A_35 : memref<128x128xf32, #tpu.memory_space<vmem>>) offsets(%dma_start3A_38 : memref<128xi32, #tpu.memory_space<vmem>>) semaphore(%arg7 : memref<!tpu.dma_semaphore, #tpu.memory_space<semaphore_mem>>)
    %dma_wait3A_42 = arith.constant 1 : i32
    %dma_wait3A_43 = arith.constant 0 : i32
    %dma_wait3A_44 = tpu.memref_slice %arg5[%dma_wait3A_42, %dma_wait3A_43] : memref<2x128xi32, #tpu.memory_space<vmem>> -> memref<1x128xi32, #tpu.memory_space<vmem>>
    %dma_wait3A_45 = tpu.memref_squeeze %dma_wait3A_44 : memref<1x128xi32, #tpu.memory_space<vmem>> -> memref<128xi32, #tpu.memory_space<vmem>>
    %dma_wait3A_46 = tpu.memref_slice %arg3[%add3A_14] : memref<8192xi32, #tpu.memory_space<hbm>> -> memref<128xi32, #tpu.memory_space<hbm>>
    %dma_wait3A_47 = arith.constant 0 : i32
    %dma_wait3A_48 = tpu.memref_slice %arg5[%dma_wait3A_42, %dma_wait3A_47] : memref<2x128xi32, #tpu.memory_space<vmem>> -> memref<1x128xi32, #tpu.memory_space<vmem>>
    %dma_wait3A_49 = tpu.memref_squeeze %dma_wait3A_48 : memref<1x128xi32, #tpu.memory_space<vmem>> -> memref<128xi32, #tpu.memory_space<vmem>>
    %dma_wait3A_50 = tpu.memref_slice %arg3[%add3A_14] : memref<8192xi32, #tpu.memory_space<hbm>> -> memref<128xi32, #tpu.memory_space<hbm>>
    tpu.wait_dma2 semaphore(%arg8 : memref<!tpu.dma_semaphore, #tpu.memory_space<semaphore_mem>>) src(%dma_wait3A_50 : memref<128xi32, #tpu.memory_space<hbm>>) dst(%dma_wait3A_49 : memref<128xi32, #tpu.memory_space<vmem>>)
    %dma_start3A_51 = arith.constant 1 : i32
    %dma_start3A_52 = arith.constant 128 : i32
    %dma_start3A_53 = arith.constant 0 : i32
    %dma_start3A_54 = tpu.memref_slice %arg6[%dma_start3A_52, %dma_start3A_53] : memref<256x128xf32, #tpu.memory_space<vmem>> -> memref<128x128xf32, #tpu.memory_space<vmem>>
    %dma_start3A_55 = arith.constant 0 : i32
    %dma_start3A_56 = tpu.memref_slice %arg5[%dma_start3A_51, %dma_start3A_55] : memref<2x128xi32, #tpu.memory_space<vmem>> -> memref<1x128xi32, #tpu.memory_space<vmem>>
    %dma_start3A_57 = tpu.memref_squeeze %dma_start3A_56 : memref<1x128xi32, #tpu.memory_space<vmem>> -> memref<128xi32, #tpu.memory_space<vmem>>
    %dma_start3A_58 = arith.constant 0 : i32
    %dma_start3A_59 = arith.constant 0 : i32
    %dma_start3A_60 = tpu.memref_slice %arg2[%dma_start3A_58, %dma_start3A_59] : memref<4096x128xf32, #tpu.memory_space<hbm>> -> memref<4096x128xf32, #tpu.memory_space<hbm>>
    tpu.enqueue_indirect_dma source(%dma_start3A_60 : memref<4096x128xf32, #tpu.memory_space<hbm>>) target(%dma_start3A_54 : memref<128x128xf32, #tpu.memory_space<vmem>>) offsets(%dma_start3A_57 : memref<128xi32, #tpu.memory_space<vmem>>) semaphore(%arg8 : memref<!tpu.dma_semaphore, #tpu.memory_space<semaphore_mem>>)
    %dma_wait3A_61 = arith.constant 0 : i32
    %dma_wait3A_62 = arith.constant 0 : i32
    %dma_wait3A_63 = arith.constant 0 : i32
    %dma_wait3A_64 = tpu.memref_slice %arg6[%dma_wait3A_62, %dma_wait3A_63] : memref<256x128xf32, #tpu.memory_space<vmem>> -> memref<128x128xf32, #tpu.memory_space<vmem>>
    %dma_wait3A_65 = arith.constant 0 : i32
    %dma_wait3A_66 = tpu.memref_slice %arg5[%dma_wait3A_61, %dma_wait3A_65] : memref<2x128xi32, #tpu.memory_space<vmem>> -> memref<1x128xi32, #tpu.memory_space<vmem>>
    %dma_wait3A_67 = tpu.memref_squeeze %dma_wait3A_66 : memref<1x128xi32, #tpu.memory_space<vmem>> -> memref<128xi32, #tpu.memory_space<vmem>>
    %dma_wait3A_68 = arith.constant 0 : i32
    %dma_wait3A_69 = arith.constant 0 : i32
    %dma_wait3A_70 = tpu.memref_slice %arg2[%dma_wait3A_68, %dma_wait3A_69] : memref<4096x128xf32, #tpu.memory_space<hbm>> -> memref<4096x128xf32, #tpu.memory_space<hbm>>
    tpu.wait_indirect_dma semaphore(%arg7 : memref<!tpu.dma_semaphore, #tpu.memory_space<semaphore_mem>>) src(%dma_wait3A_70 : memref<4096x128xf32, #tpu.memory_space<hbm>>) dst(%dma_wait3A_64 : memref<128x128xf32, #tpu.memory_space<vmem>>)
    %add3A_71 = arith.constant 0 : i32
    %add3A_72 = arith.addi %mul3A_2, %add3A_71 : i32
    %dma_start3A_73 = arith.constant 0 : i32
    %dma_start3A_74 = arith.constant 0 : i32
    %dma_start3A_75 = tpu.memref_slice %arg6[%dma_start3A_73, %dma_start3A_74] : memref<256x128xf32, #tpu.memory_space<vmem>> -> memref<128x128xf32, #tpu.memory_space<vmem>>
    %dma_start3A_76 = arith.constant 0 : i32
    %dma_start3A_77 = tpu.memref_slice %arg4[%add3A_72, %dma_start3A_76] : memref<8192x128xf32, #tpu.memory_space<hbm>> -> memref<128x128xf32, #tpu.memory_space<hbm>>
    %dma_start3A_78 = arith.constant 0 : i32
    %dma_start3A_79 = tpu.memref_slice %arg4[%add3A_72, %dma_start3A_78] : memref<8192x128xf32, #tpu.memory_space<hbm>> -> memref<128x128xf32, #tpu.memory_space<hbm>>
    %dma_start3A_80 = arith.constant 0 : i32
    %dma_start3A_81 = arith.constant 0 : i32
    %dma_start3A_82 = tpu.memref_slice %arg6[%dma_start3A_80, %dma_start3A_81] : memref<256x128xf32, #tpu.memory_space<vmem>> -> memref<128x128xf32, #tpu.memory_space<vmem>>
    tpu.enqueue_dma source(%dma_start3A_82 : memref<128x128xf32, #tpu.memory_space<vmem>>) target(%dma_start3A_79 : memref<128x128xf32, #tpu.memory_space<hbm>>) target_semaphore(%arg7 : memref<!tpu.dma_semaphore, #tpu.memory_space<semaphore_mem>>)
    %dma_wait3A_83 = arith.constant 1 : i32
    %dma_wait3A_84 = arith.constant 128 : i32
    %dma_wait3A_85 = arith.constant 0 : i32
    %dma_wait3A_86 = tpu.memref_slice %arg6[%dma_wait3A_84, %dma_wait3A_85] : memref<256x128xf32, #tpu.memory_space<vmem>> -> memref<128x128xf32, #tpu.memory_space<vmem>>
    %dma_wait3A_87 = arith.constant 0 : i32
    %dma_wait3A_88 = tpu.memref_slice %arg5[%dma_wait3A_83, %dma_wait3A_87] : memref<2x128xi32, #tpu.memory_space<vmem>> -> memref<1x128xi32, #tpu.memory_space<vmem>>
    %dma_wait3A_89 = tpu.memref_squeeze %dma_wait3A_88 : memref<1x128xi32, #tpu.memory_space<vmem>> -> memref<128xi32, #tpu.memory_space<vmem>>
    %dma_wait3A_90 = arith.constant 0 : i32
    %dma_wait3A_91 = arith.constant 0 : i32
    %dma_wait3A_92 = tpu.memref_slice %arg2[%dma_wait3A_90, %dma_wait3A_91] : memref<4096x128xf32, #tpu.memory_space<hbm>> -> memref<4096x128xf32, #tpu.memory_space<hbm>>
    tpu.wait_indirect_dma semaphore(%arg8 : memref<!tpu.dma_semaphore, #tpu.memory_space<semaphore_mem>>) src(%dma_wait3A_92 : memref<4096x128xf32, #tpu.memory_space<hbm>>) dst(%dma_wait3A_86 : memref<128x128xf32, #tpu.memory_space<vmem>>)
    %add3A_93 = arith.constant 128 : i32
    %add3A_94 = arith.addi %mul3A_2, %add3A_93 : i32
    %dma_start3A_95 = arith.constant 128 : i32
    %dma_start3A_96 = arith.constant 0 : i32
    %dma_start3A_97 = tpu.memref_slice %arg6[%dma_start3A_95, %dma_start3A_96] : memref<256x128xf32, #tpu.memory_space<vmem>> -> memref<128x128xf32, #tpu.memory_space<vmem>>
    %dma_start3A_98 = arith.constant 0 : i32
    %dma_start3A_99 = tpu.memref_slice %arg4[%add3A_94, %dma_start3A_98] : memref<8192x128xf32, #tpu.memory_space<hbm>> -> memref<128x128xf32, #tpu.memory_space<hbm>>
    %dma_start3A_100 = arith.constant 0 : i32
    %dma_start3A_101 = tpu.memref_slice %arg4[%add3A_94, %dma_start3A_100] : memref<8192x128xf32, #tpu.memory_space<hbm>> -> memref<128x128xf32, #tpu.memory_space<hbm>>
    %dma_start3A_102 = arith.constant 128 : i32
    %dma_start3A_103 = arith.constant 0 : i32
    %dma_start3A_104 = tpu.memref_slice %arg6[%dma_start3A_102, %dma_start3A_103] : memref<256x128xf32, #tpu.memory_space<vmem>> -> memref<128x128xf32, #tpu.memory_space<vmem>>
    tpu.enqueue_dma source(%dma_start3A_104 : memref<128x128xf32, #tpu.memory_space<vmem>>) target(%dma_start3A_101 : memref<128x128xf32, #tpu.memory_space<hbm>>) target_semaphore(%arg8 : memref<!tpu.dma_semaphore, #tpu.memory_space<semaphore_mem>>)
    %dma_wait3A_105 = arith.constant 0 : i32
    %dma_wait3A_106 = arith.constant 0 : i32
    %dma_wait3A_107 = tpu.memref_slice %arg6[%dma_wait3A_105, %dma_wait3A_106] : memref<256x128xf32, #tpu.memory_space<vmem>> -> memref<128x128xf32, #tpu.memory_space<vmem>>
    %dma_wait3A_108 = arith.constant 0 : i32
    %dma_wait3A_109 = tpu.memref_slice %arg4[%add3A_72, %dma_wait3A_108] : memref<8192x128xf32, #tpu.memory_space<hbm>> -> memref<128x128xf32, #tpu.memory_space<hbm>>
    %dma_wait3A_110 = arith.constant 0 : i32
    %dma_wait3A_111 = tpu.memref_slice %arg4[%add3A_72, %dma_wait3A_110] : memref<8192x128xf32, #tpu.memory_space<hbm>> -> memref<128x128xf32, #tpu.memory_space<hbm>>
    %dma_wait3A_112 = arith.constant 0 : i32
    %dma_wait3A_113 = arith.constant 0 : i32
    %dma_wait3A_114 = tpu.memref_slice %arg6[%dma_wait3A_112, %dma_wait3A_113] : memref<256x128xf32, #tpu.memory_space<vmem>> -> memref<128x128xf32, #tpu.memory_space<vmem>>
    tpu.wait_dma2 semaphore(%arg7 : memref<!tpu.dma_semaphore, #tpu.memory_space<semaphore_mem>>) src(%dma_wait3A_114 : memref<128x128xf32, #tpu.memory_space<vmem>>) dst(%dma_wait3A_111 : memref<128x128xf32, #tpu.memory_space<hbm>>)
    %dma_wait3A_115 = arith.constant 128 : i32
    %dma_wait3A_116 = arith.constant 0 : i32
    %dma_wait3A_117 = tpu.memref_slice %arg6[%dma_wait3A_115, %dma_wait3A_116] : memref<256x128xf32, #tpu.memory_space<vmem>> -> memref<128x128xf32, #tpu.memory_space<vmem>>
    %dma_wait3A_118 = arith.constant 0 : i32
    %dma_wait3A_119 = tpu.memref_slice %arg4[%add3A_94, %dma_wait3A_118] : memref<8192x128xf32, #tpu.memory_space<hbm>> -> memref<128x128xf32, #tpu.memory_space<hbm>>
    %dma_wait3A_120 = arith.constant 0 : i32
    %dma_wait3A_121 = tpu.memref_slice %arg4[%add3A_94, %dma_wait3A_120] : memref<8192x128xf32, #tpu.memory_space<hbm>> -> memref<128x128xf32, #tpu.memory_space<hbm>>
    %dma_wait3A_122 = arith.constant 128 : i32
    %dma_wait3A_123 = arith.constant 0 : i32
    %dma_wait3A_124 = tpu.memref_slice %arg6[%dma_wait3A_122, %dma_wait3A_123] : memref<256x128xf32, #tpu.memory_space<vmem>> -> memref<128x128xf32, #tpu.memory_space<vmem>>
    tpu.wait_dma2 semaphore(%arg8 : memref<!tpu.dma_semaphore, #tpu.memory_space<semaphore_mem>>) src(%dma_wait3A_124 : memref<128x128xf32, #tpu.memory_space<vmem>>) dst(%dma_wait3A_121 : memref<128x128xf32, #tpu.memory_space<hbm>>)
    return
  }
}

#map = affine_map<(d0, d1) -> (0, 0)>
#map1 = affine_map<(d0, d1) -> (0)>
#map2 = affine_map<(d0, d1) -> (0, 0, 0)>
module attributes {stable_mosaic.version = 14 : i64} {
  func.func @scatter_add(%arg0: i32, %arg1: i32, %arg2: memref<8192x128xf32, #tpu.memory_space<hbm>>, %arg3: memref<8192xi32, #tpu.memory_space<hbm>>, %arg4: memref<4096x128xf32, #tpu.memory_space<hbm>>, %arg5: memref<2x4096x128xf32, #tpu.memory_space<hbm>>, %arg6: memref<2x128xi32, #tpu.memory_space<vmem>>, %arg7: memref<256x128xf32, #tpu.memory_space<vmem>>, %arg8: memref<4096x128xf32, #tpu.memory_space<vmem_shared>>, %arg9: memref<!tpu.dma_semaphore, #tpu.memory_space<semaphore_mem>>, %arg10: memref<!tpu.dma_semaphore, #tpu.memory_space<semaphore_mem>>, %arg11: memref<!tpu.dma_semaphore, #tpu.memory_space<semaphore_mem>>) attributes {dimension_semantics = [#tpu.dimension_semantics<core_parallel>, #tpu.dimension_semantics<subcore_parallel>], iteration_bounds = array<i64: 2, 16>, scalar_prefetch = 0 : i64, scratch_operands = 6 : i64, tpu.core_type = #tpu.core_type<sc_vector_subcore>, window_params = [{transform_indices = #map}, {transform_indices = #map1}, {transform_indices = #map}, {transform_indices = #map2}]} {
    %mul3A = arith.constant 2 : i32
    %mul3A_0 = arith.muli %arg1, %mul3A : i32
    %add3A = arith.addi %mul3A_0, %arg0 : i32
    %mul3A_1 = arith.constant 256 : i32
    %mul3A_2 = arith.muli %add3A, %mul3A_1 : i32
    %mul3A_3 = arith.constant 256 : i32
    %mul3A_4 = arith.muli %arg1, %mul3A_3 : i32
    %dma_start3A = arith.constant 0 : i32
    %dma_start3A_5 = tpu.memref_slice %arg8[%mul3A_4, %dma_start3A] : memref<4096x128xf32, #tpu.memory_space<vmem_shared>> -> memref<256x128xf32, #tpu.memory_space<vmem_shared>>
    %dma_start3A_6 = arith.constant 0 : i32
    %dma_start3A_7 = tpu.memref_slice %arg4[%mul3A_4, %dma_start3A_6] : memref<4096x128xf32, #tpu.memory_space<hbm>> -> memref<256x128xf32, #tpu.memory_space<hbm>>
    tpu.enqueue_dma source(%dma_start3A_7 : memref<256x128xf32, #tpu.memory_space<hbm>>) target(%dma_start3A_5 : memref<256x128xf32, #tpu.memory_space<vmem_shared>>) target_semaphore(%arg9 : memref<!tpu.dma_semaphore, #tpu.memory_space<semaphore_mem>>)
    %dma_start3A_8 = arith.constant 0 : i32
    %dma_start3A_9 = tpu.memref_slice %arg2[%mul3A_2, %dma_start3A_8] : memref<8192x128xf32, #tpu.memory_space<hbm>> -> memref<256x128xf32, #tpu.memory_space<hbm>>
    %dma_start3A_10 = arith.constant 0 : i32
    %dma_start3A_11 = tpu.memref_slice %arg2[%mul3A_2, %dma_start3A_10] : memref<8192x128xf32, #tpu.memory_space<hbm>> -> memref<256x128xf32, #tpu.memory_space<hbm>>
    tpu.enqueue_dma source(%dma_start3A_11 : memref<256x128xf32, #tpu.memory_space<hbm>>) target(%arg7 : memref<256x128xf32, #tpu.memory_space<vmem>>) target_semaphore(%arg10 : memref<!tpu.dma_semaphore, #tpu.memory_space<semaphore_mem>>)
    %add3A_12 = arith.constant 0 : i32
    %add3A_13 = arith.addi %mul3A_2, %add3A_12 : i32
    %dma_start3A_14 = arith.constant 0 : i32
    %dma_start3A_15 = arith.constant 0 : i32
    %dma_start3A_16 = tpu.memref_slice %arg6[%dma_start3A_14, %dma_start3A_15] : memref<2x128xi32, #tpu.memory_space<vmem>> -> memref<1x128xi32, #tpu.memory_space<vmem>>
    %dma_start3A_17 = tpu.memref_squeeze %dma_start3A_16 : memref<1x128xi32, #tpu.memory_space<vmem>> -> memref<128xi32, #tpu.memory_space<vmem>>
    %dma_start3A_18 = tpu.memref_slice %arg3[%add3A_13] : memref<8192xi32, #tpu.memory_space<hbm>> -> memref<128xi32, #tpu.memory_space<hbm>>
    %dma_start3A_19 = arith.constant 0 : i32
    %dma_start3A_20 = tpu.memref_slice %arg6[%dma_start3A_14, %dma_start3A_19] : memref<2x128xi32, #tpu.memory_space<vmem>> -> memref<1x128xi32, #tpu.memory_space<vmem>>
    %dma_start3A_21 = tpu.memref_squeeze %dma_start3A_20 : memref<1x128xi32, #tpu.memory_space<vmem>> -> memref<128xi32, #tpu.memory_space<vmem>>
    %dma_start3A_22 = tpu.memref_slice %arg3[%add3A_13] : memref<8192xi32, #tpu.memory_space<hbm>> -> memref<128xi32, #tpu.memory_space<hbm>>
    tpu.enqueue_dma source(%dma_start3A_22 : memref<128xi32, #tpu.memory_space<hbm>>) target(%dma_start3A_21 : memref<128xi32, #tpu.memory_space<vmem>>) target_semaphore(%arg11 : memref<!tpu.dma_semaphore, #tpu.memory_space<semaphore_mem>>)
    %add3A_23 = arith.constant 128 : i32
    %add3A_24 = arith.addi %mul3A_2, %add3A_23 : i32
    %dma_start3A_25 = arith.constant 1 : i32
    %dma_start3A_26 = arith.constant 0 : i32
    %dma_start3A_27 = tpu.memref_slice %arg6[%dma_start3A_25, %dma_start3A_26] : memref<2x128xi32, #tpu.memory_space<vmem>> -> memref<1x128xi32, #tpu.memory_space<vmem>>
    %dma_start3A_28 = tpu.memref_squeeze %dma_start3A_27 : memref<1x128xi32, #tpu.memory_space<vmem>> -> memref<128xi32, #tpu.memory_space<vmem>>
    %dma_start3A_29 = tpu.memref_slice %arg3[%add3A_24] : memref<8192xi32, #tpu.memory_space<hbm>> -> memref<128xi32, #tpu.memory_space<hbm>>
    %dma_start3A_30 = arith.constant 0 : i32
    %dma_start3A_31 = tpu.memref_slice %arg6[%dma_start3A_25, %dma_start3A_30] : memref<2x128xi32, #tpu.memory_space<vmem>> -> memref<1x128xi32, #tpu.memory_space<vmem>>
    %dma_start3A_32 = tpu.memref_squeeze %dma_start3A_31 : memref<1x128xi32, #tpu.memory_space<vmem>> -> memref<128xi32, #tpu.memory_space<vmem>>
    %dma_start3A_33 = tpu.memref_slice %arg3[%add3A_24] : memref<8192xi32, #tpu.memory_space<hbm>> -> memref<128xi32, #tpu.memory_space<hbm>>
    tpu.enqueue_dma source(%dma_start3A_33 : memref<128xi32, #tpu.memory_space<hbm>>) target(%dma_start3A_32 : memref<128xi32, #tpu.memory_space<vmem>>) target_semaphore(%arg11 : memref<!tpu.dma_semaphore, #tpu.memory_space<semaphore_mem>>)
    %dma_wait3A = arith.constant 0 : i32
    %dma_wait3A_34 = tpu.memref_slice %arg8[%mul3A_4, %dma_wait3A] : memref<4096x128xf32, #tpu.memory_space<vmem_shared>> -> memref<256x128xf32, #tpu.memory_space<vmem_shared>>
    %dma_wait3A_35 = arith.constant 0 : i32
    %dma_wait3A_36 = tpu.memref_slice %arg4[%mul3A_4, %dma_wait3A_35] : memref<4096x128xf32, #tpu.memory_space<hbm>> -> memref<256x128xf32, #tpu.memory_space<hbm>>
    tpu.wait_dma2 semaphore(%arg9 : memref<!tpu.dma_semaphore, #tpu.memory_space<semaphore_mem>>) src(%dma_wait3A_36 : memref<256x128xf32, #tpu.memory_space<hbm>>) dst(%dma_wait3A_34 : memref<256x128xf32, #tpu.memory_space<vmem_shared>>)
    %dma_wait3A_37 = arith.constant 0 : i32
    %dma_wait3A_38 = tpu.memref_slice %arg2[%mul3A_2, %dma_wait3A_37] : memref<8192x128xf32, #tpu.memory_space<hbm>> -> memref<256x128xf32, #tpu.memory_space<hbm>>
    %dma_wait3A_39 = arith.constant 0 : i32
    %dma_wait3A_40 = tpu.memref_slice %arg2[%mul3A_2, %dma_wait3A_39] : memref<8192x128xf32, #tpu.memory_space<hbm>> -> memref<256x128xf32, #tpu.memory_space<hbm>>
    tpu.wait_dma2 semaphore(%arg10 : memref<!tpu.dma_semaphore, #tpu.memory_space<semaphore_mem>>) src(%dma_wait3A_40 : memref<256x128xf32, #tpu.memory_space<hbm>>) dst(%arg7 : memref<256x128xf32, #tpu.memory_space<vmem>>)
    %dma_wait3A_41 = arith.constant 0 : i32
    %dma_wait3A_42 = arith.constant 0 : i32
    %dma_wait3A_43 = tpu.memref_slice %arg6[%dma_wait3A_41, %dma_wait3A_42] : memref<2x128xi32, #tpu.memory_space<vmem>> -> memref<1x128xi32, #tpu.memory_space<vmem>>
    %dma_wait3A_44 = tpu.memref_squeeze %dma_wait3A_43 : memref<1x128xi32, #tpu.memory_space<vmem>> -> memref<128xi32, #tpu.memory_space<vmem>>
    %dma_wait3A_45 = tpu.memref_slice %arg3[%add3A_13] : memref<8192xi32, #tpu.memory_space<hbm>> -> memref<128xi32, #tpu.memory_space<hbm>>
    %dma_wait3A_46 = arith.constant 0 : i32
    %dma_wait3A_47 = tpu.memref_slice %arg6[%dma_wait3A_41, %dma_wait3A_46] : memref<2x128xi32, #tpu.memory_space<vmem>> -> memref<1x128xi32, #tpu.memory_space<vmem>>
    %dma_wait3A_48 = tpu.memref_squeeze %dma_wait3A_47 : memref<1x128xi32, #tpu.memory_space<vmem>> -> memref<128xi32, #tpu.memory_space<vmem>>
    %dma_wait3A_49 = tpu.memref_slice %arg3[%add3A_13] : memref<8192xi32, #tpu.memory_space<hbm>> -> memref<128xi32, #tpu.memory_space<hbm>>
    tpu.wait_dma2 semaphore(%arg11 : memref<!tpu.dma_semaphore, #tpu.memory_space<semaphore_mem>>) src(%dma_wait3A_49 : memref<128xi32, #tpu.memory_space<hbm>>) dst(%dma_wait3A_48 : memref<128xi32, #tpu.memory_space<vmem>>)
    %dma_wait3A_50 = arith.constant 1 : i32
    %dma_wait3A_51 = arith.constant 0 : i32
    %dma_wait3A_52 = tpu.memref_slice %arg6[%dma_wait3A_50, %dma_wait3A_51] : memref<2x128xi32, #tpu.memory_space<vmem>> -> memref<1x128xi32, #tpu.memory_space<vmem>>
    %dma_wait3A_53 = tpu.memref_squeeze %dma_wait3A_52 : memref<1x128xi32, #tpu.memory_space<vmem>> -> memref<128xi32, #tpu.memory_space<vmem>>
    %dma_wait3A_54 = tpu.memref_slice %arg3[%add3A_24] : memref<8192xi32, #tpu.memory_space<hbm>> -> memref<128xi32, #tpu.memory_space<hbm>>
    %dma_wait3A_55 = arith.constant 0 : i32
    %dma_wait3A_56 = tpu.memref_slice %arg6[%dma_wait3A_50, %dma_wait3A_55] : memref<2x128xi32, #tpu.memory_space<vmem>> -> memref<1x128xi32, #tpu.memory_space<vmem>>
    %dma_wait3A_57 = tpu.memref_squeeze %dma_wait3A_56 : memref<1x128xi32, #tpu.memory_space<vmem>> -> memref<128xi32, #tpu.memory_space<vmem>>
    %dma_wait3A_58 = tpu.memref_slice %arg3[%add3A_24] : memref<8192xi32, #tpu.memory_space<hbm>> -> memref<128xi32, #tpu.memory_space<hbm>>
    tpu.wait_dma2 semaphore(%arg11 : memref<!tpu.dma_semaphore, #tpu.memory_space<semaphore_mem>>) src(%dma_wait3A_58 : memref<128xi32, #tpu.memory_space<hbm>>) dst(%dma_wait3A_57 : memref<128xi32, #tpu.memory_space<vmem>>)
    %barrier3A = arith.constant 0 : index
    tpu.barrier barrier_id(%barrier3A)
    %run_scoped3A = arith.constant 0 : i32
    "tpu.region"() ({
      %run_scoped3A_61 = tpu.sem_alloc : memref<!tpu.dma_semaphore, #tpu.memory_space<semaphore_mem>>
      %dma_start3A_62 = arith.constant 0 : i32
      %dma_start3A_63 = arith.constant 0 : i32
      %dma_start3A_64 = tpu.memref_slice %arg7[%dma_start3A_62, %dma_start3A_63] : memref<256x128xf32, #tpu.memory_space<vmem>> -> memref<128x128xf32, #tpu.memory_space<vmem>>
      %dma_start3A_65 = arith.constant 0 : i32
      %dma_start3A_66 = tpu.memref_slice %arg6[%run_scoped3A, %dma_start3A_65] : memref<2x128xi32, #tpu.memory_space<vmem>> -> memref<1x128xi32, #tpu.memory_space<vmem>>
      %dma_start3A_67 = tpu.memref_squeeze %dma_start3A_66 : memref<1x128xi32, #tpu.memory_space<vmem>> -> memref<128xi32, #tpu.memory_space<vmem>>
      %dma_start3A_68 = arith.constant 0 : i32
      %dma_start3A_69 = arith.constant 0 : i32
      %dma_start3A_70 = tpu.memref_slice %arg8[%dma_start3A_68, %dma_start3A_69] : memref<4096x128xf32, #tpu.memory_space<vmem_shared>> -> memref<4096x128xf32, #tpu.memory_space<vmem_shared>>
      tpu.enqueue_indirect_dma source(%dma_start3A_64 : memref<128x128xf32, #tpu.memory_space<vmem>>) target(%dma_start3A_70 : memref<4096x128xf32, #tpu.memory_space<vmem_shared>>) offsets(%dma_start3A_67 : memref<128xi32, #tpu.memory_space<vmem>>) semaphore(%run_scoped3A_61 : memref<!tpu.dma_semaphore, #tpu.memory_space<semaphore_mem>>) {add = true}
      %dma_wait3A_71 = arith.constant 0 : i32
      %dma_wait3A_72 = arith.constant 0 : i32
      %dma_wait3A_73 = tpu.memref_slice %arg7[%dma_wait3A_71, %dma_wait3A_72] : memref<256x128xf32, #tpu.memory_space<vmem>> -> memref<128x128xf32, #tpu.memory_space<vmem>>
      %dma_wait3A_74 = arith.constant 0 : i32
      %dma_wait3A_75 = tpu.memref_slice %arg6[%run_scoped3A, %dma_wait3A_74] : memref<2x128xi32, #tpu.memory_space<vmem>> -> memref<1x128xi32, #tpu.memory_space<vmem>>
      %dma_wait3A_76 = tpu.memref_squeeze %dma_wait3A_75 : memref<1x128xi32, #tpu.memory_space<vmem>> -> memref<128xi32, #tpu.memory_space<vmem>>
      %dma_wait3A_77 = arith.constant 0 : i32
      %dma_wait3A_78 = arith.constant 0 : i32
      %dma_wait3A_79 = tpu.memref_slice %arg8[%dma_wait3A_77, %dma_wait3A_78] : memref<4096x128xf32, #tpu.memory_space<vmem_shared>> -> memref<4096x128xf32, #tpu.memory_space<vmem_shared>>
      tpu.wait_indirect_dma semaphore(%run_scoped3A_61 : memref<!tpu.dma_semaphore, #tpu.memory_space<semaphore_mem>>) src(%dma_wait3A_73 : memref<128x128xf32, #tpu.memory_space<vmem>>) dst(%dma_wait3A_79 : memref<4096x128xf32, #tpu.memory_space<vmem_shared>>)
      tpu.yield
    }) : () -> ()
    %run_scoped3A_59 = arith.constant 1 : i32
    "tpu.region"() ({
      %run_scoped3A_61 = tpu.sem_alloc : memref<!tpu.dma_semaphore, #tpu.memory_space<semaphore_mem>>
      %dma_start3A_62 = arith.constant 128 : i32
      %dma_start3A_63 = arith.constant 0 : i32
      %dma_start3A_64 = tpu.memref_slice %arg7[%dma_start3A_62, %dma_start3A_63] : memref<256x128xf32, #tpu.memory_space<vmem>> -> memref<128x128xf32, #tpu.memory_space<vmem>>
      %dma_start3A_65 = arith.constant 0 : i32
      %dma_start3A_66 = tpu.memref_slice %arg6[%run_scoped3A_59, %dma_start3A_65] : memref<2x128xi32, #tpu.memory_space<vmem>> -> memref<1x128xi32, #tpu.memory_space<vmem>>
      %dma_start3A_67 = tpu.memref_squeeze %dma_start3A_66 : memref<1x128xi32, #tpu.memory_space<vmem>> -> memref<128xi32, #tpu.memory_space<vmem>>
      %dma_start3A_68 = arith.constant 0 : i32
      %dma_start3A_69 = arith.constant 0 : i32
      %dma_start3A_70 = tpu.memref_slice %arg8[%dma_start3A_68, %dma_start3A_69] : memref<4096x128xf32, #tpu.memory_space<vmem_shared>> -> memref<4096x128xf32, #tpu.memory_space<vmem_shared>>
      tpu.enqueue_indirect_dma source(%dma_start3A_64 : memref<128x128xf32, #tpu.memory_space<vmem>>) target(%dma_start3A_70 : memref<4096x128xf32, #tpu.memory_space<vmem_shared>>) offsets(%dma_start3A_67 : memref<128xi32, #tpu.memory_space<vmem>>) semaphore(%run_scoped3A_61 : memref<!tpu.dma_semaphore, #tpu.memory_space<semaphore_mem>>) {add = true}
      %dma_wait3A_71 = arith.constant 128 : i32
      %dma_wait3A_72 = arith.constant 0 : i32
      %dma_wait3A_73 = tpu.memref_slice %arg7[%dma_wait3A_71, %dma_wait3A_72] : memref<256x128xf32, #tpu.memory_space<vmem>> -> memref<128x128xf32, #tpu.memory_space<vmem>>
      %dma_wait3A_74 = arith.constant 0 : i32
      %dma_wait3A_75 = tpu.memref_slice %arg6[%run_scoped3A_59, %dma_wait3A_74] : memref<2x128xi32, #tpu.memory_space<vmem>> -> memref<1x128xi32, #tpu.memory_space<vmem>>
      %dma_wait3A_76 = tpu.memref_squeeze %dma_wait3A_75 : memref<1x128xi32, #tpu.memory_space<vmem>> -> memref<128xi32, #tpu.memory_space<vmem>>
      %dma_wait3A_77 = arith.constant 0 : i32
      %dma_wait3A_78 = arith.constant 0 : i32
      %dma_wait3A_79 = tpu.memref_slice %arg8[%dma_wait3A_77, %dma_wait3A_78] : memref<4096x128xf32, #tpu.memory_space<vmem_shared>> -> memref<4096x128xf32, #tpu.memory_space<vmem_shared>>
      tpu.wait_indirect_dma semaphore(%run_scoped3A_61 : memref<!tpu.dma_semaphore, #tpu.memory_space<semaphore_mem>>) src(%dma_wait3A_73 : memref<128x128xf32, #tpu.memory_space<vmem>>) dst(%dma_wait3A_79 : memref<4096x128xf32, #tpu.memory_space<vmem_shared>>)
      tpu.yield
    }) : () -> ()
    %barrier3A_60 = arith.constant 0 : index
    tpu.barrier barrier_id(%barrier3A_60)
    "tpu.region"() ({
      %run_scoped3A_61 = tpu.sem_alloc : memref<!tpu.dma_semaphore, #tpu.memory_space<semaphore_mem>>
      %dma_start3A_62 = arith.constant 0 : i32
      %dma_start3A_63 = tpu.memref_slice %arg5[%arg0, %mul3A_4, %dma_start3A_62] : memref<2x4096x128xf32, #tpu.memory_space<hbm>> -> memref<1x256x128xf32, #tpu.memory_space<hbm>>
      %dma_start3A_64 = tpu.memref_squeeze %dma_start3A_63 : memref<1x256x128xf32, #tpu.memory_space<hbm>> -> memref<256x128xf32, #tpu.memory_space<hbm>>
      %dma_start3A_65 = arith.constant 0 : i32
      %dma_start3A_66 = tpu.memref_slice %arg8[%mul3A_4, %dma_start3A_65] : memref<4096x128xf32, #tpu.memory_space<vmem_shared>> -> memref<256x128xf32, #tpu.memory_space<vmem_shared>>
      tpu.enqueue_dma source(%dma_start3A_66 : memref<256x128xf32, #tpu.memory_space<vmem_shared>>) target(%dma_start3A_64 : memref<256x128xf32, #tpu.memory_space<hbm>>) target_semaphore(%run_scoped3A_61 : memref<!tpu.dma_semaphore, #tpu.memory_space<semaphore_mem>>)
      %dma_wait3A_67 = arith.constant 0 : i32
      %dma_wait3A_68 = tpu.memref_slice %arg5[%arg0, %mul3A_4, %dma_wait3A_67] : memref<2x4096x128xf32, #tpu.memory_space<hbm>> -> memref<1x256x128xf32, #tpu.memory_space<hbm>>
      %dma_wait3A_69 = tpu.memref_squeeze %dma_wait3A_68 : memref<1x256x128xf32, #tpu.memory_space<hbm>> -> memref<256x128xf32, #tpu.memory_space<hbm>>
      %dma_wait3A_70 = arith.constant 0 : i32
      %dma_wait3A_71 = tpu.memref_slice %arg8[%mul3A_4, %dma_wait3A_70] : memref<4096x128xf32, #tpu.memory_space<vmem_shared>> -> memref<256x128xf32, #tpu.memory_space<vmem_shared>>
      tpu.wait_dma2 semaphore(%run_scoped3A_61 : memref<!tpu.dma_semaphore, #tpu.memory_space<semaphore_mem>>) src(%dma_wait3A_71 : memref<256x128xf32, #tpu.memory_space<vmem_shared>>) dst(%dma_wait3A_69 : memref<256x128xf32, #tpu.memory_space<hbm>>)
      tpu.yield
    }) : () -> ()
    return
  }
}

#map = affine_map<(d0, d1) -> (0, 0)>
#map1 = affine_map<(d0, d1) -> (0)>
#map2 = affine_map<(d0, d1) -> (0, 0, 0)>
module attributes {stable_mosaic.version = 14 : i64} {
  func.func @scatter_add(%arg0: i32, %arg1: i32, %arg2: memref<8192x128xf32, #tpu.memory_space<hbm>>, %arg3: memref<8192xi32, #tpu.memory_space<hbm>>, %arg4: memref<4096x128xf32, #tpu.memory_space<hbm>>, %arg5: memref<2x4096x128xf32, #tpu.memory_space<hbm>>, %arg6: memref<2x128xi32, #tpu.memory_space<vmem>>, %arg7: memref<256x128xf32, #tpu.memory_space<vmem>>, %arg8: memref<4096x128xf32, #tpu.memory_space<vmem_shared>>, %arg9: memref<!tpu.dma_semaphore, #tpu.memory_space<semaphore_mem>>, %arg10: memref<!tpu.dma_semaphore, #tpu.memory_space<semaphore_mem>>, %arg11: memref<!tpu.dma_semaphore, #tpu.memory_space<semaphore_mem>>) attributes {dimension_semantics = [#tpu.dimension_semantics<core_parallel>, #tpu.dimension_semantics<subcore_parallel>], iteration_bounds = array<i64: 2, 16>, scalar_prefetch = 0 : i64, scratch_operands = 6 : i64, tpu.core_type = #tpu.core_type<sc_vector_subcore>, window_params = [{transform_indices = #map}, {transform_indices = #map1}, {transform_indices = #map}, {transform_indices = #map2}]} {
    %mul3A = arith.constant 2 : i32
    %mul3A_0 = arith.muli %arg1, %mul3A : i32
    %add3A = arith.addi %mul3A_0, %arg0 : i32
    %mul3A_1 = arith.constant 256 : i32
    %mul3A_2 = arith.muli %add3A, %mul3A_1 : i32
    %mul3A_3 = arith.constant 256 : i32
    %mul3A_4 = arith.muli %arg1, %mul3A_3 : i32
    %dma_start3A = arith.constant 0 : i32
    %dma_start3A_5 = tpu.memref_slice %arg8[%mul3A_4, %dma_start3A] : memref<4096x128xf32, #tpu.memory_space<vmem_shared>> -> memref<256x128xf32, #tpu.memory_space<vmem_shared>>
    %dma_start3A_6 = arith.constant 0 : i32
    %dma_start3A_7 = tpu.memref_slice %arg4[%mul3A_4, %dma_start3A_6] : memref<4096x128xf32, #tpu.memory_space<hbm>> -> memref<256x128xf32, #tpu.memory_space<hbm>>
    tpu.enqueue_dma source(%dma_start3A_7 : memref<256x128xf32, #tpu.memory_space<hbm>>) target(%dma_start3A_5 : memref<256x128xf32, #tpu.memory_space<vmem_shared>>) target_semaphore(%arg9 : memref<!tpu.dma_semaphore, #tpu.memory_space<semaphore_mem>>)
    %dma_start3A_8 = arith.constant 0 : i32
    %dma_start3A_9 = tpu.memref_slice %arg2[%mul3A_2, %dma_start3A_8] : memref<8192x128xf32, #tpu.memory_space<hbm>> -> memref<256x128xf32, #tpu.memory_space<hbm>>
    %dma_start3A_10 = arith.constant 0 : i32
    %dma_start3A_11 = tpu.memref_slice %arg2[%mul3A_2, %dma_start3A_10] : memref<8192x128xf32, #tpu.memory_space<hbm>> -> memref<256x128xf32, #tpu.memory_space<hbm>>
    tpu.enqueue_dma source(%dma_start3A_11 : memref<256x128xf32, #tpu.memory_space<hbm>>) target(%arg7 : memref<256x128xf32, #tpu.memory_space<vmem>>) target_semaphore(%arg10 : memref<!tpu.dma_semaphore, #tpu.memory_space<semaphore_mem>>)
    %add3A_12 = arith.constant 0 : i32
    %add3A_13 = arith.addi %mul3A_2, %add3A_12 : i32
    %dma_start3A_14 = arith.constant 0 : i32
    %dma_start3A_15 = arith.constant 0 : i32
    %dma_start3A_16 = tpu.memref_slice %arg6[%dma_start3A_14, %dma_start3A_15] : memref<2x128xi32, #tpu.memory_space<vmem>> -> memref<1x128xi32, #tpu.memory_space<vmem>>
    %dma_start3A_17 = tpu.memref_squeeze %dma_start3A_16 : memref<1x128xi32, #tpu.memory_space<vmem>> -> memref<128xi32, #tpu.memory_space<vmem>>
    %dma_start3A_18 = tpu.memref_slice %arg3[%add3A_13] : memref<8192xi32, #tpu.memory_space<hbm>> -> memref<128xi32, #tpu.memory_space<hbm>>
    %dma_start3A_19 = arith.constant 0 : i32
    %dma_start3A_20 = tpu.memref_slice %arg6[%dma_start3A_14, %dma_start3A_19] : memref<2x128xi32, #tpu.memory_space<vmem>> -> memref<1x128xi32, #tpu.memory_space<vmem>>
    %dma_start3A_21 = tpu.memref_squeeze %dma_start3A_20 : memref<1x128xi32, #tpu.memory_space<vmem>> -> memref<128xi32, #tpu.memory_space<vmem>>
    %dma_start3A_22 = tpu.memref_slice %arg3[%add3A_13] : memref<8192xi32, #tpu.memory_space<hbm>> -> memref<128xi32, #tpu.memory_space<hbm>>
    tpu.enqueue_dma source(%dma_start3A_22 : memref<128xi32, #tpu.memory_space<hbm>>) target(%dma_start3A_21 : memref<128xi32, #tpu.memory_space<vmem>>) target_semaphore(%arg11 : memref<!tpu.dma_semaphore, #tpu.memory_space<semaphore_mem>>)
    %add3A_23 = arith.constant 128 : i32
    %add3A_24 = arith.addi %mul3A_2, %add3A_23 : i32
    %dma_start3A_25 = arith.constant 1 : i32
    %dma_start3A_26 = arith.constant 0 : i32
    %dma_start3A_27 = tpu.memref_slice %arg6[%dma_start3A_25, %dma_start3A_26] : memref<2x128xi32, #tpu.memory_space<vmem>> -> memref<1x128xi32, #tpu.memory_space<vmem>>
    %dma_start3A_28 = tpu.memref_squeeze %dma_start3A_27 : memref<1x128xi32, #tpu.memory_space<vmem>> -> memref<128xi32, #tpu.memory_space<vmem>>
    %dma_start3A_29 = tpu.memref_slice %arg3[%add3A_24] : memref<8192xi32, #tpu.memory_space<hbm>> -> memref<128xi32, #tpu.memory_space<hbm>>
    %dma_start3A_30 = arith.constant 0 : i32
    %dma_start3A_31 = tpu.memref_slice %arg6[%dma_start3A_25, %dma_start3A_30] : memref<2x128xi32, #tpu.memory_space<vmem>> -> memref<1x128xi32, #tpu.memory_space<vmem>>
    %dma_start3A_32 = tpu.memref_squeeze %dma_start3A_31 : memref<1x128xi32, #tpu.memory_space<vmem>> -> memref<128xi32, #tpu.memory_space<vmem>>
    %dma_start3A_33 = tpu.memref_slice %arg3[%add3A_24] : memref<8192xi32, #tpu.memory_space<hbm>> -> memref<128xi32, #tpu.memory_space<hbm>>
    tpu.enqueue_dma source(%dma_start3A_33 : memref<128xi32, #tpu.memory_space<hbm>>) target(%dma_start3A_32 : memref<128xi32, #tpu.memory_space<vmem>>) target_semaphore(%arg11 : memref<!tpu.dma_semaphore, #tpu.memory_space<semaphore_mem>>)
    %dma_wait3A = arith.constant 0 : i32
    %dma_wait3A_34 = tpu.memref_slice %arg8[%mul3A_4, %dma_wait3A] : memref<4096x128xf32, #tpu.memory_space<vmem_shared>> -> memref<256x128xf32, #tpu.memory_space<vmem_shared>>
    %dma_wait3A_35 = arith.constant 0 : i32
    %dma_wait3A_36 = tpu.memref_slice %arg4[%mul3A_4, %dma_wait3A_35] : memref<4096x128xf32, #tpu.memory_space<hbm>> -> memref<256x128xf32, #tpu.memory_space<hbm>>
    tpu.wait_dma2 semaphore(%arg9 : memref<!tpu.dma_semaphore, #tpu.memory_space<semaphore_mem>>) src(%dma_wait3A_36 : memref<256x128xf32, #tpu.memory_space<hbm>>) dst(%dma_wait3A_34 : memref<256x128xf32, #tpu.memory_space<vmem_shared>>)
    %dma_wait3A_37 = arith.constant 0 : i32
    %dma_wait3A_38 = tpu.memref_slice %arg2[%mul3A_2, %dma_wait3A_37] : memref<8192x128xf32, #tpu.memory_space<hbm>> -> memref<256x128xf32, #tpu.memory_space<hbm>>
    %dma_wait3A_39 = arith.constant 0 : i32
    %dma_wait3A_40 = tpu.memref_slice %arg2[%mul3A_2, %dma_wait3A_39] : memref<8192x128xf32, #tpu.memory_space<hbm>> -> memref<256x128xf32, #tpu.memory_space<hbm>>
    tpu.wait_dma2 semaphore(%arg10 : memref<!tpu.dma_semaphore, #tpu.memory_space<semaphore_mem>>) src(%dma_wait3A_40 : memref<256x128xf32, #tpu.memory_space<hbm>>) dst(%arg7 : memref<256x128xf32, #tpu.memory_space<vmem>>)
    %dma_wait3A_41 = arith.constant 0 : i32
    %dma_wait3A_42 = arith.constant 0 : i32
    %dma_wait3A_43 = tpu.memref_slice %arg6[%dma_wait3A_41, %dma_wait3A_42] : memref<2x128xi32, #tpu.memory_space<vmem>> -> memref<1x128xi32, #tpu.memory_space<vmem>>
    %dma_wait3A_44 = tpu.memref_squeeze %dma_wait3A_43 : memref<1x128xi32, #tpu.memory_space<vmem>> -> memref<128xi32, #tpu.memory_space<vmem>>
    %dma_wait3A_45 = tpu.memref_slice %arg3[%add3A_13] : memref<8192xi32, #tpu.memory_space<hbm>> -> memref<128xi32, #tpu.memory_space<hbm>>
    %dma_wait3A_46 = arith.constant 0 : i32
    %dma_wait3A_47 = tpu.memref_slice %arg6[%dma_wait3A_41, %dma_wait3A_46] : memref<2x128xi32, #tpu.memory_space<vmem>> -> memref<1x128xi32, #tpu.memory_space<vmem>>
    %dma_wait3A_48 = tpu.memref_squeeze %dma_wait3A_47 : memref<1x128xi32, #tpu.memory_space<vmem>> -> memref<128xi32, #tpu.memory_space<vmem>>
    %dma_wait3A_49 = tpu.memref_slice %arg3[%add3A_13] : memref<8192xi32, #tpu.memory_space<hbm>> -> memref<128xi32, #tpu.memory_space<hbm>>
    tpu.wait_dma2 semaphore(%arg11 : memref<!tpu.dma_semaphore, #tpu.memory_space<semaphore_mem>>) src(%dma_wait3A_49 : memref<128xi32, #tpu.memory_space<hbm>>) dst(%dma_wait3A_48 : memref<128xi32, #tpu.memory_space<vmem>>)
    %dma_wait3A_50 = arith.constant 1 : i32
    %dma_wait3A_51 = arith.constant 0 : i32
    %dma_wait3A_52 = tpu.memref_slice %arg6[%dma_wait3A_50, %dma_wait3A_51] : memref<2x128xi32, #tpu.memory_space<vmem>> -> memref<1x128xi32, #tpu.memory_space<vmem>>
    %dma_wait3A_53 = tpu.memref_squeeze %dma_wait3A_52 : memref<1x128xi32, #tpu.memory_space<vmem>> -> memref<128xi32, #tpu.memory_space<vmem>>
    %dma_wait3A_54 = tpu.memref_slice %arg3[%add3A_24] : memref<8192xi32, #tpu.memory_space<hbm>> -> memref<128xi32, #tpu.memory_space<hbm>>
    %dma_wait3A_55 = arith.constant 0 : i32
    %dma_wait3A_56 = tpu.memref_slice %arg6[%dma_wait3A_50, %dma_wait3A_55] : memref<2x128xi32, #tpu.memory_space<vmem>> -> memref<1x128xi32, #tpu.memory_space<vmem>>
    %dma_wait3A_57 = tpu.memref_squeeze %dma_wait3A_56 : memref<1x128xi32, #tpu.memory_space<vmem>> -> memref<128xi32, #tpu.memory_space<vmem>>
    %dma_wait3A_58 = tpu.memref_slice %arg3[%add3A_24] : memref<8192xi32, #tpu.memory_space<hbm>> -> memref<128xi32, #tpu.memory_space<hbm>>
    tpu.wait_dma2 semaphore(%arg11 : memref<!tpu.dma_semaphore, #tpu.memory_space<semaphore_mem>>) src(%dma_wait3A_58 : memref<128xi32, #tpu.memory_space<hbm>>) dst(%dma_wait3A_57 : memref<128xi32, #tpu.memory_space<vmem>>)
    %barrier3A = arith.constant 0 : index
    tpu.barrier barrier_id(%barrier3A)
    %run_scoped3A = arith.constant 0 : i32
    "tpu.region"() ({
      %run_scoped3A_61 = tpu.sem_alloc : memref<!tpu.dma_semaphore, #tpu.memory_space<semaphore_mem>>
      %dma_start3A_62 = arith.constant 0 : i32
      %dma_start3A_63 = arith.constant 0 : i32
      %dma_start3A_64 = tpu.memref_slice %arg7[%dma_start3A_62, %dma_start3A_63] : memref<256x128xf32, #tpu.memory_space<vmem>> -> memref<128x128xf32, #tpu.memory_space<vmem>>
      %dma_start3A_65 = arith.constant 0 : i32
      %dma_start3A_66 = tpu.memref_slice %arg6[%run_scoped3A, %dma_start3A_65] : memref<2x128xi32, #tpu.memory_space<vmem>> -> memref<1x128xi32, #tpu.memory_space<vmem>>
      %dma_start3A_67 = tpu.memref_squeeze %dma_start3A_66 : memref<1x128xi32, #tpu.memory_space<vmem>> -> memref<128xi32, #tpu.memory_space<vmem>>
      %dma_start3A_68 = arith.constant 0 : i32
      %dma_start3A_69 = arith.constant 0 : i32
      %dma_start3A_70 = tpu.memref_slice %arg8[%dma_start3A_68, %dma_start3A_69] : memref<4096x128xf32, #tpu.memory_space<vmem_shared>> -> memref<4096x128xf32, #tpu.memory_space<vmem_shared>>
      tpu.enqueue_indirect_dma source(%dma_start3A_64 : memref<128x128xf32, #tpu.memory_space<vmem>>) target(%dma_start3A_70 : memref<4096x128xf32, #tpu.memory_space<vmem_shared>>) offsets(%dma_start3A_67 : memref<128xi32, #tpu.memory_space<vmem>>) semaphore(%run_scoped3A_61 : memref<!tpu.dma_semaphore, #tpu.memory_space<semaphore_mem>>) {add = true}
      %dma_wait3A_71 = arith.constant 0 : i32
      %dma_wait3A_72 = arith.constant 0 : i32
      %dma_wait3A_73 = tpu.memref_slice %arg7[%dma_wait3A_71, %dma_wait3A_72] : memref<256x128xf32, #tpu.memory_space<vmem>> -> memref<128x128xf32, #tpu.memory_space<vmem>>
      %dma_wait3A_74 = arith.constant 0 : i32
      %dma_wait3A_75 = tpu.memref_slice %arg6[%run_scoped3A, %dma_wait3A_74] : memref<2x128xi32, #tpu.memory_space<vmem>> -> memref<1x128xi32, #tpu.memory_space<vmem>>
      %dma_wait3A_76 = tpu.memref_squeeze %dma_wait3A_75 : memref<1x128xi32, #tpu.memory_space<vmem>> -> memref<128xi32, #tpu.memory_space<vmem>>
      %dma_wait3A_77 = arith.constant 0 : i32
      %dma_wait3A_78 = arith.constant 0 : i32
      %dma_wait3A_79 = tpu.memref_slice %arg8[%dma_wait3A_77, %dma_wait3A_78] : memref<4096x128xf32, #tpu.memory_space<vmem_shared>> -> memref<4096x128xf32, #tpu.memory_space<vmem_shared>>
      tpu.wait_indirect_dma semaphore(%run_scoped3A_61 : memref<!tpu.dma_semaphore, #tpu.memory_space<semaphore_mem>>) src(%dma_wait3A_73 : memref<128x128xf32, #tpu.memory_space<vmem>>) dst(%dma_wait3A_79 : memref<4096x128xf32, #tpu.memory_space<vmem_shared>>)
      tpu.yield
    }) : () -> ()
    %run_scoped3A_59 = arith.constant 1 : i32
    "tpu.region"() ({
      %run_scoped3A_61 = tpu.sem_alloc : memref<!tpu.dma_semaphore, #tpu.memory_space<semaphore_mem>>
      %dma_start3A_62 = arith.constant 128 : i32
      %dma_start3A_63 = arith.constant 0 : i32
      %dma_start3A_64 = tpu.memref_slice %arg7[%dma_start3A_62, %dma_start3A_63] : memref<256x128xf32, #tpu.memory_space<vmem>> -> memref<128x128xf32, #tpu.memory_space<vmem>>
      %dma_start3A_65 = arith.constant 0 : i32
      %dma_start3A_66 = tpu.memref_slice %arg6[%run_scoped3A_59, %dma_start3A_65] : memref<2x128xi32, #tpu.memory_space<vmem>> -> memref<1x128xi32, #tpu.memory_space<vmem>>
      %dma_start3A_67 = tpu.memref_squeeze %dma_start3A_66 : memref<1x128xi32, #tpu.memory_space<vmem>> -> memref<128xi32, #tpu.memory_space<vmem>>
      %dma_start3A_68 = arith.constant 0 : i32
      %dma_start3A_69 = arith.constant 0 : i32
      %dma_start3A_70 = tpu.memref_slice %arg8[%dma_start3A_68, %dma_start3A_69] : memref<4096x128xf32, #tpu.memory_space<vmem_shared>> -> memref<4096x128xf32, #tpu.memory_space<vmem_shared>>
      tpu.enqueue_indirect_dma source(%dma_start3A_64 : memref<128x128xf32, #tpu.memory_space<vmem>>) target(%dma_start3A_70 : memref<4096x128xf32, #tpu.memory_space<vmem_shared>>) offsets(%dma_start3A_67 : memref<128xi32, #tpu.memory_space<vmem>>) semaphore(%run_scoped3A_61 : memref<!tpu.dma_semaphore, #tpu.memory_space<semaphore_mem>>) {add = true}
      %dma_wait3A_71 = arith.constant 128 : i32
      %dma_wait3A_72 = arith.constant 0 : i32
      %dma_wait3A_73 = tpu.memref_slice %arg7[%dma_wait3A_71, %dma_wait3A_72] : memref<256x128xf32, #tpu.memory_space<vmem>> -> memref<128x128xf32, #tpu.memory_space<vmem>>
      %dma_wait3A_74 = arith.constant 0 : i32
      %dma_wait3A_75 = tpu.memref_slice %arg6[%run_scoped3A_59, %dma_wait3A_74] : memref<2x128xi32, #tpu.memory_space<vmem>> -> memref<1x128xi32, #tpu.memory_space<vmem>>
      %dma_wait3A_76 = tpu.memref_squeeze %dma_wait3A_75 : memref<1x128xi32, #tpu.memory_space<vmem>> -> memref<128xi32, #tpu.memory_space<vmem>>
      %dma_wait3A_77 = arith.constant 0 : i32
      %dma_wait3A_78 = arith.constant 0 : i32
      %dma_wait3A_79 = tpu.memref_slice %arg8[%dma_wait3A_77, %dma_wait3A_78] : memref<4096x128xf32, #tpu.memory_space<vmem_shared>> -> memref<4096x128xf32, #tpu.memory_space<vmem_shared>>
      tpu.wait_indirect_dma semaphore(%run_scoped3A_61 : memref<!tpu.dma_semaphore, #tpu.memory_space<semaphore_mem>>) src(%dma_wait3A_73 : memref<128x128xf32, #tpu.memory_space<vmem>>) dst(%dma_wait3A_79 : memref<4096x128xf32, #tpu.memory_space<vmem_shared>>)
      tpu.yield
    }) : () -> ()
    %barrier3A_60 = arith.constant 0 : index
    tpu.barrier barrier_id(%barrier3A_60)
    "tpu.region"() ({
      %run_scoped3A_61 = tpu.sem_alloc : memref<!tpu.dma_semaphore, #tpu.memory_space<semaphore_mem>>
      %dma_start3A_62 = arith.constant 0 : i32
      %dma_start3A_63 = tpu.memref_slice %arg5[%arg0, %mul3A_4, %dma_start3A_62] : memref<2x4096x128xf32, #tpu.memory_space<hbm>> -> memref<1x256x128xf32, #tpu.memory_space<hbm>>
      %dma_start3A_64 = tpu.memref_squeeze %dma_start3A_63 : memref<1x256x128xf32, #tpu.memory_space<hbm>> -> memref<256x128xf32, #tpu.memory_space<hbm>>
      %dma_start3A_65 = arith.constant 0 : i32
      %dma_start3A_66 = tpu.memref_slice %arg8[%mul3A_4, %dma_start3A_65] : memref<4096x128xf32, #tpu.memory_space<vmem_shared>> -> memref<256x128xf32, #tpu.memory_space<vmem_shared>>
      tpu.enqueue_dma source(%dma_start3A_66 : memref<256x128xf32, #tpu.memory_space<vmem_shared>>) target(%dma_start3A_64 : memref<256x128xf32, #tpu.memory_space<hbm>>) target_semaphore(%run_scoped3A_61 : memref<!tpu.dma_semaphore, #tpu.memory_space<semaphore_mem>>)
      %dma_wait3A_67 = arith.constant 0 : i32
      %dma_wait3A_68 = tpu.memref_slice %arg5[%arg0, %mul3A_4, %dma_wait3A_67] : memref<2x4096x128xf32, #tpu.memory_space<hbm>> -> memref<1x256x128xf32, #tpu.memory_space<hbm>>
      %dma_wait3A_69 = tpu.memref_squeeze %dma_wait3A_68 : memref<1x256x128xf32, #tpu.memory_space<hbm>> -> memref<256x128xf32, #tpu.memory_space<hbm>>
      %dma_wait3A_70 = arith.constant 0 : i32
      %dma_wait3A_71 = tpu.memref_slice %arg8[%mul3A_4, %dma_wait3A_70] : memref<4096x128xf32, #tpu.memory_space<vmem_shared>> -> memref<256x128xf32, #tpu.memory_space<vmem_shared>>
      tpu.wait_dma2 semaphore(%run_scoped3A_61 : memref<!tpu.dma_semaphore, #tpu.memory_space<semaphore_mem>>) src(%dma_wait3A_71 : memref<256x128xf32, #tpu.memory_space<vmem_shared>>) dst(%dma_wait3A_69 : memref<256x128xf32, #tpu.memory_space<hbm>>)
      tpu.yield
    }) : () -> ()
    return
  }
}

#map = affine_map<(d0, d1) -> (0, 0)>
#map1 = affine_map<(d0, d1) -> (0)>
module attributes {stable_mosaic.version = 14 : i64} {
  func.func @gather(%arg0: i32, %arg1: i32, %arg2: memref<4096x128xf32, #tpu.memory_space<hbm>>, %arg3: memref<8192xi32, #tpu.memory_space<hbm>>, %arg4: memref<8192x128xf32, #tpu.memory_space<hbm>>, %arg5: memref<2x128xi32, #tpu.memory_space<vmem>>, %arg6: memref<256x128xf32, #tpu.memory_space<vmem>>, %arg7: memref<!tpu.dma_semaphore, #tpu.memory_space<semaphore_mem>>, %arg8: memref<!tpu.dma_semaphore, #tpu.memory_space<semaphore_mem>>) attributes {dimension_semantics = [#tpu.dimension_semantics<core_parallel>, #tpu.dimension_semantics<subcore_parallel>], iteration_bounds = array<i64: 2, 16>, scalar_prefetch = 0 : i64, scratch_operands = 4 : i64, tpu.core_type = #tpu.core_type<sc_vector_subcore>, window_params = [{transform_indices = #map}, {transform_indices = #map1}, {transform_indices = #map}]} {
    %mul3A = arith.constant 2 : i32
    %mul3A_0 = arith.muli %arg1, %mul3A : i32
    %add3A = arith.addi %mul3A_0, %arg0 : i32
    %mul3A_1 = arith.constant 256 : i32
    %mul3A_2 = arith.muli %add3A, %mul3A_1 : i32
    %add3A_3 = arith.constant 0 : i32
    %add3A_4 = arith.addi %mul3A_2, %add3A_3 : i32
    %dma_start3A = arith.constant 0 : i32
    %dma_start3A_5 = arith.constant 0 : i32
    %dma_start3A_6 = tpu.memref_slice %arg5[%dma_start3A, %dma_start3A_5] : memref<2x128xi32, #tpu.memory_space<vmem>> -> memref<1x128xi32, #tpu.memory_space<vmem>>
    %dma_start3A_7 = tpu.memref_squeeze %dma_start3A_6 : memref<1x128xi32, #tpu.memory_space<vmem>> -> memref<128xi32, #tpu.memory_space<vmem>>
    %dma_start3A_8 = tpu.memref_slice %arg3[%add3A_4] : memref<8192xi32, #tpu.memory_space<hbm>> -> memref<128xi32, #tpu.memory_space<hbm>>
    %dma_start3A_9 = arith.constant 0 : i32
    %dma_start3A_10 = tpu.memref_slice %arg5[%dma_start3A, %dma_start3A_9] : memref<2x128xi32, #tpu.memory_space<vmem>> -> memref<1x128xi32, #tpu.memory_space<vmem>>
    %dma_start3A_11 = tpu.memref_squeeze %dma_start3A_10 : memref<1x128xi32, #tpu.memory_space<vmem>> -> memref<128xi32, #tpu.memory_space<vmem>>
    %dma_start3A_12 = tpu.memref_slice %arg3[%add3A_4] : memref<8192xi32, #tpu.memory_space<hbm>> -> memref<128xi32, #tpu.memory_space<hbm>>
    tpu.enqueue_dma source(%dma_start3A_12 : memref<128xi32, #tpu.memory_space<hbm>>) target(%dma_start3A_11 : memref<128xi32, #tpu.memory_space<vmem>>) target_semaphore(%arg7 : memref<!tpu.dma_semaphore, #tpu.memory_space<semaphore_mem>>)
    %add3A_13 = arith.constant 128 : i32
    %add3A_14 = arith.addi %mul3A_2, %add3A_13 : i32
    %dma_start3A_15 = arith.constant 1 : i32
    %dma_start3A_16 = arith.constant 0 : i32
    %dma_start3A_17 = tpu.memref_slice %arg5[%dma_start3A_15, %dma_start3A_16] : memref<2x128xi32, #tpu.memory_space<vmem>> -> memref<1x128xi32, #tpu.memory_space<vmem>>
    %dma_start3A_18 = tpu.memref_squeeze %dma_start3A_17 : memref<1x128xi32, #tpu.memory_space<vmem>> -> memref<128xi32, #tpu.memory_space<vmem>>
    %dma_start3A_19 = tpu.memref_slice %arg3[%add3A_14] : memref<8192xi32, #tpu.memory_space<hbm>> -> memref<128xi32, #tpu.memory_space<hbm>>
    %dma_start3A_20 = arith.constant 0 : i32
    %dma_start3A_21 = tpu.memref_slice %arg5[%dma_start3A_15, %dma_start3A_20] : memref<2x128xi32, #tpu.memory_space<vmem>> -> memref<1x128xi32, #tpu.memory_space<vmem>>
    %dma_start3A_22 = tpu.memref_squeeze %dma_start3A_21 : memref<1x128xi32, #tpu.memory_space<vmem>> -> memref<128xi32, #tpu.memory_space<vmem>>
    %dma_start3A_23 = tpu.memref_slice %arg3[%add3A_14] : memref<8192xi32, #tpu.memory_space<hbm>> -> memref<128xi32, #tpu.memory_space<hbm>>
    tpu.enqueue_dma source(%dma_start3A_23 : memref<128xi32, #tpu.memory_space<hbm>>) target(%dma_start3A_22 : memref<128xi32, #tpu.memory_space<vmem>>) target_semaphore(%arg8 : memref<!tpu.dma_semaphore, #tpu.memory_space<semaphore_mem>>)
    %dma_wait3A = arith.constant 0 : i32
    %dma_wait3A_24 = arith.constant 0 : i32
    %dma_wait3A_25 = tpu.memref_slice %arg5[%dma_wait3A, %dma_wait3A_24] : memref<2x128xi32, #tpu.memory_space<vmem>> -> memref<1x128xi32, #tpu.memory_space<vmem>>
    %dma_wait3A_26 = tpu.memref_squeeze %dma_wait3A_25 : memref<1x128xi32, #tpu.memory_space<vmem>> -> memref<128xi32, #tpu.memory_space<vmem>>
    %dma_wait3A_27 = tpu.memref_slice %arg3[%add3A_4] : memref<8192xi32, #tpu.memory_space<hbm>> -> memref<128xi32, #tpu.memory_space<hbm>>
    %dma_wait3A_28 = arith.constant 0 : i32
    %dma_wait3A_29 = tpu.memref_slice %arg5[%dma_wait3A, %dma_wait3A_28] : memref<2x128xi32, #tpu.memory_space<vmem>> -> memref<1x128xi32, #tpu.memory_space<vmem>>
    %dma_wait3A_30 = tpu.memref_squeeze %dma_wait3A_29 : memref<1x128xi32, #tpu.memory_space<vmem>> -> memref<128xi32, #tpu.memory_space<vmem>>
    %dma_wait3A_31 = tpu.memref_slice %arg3[%add3A_4] : memref<8192xi32, #tpu.memory_space<hbm>> -> memref<128xi32, #tpu.memory_space<hbm>>
    tpu.wait_dma2 semaphore(%arg7 : memref<!tpu.dma_semaphore, #tpu.memory_space<semaphore_mem>>) src(%dma_wait3A_31 : memref<128xi32, #tpu.memory_space<hbm>>) dst(%dma_wait3A_30 : memref<128xi32, #tpu.memory_space<vmem>>)
    %dma_start3A_32 = arith.constant 0 : i32
    %dma_start3A_33 = arith.constant 0 : i32
    %dma_start3A_34 = arith.constant 0 : i32
    %dma_start3A_35 = tpu.memref_slice %arg6[%dma_start3A_33, %dma_start3A_34] : memref<256x128xf32, #tpu.memory_space<vmem>> -> memref<128x128xf32, #tpu.memory_space<vmem>>
    %dma_start3A_36 = arith.constant 0 : i32
    %dma_start3A_37 = tpu.memref_slice %arg5[%dma_start3A_32, %dma_start3A_36] : memref<2x128xi32, #tpu.memory_space<vmem>> -> memref<1x128xi32, #tpu.memory_space<vmem>>
    %dma_start3A_38 = tpu.memref_squeeze %dma_start3A_37 : memref<1x128xi32, #tpu.memory_space<vmem>> -> memref<128xi32, #tpu.memory_space<vmem>>
    %dma_start3A_39 = arith.constant 0 : i32
    %dma_start3A_40 = arith.constant 0 : i32
    %dma_start3A_41 = tpu.memref_slice %arg2[%dma_start3A_39, %dma_start3A_40] : memref<4096x128xf32, #tpu.memory_space<hbm>> -> memref<4096x128xf32, #tpu.memory_space<hbm>>
    tpu.enqueue_indirect_dma source(%dma_start3A_41 : memref<4096x128xf32, #tpu.memory_space<hbm>>) target(%dma_start3A_35 : memref<128x128xf32, #tpu.memory_space<vmem>>) offsets(%dma_start3A_38 : memref<128xi32, #tpu.memory_space<vmem>>) semaphore(%arg7 : memref<!tpu.dma_semaphore, #tpu.memory_space<semaphore_mem>>)
    %dma_wait3A_42 = arith.constant 1 : i32
    %dma_wait3A_43 = arith.constant 0 : i32
    %dma_wait3A_44 = tpu.memref_slice %arg5[%dma_wait3A_42, %dma_wait3A_43] : memref<2x128xi32, #tpu.memory_space<vmem>> -> memref<1x128xi32, #tpu.memory_space<vmem>>
    %dma_wait3A_45 = tpu.memref_squeeze %dma_wait3A_44 : memref<1x128xi32, #tpu.memory_space<vmem>> -> memref<128xi32, #tpu.memory_space<vmem>>
    %dma_wait3A_46 = tpu.memref_slice %arg3[%add3A_14] : memref<8192xi32, #tpu.memory_space<hbm>> -> memref<128xi32, #tpu.memory_space<hbm>>
    %dma_wait3A_47 = arith.constant 0 : i32
    %dma_wait3A_48 = tpu.memref_slice %arg5[%dma_wait3A_42, %dma_wait3A_47] : memref<2x128xi32, #tpu.memory_space<vmem>> -> memref<1x128xi32, #tpu.memory_space<vmem>>
    %dma_wait3A_49 = tpu.memref_squeeze %dma_wait3A_48 : memref<1x128xi32, #tpu.memory_space<vmem>> -> memref<128xi32, #tpu.memory_space<vmem>>
    %dma_wait3A_50 = tpu.memref_slice %arg3[%add3A_14] : memref<8192xi32, #tpu.memory_space<hbm>> -> memref<128xi32, #tpu.memory_space<hbm>>
    tpu.wait_dma2 semaphore(%arg8 : memref<!tpu.dma_semaphore, #tpu.memory_space<semaphore_mem>>) src(%dma_wait3A_50 : memref<128xi32, #tpu.memory_space<hbm>>) dst(%dma_wait3A_49 : memref<128xi32, #tpu.memory_space<vmem>>)
    %dma_start3A_51 = arith.constant 1 : i32
    %dma_start3A_52 = arith.constant 128 : i32
    %dma_start3A_53 = arith.constant 0 : i32
    %dma_start3A_54 = tpu.memref_slice %arg6[%dma_start3A_52, %dma_start3A_53] : memref<256x128xf32, #tpu.memory_space<vmem>> -> memref<128x128xf32, #tpu.memory_space<vmem>>
    %dma_start3A_55 = arith.constant 0 : i32
    %dma_start3A_56 = tpu.memref_slice %arg5[%dma_start3A_51, %dma_start3A_55] : memref<2x128xi32, #tpu.memory_space<vmem>> -> memref<1x128xi32, #tpu.memory_space<vmem>>
    %dma_start3A_57 = tpu.memref_squeeze %dma_start3A_56 : memref<1x128xi32, #tpu.memory_space<vmem>> -> memref<128xi32, #tpu.memory_space<vmem>>
    %dma_start3A_58 = arith.constant 0 : i32
    %dma_start3A_59 = arith.constant 0 : i32
    %dma_start3A_60 = tpu.memref_slice %arg2[%dma_start3A_58, %dma_start3A_59] : memref<4096x128xf32, #tpu.memory_space<hbm>> -> memref<4096x128xf32, #tpu.memory_space<hbm>>
    tpu.enqueue_indirect_dma source(%dma_start3A_60 : memref<4096x128xf32, #tpu.memory_space<hbm>>) target(%dma_start3A_54 : memref<128x128xf32, #tpu.memory_space<vmem>>) offsets(%dma_start3A_57 : memref<128xi32, #tpu.memory_space<vmem>>) semaphore(%arg8 : memref<!tpu.dma_semaphore, #tpu.memory_space<semaphore_mem>>)
    %dma_wait3A_61 = arith.constant 0 : i32
    %dma_wait3A_62 = arith.constant 0 : i32
    %dma_wait3A_63 = arith.constant 0 : i32
    %dma_wait3A_64 = tpu.memref_slice %arg6[%dma_wait3A_62, %dma_wait3A_63] : memref<256x128xf32, #tpu.memory_space<vmem>> -> memref<128x128xf32, #tpu.memory_space<vmem>>
    %dma_wait3A_65 = arith.constant 0 : i32
    %dma_wait3A_66 = tpu.memref_slice %arg5[%dma_wait3A_61, %dma_wait3A_65] : memref<2x128xi32, #tpu.memory_space<vmem>> -> memref<1x128xi32, #tpu.memory_space<vmem>>
    %dma_wait3A_67 = tpu.memref_squeeze %dma_wait3A_66 : memref<1x128xi32, #tpu.memory_space<vmem>> -> memref<128xi32, #tpu.memory_space<vmem>>
    %dma_wait3A_68 = arith.constant 0 : i32
    %dma_wait3A_69 = arith.constant 0 : i32
    %dma_wait3A_70 = tpu.memref_slice %arg2[%dma_wait3A_68, %dma_wait3A_69] : memref<4096x128xf32, #tpu.memory_space<hbm>> -> memref<4096x128xf32, #tpu.memory_space<hbm>>
    tpu.wait_indirect_dma semaphore(%arg7 : memref<!tpu.dma_semaphore, #tpu.memory_space<semaphore_mem>>) src(%dma_wait3A_70 : memref<4096x128xf32, #tpu.memory_space<hbm>>) dst(%dma_wait3A_64 : memref<128x128xf32, #tpu.memory_space<vmem>>)
    %add3A_71 = arith.constant 0 : i32
    %add3A_72 = arith.addi %mul3A_2, %add3A_71 : i32
    %dma_start3A_73 = arith.constant 0 : i32
    %dma_start3A_74 = arith.constant 0 : i32
    %dma_start3A_75 = tpu.memref_slice %arg6[%dma_start3A_73, %dma_start3A_74] : memref<256x128xf32, #tpu.memory_space<vmem>> -> memref<128x128xf32, #tpu.memory_space<vmem>>
    %dma_start3A_76 = arith.constant 0 : i32
    %dma_start3A_77 = tpu.memref_slice %arg4[%add3A_72, %dma_start3A_76] : memref<8192x128xf32, #tpu.memory_space<hbm>> -> memref<128x128xf32, #tpu.memory_space<hbm>>
    %dma_start3A_78 = arith.constant 0 : i32
    %dma_start3A_79 = tpu.memref_slice %arg4[%add3A_72, %dma_start3A_78] : memref<8192x128xf32, #tpu.memory_space<hbm>> -> memref<128x128xf32, #tpu.memory_space<hbm>>
    %dma_start3A_80 = arith.constant 0 : i32
    %dma_start3A_81 = arith.constant 0 : i32
    %dma_start3A_82 = tpu.memref_slice %arg6[%dma_start3A_80, %dma_start3A_81] : memref<256x128xf32, #tpu.memory_space<vmem>> -> memref<128x128xf32, #tpu.memory_space<vmem>>
    tpu.enqueue_dma source(%dma_start3A_82 : memref<128x128xf32, #tpu.memory_space<vmem>>) target(%dma_start3A_79 : memref<128x128xf32, #tpu.memory_space<hbm>>) target_semaphore(%arg7 : memref<!tpu.dma_semaphore, #tpu.memory_space<semaphore_mem>>)
    %dma_wait3A_83 = arith.constant 1 : i32
    %dma_wait3A_84 = arith.constant 128 : i32
    %dma_wait3A_85 = arith.constant 0 : i32
    %dma_wait3A_86 = tpu.memref_slice %arg6[%dma_wait3A_84, %dma_wait3A_85] : memref<256x128xf32, #tpu.memory_space<vmem>> -> memref<128x128xf32, #tpu.memory_space<vmem>>
    %dma_wait3A_87 = arith.constant 0 : i32
    %dma_wait3A_88 = tpu.memref_slice %arg5[%dma_wait3A_83, %dma_wait3A_87] : memref<2x128xi32, #tpu.memory_space<vmem>> -> memref<1x128xi32, #tpu.memory_space<vmem>>
    %dma_wait3A_89 = tpu.memref_squeeze %dma_wait3A_88 : memref<1x128xi32, #tpu.memory_space<vmem>> -> memref<128xi32, #tpu.memory_space<vmem>>
    %dma_wait3A_90 = arith.constant 0 : i32
    %dma_wait3A_91 = arith.constant 0 : i32
    %dma_wait3A_92 = tpu.memref_slice %arg2[%dma_wait3A_90, %dma_wait3A_91] : memref<4096x128xf32, #tpu.memory_space<hbm>> -> memref<4096x128xf32, #tpu.memory_space<hbm>>
    tpu.wait_indirect_dma semaphore(%arg8 : memref<!tpu.dma_semaphore, #tpu.memory_space<semaphore_mem>>) src(%dma_wait3A_92 : memref<4096x128xf32, #tpu.memory_space<hbm>>) dst(%dma_wait3A_86 : memref<128x128xf32, #tpu.memory_space<vmem>>)
    %add3A_93 = arith.constant 128 : i32
    %add3A_94 = arith.addi %mul3A_2, %add3A_93 : i32
    %dma_start3A_95 = arith.constant 128 : i32
    %dma_start3A_96 = arith.constant 0 : i32
    %dma_start3A_97 = tpu.memref_slice %arg6[%dma_start3A_95, %dma_start3A_96] : memref<256x128xf32, #tpu.memory_space<vmem>> -> memref<128x128xf32, #tpu.memory_space<vmem>>
    %dma_start3A_98 = arith.constant 0 : i32
    %dma_start3A_99 = tpu.memref_slice %arg4[%add3A_94, %dma_start3A_98] : memref<8192x128xf32, #tpu.memory_space<hbm>> -> memref<128x128xf32, #tpu.memory_space<hbm>>
    %dma_start3A_100 = arith.constant 0 : i32
    %dma_start3A_101 = tpu.memref_slice %arg4[%add3A_94, %dma_start3A_100] : memref<8192x128xf32, #tpu.memory_space<hbm>> -> memref<128x128xf32, #tpu.memory_space<hbm>>
    %dma_start3A_102 = arith.constant 128 : i32
    %dma_start3A_103 = arith.constant 0 : i32
    %dma_start3A_104 = tpu.memref_slice %arg6[%dma_start3A_102, %dma_start3A_103] : memref<256x128xf32, #tpu.memory_space<vmem>> -> memref<128x128xf32, #tpu.memory_space<vmem>>
    tpu.enqueue_dma source(%dma_start3A_104 : memref<128x128xf32, #tpu.memory_space<vmem>>) target(%dma_start3A_101 : memref<128x128xf32, #tpu.memory_space<hbm>>) target_semaphore(%arg8 : memref<!tpu.dma_semaphore, #tpu.memory_space<semaphore_mem>>)
    %dma_wait3A_105 = arith.constant 0 : i32
    %dma_wait3A_106 = arith.constant 0 : i32
    %dma_wait3A_107 = tpu.memref_slice %arg6[%dma_wait3A_105, %dma_wait3A_106] : memref<256x128xf32, #tpu.memory_space<vmem>> -> memref<128x128xf32, #tpu.memory_space<vmem>>
    %dma_wait3A_108 = arith.constant 0 : i32
    %dma_wait3A_109 = tpu.memref_slice %arg4[%add3A_72, %dma_wait3A_108] : memref<8192x128xf32, #tpu.memory_space<hbm>> -> memref<128x128xf32, #tpu.memory_space<hbm>>
    %dma_wait3A_110 = arith.constant 0 : i32
    %dma_wait3A_111 = tpu.memref_slice %arg4[%add3A_72, %dma_wait3A_110] : memref<8192x128xf32, #tpu.memory_space<hbm>> -> memref<128x128xf32, #tpu.memory_space<hbm>>
    %dma_wait3A_112 = arith.constant 0 : i32
    %dma_wait3A_113 = arith.constant 0 : i32
    %dma_wait3A_114 = tpu.memref_slice %arg6[%dma_wait3A_112, %dma_wait3A_113] : memref<256x128xf32, #tpu.memory_space<vmem>> -> memref<128x128xf32, #tpu.memory_space<vmem>>
    tpu.wait_dma2 semaphore(%arg7 : memref<!tpu.dma_semaphore, #tpu.memory_space<semaphore_mem>>) src(%dma_wait3A_114 : memref<128x128xf32, #tpu.memory_space<vmem>>) dst(%dma_wait3A_111 : memref<128x128xf32, #tpu.memory_space<hbm>>)
    %dma_wait3A_115 = arith.constant 128 : i32
    %dma_wait3A_116 = arith.constant 0 : i32
    %dma_wait3A_117 = tpu.memref_slice %arg6[%dma_wait3A_115, %dma_wait3A_116] : memref<256x128xf32, #tpu.memory_space<vmem>> -> memref<128x128xf32, #tpu.memory_space<vmem>>
    %dma_wait3A_118 = arith.constant 0 : i32
    %dma_wait3A_119 = tpu.memref_slice %arg4[%add3A_94, %dma_wait3A_118] : memref<8192x128xf32, #tpu.memory_space<hbm>> -> memref<128x128xf32, #tpu.memory_space<hbm>>
    %dma_wait3A_120 = arith.constant 0 : i32
    %dma_wait3A_121 = tpu.memref_slice %arg4[%add3A_94, %dma_wait3A_120] : memref<8192x128xf32, #tpu.memory_space<hbm>> -> memref<128x128xf32, #tpu.memory_space<hbm>>
    %dma_wait3A_122 = arith.constant 128 : i32
    %dma_wait3A_123 = arith.constant 0 : i32
    %dma_wait3A_124 = tpu.memref_slice %arg6[%dma_wait3A_122, %dma_wait3A_123] : memref<256x128xf32, #tpu.memory_space<vmem>> -> memref<128x128xf32, #tpu.memory_space<vmem>>
    tpu.wait_dma2 semaphore(%arg8 : memref<!tpu.dma_semaphore, #tpu.memory_space<semaphore_mem>>) src(%dma_wait3A_124 : memref<128x128xf32, #tpu.memory_space<vmem>>) dst(%dma_wait3A_121 : memref<128x128xf32, #tpu.memory_space<hbm>>)
    return
  }
}

#map = affine_map<(d0, d1) -> (0, 0)>
#map1 = affine_map<(d0, d1) -> (0)>
#map2 = affine_map<(d0, d1) -> (0, 0, 0)>
module attributes {stable_mosaic.version = 14 : i64} {
  func.func @scatter_add(%arg0: i32, %arg1: i32, %arg2: memref<8192x128xf32, #tpu.memory_space<hbm>>, %arg3: memref<8192xi32, #tpu.memory_space<hbm>>, %arg4: memref<4096x128xf32, #tpu.memory_space<hbm>>, %arg5: memref<2x4096x128xf32, #tpu.memory_space<hbm>>, %arg6: memref<2x128xi32, #tpu.memory_space<vmem>>, %arg7: memref<256x128xf32, #tpu.memory_space<vmem>>, %arg8: memref<4096x128xf32, #tpu.memory_space<vmem_shared>>, %arg9: memref<!tpu.dma_semaphore, #tpu.memory_space<semaphore_mem>>, %arg10: memref<!tpu.dma_semaphore, #tpu.memory_space<semaphore_mem>>, %arg11: memref<!tpu.dma_semaphore, #tpu.memory_space<semaphore_mem>>) attributes {dimension_semantics = [#tpu.dimension_semantics<core_parallel>, #tpu.dimension_semantics<subcore_parallel>], iteration_bounds = array<i64: 2, 16>, scalar_prefetch = 0 : i64, scratch_operands = 6 : i64, tpu.core_type = #tpu.core_type<sc_vector_subcore>, window_params = [{transform_indices = #map}, {transform_indices = #map1}, {transform_indices = #map}, {transform_indices = #map2}]} {
    %mul3A = arith.constant 2 : i32
    %mul3A_0 = arith.muli %arg1, %mul3A : i32
    %add3A = arith.addi %mul3A_0, %arg0 : i32
    %mul3A_1 = arith.constant 256 : i32
    %mul3A_2 = arith.muli %add3A, %mul3A_1 : i32
    %mul3A_3 = arith.constant 256 : i32
    %mul3A_4 = arith.muli %arg1, %mul3A_3 : i32
    %dma_start3A = arith.constant 0 : i32
    %dma_start3A_5 = tpu.memref_slice %arg8[%mul3A_4, %dma_start3A] : memref<4096x128xf32, #tpu.memory_space<vmem_shared>> -> memref<256x128xf32, #tpu.memory_space<vmem_shared>>
    %dma_start3A_6 = arith.constant 0 : i32
    %dma_start3A_7 = tpu.memref_slice %arg4[%mul3A_4, %dma_start3A_6] : memref<4096x128xf32, #tpu.memory_space<hbm>> -> memref<256x128xf32, #tpu.memory_space<hbm>>
    tpu.enqueue_dma source(%dma_start3A_7 : memref<256x128xf32, #tpu.memory_space<hbm>>) target(%dma_start3A_5 : memref<256x128xf32, #tpu.memory_space<vmem_shared>>) target_semaphore(%arg9 : memref<!tpu.dma_semaphore, #tpu.memory_space<semaphore_mem>>)
    %dma_start3A_8 = arith.constant 0 : i32
    %dma_start3A_9 = tpu.memref_slice %arg2[%mul3A_2, %dma_start3A_8] : memref<8192x128xf32, #tpu.memory_space<hbm>> -> memref<256x128xf32, #tpu.memory_space<hbm>>
    %dma_start3A_10 = arith.constant 0 : i32
    %dma_start3A_11 = tpu.memref_slice %arg2[%mul3A_2, %dma_start3A_10] : memref<8192x128xf32, #tpu.memory_space<hbm>> -> memref<256x128xf32, #tpu.memory_space<hbm>>
    tpu.enqueue_dma source(%dma_start3A_11 : memref<256x128xf32, #tpu.memory_space<hbm>>) target(%arg7 : memref<256x128xf32, #tpu.memory_space<vmem>>) target_semaphore(%arg10 : memref<!tpu.dma_semaphore, #tpu.memory_space<semaphore_mem>>)
    %add3A_12 = arith.constant 0 : i32
    %add3A_13 = arith.addi %mul3A_2, %add3A_12 : i32
    %dma_start3A_14 = arith.constant 0 : i32
    %dma_start3A_15 = arith.constant 0 : i32
    %dma_start3A_16 = tpu.memref_slice %arg6[%dma_start3A_14, %dma_start3A_15] : memref<2x128xi32, #tpu.memory_space<vmem>> -> memref<1x128xi32, #tpu.memory_space<vmem>>
    %dma_start3A_17 = tpu.memref_squeeze %dma_start3A_16 : memref<1x128xi32, #tpu.memory_space<vmem>> -> memref<128xi32, #tpu.memory_space<vmem>>
    %dma_start3A_18 = tpu.memref_slice %arg3[%add3A_13] : memref<8192xi32, #tpu.memory_space<hbm>> -> memref<128xi32, #tpu.memory_space<hbm>>
    %dma_start3A_19 = arith.constant 0 : i32
    %dma_start3A_20 = tpu.memref_slice %arg6[%dma_start3A_14, %dma_start3A_19] : memref<2x128xi32, #tpu.memory_space<vmem>> -> memref<1x128xi32, #tpu.memory_space<vmem>>
    %dma_start3A_21 = tpu.memref_squeeze %dma_start3A_20 : memref<1x128xi32, #tpu.memory_space<vmem>> -> memref<128xi32, #tpu.memory_space<vmem>>
    %dma_start3A_22 = tpu.memref_slice %arg3[%add3A_13] : memref<8192xi32, #tpu.memory_space<hbm>> -> memref<128xi32, #tpu.memory_space<hbm>>
    tpu.enqueue_dma source(%dma_start3A_22 : memref<128xi32, #tpu.memory_space<hbm>>) target(%dma_start3A_21 : memref<128xi32, #tpu.memory_space<vmem>>) target_semaphore(%arg11 : memref<!tpu.dma_semaphore, #tpu.memory_space<semaphore_mem>>)
    %add3A_23 = arith.constant 128 : i32
    %add3A_24 = arith.addi %mul3A_2, %add3A_23 : i32
    %dma_start3A_25 = arith.constant 1 : i32
    %dma_start3A_26 = arith.constant 0 : i32
    %dma_start3A_27 = tpu.memref_slice %arg6[%dma_start3A_25, %dma_start3A_26] : memref<2x128xi32, #tpu.memory_space<vmem>> -> memref<1x128xi32, #tpu.memory_space<vmem>>
    %dma_start3A_28 = tpu.memref_squeeze %dma_start3A_27 : memref<1x128xi32, #tpu.memory_space<vmem>> -> memref<128xi32, #tpu.memory_space<vmem>>
    %dma_start3A_29 = tpu.memref_slice %arg3[%add3A_24] : memref<8192xi32, #tpu.memory_space<hbm>> -> memref<128xi32, #tpu.memory_space<hbm>>
    %dma_start3A_30 = arith.constant 0 : i32
    %dma_start3A_31 = tpu.memref_slice %arg6[%dma_start3A_25, %dma_start3A_30] : memref<2x128xi32, #tpu.memory_space<vmem>> -> memref<1x128xi32, #tpu.memory_space<vmem>>
    %dma_start3A_32 = tpu.memref_squeeze %dma_start3A_31 : memref<1x128xi32, #tpu.memory_space<vmem>> -> memref<128xi32, #tpu.memory_space<vmem>>
    %dma_start3A_33 = tpu.memref_slice %arg3[%add3A_24] : memref<8192xi32, #tpu.memory_space<hbm>> -> memref<128xi32, #tpu.memory_space<hbm>>
    tpu.enqueue_dma source(%dma_start3A_33 : memref<128xi32, #tpu.memory_space<hbm>>) target(%dma_start3A_32 : memref<128xi32, #tpu.memory_space<vmem>>) target_semaphore(%arg11 : memref<!tpu.dma_semaphore, #tpu.memory_space<semaphore_mem>>)
    %dma_wait3A = arith.constant 0 : i32
    %dma_wait3A_34 = tpu.memref_slice %arg8[%mul3A_4, %dma_wait3A] : memref<4096x128xf32, #tpu.memory_space<vmem_shared>> -> memref<256x128xf32, #tpu.memory_space<vmem_shared>>
    %dma_wait3A_35 = arith.constant 0 : i32
    %dma_wait3A_36 = tpu.memref_slice %arg4[%mul3A_4, %dma_wait3A_35] : memref<4096x128xf32, #tpu.memory_space<hbm>> -> memref<256x128xf32, #tpu.memory_space<hbm>>
    tpu.wait_dma2 semaphore(%arg9 : memref<!tpu.dma_semaphore, #tpu.memory_space<semaphore_mem>>) src(%dma_wait3A_36 : memref<256x128xf32, #tpu.memory_space<hbm>>) dst(%dma_wait3A_34 : memref<256x128xf32, #tpu.memory_space<vmem_shared>>)
    %dma_wait3A_37 = arith.constant 0 : i32
    %dma_wait3A_38 = tpu.memref_slice %arg2[%mul3A_2, %dma_wait3A_37] : memref<8192x128xf32, #tpu.memory_space<hbm>> -> memref<256x128xf32, #tpu.memory_space<hbm>>
    %dma_wait3A_39 = arith.constant 0 : i32
    %dma_wait3A_40 = tpu.memref_slice %arg2[%mul3A_2, %dma_wait3A_39] : memref<8192x128xf32, #tpu.memory_space<hbm>> -> memref<256x128xf32, #tpu.memory_space<hbm>>
    tpu.wait_dma2 semaphore(%arg10 : memref<!tpu.dma_semaphore, #tpu.memory_space<semaphore_mem>>) src(%dma_wait3A_40 : memref<256x128xf32, #tpu.memory_space<hbm>>) dst(%arg7 : memref<256x128xf32, #tpu.memory_space<vmem>>)
    %dma_wait3A_41 = arith.constant 0 : i32
    %dma_wait3A_42 = arith.constant 0 : i32
    %dma_wait3A_43 = tpu.memref_slice %arg6[%dma_wait3A_41, %dma_wait3A_42] : memref<2x128xi32, #tpu.memory_space<vmem>> -> memref<1x128xi32, #tpu.memory_space<vmem>>
    %dma_wait3A_44 = tpu.memref_squeeze %dma_wait3A_43 : memref<1x128xi32, #tpu.memory_space<vmem>> -> memref<128xi32, #tpu.memory_space<vmem>>
    %dma_wait3A_45 = tpu.memref_slice %arg3[%add3A_13] : memref<8192xi32, #tpu.memory_space<hbm>> -> memref<128xi32, #tpu.memory_space<hbm>>
    %dma_wait3A_46 = arith.constant 0 : i32
    %dma_wait3A_47 = tpu.memref_slice %arg6[%dma_wait3A_41, %dma_wait3A_46] : memref<2x128xi32, #tpu.memory_space<vmem>> -> memref<1x128xi32, #tpu.memory_space<vmem>>
    %dma_wait3A_48 = tpu.memref_squeeze %dma_wait3A_47 : memref<1x128xi32, #tpu.memory_space<vmem>> -> memref<128xi32, #tpu.memory_space<vmem>>
    %dma_wait3A_49 = tpu.memref_slice %arg3[%add3A_13] : memref<8192xi32, #tpu.memory_space<hbm>> -> memref<128xi32, #tpu.memory_space<hbm>>
    tpu.wait_dma2 semaphore(%arg11 : memref<!tpu.dma_semaphore, #tpu.memory_space<semaphore_mem>>) src(%dma_wait3A_49 : memref<128xi32, #tpu.memory_space<hbm>>) dst(%dma_wait3A_48 : memref<128xi32, #tpu.memory_space<vmem>>)
    %dma_wait3A_50 = arith.constant 1 : i32
    %dma_wait3A_51 = arith.constant 0 : i32
    %dma_wait3A_52 = tpu.memref_slice %arg6[%dma_wait3A_50, %dma_wait3A_51] : memref<2x128xi32, #tpu.memory_space<vmem>> -> memref<1x128xi32, #tpu.memory_space<vmem>>
    %dma_wait3A_53 = tpu.memref_squeeze %dma_wait3A_52 : memref<1x128xi32, #tpu.memory_space<vmem>> -> memref<128xi32, #tpu.memory_space<vmem>>
    %dma_wait3A_54 = tpu.memref_slice %arg3[%add3A_24] : memref<8192xi32, #tpu.memory_space<hbm>> -> memref<128xi32, #tpu.memory_space<hbm>>
    %dma_wait3A_55 = arith.constant 0 : i32
    %dma_wait3A_56 = tpu.memref_slice %arg6[%dma_wait3A_50, %dma_wait3A_55] : memref<2x128xi32, #tpu.memory_space<vmem>> -> memref<1x128xi32, #tpu.memory_space<vmem>>
    %dma_wait3A_57 = tpu.memref_squeeze %dma_wait3A_56 : memref<1x128xi32, #tpu.memory_space<vmem>> -> memref<128xi32, #tpu.memory_space<vmem>>
    %dma_wait3A_58 = tpu.memref_slice %arg3[%add3A_24] : memref<8192xi32, #tpu.memory_space<hbm>> -> memref<128xi32, #tpu.memory_space<hbm>>
    tpu.wait_dma2 semaphore(%arg11 : memref<!tpu.dma_semaphore, #tpu.memory_space<semaphore_mem>>) src(%dma_wait3A_58 : memref<128xi32, #tpu.memory_space<hbm>>) dst(%dma_wait3A_57 : memref<128xi32, #tpu.memory_space<vmem>>)
    %barrier3A = arith.constant 0 : index
    tpu.barrier barrier_id(%barrier3A)
    %run_scoped3A = arith.constant 0 : i32
    "tpu.region"() ({
      %run_scoped3A_61 = tpu.sem_alloc : memref<!tpu.dma_semaphore, #tpu.memory_space<semaphore_mem>>
      %dma_start3A_62 = arith.constant 0 : i32
      %dma_start3A_63 = arith.constant 0 : i32
      %dma_start3A_64 = tpu.memref_slice %arg7[%dma_start3A_62, %dma_start3A_63] : memref<256x128xf32, #tpu.memory_space<vmem>> -> memref<128x128xf32, #tpu.memory_space<vmem>>
      %dma_start3A_65 = arith.constant 0 : i32
      %dma_start3A_66 = tpu.memref_slice %arg6[%run_scoped3A, %dma_start3A_65] : memref<2x128xi32, #tpu.memory_space<vmem>> -> memref<1x128xi32, #tpu.memory_space<vmem>>
      %dma_start3A_67 = tpu.memref_squeeze %dma_start3A_66 : memref<1x128xi32, #tpu.memory_space<vmem>> -> memref<128xi32, #tpu.memory_space<vmem>>
      %dma_start3A_68 = arith.constant 0 : i32
      %dma_start3A_69 = arith.constant 0 : i32
      %dma_start3A_70 = tpu.memref_slice %arg8[%dma_start3A_68, %dma_start3A_69] : memref<4096x128xf32, #tpu.memory_space<vmem_shared>> -> memref<4096x128xf32, #tpu.memory_space<vmem_shared>>
      tpu.enqueue_indirect_dma source(%dma_start3A_64 : memref<128x128xf32, #tpu.memory_space<vmem>>) target(%dma_start3A_70 : memref<4096x128xf32, #tpu.memory_space<vmem_shared>>) offsets(%dma_start3A_67 : memref<128xi32, #tpu.memory_space<vmem>>) semaphore(%run_scoped3A_61 : memref<!tpu.dma_semaphore, #tpu.memory_space<semaphore_mem>>) {add = true}
      %dma_wait3A_71 = arith.constant 0 : i32
      %dma_wait3A_72 = arith.constant 0 : i32
      %dma_wait3A_73 = tpu.memref_slice %arg7[%dma_wait3A_71, %dma_wait3A_72] : memref<256x128xf32, #tpu.memory_space<vmem>> -> memref<128x128xf32, #tpu.memory_space<vmem>>
      %dma_wait3A_74 = arith.constant 0 : i32
      %dma_wait3A_75 = tpu.memref_slice %arg6[%run_scoped3A, %dma_wait3A_74] : memref<2x128xi32, #tpu.memory_space<vmem>> -> memref<1x128xi32, #tpu.memory_space<vmem>>
      %dma_wait3A_76 = tpu.memref_squeeze %dma_wait3A_75 : memref<1x128xi32, #tpu.memory_space<vmem>> -> memref<128xi32, #tpu.memory_space<vmem>>
      %dma_wait3A_77 = arith.constant 0 : i32
      %dma_wait3A_78 = arith.constant 0 : i32
      %dma_wait3A_79 = tpu.memref_slice %arg8[%dma_wait3A_77, %dma_wait3A_78] : memref<4096x128xf32, #tpu.memory_space<vmem_shared>> -> memref<4096x128xf32, #tpu.memory_space<vmem_shared>>
      tpu.wait_indirect_dma semaphore(%run_scoped3A_61 : memref<!tpu.dma_semaphore, #tpu.memory_space<semaphore_mem>>) src(%dma_wait3A_73 : memref<128x128xf32, #tpu.memory_space<vmem>>) dst(%dma_wait3A_79 : memref<4096x128xf32, #tpu.memory_space<vmem_shared>>)
      tpu.yield
    }) : () -> ()
    %run_scoped3A_59 = arith.constant 1 : i32
    "tpu.region"() ({
      %run_scoped3A_61 = tpu.sem_alloc : memref<!tpu.dma_semaphore, #tpu.memory_space<semaphore_mem>>
      %dma_start3A_62 = arith.constant 128 : i32
      %dma_start3A_63 = arith.constant 0 : i32
      %dma_start3A_64 = tpu.memref_slice %arg7[%dma_start3A_62, %dma_start3A_63] : memref<256x128xf32, #tpu.memory_space<vmem>> -> memref<128x128xf32, #tpu.memory_space<vmem>>
      %dma_start3A_65 = arith.constant 0 : i32
      %dma_start3A_66 = tpu.memref_slice %arg6[%run_scoped3A_59, %dma_start3A_65] : memref<2x128xi32, #tpu.memory_space<vmem>> -> memref<1x128xi32, #tpu.memory_space<vmem>>
      %dma_start3A_67 = tpu.memref_squeeze %dma_start3A_66 : memref<1x128xi32, #tpu.memory_space<vmem>> -> memref<128xi32, #tpu.memory_space<vmem>>
      %dma_start3A_68 = arith.constant 0 : i32
      %dma_start3A_69 = arith.constant 0 : i32
      %dma_start3A_70 = tpu.memref_slice %arg8[%dma_start3A_68, %dma_start3A_69] : memref<4096x128xf32, #tpu.memory_space<vmem_shared>> -> memref<4096x128xf32, #tpu.memory_space<vmem_shared>>
      tpu.enqueue_indirect_dma source(%dma_start3A_64 : memref<128x128xf32, #tpu.memory_space<vmem>>) target(%dma_start3A_70 : memref<4096x128xf32, #tpu.memory_space<vmem_shared>>) offsets(%dma_start3A_67 : memref<128xi32, #tpu.memory_space<vmem>>) semaphore(%run_scoped3A_61 : memref<!tpu.dma_semaphore, #tpu.memory_space<semaphore_mem>>) {add = true}
      %dma_wait3A_71 = arith.constant 128 : i32
      %dma_wait3A_72 = arith.constant 0 : i32
      %dma_wait3A_73 = tpu.memref_slice %arg7[%dma_wait3A_71, %dma_wait3A_72] : memref<256x128xf32, #tpu.memory_space<vmem>> -> memref<128x128xf32, #tpu.memory_space<vmem>>
      %dma_wait3A_74 = arith.constant 0 : i32
      %dma_wait3A_75 = tpu.memref_slice %arg6[%run_scoped3A_59, %dma_wait3A_74] : memref<2x128xi32, #tpu.memory_space<vmem>> -> memref<1x128xi32, #tpu.memory_space<vmem>>
      %dma_wait3A_76 = tpu.memref_squeeze %dma_wait3A_75 : memref<1x128xi32, #tpu.memory_space<vmem>> -> memref<128xi32, #tpu.memory_space<vmem>>
      %dma_wait3A_77 = arith.constant 0 : i32
      %dma_wait3A_78 = arith.constant 0 : i32
      %dma_wait3A_79 = tpu.memref_slice %arg8[%dma_wait3A_77, %dma_wait3A_78] : memref<4096x128xf32, #tpu.memory_space<vmem_shared>> -> memref<4096x128xf32, #tpu.memory_space<vmem_shared>>
      tpu.wait_indirect_dma semaphore(%run_scoped3A_61 : memref<!tpu.dma_semaphore, #tpu.memory_space<semaphore_mem>>) src(%dma_wait3A_73 : memref<128x128xf32, #tpu.memory_space<vmem>>) dst(%dma_wait3A_79 : memref<4096x128xf32, #tpu.memory_space<vmem_shared>>)
      tpu.yield
    }) : () -> ()
    %barrier3A_60 = arith.constant 0 : index
    tpu.barrier barrier_id(%barrier3A_60)
    "tpu.region"() ({
      %run_scoped3A_61 = tpu.sem_alloc : memref<!tpu.dma_semaphore, #tpu.memory_space<semaphore_mem>>
      %dma_start3A_62 = arith.constant 0 : i32
      %dma_start3A_63 = tpu.memref_slice %arg5[%arg0, %mul3A_4, %dma_start3A_62] : memref<2x4096x128xf32, #tpu.memory_space<hbm>> -> memref<1x256x128xf32, #tpu.memory_space<hbm>>
      %dma_start3A_64 = tpu.memref_squeeze %dma_start3A_63 : memref<1x256x128xf32, #tpu.memory_space<hbm>> -> memref<256x128xf32, #tpu.memory_space<hbm>>
      %dma_start3A_65 = arith.constant 0 : i32
      %dma_start3A_66 = tpu.memref_slice %arg8[%mul3A_4, %dma_start3A_65] : memref<4096x128xf32, #tpu.memory_space<vmem_shared>> -> memref<256x128xf32, #tpu.memory_space<vmem_shared>>
      tpu.enqueue_dma source(%dma_start3A_66 : memref<256x128xf32, #tpu.memory_space<vmem_shared>>) target(%dma_start3A_64 : memref<256x128xf32, #tpu.memory_space<hbm>>) target_semaphore(%run_scoped3A_61 : memref<!tpu.dma_semaphore, #tpu.memory_space<semaphore_mem>>)
      %dma_wait3A_67 = arith.constant 0 : i32
      %dma_wait3A_68 = tpu.memref_slice %arg5[%arg0, %mul3A_4, %dma_wait3A_67] : memref<2x4096x128xf32, #tpu.memory_space<hbm>> -> memref<1x256x128xf32, #tpu.memory_space<hbm>>
      %dma_wait3A_69 = tpu.memref_squeeze %dma_wait3A_68 : memref<1x256x128xf32, #tpu.memory_space<hbm>> -> memref<256x128xf32, #tpu.memory_space<hbm>>
      %dma_wait3A_70 = arith.constant 0 : i32
      %dma_wait3A_71 = tpu.memref_slice %arg8[%mul3A_4, %dma_wait3A_70] : memref<4096x128xf32, #tpu.memory_space<vmem_shared>> -> memref<256x128xf32, #tpu.memory_space<vmem_shared>>
      tpu.wait_dma2 semaphore(%run_scoped3A_61 : memref<!tpu.dma_semaphore, #tpu.memory_space<semaphore_mem>>) src(%dma_wait3A_71 : memref<256x128xf32, #tpu.memory_space<vmem_shared>>) dst(%dma_wait3A_69 : memref<256x128xf32, #tpu.memory_space<hbm>>)
      tpu.yield
    }) : () -> ()
    return
  }
}

module attributes {stable_mosaic.version = 14 : i64} {
  func.func @_pre_body(%arg0: memref<4096x6xf32, #tpu.memory_space<vmem>>, %arg1: memref<64x6xf32, #tpu.memory_space<vmem>>, %arg2: memref<64xf32, #tpu.memory_space<vmem>>, %arg3: memref<8192x2xf32, #tpu.memory_space<vmem>>, %arg4: memref<128x2xf32, #tpu.memory_space<vmem>>, %arg5: memref<128xf32, #tpu.memory_space<vmem>>, %arg6: memref<4096x128xf32, #tpu.memory_space<vmem>>, %arg7: memref<4096x128xf32, #tpu.memory_space<vmem>>, %arg8: memref<8192x128xbf16, #tpu.memory_space<vmem>>, %arg9: memref<4096x128xbf16, #tpu.memory_space<vmem>>, %arg10: memref<4096x128xf32, #tpu.memory_space<vmem>>, %arg11: memref<8192x128xf32, #tpu.memory_space<vmem>>) attributes {dimension_semantics = [], scalar_prefetch = 0 : i64, scratch_operands = 0 : i64, tpu.core_type = #tpu.core_type<tc>} {
    %get3A = arith.constant 0 : index
    %get3A_0 = arith.constant 0 : index
    %get3A_1 = vector.load %arg0[%get3A, %get3A_0] : memref<4096x6xf32, #tpu.memory_space<vmem>>, vector<4096x6xf32>
    %get3A_2 = arith.constant 0 : index
    %get3A_3 = arith.constant 0 : index
    %get3A_4 = vector.load %arg1[%get3A_2, %get3A_3] : memref<64x6xf32, #tpu.memory_space<vmem>>, vector<64x6xf32>
    %dot_general3A = arith.constant dense<0.000000e+00> : vector<4096x64xf32>
    %dot_general3A_5 = tpu.matmul %get3A_1, %get3A_4, %dot_general3A {dimension_numbers = #tpu.dot_dimension_numbers<[1], [1], [0], [0], [0, 0, 1, 0], [], []>, transpose_lhs_hint = false} : vector<4096x6xf32>, vector<64x6xf32>, vector<4096x64xf32> -> vector<4096x64xf32>
    %get3A_6 = arith.constant 0 : index
    %get3A_7 = vector.load %arg2[%get3A_6] : memref<64xf32, #tpu.memory_space<vmem>>, vector<64xf32>
    %broadcast_in_dim3A = vector.shape_cast %get3A_7 : vector<64xf32> to vector<1x64xf32>
    %add3A = vector.broadcast %broadcast_in_dim3A : vector<1x64xf32> to vector<4096x64xf32>
    %add3A_8 = arith.addf %dot_general3A_5, %add3A : vector<4096x64xf32>
    %max3A = arith.constant 0.000000e+00 : f32
    %max3A_9 = vector.broadcast %max3A : f32 to vector<4096x64xf32>
    %max3A_10 = arith.maximumf %add3A_8, %max3A_9 : vector<4096x64xf32>
    %broadcast_in_dim3A_11 = arith.constant 0.000000e+00 : f32
    %broadcast_in_dim3A_12 = vector.broadcast %broadcast_in_dim3A_11 : f32 to vector<4096x64xf32>
    %concatenate3A = tpu.concatenate %max3A_10, %broadcast_in_dim3A_12 in 1 : vector<4096x64xf32>, vector<4096x64xf32> -> vector<4096x128xf32>
    %swap3A = arith.constant 0 : index
    %swap3A_13 = arith.constant 0 : index
    %swap3A_14 = vector.load %arg7[%swap3A, %swap3A_13] : memref<4096x128xf32, #tpu.memory_space<vmem>>, vector<4096x128xf32>
    tpu.vector_store %arg7[%swap3A, %swap3A_13], %concatenate3A {strides = array<i32>} : memref<4096x128xf32, #tpu.memory_space<vmem>>, vector<4096x128xf32>,
    %get3A_15 = arith.constant 0 : index
    %get3A_16 = arith.constant 0 : index
    %get3A_17 = vector.load %arg3[%get3A_15, %get3A_16] : memref<8192x2xf32, #tpu.memory_space<vmem>>, vector<8192x2xf32>
    %get3A_18 = arith.constant 0 : index
    %get3A_19 = arith.constant 0 : index
    %get3A_20 = vector.load %arg4[%get3A_18, %get3A_19] : memref<128x2xf32, #tpu.memory_space<vmem>>, vector<128x2xf32>
    %dot_general3A_21 = arith.constant dense<0.000000e+00> : vector<8192x128xf32>
    %dot_general3A_22 = tpu.matmul %get3A_17, %get3A_20, %dot_general3A_21 {dimension_numbers = #tpu.dot_dimension_numbers<[1], [1], [0], [0], [0, 0, 1, 0], [], []>, transpose_lhs_hint = false} : vector<8192x2xf32>, vector<128x2xf32>, vector<8192x128xf32> -> vector<8192x128xf32>
    %get3A_23 = arith.constant 0 : index
    %get3A_24 = vector.load %arg5[%get3A_23] : memref<128xf32, #tpu.memory_space<vmem>>, vector<128xf32>
    %broadcast_in_dim3A_25 = vector.shape_cast %get3A_24 : vector<128xf32> to vector<1x128xf32>
    %add3A_26 = vector.broadcast %broadcast_in_dim3A_25 : vector<1x128xf32> to vector<8192x128xf32>
    %add3A_27 = arith.addf %dot_general3A_22, %add3A_26 : vector<8192x128xf32>
    %max3A_28 = arith.constant 0.000000e+00 : f32
    %max3A_29 = vector.broadcast %max3A_28 : f32 to vector<8192x128xf32>
    %max3A_30 = arith.maximumf %add3A_27, %max3A_29 : vector<8192x128xf32>
    %convert_element_type3A = arith.truncf %max3A_30 : vector<8192x128xf32> to vector<8192x128xbf16>
    %swap3A_31 = arith.constant 0 : index
    %swap3A_32 = arith.constant 0 : index
    %swap3A_33 = vector.load %arg8[%swap3A_31, %swap3A_32] : memref<8192x128xbf16, #tpu.memory_space<vmem>>, vector<8192x128xbf16>
    tpu.vector_store %arg8[%swap3A_31, %swap3A_32], %convert_element_type3A {strides = array<i32>} : memref<8192x128xbf16, #tpu.memory_space<vmem>>, vector<8192x128xbf16>,
    %get3A_34 = arith.constant 0 : index
    %get3A_35 = arith.constant 0 : index
    %get3A_36 = vector.load %arg6[%get3A_34, %get3A_35] : memref<4096x128xf32, #tpu.memory_space<vmem>>, vector<4096x128xf32>
    %convert_element_type3A_37 = arith.truncf %get3A_36 : vector<4096x128xf32> to vector<4096x128xbf16>
    %swap3A_38 = arith.constant 0 : index
    %swap3A_39 = arith.constant 0 : index
    %swap3A_40 = vector.load %arg9[%swap3A_38, %swap3A_39] : memref<4096x128xbf16, #tpu.memory_space<vmem>>, vector<4096x128xbf16>
    tpu.vector_store %arg9[%swap3A_38, %swap3A_39], %convert_element_type3A_37 {strides = array<i32>} : memref<4096x128xbf16, #tpu.memory_space<vmem>>, vector<4096x128xbf16>,
    %broadcast_in_dim3A_41 = arith.constant 0.000000e+00 : f32
    %broadcast_in_dim3A_42 = vector.broadcast %broadcast_in_dim3A_41 : f32 to vector<4096x128xf32>
    %swap3A_43 = arith.constant 0 : index
    %swap3A_44 = arith.constant 0 : index
    %swap3A_45 = vector.load %arg10[%swap3A_43, %swap3A_44] : memref<4096x128xf32, #tpu.memory_space<vmem>>, vector<4096x128xf32>
    tpu.vector_store %arg10[%swap3A_43, %swap3A_44], %broadcast_in_dim3A_42 {strides = array<i32>} : memref<4096x128xf32, #tpu.memory_space<vmem>>, vector<4096x128xf32>,
    %broadcast_in_dim3A_46 = arith.constant 1.000000e+00 : f32
    %broadcast_in_dim3A_47 = vector.broadcast %broadcast_in_dim3A_46 : f32 to vector<8192x128xf32>
    %swap3A_48 = arith.constant 0 : index
    %swap3A_49 = arith.constant 0 : index
    %swap3A_50 = vector.load %arg11[%swap3A_48, %swap3A_49] : memref<8192x128xf32, #tpu.memory_space<vmem>>, vector<8192x128xf32>
    tpu.vector_store %arg11[%swap3A_48, %swap3A_49], %broadcast_in_dim3A_47 {strides = array<i32>} : memref<8192x128xf32, #tpu.memory_space<vmem>>, vector<8192x128xf32>,
    return
  }
}

module attributes {stable_mosaic.version = 14 : i64} {
  func.func @_msg_body(%arg0: i32, %arg1: memref<1024x128xbf16, #tpu.memory_space<vmem>>, %arg2: memref<1024x128xf32, #tpu.memory_space<vmem>>, %arg3: memref<4096x128xbf16, #tpu.memory_space<vmem>>, %arg4: memref<64x64xf32, #tpu.memory_space<vmem>>, %arg5: memref<1024x128xf32, #tpu.memory_space<vmem>>) attributes {dimension_semantics = [#tpu.dimension_semantics<arbitrary>], iteration_bounds = array<i64: 8>, scalar_prefetch = 0 : i64, scratch_operands = 0 : i64, tpu.core_type = #tpu.core_type<tc>, window_params = [{transform_indices = @transform_0, window_bounds = array<i64: 1024, 128>}, {transform_indices = @transform_1, window_bounds = array<i64: 1024, 128>}, {pipeline_mode = #tpu.pipeline_mode<synchronous>, transform_indices = @transform_2, window_bounds = array<i64: 4096, 128>}, {pipeline_mode = #tpu.pipeline_mode<synchronous>, transform_indices = @transform_3, window_bounds = array<i64: 64, 64>}, {transform_indices = @transform_4, window_bounds = array<i64: 1024, 128>}]} {
    %get3A = arith.constant 0 : index
    %get3A_0 = arith.constant 0 : index
    %get3A_1 = vector.load %arg3[%get3A, %get3A_0] : memref<4096x128xbf16, #tpu.memory_space<vmem>>, vector<4096x128xbf16>
    %get3A_2 = arith.constant 0 : index
    %get3A_3 = arith.constant 0 : index
    %get3A_4 = vector.load %arg1[%get3A_2, %get3A_3] : memref<1024x128xbf16, #tpu.memory_space<vmem>>, vector<1024x128xbf16>
    %dot_general3A = arith.constant dense<0.000000e+00> : vector<4096x1024xf32>
    %dot_general3A_5 = tpu.matmul %get3A_1, %get3A_4, %dot_general3A {dimension_numbers = #tpu.dot_dimension_numbers<[1], [1], [0], [0], [0, 0, 1, 0], [], []>, transpose_lhs_hint = false} : vector<4096x128xbf16>, vector<1024x128xbf16>, vector<4096x1024xf32> -> vector<4096x1024xf32>
    %get3A_6 = arith.constant 0 : index
    %get3A_7 = arith.constant 0 : index
    %get3A_8 = vector.load %arg2[%get3A_6, %get3A_7] : memref<1024x128xf32, #tpu.memory_space<vmem>>, vector<1024x128xf32>
    %slice3A = vector.extract_strided_slice %get3A_8 {offsets = [0, 0], sizes = [1024, 64], strides = [1, 1]} : vector<1024x128xf32> to vector<1024x64xf32>
    %transpose3A = tpu.transpose %slice3A, [1, 0] : vector<1024x64xf32> -> vector<64x1024xf32>
    %slice3A_9 = vector.extract_strided_slice %dot_general3A_5 {offsets = [0, 0], sizes = [64, 1024], strides = [1, 1]} : vector<4096x1024xf32> to vector<64x1024xf32>
    %slice3A_10 = vector.extract_strided_slice %transpose3A {offsets = [0, 0], sizes = [1, 1024], strides = [1, 1]} : vector<64x1024xf32> to vector<1x1024xf32>
    %mul3A = vector.broadcast %slice3A_10 : vector<1x1024xf32> to vector<64x1024xf32>
    %mul3A_11 = arith.mulf %slice3A_9, %mul3A : vector<64x1024xf32>
    %slice3A_12 = vector.extract_strided_slice %dot_general3A_5 {offsets = [64, 0], sizes = [64, 1024], strides = [1, 1]} : vector<4096x1024xf32> to vector<64x1024xf32>
    %slice3A_13 = vector.extract_strided_slice %transpose3A {offsets = [1, 0], sizes = [1, 1024], strides = [1, 1]} : vector<64x1024xf32> to vector<1x1024xf32>
    %mul3A_14 = vector.broadcast %slice3A_13 : vector<1x1024xf32> to vector<64x1024xf32>
    %mul3A_15 = arith.mulf %slice3A_12, %mul3A_14 : vector<64x1024xf32>
    %add3A = arith.addf %mul3A_11, %mul3A_15 : vector<64x1024xf32>
    %slice3A_16 = vector.extract_strided_slice %dot_general3A_5 {offsets = [128, 0], sizes = [64, 1024], strides = [1, 1]} : vector<4096x1024xf32> to vector<64x1024xf32>
    %slice3A_17 = vector.extract_strided_slice %transpose3A {offsets = [2, 0], sizes = [1, 1024], strides = [1, 1]} : vector<64x1024xf32> to vector<1x1024xf32>
    %mul3A_18 = vector.broadcast %slice3A_17 : vector<1x1024xf32> to vector<64x1024xf32>
    %mul3A_19 = arith.mulf %slice3A_16, %mul3A_18 : vector<64x1024xf32>
    %add3A_20 = arith.addf %add3A, %mul3A_19 : vector<64x1024xf32>
    %slice3A_21 = vector.extract_strided_slice %dot_general3A_5 {offsets = [192, 0], sizes = [64, 1024], strides = [1, 1]} : vector<4096x1024xf32> to vector<64x1024xf32>
    %slice3A_22 = vector.extract_strided_slice %transpose3A {offsets = [3, 0], sizes = [1, 1024], strides = [1, 1]} : vector<64x1024xf32> to vector<1x1024xf32>
    %mul3A_23 = vector.broadcast %slice3A_22 : vector<1x1024xf32> to vector<64x1024xf32>
    %mul3A_24 = arith.mulf %slice3A_21, %mul3A_23 : vector<64x1024xf32>
    %add3A_25 = arith.addf %add3A_20, %mul3A_24 : vector<64x1024xf32>
    %slice3A_26 = vector.extract_strided_slice %dot_general3A_5 {offsets = [256, 0], sizes = [64, 1024], strides = [1, 1]} : vector<4096x1024xf32> to vector<64x1024xf32>
    %slice3A_27 = vector.extract_strided_slice %transpose3A {offsets = [4, 0], sizes = [1, 1024], strides = [1, 1]} : vector<64x1024xf32> to vector<1x1024xf32>
    %mul3A_28 = vector.broadcast %slice3A_27 : vector<1x1024xf32> to vector<64x1024xf32>
    %mul3A_29 = arith.mulf %slice3A_26, %mul3A_28 : vector<64x1024xf32>
    %add3A_30 = arith.addf %add3A_25, %mul3A_29 : vector<64x1024xf32>
    %slice3A_31 = vector.extract_strided_slice %dot_general3A_5 {offsets = [320, 0], sizes = [64, 1024], strides = [1, 1]} : vector<4096x1024xf32> to vector<64x1024xf32>
    %slice3A_32 = vector.extract_strided_slice %transpose3A {offsets = [5, 0], sizes = [1, 1024], strides = [1, 1]} : vector<64x1024xf32> to vector<1x1024xf32>
    %mul3A_33 = vector.broadcast %slice3A_32 : vector<1x1024xf32> to vector<64x1024xf32>
    %mul3A_34 = arith.mulf %slice3A_31, %mul3A_33 : vector<64x1024xf32>
    %add3A_35 = arith.addf %add3A_30, %mul3A_34 : vector<64x1024xf32>
    %slice3A_36 = vector.extract_strided_slice %dot_general3A_5 {offsets = [384, 0], sizes = [64, 1024], strides = [1, 1]} : vector<4096x1024xf32> to vector<64x1024xf32>
    %slice3A_37 = vector.extract_strided_slice %transpose3A {offsets = [6, 0], sizes = [1, 1024], strides = [1, 1]} : vector<64x1024xf32> to vector<1x1024xf32>
    %mul3A_38 = vector.broadcast %slice3A_37 : vector<1x1024xf32> to vector<64x1024xf32>
    %mul3A_39 = arith.mulf %slice3A_36, %mul3A_38 : vector<64x1024xf32>
    %add3A_40 = arith.addf %add3A_35, %mul3A_39 : vector<64x1024xf32>
    %slice3A_41 = vector.extract_strided_slice %dot_general3A_5 {offsets = [448, 0], sizes = [64, 1024], strides = [1, 1]} : vector<4096x1024xf32> to vector<64x1024xf32>
    %slice3A_42 = vector.extract_strided_slice %transpose3A {offsets = [7, 0], sizes = [1, 1024], strides = [1, 1]} : vector<64x1024xf32> to vector<1x1024xf32>
    %mul3A_43 = vector.broadcast %slice3A_42 : vector<1x1024xf32> to vector<64x1024xf32>
    %mul3A_44 = arith.mulf %slice3A_41, %mul3A_43 : vector<64x1024xf32>
    %add3A_45 = arith.addf %add3A_40, %mul3A_44 : vector<64x1024xf32>
    %slice3A_46 = vector.extract_strided_slice %dot_general3A_5 {offsets = [512, 0], sizes = [64, 1024], strides = [1, 1]} : vector<4096x1024xf32> to vector<64x1024xf32>
    %slice3A_47 = vector.extract_strided_slice %transpose3A {offsets = [8, 0], sizes = [1, 1024], strides = [1, 1]} : vector<64x1024xf32> to vector<1x1024xf32>
    %mul3A_48 = vector.broadcast %slice3A_47 : vector<1x1024xf32> to vector<64x1024xf32>
    %mul3A_49 = arith.mulf %slice3A_46, %mul3A_48 : vector<64x1024xf32>
    %add3A_50 = arith.addf %add3A_45, %mul3A_49 : vector<64x1024xf32>
    %slice3A_51 = vector.extract_strided_slice %dot_general3A_5 {offsets = [576, 0], sizes = [64, 1024], strides = [1, 1]} : vector<4096x1024xf32> to vector<64x1024xf32>
    %slice3A_52 = vector.extract_strided_slice %transpose3A {offsets = [9, 0], sizes = [1, 1024], strides = [1, 1]} : vector<64x1024xf32> to vector<1x1024xf32>
    %mul3A_53 = vector.broadcast %slice3A_52 : vector<1x1024xf32> to vector<64x1024xf32>
    %mul3A_54 = arith.mulf %slice3A_51, %mul3A_53 : vector<64x1024xf32>
    %add3A_55 = arith.addf %add3A_50, %mul3A_54 : vector<64x1024xf32>
    %slice3A_56 = vector.extract_strided_slice %dot_general3A_5 {offsets = [640, 0], sizes = [64, 1024], strides = [1, 1]} : vector<4096x1024xf32> to vector<64x1024xf32>
    %slice3A_57 = vector.extract_strided_slice %transpose3A {offsets = [10, 0], sizes = [1, 1024], strides = [1, 1]} : vector<64x1024xf32> to vector<1x1024xf32>
    %mul3A_58 = vector.broadcast %slice3A_57 : vector<1x1024xf32> to vector<64x1024xf32>
    %mul3A_59 = arith.mulf %slice3A_56, %mul3A_58 : vector<64x1024xf32>
    %add3A_60 = arith.addf %add3A_55, %mul3A_59 : vector<64x1024xf32>
    %slice3A_61 = vector.extract_strided_slice %dot_general3A_5 {offsets = [704, 0], sizes = [64, 1024], strides = [1, 1]} : vector<4096x1024xf32> to vector<64x1024xf32>
    %slice3A_62 = vector.extract_strided_slice %transpose3A {offsets = [11, 0], sizes = [1, 1024], strides = [1, 1]} : vector<64x1024xf32> to vector<1x1024xf32>
    %mul3A_63 = vector.broadcast %slice3A_62 : vector<1x1024xf32> to vector<64x1024xf32>
    %mul3A_64 = arith.mulf %slice3A_61, %mul3A_63 : vector<64x1024xf32>
    %add3A_65 = arith.addf %add3A_60, %mul3A_64 : vector<64x1024xf32>
    %slice3A_66 = vector.extract_strided_slice %dot_general3A_5 {offsets = [768, 0], sizes = [64, 1024], strides = [1, 1]} : vector<4096x1024xf32> to vector<64x1024xf32>
    %slice3A_67 = vector.extract_strided_slice %transpose3A {offsets = [12, 0], sizes = [1, 1024], strides = [1, 1]} : vector<64x1024xf32> to vector<1x1024xf32>
    %mul3A_68 = vector.broadcast %slice3A_67 : vector<1x1024xf32> to vector<64x1024xf32>
    %mul3A_69 = arith.mulf %slice3A_66, %mul3A_68 : vector<64x1024xf32>
    %add3A_70 = arith.addf %add3A_65, %mul3A_69 : vector<64x1024xf32>
    %slice3A_71 = vector.extract_strided_slice %dot_general3A_5 {offsets = [832, 0], sizes = [64, 1024], strides = [1, 1]} : vector<4096x1024xf32> to vector<64x1024xf32>
    %slice3A_72 = vector.extract_strided_slice %transpose3A {offsets = [13, 0], sizes = [1, 1024], strides = [1, 1]} : vector<64x1024xf32> to vector<1x1024xf32>
    %mul3A_73 = vector.broadcast %slice3A_72 : vector<1x1024xf32> to vector<64x1024xf32>
    %mul3A_74 = arith.mulf %slice3A_71, %mul3A_73 : vector<64x1024xf32>
    %add3A_75 = arith.addf %add3A_70, %mul3A_74 : vector<64x1024xf32>
    %slice3A_76 = vector.extract_strided_slice %dot_general3A_5 {offsets = [896, 0], sizes = [64, 1024], strides = [1, 1]} : vector<4096x1024xf32> to vector<64x1024xf32>
    %slice3A_77 = vector.extract_strided_slice %transpose3A {offsets = [14, 0], sizes = [1, 1024], strides = [1, 1]} : vector<64x1024xf32> to vector<1x1024xf32>
    %mul3A_78 = vector.broadcast %slice3A_77 : vector<1x1024xf32> to vector<64x1024xf32>
    %mul3A_79 = arith.mulf %slice3A_76, %mul3A_78 : vector<64x1024xf32>
    %add3A_80 = arith.addf %add3A_75, %mul3A_79 : vector<64x1024xf32>
    %slice3A_81 = vector.extract_strided_slice %dot_general3A_5 {offsets = [960, 0], sizes = [64, 1024], strides = [1, 1]} : vector<4096x1024xf32> to vector<64x1024xf32>
    %slice3A_82 = vector.extract_strided_slice %transpose3A {offsets = [15, 0], sizes = [1, 1024], strides = [1, 1]} : vector<64x1024xf32> to vector<1x1024xf32>
    %mul3A_83 = vector.broadcast %slice3A_82 : vector<1x1024xf32> to vector<64x1024xf32>
    %mul3A_84 = arith.mulf %slice3A_81, %mul3A_83 : vector<64x1024xf32>
    %add3A_85 = arith.addf %add3A_80, %mul3A_84 : vector<64x1024xf32>
    %slice3A_86 = vector.extract_strided_slice %dot_general3A_5 {offsets = [1024, 0], sizes = [64, 1024], strides = [1, 1]} : vector<4096x1024xf32> to vector<64x1024xf32>
    %slice3A_87 = vector.extract_strided_slice %transpose3A {offsets = [16, 0], sizes = [1, 1024], strides = [1, 1]} : vector<64x1024xf32> to vector<1x1024xf32>
    %mul3A_88 = vector.broadcast %slice3A_87 : vector<1x1024xf32> to vector<64x1024xf32>
    %mul3A_89 = arith.mulf %slice3A_86, %mul3A_88 : vector<64x1024xf32>
    %add3A_90 = arith.addf %add3A_85, %mul3A_89 : vector<64x1024xf32>
    %slice3A_91 = vector.extract_strided_slice %dot_general3A_5 {offsets = [1088, 0], sizes = [64, 1024], strides = [1, 1]} : vector<4096x1024xf32> to vector<64x1024xf32>
    %slice3A_92 = vector.extract_strided_slice %transpose3A {offsets = [17, 0], sizes = [1, 1024], strides = [1, 1]} : vector<64x1024xf32> to vector<1x1024xf32>
    %mul3A_93 = vector.broadcast %slice3A_92 : vector<1x1024xf32> to vector<64x1024xf32>
    %mul3A_94 = arith.mulf %slice3A_91, %mul3A_93 : vector<64x1024xf32>
    %add3A_95 = arith.addf %add3A_90, %mul3A_94 : vector<64x1024xf32>
    %slice3A_96 = vector.extract_strided_slice %dot_general3A_5 {offsets = [1152, 0], sizes = [64, 1024], strides = [1, 1]} : vector<4096x1024xf32> to vector<64x1024xf32>
    %slice3A_97 = vector.extract_strided_slice %transpose3A {offsets = [18, 0], sizes = [1, 1024], strides = [1, 1]} : vector<64x1024xf32> to vector<1x1024xf32>
    %mul3A_98 = vector.broadcast %slice3A_97 : vector<1x1024xf32> to vector<64x1024xf32>
    %mul3A_99 = arith.mulf %slice3A_96, %mul3A_98 : vector<64x1024xf32>
    %add3A_100 = arith.addf %add3A_95, %mul3A_99 : vector<64x1024xf32>
    %slice3A_101 = vector.extract_strided_slice %dot_general3A_5 {offsets = [1216, 0], sizes = [64, 1024], strides = [1, 1]} : vector<4096x1024xf32> to vector<64x1024xf32>
    %slice3A_102 = vector.extract_strided_slice %transpose3A {offsets = [19, 0], sizes = [1, 1024], strides = [1, 1]} : vector<64x1024xf32> to vector<1x1024xf32>
    %mul3A_103 = vector.broadcast %slice3A_102 : vector<1x1024xf32> to vector<64x1024xf32>
    %mul3A_104 = arith.mulf %slice3A_101, %mul3A_103 : vector<64x1024xf32>
    %add3A_105 = arith.addf %add3A_100, %mul3A_104 : vector<64x1024xf32>
    %slice3A_106 = vector.extract_strided_slice %dot_general3A_5 {offsets = [1280, 0], sizes = [64, 1024], strides = [1, 1]} : vector<4096x1024xf32> to vector<64x1024xf32>
    %slice3A_107 = vector.extract_strided_slice %transpose3A {offsets = [20, 0], sizes = [1, 1024], strides = [1, 1]} : vector<64x1024xf32> to vector<1x1024xf32>
    %mul3A_108 = vector.broadcast %slice3A_107 : vector<1x1024xf32> to vector<64x1024xf32>
    %mul3A_109 = arith.mulf %slice3A_106, %mul3A_108 : vector<64x1024xf32>
    %add3A_110 = arith.addf %add3A_105, %mul3A_109 : vector<64x1024xf32>
    %slice3A_111 = vector.extract_strided_slice %dot_general3A_5 {offsets = [1344, 0], sizes = [64, 1024], strides = [1, 1]} : vector<4096x1024xf32> to vector<64x1024xf32>
    %slice3A_112 = vector.extract_strided_slice %transpose3A {offsets = [21, 0], sizes = [1, 1024], strides = [1, 1]} : vector<64x1024xf32> to vector<1x1024xf32>
    %mul3A_113 = vector.broadcast %slice3A_112 : vector<1x1024xf32> to vector<64x1024xf32>
    %mul3A_114 = arith.mulf %slice3A_111, %mul3A_113 : vector<64x1024xf32>
    %add3A_115 = arith.addf %add3A_110, %mul3A_114 : vector<64x1024xf32>
    %slice3A_116 = vector.extract_strided_slice %dot_general3A_5 {offsets = [1408, 0], sizes = [64, 1024], strides = [1, 1]} : vector<4096x1024xf32> to vector<64x1024xf32>
    %slice3A_117 = vector.extract_strided_slice %transpose3A {offsets = [22, 0], sizes = [1, 1024], strides = [1, 1]} : vector<64x1024xf32> to vector<1x1024xf32>
    %mul3A_118 = vector.broadcast %slice3A_117 : vector<1x1024xf32> to vector<64x1024xf32>
    %mul3A_119 = arith.mulf %slice3A_116, %mul3A_118 : vector<64x1024xf32>
    %add3A_120 = arith.addf %add3A_115, %mul3A_119 : vector<64x1024xf32>
    %slice3A_121 = vector.extract_strided_slice %dot_general3A_5 {offsets = [1472, 0], sizes = [64, 1024], strides = [1, 1]} : vector<4096x1024xf32> to vector<64x1024xf32>
    %slice3A_122 = vector.extract_strided_slice %transpose3A {offsets = [23, 0], sizes = [1, 1024], strides = [1, 1]} : vector<64x1024xf32> to vector<1x1024xf32>
    %mul3A_123 = vector.broadcast %slice3A_122 : vector<1x1024xf32> to vector<64x1024xf32>
    %mul3A_124 = arith.mulf %slice3A_121, %mul3A_123 : vector<64x1024xf32>
    %add3A_125 = arith.addf %add3A_120, %mul3A_124 : vector<64x1024xf32>
    %slice3A_126 = vector.extract_strided_slice %dot_general3A_5 {offsets = [1536, 0], sizes = [64, 1024], strides = [1, 1]} : vector<4096x1024xf32> to vector<64x1024xf32>
    %slice3A_127 = vector.extract_strided_slice %transpose3A {offsets = [24, 0], sizes = [1, 1024], strides = [1, 1]} : vector<64x1024xf32> to vector<1x1024xf32>
    %mul3A_128 = vector.broadcast %slice3A_127 : vector<1x1024xf32> to vector<64x1024xf32>
    %mul3A_129 = arith.mulf %slice3A_126, %mul3A_128 : vector<64x1024xf32>
    %add3A_130 = arith.addf %add3A_125, %mul3A_129 : vector<64x1024xf32>
    %slice3A_131 = vector.extract_strided_slice %dot_general3A_5 {offsets = [1600, 0], sizes = [64, 1024], strides = [1, 1]} : vector<4096x1024xf32> to vector<64x1024xf32>
    %slice3A_132 = vector.extract_strided_slice %transpose3A {offsets = [25, 0], sizes = [1, 1024], strides = [1, 1]} : vector<64x1024xf32> to vector<1x1024xf32>
    %mul3A_133 = vector.broadcast %slice3A_132 : vector<1x1024xf32> to vector<64x1024xf32>
    %mul3A_134 = arith.mulf %slice3A_131, %mul3A_133 : vector<64x1024xf32>
    %add3A_135 = arith.addf %add3A_130, %mul3A_134 : vector<64x1024xf32>
    %slice3A_136 = vector.extract_strided_slice %dot_general3A_5 {offsets = [1664, 0], sizes = [64, 1024], strides = [1, 1]} : vector<4096x1024xf32> to vector<64x1024xf32>
    %slice3A_137 = vector.extract_strided_slice %transpose3A {offsets = [26, 0], sizes = [1, 1024], strides = [1, 1]} : vector<64x1024xf32> to vector<1x1024xf32>
    %mul3A_138 = vector.broadcast %slice3A_137 : vector<1x1024xf32> to vector<64x1024xf32>
    %mul3A_139 = arith.mulf %slice3A_136, %mul3A_138 : vector<64x1024xf32>
    %add3A_140 = arith.addf %add3A_135, %mul3A_139 : vector<64x1024xf32>
    %slice3A_141 = vector.extract_strided_slice %dot_general3A_5 {offsets = [1728, 0], sizes = [64, 1024], strides = [1, 1]} : vector<4096x1024xf32> to vector<64x1024xf32>
    %slice3A_142 = vector.extract_strided_slice %transpose3A {offsets = [27, 0], sizes = [1, 1024], strides = [1, 1]} : vector<64x1024xf32> to vector<1x1024xf32>
    %mul3A_143 = vector.broadcast %slice3A_142 : vector<1x1024xf32> to vector<64x1024xf32>
    %mul3A_144 = arith.mulf %slice3A_141, %mul3A_143 : vector<64x1024xf32>
    %add3A_145 = arith.addf %add3A_140, %mul3A_144 : vector<64x1024xf32>
    %slice3A_146 = vector.extract_strided_slice %dot_general3A_5 {offsets = [1792, 0], sizes = [64, 1024], strides = [1, 1]} : vector<4096x1024xf32> to vector<64x1024xf32>
    %slice3A_147 = vector.extract_strided_slice %transpose3A {offsets = [28, 0], sizes = [1, 1024], strides = [1, 1]} : vector<64x1024xf32> to vector<1x1024xf32>
    %mul3A_148 = vector.broadcast %slice3A_147 : vector<1x1024xf32> to vector<64x1024xf32>
    %mul3A_149 = arith.mulf %slice3A_146, %mul3A_148 : vector<64x1024xf32>
    %add3A_150 = arith.addf %add3A_145, %mul3A_149 : vector<64x1024xf32>
    %slice3A_151 = vector.extract_strided_slice %dot_general3A_5 {offsets = [1856, 0], sizes = [64, 1024], strides = [1, 1]} : vector<4096x1024xf32> to vector<64x1024xf32>
    %slice3A_152 = vector.extract_strided_slice %transpose3A {offsets = [29, 0], sizes = [1, 1024], strides = [1, 1]} : vector<64x1024xf32> to vector<1x1024xf32>
    %mul3A_153 = vector.broadcast %slice3A_152 : vector<1x1024xf32> to vector<64x1024xf32>
    %mul3A_154 = arith.mulf %slice3A_151, %mul3A_153 : vector<64x1024xf32>
    %add3A_155 = arith.addf %add3A_150, %mul3A_154 : vector<64x1024xf32>
    %slice3A_156 = vector.extract_strided_slice %dot_general3A_5 {offsets = [1920, 0], sizes = [64, 1024], strides = [1, 1]} : vector<4096x1024xf32> to vector<64x1024xf32>
    %slice3A_157 = vector.extract_strided_slice %transpose3A {offsets = [30, 0], sizes = [1, 1024], strides = [1, 1]} : vector<64x1024xf32> to vector<1x1024xf32>
    %mul3A_158 = vector.broadcast %slice3A_157 : vector<1x1024xf32> to vector<64x1024xf32>
    %mul3A_159 = arith.mulf %slice3A_156, %mul3A_158 : vector<64x1024xf32>
    %add3A_160 = arith.addf %add3A_155, %mul3A_159 : vector<64x1024xf32>
    %slice3A_161 = vector.extract_strided_slice %dot_general3A_5 {offsets = [1984, 0], sizes = [64, 1024], strides = [1, 1]} : vector<4096x1024xf32> to vector<64x1024xf32>
    %slice3A_162 = vector.extract_strided_slice %transpose3A {offsets = [31, 0], sizes = [1, 1024], strides = [1, 1]} : vector<64x1024xf32> to vector<1x1024xf32>
    %mul3A_163 = vector.broadcast %slice3A_162 : vector<1x1024xf32> to vector<64x1024xf32>
    %mul3A_164 = arith.mulf %slice3A_161, %mul3A_163 : vector<64x1024xf32>
    %add3A_165 = arith.addf %add3A_160, %mul3A_164 : vector<64x1024xf32>
    %slice3A_166 = vector.extract_strided_slice %dot_general3A_5 {offsets = [2048, 0], sizes = [64, 1024], strides = [1, 1]} : vector<4096x1024xf32> to vector<64x1024xf32>
    %slice3A_167 = vector.extract_strided_slice %transpose3A {offsets = [32, 0], sizes = [1, 1024], strides = [1, 1]} : vector<64x1024xf32> to vector<1x1024xf32>
    %mul3A_168 = vector.broadcast %slice3A_167 : vector<1x1024xf32> to vector<64x1024xf32>
    %mul3A_169 = arith.mulf %slice3A_166, %mul3A_168 : vector<64x1024xf32>
    %add3A_170 = arith.addf %add3A_165, %mul3A_169 : vector<64x1024xf32>
    %slice3A_171 = vector.extract_strided_slice %dot_general3A_5 {offsets = [2112, 0], sizes = [64, 1024], strides = [1, 1]} : vector<4096x1024xf32> to vector<64x1024xf32>
    %slice3A_172 = vector.extract_strided_slice %transpose3A {offsets = [33, 0], sizes = [1, 1024], strides = [1, 1]} : vector<64x1024xf32> to vector<1x1024xf32>
    %mul3A_173 = vector.broadcast %slice3A_172 : vector<1x1024xf32> to vector<64x1024xf32>
    %mul3A_174 = arith.mulf %slice3A_171, %mul3A_173 : vector<64x1024xf32>
    %add3A_175 = arith.addf %add3A_170, %mul3A_174 : vector<64x1024xf32>
    %slice3A_176 = vector.extract_strided_slice %dot_general3A_5 {offsets = [2176, 0], sizes = [64, 1024], strides = [1, 1]} : vector<4096x1024xf32> to vector<64x1024xf32>
    %slice3A_177 = vector.extract_strided_slice %transpose3A {offsets = [34, 0], sizes = [1, 1024], strides = [1, 1]} : vector<64x1024xf32> to vector<1x1024xf32>
    %mul3A_178 = vector.broadcast %slice3A_177 : vector<1x1024xf32> to vector<64x1024xf32>
    %mul3A_179 = arith.mulf %slice3A_176, %mul3A_178 : vector<64x1024xf32>
    %add3A_180 = arith.addf %add3A_175, %mul3A_179 : vector<64x1024xf32>
    %slice3A_181 = vector.extract_strided_slice %dot_general3A_5 {offsets = [2240, 0], sizes = [64, 1024], strides = [1, 1]} : vector<4096x1024xf32> to vector<64x1024xf32>
    %slice3A_182 = vector.extract_strided_slice %transpose3A {offsets = [35, 0], sizes = [1, 1024], strides = [1, 1]} : vector<64x1024xf32> to vector<1x1024xf32>
    %mul3A_183 = vector.broadcast %slice3A_182 : vector<1x1024xf32> to vector<64x1024xf32>
    %mul3A_184 = arith.mulf %slice3A_181, %mul3A_183 : vector<64x1024xf32>
    %add3A_185 = arith.addf %add3A_180, %mul3A_184 : vector<64x1024xf32>
    %slice3A_186 = vector.extract_strided_slice %dot_general3A_5 {offsets = [2304, 0], sizes = [64, 1024], strides = [1, 1]} : vector<4096x1024xf32> to vector<64x1024xf32>
    %slice3A_187 = vector.extract_strided_slice %transpose3A {offsets = [36, 0], sizes = [1, 1024], strides = [1, 1]} : vector<64x1024xf32> to vector<1x1024xf32>
    %mul3A_188 = vector.broadcast %slice3A_187 : vector<1x1024xf32> to vector<64x1024xf32>
    %mul3A_189 = arith.mulf %slice3A_186, %mul3A_188 : vector<64x1024xf32>
    %add3A_190 = arith.addf %add3A_185, %mul3A_189 : vector<64x1024xf32>
    %slice3A_191 = vector.extract_strided_slice %dot_general3A_5 {offsets = [2368, 0], sizes = [64, 1024], strides = [1, 1]} : vector<4096x1024xf32> to vector<64x1024xf32>
    %slice3A_192 = vector.extract_strided_slice %transpose3A {offsets = [37, 0], sizes = [1, 1024], strides = [1, 1]} : vector<64x1024xf32> to vector<1x1024xf32>
    %mul3A_193 = vector.broadcast %slice3A_192 : vector<1x1024xf32> to vector<64x1024xf32>
    %mul3A_194 = arith.mulf %slice3A_191, %mul3A_193 : vector<64x1024xf32>
    %add3A_195 = arith.addf %add3A_190, %mul3A_194 : vector<64x1024xf32>
    %slice3A_196 = vector.extract_strided_slice %dot_general3A_5 {offsets = [2432, 0], sizes = [64, 1024], strides = [1, 1]} : vector<4096x1024xf32> to vector<64x1024xf32>
    %slice3A_197 = vector.extract_strided_slice %transpose3A {offsets = [38, 0], sizes = [1, 1024], strides = [1, 1]} : vector<64x1024xf32> to vector<1x1024xf32>
    %mul3A_198 = vector.broadcast %slice3A_197 : vector<1x1024xf32> to vector<64x1024xf32>
    %mul3A_199 = arith.mulf %slice3A_196, %mul3A_198 : vector<64x1024xf32>
    %add3A_200 = arith.addf %add3A_195, %mul3A_199 : vector<64x1024xf32>
    %slice3A_201 = vector.extract_strided_slice %dot_general3A_5 {offsets = [2496, 0], sizes = [64, 1024], strides = [1, 1]} : vector<4096x1024xf32> to vector<64x1024xf32>
    %slice3A_202 = vector.extract_strided_slice %transpose3A {offsets = [39, 0], sizes = [1, 1024], strides = [1, 1]} : vector<64x1024xf32> to vector<1x1024xf32>
    %mul3A_203 = vector.broadcast %slice3A_202 : vector<1x1024xf32> to vector<64x1024xf32>
    %mul3A_204 = arith.mulf %slice3A_201, %mul3A_203 : vector<64x1024xf32>
    %add3A_205 = arith.addf %add3A_200, %mul3A_204 : vector<64x1024xf32>
    %slice3A_206 = vector.extract_strided_slice %dot_general3A_5 {offsets = [2560, 0], sizes = [64, 1024], strides = [1, 1]} : vector<4096x1024xf32> to vector<64x1024xf32>
    %slice3A_207 = vector.extract_strided_slice %transpose3A {offsets = [40, 0], sizes = [1, 1024], strides = [1, 1]} : vector<64x1024xf32> to vector<1x1024xf32>
    %mul3A_208 = vector.broadcast %slice3A_207 : vector<1x1024xf32> to vector<64x1024xf32>
    %mul3A_209 = arith.mulf %slice3A_206, %mul3A_208 : vector<64x1024xf32>
    %add3A_210 = arith.addf %add3A_205, %mul3A_209 : vector<64x1024xf32>
    %slice3A_211 = vector.extract_strided_slice %dot_general3A_5 {offsets = [2624, 0], sizes = [64, 1024], strides = [1, 1]} : vector<4096x1024xf32> to vector<64x1024xf32>
    %slice3A_212 = vector.extract_strided_slice %transpose3A {offsets = [41, 0], sizes = [1, 1024], strides = [1, 1]} : vector<64x1024xf32> to vector<1x1024xf32>
    %mul3A_213 = vector.broadcast %slice3A_212 : vector<1x1024xf32> to vector<64x1024xf32>
    %mul3A_214 = arith.mulf %slice3A_211, %mul3A_213 : vector<64x1024xf32>
    %add3A_215 = arith.addf %add3A_210, %mul3A_214 : vector<64x1024xf32>
    %slice3A_216 = vector.extract_strided_slice %dot_general3A_5 {offsets = [2688, 0], sizes = [64, 1024], strides = [1, 1]} : vector<4096x1024xf32> to vector<64x1024xf32>
    %slice3A_217 = vector.extract_strided_slice %transpose3A {offsets = [42, 0], sizes = [1, 1024], strides = [1, 1]} : vector<64x1024xf32> to vector<1x1024xf32>
    %mul3A_218 = vector.broadcast %slice3A_217 : vector<1x1024xf32> to vector<64x1024xf32>
    %mul3A_219 = arith.mulf %slice3A_216, %mul3A_218 : vector<64x1024xf32>
    %add3A_220 = arith.addf %add3A_215, %mul3A_219 : vector<64x1024xf32>
    %slice3A_221 = vector.extract_strided_slice %dot_general3A_5 {offsets = [2752, 0], sizes = [64, 1024], strides = [1, 1]} : vector<4096x1024xf32> to vector<64x1024xf32>
    %slice3A_222 = vector.extract_strided_slice %transpose3A {offsets = [43, 0], sizes = [1, 1024], strides = [1, 1]} : vector<64x1024xf32> to vector<1x1024xf32>
    %mul3A_223 = vector.broadcast %slice3A_222 : vector<1x1024xf32> to vector<64x1024xf32>
    %mul3A_224 = arith.mulf %slice3A_221, %mul3A_223 : vector<64x1024xf32>
    %add3A_225 = arith.addf %add3A_220, %mul3A_224 : vector<64x1024xf32>
    %slice3A_226 = vector.extract_strided_slice %dot_general3A_5 {offsets = [2816, 0], sizes = [64, 1024], strides = [1, 1]} : vector<4096x1024xf32> to vector<64x1024xf32>
    %slice3A_227 = vector.extract_strided_slice %transpose3A {offsets = [44, 0], sizes = [1, 1024], strides = [1, 1]} : vector<64x1024xf32> to vector<1x1024xf32>
    %mul3A_228 = vector.broadcast %slice3A_227 : vector<1x1024xf32> to vector<64x1024xf32>
    %mul3A_229 = arith.mulf %slice3A_226, %mul3A_228 : vector<64x1024xf32>
    %add3A_230 = arith.addf %add3A_225, %mul3A_229 : vector<64x1024xf32>
    %slice3A_231 = vector.extract_strided_slice %dot_general3A_5 {offsets = [2880, 0], sizes = [64, 1024], strides = [1, 1]} : vector<4096x1024xf32> to vector<64x1024xf32>
    %slice3A_232 = vector.extract_strided_slice %transpose3A {offsets = [45, 0], sizes = [1, 1024], strides = [1, 1]} : vector<64x1024xf32> to vector<1x1024xf32>
    %mul3A_233 = vector.broadcast %slice3A_232 : vector<1x1024xf32> to vector<64x1024xf32>
    %mul3A_234 = arith.mulf %slice3A_231, %mul3A_233 : vector<64x1024xf32>
    %add3A_235 = arith.addf %add3A_230, %mul3A_234 : vector<64x1024xf32>
    %slice3A_236 = vector.extract_strided_slice %dot_general3A_5 {offsets = [2944, 0], sizes = [64, 1024], strides = [1, 1]} : vector<4096x1024xf32> to vector<64x1024xf32>
    %slice3A_237 = vector.extract_strided_slice %transpose3A {offsets = [46, 0], sizes = [1, 1024], strides = [1, 1]} : vector<64x1024xf32> to vector<1x1024xf32>
    %mul3A_238 = vector.broadcast %slice3A_237 : vector<1x1024xf32> to vector<64x1024xf32>
    %mul3A_239 = arith.mulf %slice3A_236, %mul3A_238 : vector<64x1024xf32>
    %add3A_240 = arith.addf %add3A_235, %mul3A_239 : vector<64x1024xf32>
    %slice3A_241 = vector.extract_strided_slice %dot_general3A_5 {offsets = [3008, 0], sizes = [64, 1024], strides = [1, 1]} : vector<4096x1024xf32> to vector<64x1024xf32>
    %slice3A_242 = vector.extract_strided_slice %transpose3A {offsets = [47, 0], sizes = [1, 1024], strides = [1, 1]} : vector<64x1024xf32> to vector<1x1024xf32>
    %mul3A_243 = vector.broadcast %slice3A_242 : vector<1x1024xf32> to vector<64x1024xf32>
    %mul3A_244 = arith.mulf %slice3A_241, %mul3A_243 : vector<64x1024xf32>
    %add3A_245 = arith.addf %add3A_240, %mul3A_244 : vector<64x1024xf32>
    %slice3A_246 = vector.extract_strided_slice %dot_general3A_5 {offsets = [3072, 0], sizes = [64, 1024], strides = [1, 1]} : vector<4096x1024xf32> to vector<64x1024xf32>
    %slice3A_247 = vector.extract_strided_slice %transpose3A {offsets = [48, 0], sizes = [1, 1024], strides = [1, 1]} : vector<64x1024xf32> to vector<1x1024xf32>
    %mul3A_248 = vector.broadcast %slice3A_247 : vector<1x1024xf32> to vector<64x1024xf32>
    %mul3A_249 = arith.mulf %slice3A_246, %mul3A_248 : vector<64x1024xf32>
    %add3A_250 = arith.addf %add3A_245, %mul3A_249 : vector<64x1024xf32>
    %slice3A_251 = vector.extract_strided_slice %dot_general3A_5 {offsets = [3136, 0], sizes = [64, 1024], strides = [1, 1]} : vector<4096x1024xf32> to vector<64x1024xf32>
    %slice3A_252 = vector.extract_strided_slice %transpose3A {offsets = [49, 0], sizes = [1, 1024], strides = [1, 1]} : vector<64x1024xf32> to vector<1x1024xf32>
    %mul3A_253 = vector.broadcast %slice3A_252 : vector<1x1024xf32> to vector<64x1024xf32>
    %mul3A_254 = arith.mulf %slice3A_251, %mul3A_253 : vector<64x1024xf32>
    %add3A_255 = arith.addf %add3A_250, %mul3A_254 : vector<64x1024xf32>
    %slice3A_256 = vector.extract_strided_slice %dot_general3A_5 {offsets = [3200, 0], sizes = [64, 1024], strides = [1, 1]} : vector<4096x1024xf32> to vector<64x1024xf32>
    %slice3A_257 = vector.extract_strided_slice %transpose3A {offsets = [50, 0], sizes = [1, 1024], strides = [1, 1]} : vector<64x1024xf32> to vector<1x1024xf32>
    %mul3A_258 = vector.broadcast %slice3A_257 : vector<1x1024xf32> to vector<64x1024xf32>
    %mul3A_259 = arith.mulf %slice3A_256, %mul3A_258 : vector<64x1024xf32>
    %add3A_260 = arith.addf %add3A_255, %mul3A_259 : vector<64x1024xf32>
    %slice3A_261 = vector.extract_strided_slice %dot_general3A_5 {offsets = [3264, 0], sizes = [64, 1024], strides = [1, 1]} : vector<4096x1024xf32> to vector<64x1024xf32>
    %slice3A_262 = vector.extract_strided_slice %transpose3A {offsets = [51, 0], sizes = [1, 1024], strides = [1, 1]} : vector<64x1024xf32> to vector<1x1024xf32>
    %mul3A_263 = vector.broadcast %slice3A_262 : vector<1x1024xf32> to vector<64x1024xf32>
    %mul3A_264 = arith.mulf %slice3A_261, %mul3A_263 : vector<64x1024xf32>
    %add3A_265 = arith.addf %add3A_260, %mul3A_264 : vector<64x1024xf32>
    %slice3A_266 = vector.extract_strided_slice %dot_general3A_5 {offsets = [3328, 0], sizes = [64, 1024], strides = [1, 1]} : vector<4096x1024xf32> to vector<64x1024xf32>
    %slice3A_267 = vector.extract_strided_slice %transpose3A {offsets = [52, 0], sizes = [1, 1024], strides = [1, 1]} : vector<64x1024xf32> to vector<1x1024xf32>
    %mul3A_268 = vector.broadcast %slice3A_267 : vector<1x1024xf32> to vector<64x1024xf32>
    %mul3A_269 = arith.mulf %slice3A_266, %mul3A_268 : vector<64x1024xf32>
    %add3A_270 = arith.addf %add3A_265, %mul3A_269 : vector<64x1024xf32>
    %slice3A_271 = vector.extract_strided_slice %dot_general3A_5 {offsets = [3392, 0], sizes = [64, 1024], strides = [1, 1]} : vector<4096x1024xf32> to vector<64x1024xf32>
    %slice3A_272 = vector.extract_strided_slice %transpose3A {offsets = [53, 0], sizes = [1, 1024], strides = [1, 1]} : vector<64x1024xf32> to vector<1x1024xf32>
    %mul3A_273 = vector.broadcast %slice3A_272 : vector<1x1024xf32> to vector<64x1024xf32>
    %mul3A_274 = arith.mulf %slice3A_271, %mul3A_273 : vector<64x1024xf32>
    %add3A_275 = arith.addf %add3A_270, %mul3A_274 : vector<64x1024xf32>
    %slice3A_276 = vector.extract_strided_slice %dot_general3A_5 {offsets = [3456, 0], sizes = [64, 1024], strides = [1, 1]} : vector<4096x1024xf32> to vector<64x1024xf32>
    %slice3A_277 = vector.extract_strided_slice %transpose3A {offsets = [54, 0], sizes = [1, 1024], strides = [1, 1]} : vector<64x1024xf32> to vector<1x1024xf32>
    %mul3A_278 = vector.broadcast %slice3A_277 : vector<1x1024xf32> to vector<64x1024xf32>
    %mul3A_279 = arith.mulf %slice3A_276, %mul3A_278 : vector<64x1024xf32>
    %add3A_280 = arith.addf %add3A_275, %mul3A_279 : vector<64x1024xf32>
    %slice3A_281 = vector.extract_strided_slice %dot_general3A_5 {offsets = [3520, 0], sizes = [64, 1024], strides = [1, 1]} : vector<4096x1024xf32> to vector<64x1024xf32>
    %slice3A_282 = vector.extract_strided_slice %transpose3A {offsets = [55, 0], sizes = [1, 1024], strides = [1, 1]} : vector<64x1024xf32> to vector<1x1024xf32>
    %mul3A_283 = vector.broadcast %slice3A_282 : vector<1x1024xf32> to vector<64x1024xf32>
    %mul3A_284 = arith.mulf %slice3A_281, %mul3A_283 : vector<64x1024xf32>
    %add3A_285 = arith.addf %add3A_280, %mul3A_284 : vector<64x1024xf32>
    %slice3A_286 = vector.extract_strided_slice %dot_general3A_5 {offsets = [3584, 0], sizes = [64, 1024], strides = [1, 1]} : vector<4096x1024xf32> to vector<64x1024xf32>
    %slice3A_287 = vector.extract_strided_slice %transpose3A {offsets = [56, 0], sizes = [1, 1024], strides = [1, 1]} : vector<64x1024xf32> to vector<1x1024xf32>
    %mul3A_288 = vector.broadcast %slice3A_287 : vector<1x1024xf32> to vector<64x1024xf32>
    %mul3A_289 = arith.mulf %slice3A_286, %mul3A_288 : vector<64x1024xf32>
    %add3A_290 = arith.addf %add3A_285, %mul3A_289 : vector<64x1024xf32>
    %slice3A_291 = vector.extract_strided_slice %dot_general3A_5 {offsets = [3648, 0], sizes = [64, 1024], strides = [1, 1]} : vector<4096x1024xf32> to vector<64x1024xf32>
    %slice3A_292 = vector.extract_strided_slice %transpose3A {offsets = [57, 0], sizes = [1, 1024], strides = [1, 1]} : vector<64x1024xf32> to vector<1x1024xf32>
    %mul3A_293 = vector.broadcast %slice3A_292 : vector<1x1024xf32> to vector<64x1024xf32>
    %mul3A_294 = arith.mulf %slice3A_291, %mul3A_293 : vector<64x1024xf32>
    %add3A_295 = arith.addf %add3A_290, %mul3A_294 : vector<64x1024xf32>
    %slice3A_296 = vector.extract_strided_slice %dot_general3A_5 {offsets = [3712, 0], sizes = [64, 1024], strides = [1, 1]} : vector<4096x1024xf32> to vector<64x1024xf32>
    %slice3A_297 = vector.extract_strided_slice %transpose3A {offsets = [58, 0], sizes = [1, 1024], strides = [1, 1]} : vector<64x1024xf32> to vector<1x1024xf32>
    %mul3A_298 = vector.broadcast %slice3A_297 : vector<1x1024xf32> to vector<64x1024xf32>
    %mul3A_299 = arith.mulf %slice3A_296, %mul3A_298 : vector<64x1024xf32>
    %add3A_300 = arith.addf %add3A_295, %mul3A_299 : vector<64x1024xf32>
    %slice3A_301 = vector.extract_strided_slice %dot_general3A_5 {offsets = [3776, 0], sizes = [64, 1024], strides = [1, 1]} : vector<4096x1024xf32> to vector<64x1024xf32>
    %slice3A_302 = vector.extract_strided_slice %transpose3A {offsets = [59, 0], sizes = [1, 1024], strides = [1, 1]} : vector<64x1024xf32> to vector<1x1024xf32>
    %mul3A_303 = vector.broadcast %slice3A_302 : vector<1x1024xf32> to vector<64x1024xf32>
    %mul3A_304 = arith.mulf %slice3A_301, %mul3A_303 : vector<64x1024xf32>
    %add3A_305 = arith.addf %add3A_300, %mul3A_304 : vector<64x1024xf32>
    %slice3A_306 = vector.extract_strided_slice %dot_general3A_5 {offsets = [3840, 0], sizes = [64, 1024], strides = [1, 1]} : vector<4096x1024xf32> to vector<64x1024xf32>
    %slice3A_307 = vector.extract_strided_slice %transpose3A {offsets = [60, 0], sizes = [1, 1024], strides = [1, 1]} : vector<64x1024xf32> to vector<1x1024xf32>
    %mul3A_308 = vector.broadcast %slice3A_307 : vector<1x1024xf32> to vector<64x1024xf32>
    %mul3A_309 = arith.mulf %slice3A_306, %mul3A_308 : vector<64x1024xf32>
    %add3A_310 = arith.addf %add3A_305, %mul3A_309 : vector<64x1024xf32>
    %slice3A_311 = vector.extract_strided_slice %dot_general3A_5 {offsets = [3904, 0], sizes = [64, 1024], strides = [1, 1]} : vector<4096x1024xf32> to vector<64x1024xf32>
    %slice3A_312 = vector.extract_strided_slice %transpose3A {offsets = [61, 0], sizes = [1, 1024], strides = [1, 1]} : vector<64x1024xf32> to vector<1x1024xf32>
    %mul3A_313 = vector.broadcast %slice3A_312 : vector<1x1024xf32> to vector<64x1024xf32>
    %mul3A_314 = arith.mulf %slice3A_311, %mul3A_313 : vector<64x1024xf32>
    %add3A_315 = arith.addf %add3A_310, %mul3A_314 : vector<64x1024xf32>
    %slice3A_316 = vector.extract_strided_slice %dot_general3A_5 {offsets = [3968, 0], sizes = [64, 1024], strides = [1, 1]} : vector<4096x1024xf32> to vector<64x1024xf32>
    %slice3A_317 = vector.extract_strided_slice %transpose3A {offsets = [62, 0], sizes = [1, 1024], strides = [1, 1]} : vector<64x1024xf32> to vector<1x1024xf32>
    %mul3A_318 = vector.broadcast %slice3A_317 : vector<1x1024xf32> to vector<64x1024xf32>
    %mul3A_319 = arith.mulf %slice3A_316, %mul3A_318 : vector<64x1024xf32>
    %add3A_320 = arith.addf %add3A_315, %mul3A_319 : vector<64x1024xf32>
    %slice3A_321 = vector.extract_strided_slice %dot_general3A_5 {offsets = [4032, 0], sizes = [64, 1024], strides = [1, 1]} : vector<4096x1024xf32> to vector<64x1024xf32>
    %slice3A_322 = vector.extract_strided_slice %transpose3A {offsets = [63, 0], sizes = [1, 1024], strides = [1, 1]} : vector<64x1024xf32> to vector<1x1024xf32>
    %mul3A_323 = vector.broadcast %slice3A_322 : vector<1x1024xf32> to vector<64x1024xf32>
    %mul3A_324 = arith.mulf %slice3A_321, %mul3A_323 : vector<64x1024xf32>
    %add3A_325 = arith.addf %add3A_320, %mul3A_324 : vector<64x1024xf32>
    %transpose3A_326 = tpu.transpose %add3A_325, [1, 0] : vector<64x1024xf32> -> vector<1024x64xf32>
    %get3A_327 = arith.constant 0 : index
    %get3A_328 = arith.constant 0 : index
    %get3A_329 = vector.load %arg4[%get3A_327, %get3A_328] : memref<64x64xf32, #tpu.memory_space<vmem>>, vector<64x64xf32>
    %dot_general3A_330 = arith.constant dense<0.000000e+00> : vector<1024x64xf32>
    %dot_general3A_331 = tpu.matmul %slice3A, %get3A_329, %dot_general3A_330 {dimension_numbers = #tpu.dot_dimension_numbers<[1], [0], [0], [1], [0, 0, 1, 1], [], []>, transpose_lhs_hint = false} : vector<1024x64xf32>, vector<64x64xf32>, vector<1024x64xf32> -> vector<1024x64xf32>
    %add3A_332 = arith.addf %transpose3A_326, %dot_general3A_331 : vector<1024x64xf32>
    %broadcast_in_dim3A = arith.constant 0.000000e+00 : f32
    %broadcast_in_dim3A_333 = vector.broadcast %broadcast_in_dim3A : f32 to vector<1024x64xf32>
    %concatenate3A = tpu.concatenate %add3A_332, %broadcast_in_dim3A_333 in 1 : vector<1024x64xf32>, vector<1024x64xf32> -> vector<1024x128xf32>
    %swap3A = arith.constant 0 : index
    %swap3A_334 = arith.constant 0 : index
    %swap3A_335 = vector.load %arg5[%swap3A, %swap3A_334] : memref<1024x128xf32, #tpu.memory_space<vmem>>, vector<1024x128xf32>
    tpu.vector_store %arg5[%swap3A, %swap3A_334], %concatenate3A {strides = array<i32>} : memref<1024x128xf32, #tpu.memory_space<vmem>>, vector<1024x128xf32>,
    return
  }
  func.func @transform_0(%arg0: i32) -> (i32, i32) {
    %c0_i32 = arith.constant 0 : i32
    %c0_i32_0 = arith.constant 0 : i32
    return %arg0, %c0_i32 : i32, i32
  }
  func.func @transform_1(%arg0: i32) -> (i32, i32) {
    %c0_i32 = arith.constant 0 : i32
    %c0_i32_0 = arith.constant 0 : i32
    return %arg0, %c0_i32 : i32, i32
  }
  func.func @transform_2(%arg0: i32) -> (i32, i32) {
    %c0_i32 = arith.constant 0 : i32
    %c0_i32_0 = arith.constant 0 : i32
    %c0_i32_1 = arith.constant 0 : i32
    return %c0_i32, %c0_i32_0 : i32, i32
  }
  func.func @transform_3(%arg0: i32) -> (i32, i32) {
    %c0_i32 = arith.constant 0 : i32
    %c0_i32_0 = arith.constant 0 : i32
    %c0_i32_1 = arith.constant 0 : i32
    return %c0_i32, %c0_i32_0 : i32, i32
  }
  func.func @transform_4(%arg0: i32) -> (i32, i32) {
    %c0_i32 = arith.constant 0 : i32
    %c0_i32_0 = arith.constant 0 : i32
    return %arg0, %c0_i32 : i32, i32
  }
}

module attributes {stable_mosaic.version = 14 : i64} {
  func.func @_update_body(%arg0: memref<2x4096x128xf32, #tpu.memory_space<vmem>>, %arg1: memref<2x4096x128xf32, #tpu.memory_space<vmem>>, %arg2: memref<4096x128xf32, #tpu.memory_space<vmem>>, %arg3: memref<64x64xf32, #tpu.memory_space<vmem>>, %arg4: memref<64xf32, #tpu.memory_space<vmem>>, %arg5: memref<256x128xf32, #tpu.memory_space<vmem>>, %arg6: memref<256xf32, #tpu.memory_space<vmem>>, %arg7: memref<4096x128xf32, #tpu.memory_space<vmem>>) attributes {dimension_semantics = [], scalar_prefetch = 0 : i64, scratch_operands = 0 : i64, tpu.core_type = #tpu.core_type<tc>} {
    %get3A = arith.constant 0 : index
    %get3A_0 = arith.constant 0 : index
    %get3A_1 = vector.load %arg2[%get3A, %get3A_0] : memref<4096x128xf32, #tpu.memory_space<vmem>>, vector<4096x128xf32>
    %slice3A = vector.extract_strided_slice %get3A_1 {offsets = [0, 0], sizes = [4096, 64], strides = [1, 1]} : vector<4096x128xf32> to vector<4096x64xf32>
    %get3A_2 = arith.constant 0 : index
    %get3A_3 = arith.constant 0 : index
    %get3A_4 = arith.constant 0 : index
    %get3A_5 = vector.load %arg0[%get3A_2, %get3A_3, %get3A_4] : memref<2x4096x128xf32, #tpu.memory_space<vmem>>, vector<1x4096x128xf32>
    %get3A_6 = vector.shape_cast %get3A_5 : vector<1x4096x128xf32> to vector<4096x128xf32>
    %slice3A_7 = vector.extract_strided_slice %get3A_6 {offsets = [0, 0], sizes = [4096, 64], strides = [1, 1]} : vector<4096x128xf32> to vector<4096x64xf32>
    %get3A_8 = arith.constant 1 : index
    %get3A_9 = arith.constant 0 : index
    %get3A_10 = arith.constant 0 : index
    %get3A_11 = vector.load %arg0[%get3A_8, %get3A_9, %get3A_10] : memref<2x4096x128xf32, #tpu.memory_space<vmem>>, vector<1x4096x128xf32>
    %get3A_12 = vector.shape_cast %get3A_11 : vector<1x4096x128xf32> to vector<4096x128xf32>
    %slice3A_13 = vector.extract_strided_slice %get3A_12 {offsets = [0, 0], sizes = [4096, 64], strides = [1, 1]} : vector<4096x128xf32> to vector<4096x64xf32>
    %add3A = arith.addf %slice3A_7, %slice3A_13 : vector<4096x64xf32>
    %get3A_14 = arith.constant 0 : index
    %get3A_15 = arith.constant 0 : index
    %get3A_16 = arith.constant 0 : index
    %get3A_17 = vector.load %arg1[%get3A_14, %get3A_15, %get3A_16] : memref<2x4096x128xf32, #tpu.memory_space<vmem>>, vector<1x4096x128xf32>
    %get3A_18 = vector.shape_cast %get3A_17 : vector<1x4096x128xf32> to vector<4096x128xf32>
    %slice3A_19 = vector.extract_strided_slice %get3A_18 {offsets = [0, 0], sizes = [4096, 64], strides = [1, 1]} : vector<4096x128xf32> to vector<4096x64xf32>
    %get3A_20 = arith.constant 1 : index
    %get3A_21 = arith.constant 0 : index
    %get3A_22 = arith.constant 0 : index
    %get3A_23 = vector.load %arg1[%get3A_20, %get3A_21, %get3A_22] : memref<2x4096x128xf32, #tpu.memory_space<vmem>>, vector<1x4096x128xf32>
    %get3A_24 = vector.shape_cast %get3A_23 : vector<1x4096x128xf32> to vector<4096x128xf32>
    %slice3A_25 = vector.extract_strided_slice %get3A_24 {offsets = [0, 0], sizes = [4096, 64], strides = [1, 1]} : vector<4096x128xf32> to vector<4096x64xf32>
    %add3A_26 = arith.addf %slice3A_19, %slice3A_25 : vector<4096x64xf32>
    %max3A = arith.constant 1.000000e+00 : f32
    %max3A_27 = vector.broadcast %max3A : f32 to vector<4096x64xf32>
    %max3A_28 = arith.maximumf %add3A_26, %max3A_27 : vector<4096x64xf32>
    %div3A = arith.divf %add3A, %max3A_28 : vector<4096x64xf32>
    %get3A_29 = arith.constant 0 : index
    %get3A_30 = arith.constant 0 : index
    %get3A_31 = vector.load %arg3[%get3A_29, %get3A_30] : memref<64x64xf32, #tpu.memory_space<vmem>>, vector<64x64xf32>
    %dot_general3A = arith.constant dense<0.000000e+00> : vector<4096x64xf32>
    %dot_general3A_32 = tpu.matmul %slice3A, %get3A_31, %dot_general3A {dimension_numbers = #tpu.dot_dimension_numbers<[1], [0], [0], [1], [0, 0, 1, 1], [], []>, transpose_lhs_hint = false} : vector<4096x64xf32>, vector<64x64xf32>, vector<4096x64xf32> -> vector<4096x64xf32>
    %add3A_33 = arith.addf %div3A, %dot_general3A_32 : vector<4096x64xf32>
    %get3A_34 = arith.constant 0 : index
    %get3A_35 = vector.load %arg4[%get3A_34] : memref<64xf32, #tpu.memory_space<vmem>>, vector<64xf32>
    %broadcast_in_dim3A = vector.shape_cast %get3A_35 : vector<64xf32> to vector<1x64xf32>
    %add3A_36 = vector.broadcast %broadcast_in_dim3A : vector<1x64xf32> to vector<4096x64xf32>
    %add3A_37 = arith.addf %add3A_33, %add3A_36 : vector<4096x64xf32>
    %max3A_38 = arith.constant 0.000000e+00 : f32
    %max3A_39 = vector.broadcast %max3A_38 : f32 to vector<4096x64xf32>
    %max3A_40 = arith.maximumf %add3A_37, %max3A_39 : vector<4096x64xf32>
    %concatenate3A = tpu.concatenate %max3A_40, %slice3A in 1 : vector<4096x64xf32>, vector<4096x64xf32> -> vector<4096x128xf32>
    %get3A_41 = arith.constant 0 : index
    %get3A_42 = arith.constant 0 : index
    %get3A_43 = vector.load %arg5[%get3A_41, %get3A_42] : memref<256x128xf32, #tpu.memory_space<vmem>>, vector<256x128xf32>
    %dot_general3A_44 = arith.constant dense<0.000000e+00> : vector<4096x256xf32>
    %dot_general3A_45 = tpu.matmul %concatenate3A, %get3A_43, %dot_general3A_44 {dimension_numbers = #tpu.dot_dimension_numbers<[1], [1], [0], [0], [0, 0, 1, 0], [], []>, transpose_lhs_hint = false} : vector<4096x128xf32>, vector<256x128xf32>, vector<4096x256xf32> -> vector<4096x256xf32>
    %get3A_46 = arith.constant 0 : index
    %get3A_47 = vector.load %arg6[%get3A_46] : memref<256xf32, #tpu.memory_space<vmem>>, vector<256xf32>
    %broadcast_in_dim3A_48 = vector.shape_cast %get3A_47 : vector<256xf32> to vector<1x256xf32>
    %add3A_49 = vector.broadcast %broadcast_in_dim3A_48 : vector<1x256xf32> to vector<4096x256xf32>
    %add3A_50 = arith.addf %dot_general3A_45, %add3A_49 : vector<4096x256xf32>
    %slice3A_51 = vector.extract_strided_slice %add3A_50 {offsets = [0, 0], sizes = [4096, 64], strides = [1, 1]} : vector<4096x256xf32> to vector<4096x64xf32>
    %logistic3A = arith.negf %slice3A_51 : vector<4096x64xf32>
    %logistic3A_52 = math.exp %logistic3A : vector<4096x64xf32>
    %logistic3A_53 = arith.constant 1.000000e+00 : f32
    %logistic3A_54 = vector.broadcast %logistic3A_53 : f32 to vector<4096x64xf32>
    %logistic3A_55 = arith.addf %logistic3A_54, %logistic3A_52 : vector<4096x64xf32>
    %logistic3A_56 = arith.divf %logistic3A_54, %logistic3A_55 : vector<4096x64xf32>
    %slice3A_57 = vector.extract_strided_slice %add3A_50 {offsets = [0, 64], sizes = [4096, 64], strides = [1, 1]} : vector<4096x256xf32> to vector<4096x64xf32>
    %logistic3A_58 = arith.negf %slice3A_57 : vector<4096x64xf32>
    %logistic3A_59 = math.exp %logistic3A_58 : vector<4096x64xf32>
    %logistic3A_60 = arith.constant 1.000000e+00 : f32
    %logistic3A_61 = vector.broadcast %logistic3A_60 : f32 to vector<4096x64xf32>
    %logistic3A_62 = arith.addf %logistic3A_61, %logistic3A_59 : vector<4096x64xf32>
    %logistic3A_63 = arith.divf %logistic3A_61, %logistic3A_62 : vector<4096x64xf32>
    %slice3A_64 = vector.extract_strided_slice %add3A_50 {offsets = [0, 128], sizes = [4096, 64], strides = [1, 1]} : vector<4096x256xf32> to vector<4096x64xf32>
    %slice3A_65 = vector.extract_strided_slice %add3A_50 {offsets = [0, 192], sizes = [4096, 64], strides = [1, 1]} : vector<4096x256xf32> to vector<4096x64xf32>
    %mul3A = arith.mulf %logistic3A_56, %slice3A_65 : vector<4096x64xf32>
    %add3A_66 = arith.addf %slice3A_64, %mul3A : vector<4096x64xf32>
    %tanh3A = math.tanh %add3A_66 : vector<4096x64xf32>
    %sub3A = arith.constant 1.000000e+00 : f32
    %sub3A_67 = vector.broadcast %sub3A : f32 to vector<4096x64xf32>
    %sub3A_68 = arith.subf %sub3A_67, %logistic3A_63 : vector<4096x64xf32>
    %mul3A_69 = arith.mulf %sub3A_68, %tanh3A : vector<4096x64xf32>
    %mul3A_70 = arith.mulf %logistic3A_63, %slice3A : vector<4096x64xf32>
    %add3A_71 = arith.addf %mul3A_69, %mul3A_70 : vector<4096x64xf32>
    %broadcast_in_dim3A_72 = arith.constant 0.000000e+00 : f32
    %broadcast_in_dim3A_73 = vector.broadcast %broadcast_in_dim3A_72 : f32 to vector<4096x64xf32>
    %concatenate3A_74 = tpu.concatenate %add3A_71, %broadcast_in_dim3A_73 in 1 : vector<4096x64xf32>, vector<4096x64xf32> -> vector<4096x128xf32>
    %swap3A = arith.constant 0 : index
    %swap3A_75 = arith.constant 0 : index
    %swap3A_76 = vector.load %arg7[%swap3A, %swap3A_75] : memref<4096x128xf32, #tpu.memory_space<vmem>>, vector<4096x128xf32>
    tpu.vector_store %arg7[%swap3A, %swap3A_75], %concatenate3A_74 {strides = array<i32>} : memref<4096x128xf32, #tpu.memory_space<vmem>>, vector<4096x128xf32>,
    return
  }
}

module attributes {stable_mosaic.version = 14 : i64} {
  func.func @_s2s_body(%arg0: memref<4096x128xf32, #tpu.memory_space<vmem>>, %arg1: memref<4096xi32, #tpu.memory_space<vmem>>, %arg2: memref<256x128xf32, #tpu.memory_space<vmem>>, %arg3: memref<256x64xf32, #tpu.memory_space<vmem>>, %arg4: memref<256xf32, #tpu.memory_space<vmem>>, %arg5: memref<256xf32, #tpu.memory_space<vmem>>, %arg6: memref<64x128xf32, #tpu.memory_space<vmem>>, %arg7: memref<64xf32, #tpu.memory_space<vmem>>, %arg8: memref<300x64xf32, #tpu.memory_space<vmem>>, %arg9: memref<300xf32, #tpu.memory_space<vmem>>, %arg10: memref<256x300xf32, #tpu.memory_space<vmem>>) attributes {dimension_semantics = [], scalar_prefetch = 0 : i64, scratch_operands = 0 : i64, tpu.core_type = #tpu.core_type<tc>} {
    %get3A = arith.constant 0 : index
    %get3A_0 = arith.constant 0 : index
    %get3A_1 = vector.load %arg0[%get3A, %get3A_0] : memref<4096x128xf32, #tpu.memory_space<vmem>>, vector<4096x128xf32>
    %slice3A = vector.extract_strided_slice %get3A_1 {offsets = [0, 0], sizes = [4096, 64], strides = [1, 1]} : vector<4096x128xf32> to vector<4096x64xf32>
    %iota3A = tpu.iota {dimensions = array<i32: 1>} : vector<4096x256xi32>
    %get3A_2 = arith.constant 0 : index
    %get3A_3 = vector.load %arg1[%get3A_2] : memref<4096xi32, #tpu.memory_space<vmem>>, vector<4096xi32>
    %broadcast_in_dim3A = vector.shape_cast %get3A_3 : vector<4096xi32> to vector<4096x1xi32>
    %eq3A = vector.broadcast %broadcast_in_dim3A : vector<4096x1xi32> to vector<4096x256xi32>
    %eq3A_4 = arith.cmpi eq, %eq3A, %iota3A : vector<4096x256xi32>
    %jit3A = arith.constant 1.000000e+00 : f32
    %jit3A_5 = arith.constant 0.000000e+00 : f32
    %broadcast_in_dim3A_6 = vector.broadcast %jit3A : f32 to vector<4096x256xf32>
    %broadcast_in_dim3A_7 = vector.broadcast %jit3A_5 : f32 to vector<4096x256xf32>
    %select_n3A = arith.select %eq3A_4, %broadcast_in_dim3A_6, %broadcast_in_dim3A_7 : vector<4096x256xi1>, vector<4096x256xf32>
    %broadcast_in_dim3A_8 = arith.constant 0.000000e+00 : f32
    %broadcast_in_dim3A_9 = vector.broadcast %broadcast_in_dim3A_8 : f32 to vector<256x128xf32>
    %broadcast_in_dim3A_10 = arith.constant 0.000000e+00 : f32
    %broadcast_in_dim3A_11 = vector.broadcast %broadcast_in_dim3A_10 : f32 to vector<256x64xf32>
    %broadcast_in_dim3A_12 = arith.constant 0.000000e+00 : f32
    %broadcast_in_dim3A_13 = vector.broadcast %broadcast_in_dim3A_12 : f32 to vector<256x64xf32>
    %get3A_14 = arith.constant 0 : index
    %get3A_15 = arith.constant 0 : index
    %get3A_16 = vector.load %arg2[%get3A_14, %get3A_15] : memref<256x128xf32, #tpu.memory_space<vmem>>, vector<256x128xf32>
    %dot_general3A = arith.constant dense<0.000000e+00> : vector<256x256xf32>
    %dot_general3A_17 = tpu.matmul %broadcast_in_dim3A_9, %get3A_16, %dot_general3A {dimension_numbers = #tpu.dot_dimension_numbers<[1], [1], [0], [0], [0, 0, 1, 0], [], []>, transpose_lhs_hint = false} : vector<256x128xf32>, vector<256x128xf32>, vector<256x256xf32> -> vector<256x256xf32>
    %get3A_18 = arith.constant 0 : index
    %get3A_19 = vector.load %arg4[%get3A_18] : memref<256xf32, #tpu.memory_space<vmem>>, vector<256xf32>
    %broadcast_in_dim3A_20 = vector.shape_cast %get3A_19 : vector<256xf32> to vector<1x256xf32>
    %add3A = vector.broadcast %broadcast_in_dim3A_20 : vector<1x256xf32> to vector<256x256xf32>
    %add3A_21 = arith.addf %dot_general3A_17, %add3A : vector<256x256xf32>
    %get3A_22 = arith.constant 0 : index
    %get3A_23 = arith.constant 0 : index
    %get3A_24 = vector.load %arg3[%get3A_22, %get3A_23] : memref<256x64xf32, #tpu.memory_space<vmem>>, vector<256x64xf32>
    %dot_general3A_25 = arith.constant dense<0.000000e+00> : vector<256x256xf32>
    %dot_general3A_26 = tpu.matmul %broadcast_in_dim3A_11, %get3A_24, %dot_general3A_25 {dimension_numbers = #tpu.dot_dimension_numbers<[1], [1], [0], [0], [0, 0, 1, 0], [], []>, transpose_lhs_hint = false} : vector<256x64xf32>, vector<256x64xf32>, vector<256x256xf32> -> vector<256x256xf32>
    %add3A_27 = arith.addf %add3A_21, %dot_general3A_26 : vector<256x256xf32>
    %get3A_28 = arith.constant 0 : index
    %get3A_29 = vector.load %arg5[%get3A_28] : memref<256xf32, #tpu.memory_space<vmem>>, vector<256xf32>
    %broadcast_in_dim3A_30 = vector.shape_cast %get3A_29 : vector<256xf32> to vector<1x256xf32>
    %add3A_31 = vector.broadcast %broadcast_in_dim3A_30 : vector<1x256xf32> to vector<256x256xf32>
    %add3A_32 = arith.addf %add3A_27, %add3A_31 : vector<256x256xf32>
    %slice3A_33 = vector.extract_strided_slice %add3A_32 {offsets = [0, 0], sizes = [256, 64], strides = [1, 1]} : vector<256x256xf32> to vector<256x64xf32>
    %logistic3A = arith.negf %slice3A_33 : vector<256x64xf32>
    %logistic3A_34 = math.exp %logistic3A : vector<256x64xf32>
    %logistic3A_35 = arith.constant 1.000000e+00 : f32
    %logistic3A_36 = vector.broadcast %logistic3A_35 : f32 to vector<256x64xf32>
    %logistic3A_37 = arith.addf %logistic3A_36, %logistic3A_34 : vector<256x64xf32>
    %logistic3A_38 = arith.divf %logistic3A_36, %logistic3A_37 : vector<256x64xf32>
    %slice3A_39 = vector.extract_strided_slice %add3A_32 {offsets = [0, 64], sizes = [256, 64], strides = [1, 1]} : vector<256x256xf32> to vector<256x64xf32>
    %logistic3A_40 = arith.negf %slice3A_39 : vector<256x64xf32>
    %logistic3A_41 = math.exp %logistic3A_40 : vector<256x64xf32>
    %logistic3A_42 = arith.constant 1.000000e+00 : f32
    %logistic3A_43 = vector.broadcast %logistic3A_42 : f32 to vector<256x64xf32>
    %logistic3A_44 = arith.addf %logistic3A_43, %logistic3A_41 : vector<256x64xf32>
    %logistic3A_45 = arith.divf %logistic3A_43, %logistic3A_44 : vector<256x64xf32>
    %slice3A_46 = vector.extract_strided_slice %add3A_32 {offsets = [0, 128], sizes = [256, 64], strides = [1, 1]} : vector<256x256xf32> to vector<256x64xf32>
    %tanh3A = math.tanh %slice3A_46 : vector<256x64xf32>
    %slice3A_47 = vector.extract_strided_slice %add3A_32 {offsets = [0, 192], sizes = [256, 64], strides = [1, 1]} : vector<256x256xf32> to vector<256x64xf32>
    %logistic3A_48 = arith.negf %slice3A_47 : vector<256x64xf32>
    %logistic3A_49 = math.exp %logistic3A_48 : vector<256x64xf32>
    %logistic3A_50 = arith.constant 1.000000e+00 : f32
    %logistic3A_51 = vector.broadcast %logistic3A_50 : f32 to vector<256x64xf32>
    %logistic3A_52 = arith.addf %logistic3A_51, %logistic3A_49 : vector<256x64xf32>
    %logistic3A_53 = arith.divf %logistic3A_51, %logistic3A_52 : vector<256x64xf32>
    %mul3A = arith.mulf %logistic3A_45, %broadcast_in_dim3A_13 : vector<256x64xf32>
    %mul3A_54 = arith.mulf %logistic3A_38, %tanh3A : vector<256x64xf32>
    %add3A_55 = arith.addf %mul3A, %mul3A_54 : vector<256x64xf32>
    %tanh3A_56 = math.tanh %add3A_55 : vector<256x64xf32>
    %mul3A_57 = arith.mulf %logistic3A_53, %tanh3A_56 : vector<256x64xf32>
    %dot_general3A_58 = arith.constant dense<0.000000e+00> : vector<4096x64xf32>
    %dot_general3A_59 = tpu.matmul %select_n3A, %mul3A_57, %dot_general3A_58 {dimension_numbers = #tpu.dot_dimension_numbers<[1], [0], [0], [1], [0, 0, 1, 1], [], []>, transpose_lhs_hint = false} : vector<4096x256xf32>, vector<256x64xf32>, vector<4096x64xf32> -> vector<4096x64xf32>
    %mul3A_60 = arith.mulf %slice3A, %dot_general3A_59 : vector<4096x64xf32>
    %reduce_sum3A = arith.constant dense<0.000000e+00> : vector<4096xf32>
    %reduce_sum3A_61 = vector.multi_reduction <add>, %mul3A_60, %reduce_sum3A [1] : vector<4096x64xf32> to vector<4096xf32>
    %broadcast_in_dim3A_62 = vector.shape_cast %reduce_sum3A_61 : vector<4096xf32> to vector<4096x1xf32>
    %jit3A_63 = arith.constant 0xFF800000 : f32
    %broadcast_in_dim3A_64 = vector.shape_cast %broadcast_in_dim3A_62 : vector<4096x1xf32> to vector<4096x1xf32>
    %broadcast_in_dim3A_65 = vector.broadcast %broadcast_in_dim3A_64 : vector<4096x1xf32> to vector<4096x256xf32>
    %broadcast_in_dim3A_66 = vector.broadcast %jit3A_63 : f32 to vector<4096x256xf32>
    %select_n3A_67 = arith.select %eq3A_4, %broadcast_in_dim3A_65, %broadcast_in_dim3A_66 : vector<4096x256xi1>, vector<4096x256xf32>
    %reduce_max3A = arith.constant dense<0xFF800000> : vector<256xf32>
    %reduce_max3A_68 = vector.multi_reduction <maximumf>, %select_n3A_67, %reduce_max3A [0] : vector<4096x256xf32> to vector<256xf32>
    %broadcast_in_dim3A_69 = vector.shape_cast %reduce_max3A_68 : vector<256xf32> to vector<1x256xf32>
    %is_finite3A = tpu.weird %broadcast_in_dim3A_69 : vector<1x256xf32> -> vector<1x256xi1>
    %is_finite3A_70 = arith.constant dense<true> : vector<1x256xi1>
    %is_finite3A_71 = arith.xori %is_finite3A, %is_finite3A_70 : vector<1x256xi1>
    %jit3A_72 = arith.constant 0.000000e+00 : f32
    %broadcast_in_dim3A_73 = vector.broadcast %jit3A_72 : f32 to vector<1x256xf32>
    %select_n3A_74 = arith.select %is_finite3A_71, %broadcast_in_dim3A_69, %broadcast_in_dim3A_73 : vector<1x256xi1>, vector<1x256xf32>
    %mul3A_75 = vector.broadcast %select_n3A_74 : vector<1x256xf32> to vector<4096x256xf32>
    %mul3A_76 = arith.mulf %select_n3A, %mul3A_75 : vector<4096x256xf32>
    %reduce_sum3A_77 = arith.constant dense<0.000000e+00> : vector<4096xf32>
    %reduce_sum3A_78 = vector.multi_reduction <add>, %mul3A_76, %reduce_sum3A_77 [1] : vector<4096x256xf32> to vector<4096xf32>
    %broadcast_in_dim3A_79 = vector.shape_cast %reduce_sum3A_78 : vector<4096xf32> to vector<4096x1xf32>
    %sub3A = arith.subf %broadcast_in_dim3A_62, %broadcast_in_dim3A_79 : vector<4096x1xf32>
    %exp3A = math.exp %sub3A : vector<4096x1xf32>
    %dot_general3A_80 = arith.constant dense<0.000000e+00> : vector<256x1xf32>
    %dot_general3A_81 = tpu.matmul %select_n3A, %exp3A, %dot_general3A_80 {dimension_numbers = #tpu.dot_dimension_numbers<[0], [0], [1], [1], [0, 1, 1, 1], [], []>, transpose_lhs_hint = false} : vector<4096x256xf32>, vector<4096x1xf32>, vector<256x1xf32> -> vector<256x1xf32>
    %max3A = arith.constant 1.000000e-16 : f32
    %max3A_82 = vector.broadcast %max3A : f32 to vector<256x1xf32>
    %max3A_83 = arith.maximumf %dot_general3A_81, %max3A_82 : vector<256x1xf32>
    %div3A = arith.constant 1.000000e+00 : f32
    %div3A_84 = vector.broadcast %div3A : f32 to vector<256x1xf32>
    %div3A_85 = arith.divf %div3A_84, %max3A_83 : vector<256x1xf32>
    %dot_general3A_86 = arith.constant dense<0.000000e+00> : vector<4096x1xf32>
    %dot_general3A_87 = tpu.matmul %select_n3A, %div3A_85, %dot_general3A_86 {dimension_numbers = #tpu.dot_dimension_numbers<[1], [0], [0], [1], [0, 0, 1, 1], [], []>, transpose_lhs_hint = false} : vector<4096x256xf32>, vector<256x1xf32>, vector<4096x1xf32> -> vector<4096x1xf32>
    %mul3A_88 = arith.mulf %exp3A, %dot_general3A_87 : vector<4096x1xf32>
    %mul3A_89 = vector.broadcast %mul3A_88 : vector<4096x1xf32> to vector<4096x64xf32>
    %mul3A_90 = arith.mulf %mul3A_89, %slice3A : vector<4096x64xf32>
    %dot_general3A_91 = arith.constant dense<0.000000e+00> : vector<256x64xf32>
    %dot_general3A_92 = tpu.matmul %select_n3A, %mul3A_90, %dot_general3A_91 {dimension_numbers = #tpu.dot_dimension_numbers<[0], [0], [1], [1], [0, 1, 1, 1], [], []>, transpose_lhs_hint = false} : vector<4096x256xf32>, vector<4096x64xf32>, vector<256x64xf32> -> vector<256x64xf32>
    %concatenate3A = tpu.concatenate %mul3A_57, %dot_general3A_92 in 1 : vector<256x64xf32>, vector<256x64xf32> -> vector<256x128xf32>
    %get3A_93 = arith.constant 0 : index
    %get3A_94 = arith.constant 0 : index
    %get3A_95 = vector.load %arg2[%get3A_93, %get3A_94] : memref<256x128xf32, #tpu.memory_space<vmem>>, vector<256x128xf32>
    %dot_general3A_96 = arith.constant dense<0.000000e+00> : vector<256x256xf32>
    %dot_general3A_97 = tpu.matmul %concatenate3A, %get3A_95, %dot_general3A_96 {dimension_numbers = #tpu.dot_dimension_numbers<[1], [1], [0], [0], [0, 0, 1, 0], [], []>, transpose_lhs_hint = false} : vector<256x128xf32>, vector<256x128xf32>, vector<256x256xf32> -> vector<256x256xf32>
    %get3A_98 = arith.constant 0 : index
    %get3A_99 = vector.load %arg4[%get3A_98] : memref<256xf32, #tpu.memory_space<vmem>>, vector<256xf32>
    %broadcast_in_dim3A_100 = vector.shape_cast %get3A_99 : vector<256xf32> to vector<1x256xf32>
    %add3A_101 = vector.broadcast %broadcast_in_dim3A_100 : vector<1x256xf32> to vector<256x256xf32>
    %add3A_102 = arith.addf %dot_general3A_97, %add3A_101 : vector<256x256xf32>
    %get3A_103 = arith.constant 0 : index
    %get3A_104 = arith.constant 0 : index
    %get3A_105 = vector.load %arg3[%get3A_103, %get3A_104] : memref<256x64xf32, #tpu.memory_space<vmem>>, vector<256x64xf32>
    %dot_general3A_106 = arith.constant dense<0.000000e+00> : vector<256x256xf32>
    %dot_general3A_107 = tpu.matmul %mul3A_57, %get3A_105, %dot_general3A_106 {dimension_numbers = #tpu.dot_dimension_numbers<[1], [1], [0], [0], [0, 0, 1, 0], [], []>, transpose_lhs_hint = false} : vector<256x64xf32>, vector<256x64xf32>, vector<256x256xf32> -> vector<256x256xf32>
    %add3A_108 = arith.addf %add3A_102, %dot_general3A_107 : vector<256x256xf32>
    %get3A_109 = arith.constant 0 : index
    %get3A_110 = vector.load %arg5[%get3A_109] : memref<256xf32, #tpu.memory_space<vmem>>, vector<256xf32>
    %broadcast_in_dim3A_111 = vector.shape_cast %get3A_110 : vector<256xf32> to vector<1x256xf32>
    %add3A_112 = vector.broadcast %broadcast_in_dim3A_111 : vector<1x256xf32> to vector<256x256xf32>
    %add3A_113 = arith.addf %add3A_108, %add3A_112 : vector<256x256xf32>
    %slice3A_114 = vector.extract_strided_slice %add3A_113 {offsets = [0, 0], sizes = [256, 64], strides = [1, 1]} : vector<256x256xf32> to vector<256x64xf32>
    %logistic3A_115 = arith.negf %slice3A_114 : vector<256x64xf32>
    %logistic3A_116 = math.exp %logistic3A_115 : vector<256x64xf32>
    %logistic3A_117 = arith.constant 1.000000e+00 : f32
    %logistic3A_118 = vector.broadcast %logistic3A_117 : f32 to vector<256x64xf32>
    %logistic3A_119 = arith.addf %logistic3A_118, %logistic3A_116 : vector<256x64xf32>
    %logistic3A_120 = arith.divf %logistic3A_118, %logistic3A_119 : vector<256x64xf32>
    %slice3A_121 = vector.extract_strided_slice %add3A_113 {offsets = [0, 64], sizes = [256, 64], strides = [1, 1]} : vector<256x256xf32> to vector<256x64xf32>
    %logistic3A_122 = arith.negf %slice3A_121 : vector<256x64xf32>
    %logistic3A_123 = math.exp %logistic3A_122 : vector<256x64xf32>
    %logistic3A_124 = arith.constant 1.000000e+00 : f32
    %logistic3A_125 = vector.broadcast %logistic3A_124 : f32 to vector<256x64xf32>
    %logistic3A_126 = arith.addf %logistic3A_125, %logistic3A_123 : vector<256x64xf32>
    %logistic3A_127 = arith.divf %logistic3A_125, %logistic3A_126 : vector<256x64xf32>
    %slice3A_128 = vector.extract_strided_slice %add3A_113 {offsets = [0, 128], sizes = [256, 64], strides = [1, 1]} : vector<256x256xf32> to vector<256x64xf32>
    %tanh3A_129 = math.tanh %slice3A_128 : vector<256x64xf32>
    %slice3A_130 = vector.extract_strided_slice %add3A_113 {offsets = [0, 192], sizes = [256, 64], strides = [1, 1]} : vector<256x256xf32> to vector<256x64xf32>
    %logistic3A_131 = arith.negf %slice3A_130 : vector<256x64xf32>
    %logistic3A_132 = math.exp %logistic3A_131 : vector<256x64xf32>
    %logistic3A_133 = arith.constant 1.000000e+00 : f32
    %logistic3A_134 = vector.broadcast %logistic3A_133 : f32 to vector<256x64xf32>
    %logistic3A_135 = arith.addf %logistic3A_134, %logistic3A_132 : vector<256x64xf32>
    %logistic3A_136 = arith.divf %logistic3A_134, %logistic3A_135 : vector<256x64xf32>
    %mul3A_137 = arith.mulf %logistic3A_127, %add3A_55 : vector<256x64xf32>
    %mul3A_138 = arith.mulf %logistic3A_120, %tanh3A_129 : vector<256x64xf32>
    %add3A_139 = arith.addf %mul3A_137, %mul3A_138 : vector<256x64xf32>
    %tanh3A_140 = math.tanh %add3A_139 : vector<256x64xf32>
    %mul3A_141 = arith.mulf %logistic3A_136, %tanh3A_140 : vector<256x64xf32>
    %dot_general3A_142 = arith.constant dense<0.000000e+00> : vector<4096x64xf32>
    %dot_general3A_143 = tpu.matmul %select_n3A, %mul3A_141, %dot_general3A_142 {dimension_numbers = #tpu.dot_dimension_numbers<[1], [0], [0], [1], [0, 0, 1, 1], [], []>, transpose_lhs_hint = false} : vector<4096x256xf32>, vector<256x64xf32>, vector<4096x64xf32> -> vector<4096x64xf32>
    %mul3A_144 = arith.mulf %slice3A, %dot_general3A_143 : vector<4096x64xf32>
    %reduce_sum3A_145 = arith.constant dense<0.000000e+00> : vector<4096xf32>
    %reduce_sum3A_146 = vector.multi_reduction <add>, %mul3A_144, %reduce_sum3A_145 [1] : vector<4096x64xf32> to vector<4096xf32>
    %broadcast_in_dim3A_147 = vector.shape_cast %reduce_sum3A_146 : vector<4096xf32> to vector<4096x1xf32>
    %jit3A_148 = arith.constant 0xFF800000 : f32
    %broadcast_in_dim3A_149 = vector.shape_cast %broadcast_in_dim3A_147 : vector<4096x1xf32> to vector<4096x1xf32>
    %broadcast_in_dim3A_150 = vector.broadcast %broadcast_in_dim3A_149 : vector<4096x1xf32> to vector<4096x256xf32>
    %broadcast_in_dim3A_151 = vector.broadcast %jit3A_148 : f32 to vector<4096x256xf32>
    %select_n3A_152 = arith.select %eq3A_4, %broadcast_in_dim3A_150, %broadcast_in_dim3A_151 : vector<4096x256xi1>, vector<4096x256xf32>
    %reduce_max3A_153 = arith.constant dense<0xFF800000> : vector<256xf32>
    %reduce_max3A_154 = vector.multi_reduction <maximumf>, %select_n3A_152, %reduce_max3A_153 [0] : vector<4096x256xf32> to vector<256xf32>
    %broadcast_in_dim3A_155 = vector.shape_cast %reduce_max3A_154 : vector<256xf32> to vector<1x256xf32>
    %is_finite3A_156 = tpu.weird %broadcast_in_dim3A_155 : vector<1x256xf32> -> vector<1x256xi1>
    %is_finite3A_157 = arith.constant dense<true> : vector<1x256xi1>
    %is_finite3A_158 = arith.xori %is_finite3A_156, %is_finite3A_157 : vector<1x256xi1>
    %jit3A_159 = arith.constant 0.000000e+00 : f32
    %broadcast_in_dim3A_160 = vector.broadcast %jit3A_159 : f32 to vector<1x256xf32>
    %select_n3A_161 = arith.select %is_finite3A_158, %broadcast_in_dim3A_155, %broadcast_in_dim3A_160 : vector<1x256xi1>, vector<1x256xf32>
    %mul3A_162 = vector.broadcast %select_n3A_161 : vector<1x256xf32> to vector<4096x256xf32>
    %mul3A_163 = arith.mulf %select_n3A, %mul3A_162 : vector<4096x256xf32>
    %reduce_sum3A_164 = arith.constant dense<0.000000e+00> : vector<4096xf32>
    %reduce_sum3A_165 = vector.multi_reduction <add>, %mul3A_163, %reduce_sum3A_164 [1] : vector<4096x256xf32> to vector<4096xf32>
    %broadcast_in_dim3A_166 = vector.shape_cast %reduce_sum3A_165 : vector<4096xf32> to vector<4096x1xf32>
    %sub3A_167 = arith.subf %broadcast_in_dim3A_147, %broadcast_in_dim3A_166 : vector<4096x1xf32>
    %exp3A_168 = math.exp %sub3A_167 : vector<4096x1xf32>
    %dot_general3A_169 = arith.constant dense<0.000000e+00> : vector<256x1xf32>
    %dot_general3A_170 = tpu.matmul %select_n3A, %exp3A_168, %dot_general3A_169 {dimension_numbers = #tpu.dot_dimension_numbers<[0], [0], [1], [1], [0, 1, 1, 1], [], []>, transpose_lhs_hint = false} : vector<4096x256xf32>, vector<4096x1xf32>, vector<256x1xf32> -> vector<256x1xf32>
    %max3A_171 = arith.constant 1.000000e-16 : f32
    %max3A_172 = vector.broadcast %max3A_171 : f32 to vector<256x1xf32>
    %max3A_173 = arith.maximumf %dot_general3A_170, %max3A_172 : vector<256x1xf32>
    %div3A_174 = arith.constant 1.000000e+00 : f32
    %div3A_175 = vector.broadcast %div3A_174 : f32 to vector<256x1xf32>
    %div3A_176 = arith.divf %div3A_175, %max3A_173 : vector<256x1xf32>
    %dot_general3A_177 = arith.constant dense<0.000000e+00> : vector<4096x1xf32>
    %dot_general3A_178 = tpu.matmul %select_n3A, %div3A_176, %dot_general3A_177 {dimension_numbers = #tpu.dot_dimension_numbers<[1], [0], [0], [1], [0, 0, 1, 1], [], []>, transpose_lhs_hint = false} : vector<4096x256xf32>, vector<256x1xf32>, vector<4096x1xf32> -> vector<4096x1xf32>
    %mul3A_179 = arith.mulf %exp3A_168, %dot_general3A_178 : vector<4096x1xf32>
    %mul3A_180 = vector.broadcast %mul3A_179 : vector<4096x1xf32> to vector<4096x64xf32>
    %mul3A_181 = arith.mulf %mul3A_180, %slice3A : vector<4096x64xf32>
    %dot_general3A_182 = arith.constant dense<0.000000e+00> : vector<256x64xf32>
    %dot_general3A_183 = tpu.matmul %select_n3A, %mul3A_181, %dot_general3A_182 {dimension_numbers = #tpu.dot_dimension_numbers<[0], [0], [1], [1], [0, 1, 1, 1], [], []>, transpose_lhs_hint = false} : vector<4096x256xf32>, vector<4096x64xf32>, vector<256x64xf32> -> vector<256x64xf32>
    %concatenate3A_184 = tpu.concatenate %mul3A_141, %dot_general3A_183 in 1 : vector<256x64xf32>, vector<256x64xf32> -> vector<256x128xf32>
    %get3A_185 = arith.constant 0 : index
    %get3A_186 = arith.constant 0 : index
    %get3A_187 = vector.load %arg2[%get3A_185, %get3A_186] : memref<256x128xf32, #tpu.memory_space<vmem>>, vector<256x128xf32>
    %dot_general3A_188 = arith.constant dense<0.000000e+00> : vector<256x256xf32>
    %dot_general3A_189 = tpu.matmul %concatenate3A_184, %get3A_187, %dot_general3A_188 {dimension_numbers = #tpu.dot_dimension_numbers<[1], [1], [0], [0], [0, 0, 1, 0], [], []>, transpose_lhs_hint = false} : vector<256x128xf32>, vector<256x128xf32>, vector<256x256xf32> -> vector<256x256xf32>
    %get3A_190 = arith.constant 0 : index
    %get3A_191 = vector.load %arg4[%get3A_190] : memref<256xf32, #tpu.memory_space<vmem>>, vector<256xf32>
    %broadcast_in_dim3A_192 = vector.shape_cast %get3A_191 : vector<256xf32> to vector<1x256xf32>
    %add3A_193 = vector.broadcast %broadcast_in_dim3A_192 : vector<1x256xf32> to vector<256x256xf32>
    %add3A_194 = arith.addf %dot_general3A_189, %add3A_193 : vector<256x256xf32>
    %get3A_195 = arith.constant 0 : index
    %get3A_196 = arith.constant 0 : index
    %get3A_197 = vector.load %arg3[%get3A_195, %get3A_196] : memref<256x64xf32, #tpu.memory_space<vmem>>, vector<256x64xf32>
    %dot_general3A_198 = arith.constant dense<0.000000e+00> : vector<256x256xf32>
    %dot_general3A_199 = tpu.matmul %mul3A_141, %get3A_197, %dot_general3A_198 {dimension_numbers = #tpu.dot_dimension_numbers<[1], [1], [0], [0], [0, 0, 1, 0], [], []>, transpose_lhs_hint = false} : vector<256x64xf32>, vector<256x64xf32>, vector<256x256xf32> -> vector<256x256xf32>
    %add3A_200 = arith.addf %add3A_194, %dot_general3A_199 : vector<256x256xf32>
    %get3A_201 = arith.constant 0 : index
    %get3A_202 = vector.load %arg5[%get3A_201] : memref<256xf32, #tpu.memory_space<vmem>>, vector<256xf32>
    %broadcast_in_dim3A_203 = vector.shape_cast %get3A_202 : vector<256xf32> to vector<1x256xf32>
    %add3A_204 = vector.broadcast %broadcast_in_dim3A_203 : vector<1x256xf32> to vector<256x256xf32>
    %add3A_205 = arith.addf %add3A_200, %add3A_204 : vector<256x256xf32>
    %slice3A_206 = vector.extract_strided_slice %add3A_205 {offsets = [0, 0], sizes = [256, 64], strides = [1, 1]} : vector<256x256xf32> to vector<256x64xf32>
    %logistic3A_207 = arith.negf %slice3A_206 : vector<256x64xf32>
    %logistic3A_208 = math.exp %logistic3A_207 : vector<256x64xf32>
    %logistic3A_209 = arith.constant 1.000000e+00 : f32
    %logistic3A_210 = vector.broadcast %logistic3A_209 : f32 to vector<256x64xf32>
    %logistic3A_211 = arith.addf %logistic3A_210, %logistic3A_208 : vector<256x64xf32>
    %logistic3A_212 = arith.divf %logistic3A_210, %logistic3A_211 : vector<256x64xf32>
    %slice3A_213 = vector.extract_strided_slice %add3A_205 {offsets = [0, 64], sizes = [256, 64], strides = [1, 1]} : vector<256x256xf32> to vector<256x64xf32>
    %logistic3A_214 = arith.negf %slice3A_213 : vector<256x64xf32>
    %logistic3A_215 = math.exp %logistic3A_214 : vector<256x64xf32>
    %logistic3A_216 = arith.constant 1.000000e+00 : f32
    %logistic3A_217 = vector.broadcast %logistic3A_216 : f32 to vector<256x64xf32>
    %logistic3A_218 = arith.addf %logistic3A_217, %logistic3A_215 : vector<256x64xf32>
    %logistic3A_219 = arith.divf %logistic3A_217, %logistic3A_218 : vector<256x64xf32>
    %slice3A_220 = vector.extract_strided_slice %add3A_205 {offsets = [0, 128], sizes = [256, 64], strides = [1, 1]} : vector<256x256xf32> to vector<256x64xf32>
    %tanh3A_221 = math.tanh %slice3A_220 : vector<256x64xf32>
    %slice3A_222 = vector.extract_strided_slice %add3A_205 {offsets = [0, 192], sizes = [256, 64], strides = [1, 1]} : vector<256x256xf32> to vector<256x64xf32>
    %logistic3A_223 = arith.negf %slice3A_222 : vector<256x64xf32>
    %logistic3A_224 = math.exp %logistic3A_223 : vector<256x64xf32>
    %logistic3A_225 = arith.constant 1.000000e+00 : f32
    %logistic3A_226 = vector.broadcast %logistic3A_225 : f32 to vector<256x64xf32>
    %logistic3A_227 = arith.addf %logistic3A_226, %logistic3A_224 : vector<256x64xf32>
    %logistic3A_228 = arith.divf %logistic3A_226, %logistic3A_227 : vector<256x64xf32>
    %mul3A_229 = arith.mulf %logistic3A_219, %add3A_139 : vector<256x64xf32>
    %mul3A_230 = arith.mulf %logistic3A_212, %tanh3A_221 : vector<256x64xf32>
    %add3A_231 = arith.addf %mul3A_229, %mul3A_230 : vector<256x64xf32>
    %tanh3A_232 = math.tanh %add3A_231 : vector<256x64xf32>
    %mul3A_233 = arith.mulf %logistic3A_228, %tanh3A_232 : vector<256x64xf32>
    %dot_general3A_234 = arith.constant dense<0.000000e+00> : vector<4096x64xf32>
    %dot_general3A_235 = tpu.matmul %select_n3A, %mul3A_233, %dot_general3A_234 {dimension_numbers = #tpu.dot_dimension_numbers<[1], [0], [0], [1], [0, 0, 1, 1], [], []>, transpose_lhs_hint = false} : vector<4096x256xf32>, vector<256x64xf32>, vector<4096x64xf32> -> vector<4096x64xf32>
    %mul3A_236 = arith.mulf %slice3A, %dot_general3A_235 : vector<4096x64xf32>
    %reduce_sum3A_237 = arith.constant dense<0.000000e+00> : vector<4096xf32>
    %reduce_sum3A_238 = vector.multi_reduction <add>, %mul3A_236, %reduce_sum3A_237 [1] : vector<4096x64xf32> to vector<4096xf32>
    %broadcast_in_dim3A_239 = vector.shape_cast %reduce_sum3A_238 : vector<4096xf32> to vector<4096x1xf32>
    %jit3A_240 = arith.constant 0xFF800000 : f32
    %broadcast_in_dim3A_241 = vector.shape_cast %broadcast_in_dim3A_239 : vector<4096x1xf32> to vector<4096x1xf32>
    %broadcast_in_dim3A_242 = vector.broadcast %broadcast_in_dim3A_241 : vector<4096x1xf32> to vector<4096x256xf32>
    %broadcast_in_dim3A_243 = vector.broadcast %jit3A_240 : f32 to vector<4096x256xf32>
    %select_n3A_244 = arith.select %eq3A_4, %broadcast_in_dim3A_242, %broadcast_in_dim3A_243 : vector<4096x256xi1>, vector<4096x256xf32>
    %reduce_max3A_245 = arith.constant dense<0xFF800000> : vector<256xf32>
    %reduce_max3A_246 = vector.multi_reduction <maximumf>, %select_n3A_244, %reduce_max3A_245 [0] : vector<4096x256xf32> to vector<256xf32>
    %broadcast_in_dim3A_247 = vector.shape_cast %reduce_max3A_246 : vector<256xf32> to vector<1x256xf32>
    %is_finite3A_248 = tpu.weird %broadcast_in_dim3A_247 : vector<1x256xf32> -> vector<1x256xi1>
    %is_finite3A_249 = arith.constant dense<true> : vector<1x256xi1>
    %is_finite3A_250 = arith.xori %is_finite3A_248, %is_finite3A_249 : vector<1x256xi1>
    %jit3A_251 = arith.constant 0.000000e+00 : f32
    %broadcast_in_dim3A_252 = vector.broadcast %jit3A_251 : f32 to vector<1x256xf32>
    %select_n3A_253 = arith.select %is_finite3A_250, %broadcast_in_dim3A_247, %broadcast_in_dim3A_252 : vector<1x256xi1>, vector<1x256xf32>
    %mul3A_254 = vector.broadcast %select_n3A_253 : vector<1x256xf32> to vector<4096x256xf32>
    %mul3A_255 = arith.mulf %select_n3A, %mul3A_254 : vector<4096x256xf32>
    %reduce_sum3A_256 = arith.constant dense<0.000000e+00> : vector<4096xf32>
    %reduce_sum3A_257 = vector.multi_reduction <add>, %mul3A_255, %reduce_sum3A_256 [1] : vector<4096x256xf32> to vector<4096xf32>
    %broadcast_in_dim3A_258 = vector.shape_cast %reduce_sum3A_257 : vector<4096xf32> to vector<4096x1xf32>
    %sub3A_259 = arith.subf %broadcast_in_dim3A_239, %broadcast_in_dim3A_258 : vector<4096x1xf32>
    %exp3A_260 = math.exp %sub3A_259 : vector<4096x1xf32>
    %dot_general3A_261 = arith.constant dense<0.000000e+00> : vector<256x1xf32>
    %dot_general3A_262 = tpu.matmul %select_n3A, %exp3A_260, %dot_general3A_261 {dimension_numbers = #tpu.dot_dimension_numbers<[0], [0], [1], [1], [0, 1, 1, 1], [], []>, transpose_lhs_hint = false} : vector<4096x256xf32>, vector<4096x1xf32>, vector<256x1xf32> -> vector<256x1xf32>
    %max3A_263 = arith.constant 1.000000e-16 : f32
    %max3A_264 = vector.broadcast %max3A_263 : f32 to vector<256x1xf32>
    %max3A_265 = arith.maximumf %dot_general3A_262, %max3A_264 : vector<256x1xf32>
    %div3A_266 = arith.constant 1.000000e+00 : f32
    %div3A_267 = vector.broadcast %div3A_266 : f32 to vector<256x1xf32>
    %div3A_268 = arith.divf %div3A_267, %max3A_265 : vector<256x1xf32>
    %dot_general3A_269 = arith.constant dense<0.000000e+00> : vector<4096x1xf32>
    %dot_general3A_270 = tpu.matmul %select_n3A, %div3A_268, %dot_general3A_269 {dimension_numbers = #tpu.dot_dimension_numbers<[1], [0], [0], [1], [0, 0, 1, 1], [], []>, transpose_lhs_hint = false} : vector<4096x256xf32>, vector<256x1xf32>, vector<4096x1xf32> -> vector<4096x1xf32>
    %mul3A_271 = arith.mulf %exp3A_260, %dot_general3A_270 : vector<4096x1xf32>
    %mul3A_272 = vector.broadcast %mul3A_271 : vector<4096x1xf32> to vector<4096x64xf32>
    %mul3A_273 = arith.mulf %mul3A_272, %slice3A : vector<4096x64xf32>
    %dot_general3A_274 = arith.constant dense<0.000000e+00> : vector<256x64xf32>
    %dot_general3A_275 = tpu.matmul %select_n3A, %mul3A_273, %dot_general3A_274 {dimension_numbers = #tpu.dot_dimension_numbers<[0], [0], [1], [1], [0, 1, 1, 1], [], []>, transpose_lhs_hint = false} : vector<4096x256xf32>, vector<4096x64xf32>, vector<256x64xf32> -> vector<256x64xf32>
    %concatenate3A_276 = tpu.concatenate %mul3A_233, %dot_general3A_275 in 1 : vector<256x64xf32>, vector<256x64xf32> -> vector<256x128xf32>
    %get3A_277 = arith.constant 0 : index
    %get3A_278 = arith.constant 0 : index
    %get3A_279 = vector.load %arg6[%get3A_277, %get3A_278] : memref<64x128xf32, #tpu.memory_space<vmem>>, vector<64x128xf32>
    %dot_general3A_280 = arith.constant dense<0.000000e+00> : vector<256x64xf32>
    %dot_general3A_281 = tpu.matmul %concatenate3A_276, %get3A_279, %dot_general3A_280 {dimension_numbers = #tpu.dot_dimension_numbers<[1], [1], [0], [0], [0, 0, 1, 0], [], []>, transpose_lhs_hint = false} : vector<256x128xf32>, vector<64x128xf32>, vector<256x64xf32> -> vector<256x64xf32>
    %get3A_282 = arith.constant 0 : index
    %get3A_283 = vector.load %arg7[%get3A_282] : memref<64xf32, #tpu.memory_space<vmem>>, vector<64xf32>
    %broadcast_in_dim3A_284 = vector.shape_cast %get3A_283 : vector<64xf32> to vector<1x64xf32>
    %add3A_285 = vector.broadcast %broadcast_in_dim3A_284 : vector<1x64xf32> to vector<256x64xf32>
    %add3A_286 = arith.addf %dot_general3A_281, %add3A_285 : vector<256x64xf32>
    %get3A_287 = arith.constant 0 : index
    %get3A_288 = arith.constant 0 : index
    %get3A_289 = vector.load %arg8[%get3A_287, %get3A_288] : memref<300x64xf32, #tpu.memory_space<vmem>>, vector<300x64xf32>
    %dot_general3A_290 = arith.constant dense<0.000000e+00> : vector<256x300xf32>
    %dot_general3A_291 = tpu.matmul %add3A_286, %get3A_289, %dot_general3A_290 {dimension_numbers = #tpu.dot_dimension_numbers<[1], [1], [0], [0], [0, 0, 1, 0], [], []>, transpose_lhs_hint = false} : vector<256x64xf32>, vector<300x64xf32>, vector<256x300xf32> -> vector<256x300xf32>
    %get3A_292 = arith.constant 0 : index
    %get3A_293 = vector.load %arg9[%get3A_292] : memref<300xf32, #tpu.memory_space<vmem>>, vector<300xf32>
    %broadcast_in_dim3A_294 = vector.shape_cast %get3A_293 : vector<300xf32> to vector<1x300xf32>
    %add3A_295 = vector.broadcast %broadcast_in_dim3A_294 : vector<1x300xf32> to vector<256x300xf32>
    %add3A_296 = arith.addf %dot_general3A_291, %add3A_295 : vector<256x300xf32>
    %gt3A = arith.constant 0.000000e+00 : f32
    %gt3A_297 = vector.broadcast %gt3A : f32 to vector<256x300xf32>
    %gt3A_298 = arith.cmpf ogt, %add3A_296, %gt3A_297 : vector<256x300xf32>
    %mul3A_299 = arith.constant 0.00999999977 : f32
    %mul3A_300 = vector.broadcast %mul3A_299 : f32 to vector<256x300xf32>
    %mul3A_301 = arith.mulf %mul3A_300, %add3A_296 : vector<256x300xf32>
    %select_n3A_302 = arith.select %gt3A_298, %add3A_296, %mul3A_301 : vector<256x300xi1>, vector<256x300xf32>
    %swap3A = arith.constant 0 : index
    %swap3A_303 = arith.constant 0 : index
    %swap3A_304 = vector.load %arg10[%swap3A, %swap3A_303] : memref<256x300xf32, #tpu.memory_space<vmem>>, vector<256x300xf32>
    tpu.vector_store %arg10[%swap3A, %swap3A_303], %select_n3A_302 {strides = array<i32>} : memref<256x300xf32, #tpu.memory_space<vmem>>, vector<256x300xf32>,
    return
  }
}

</mosaic_0001>

<sc_bundles>
// kernel: kernel.25.cloned.1.call-start
scs
__scs_entry_jumppad:
0x0: {  	(pc) =	sbr.rel $0x88, $3  }
0x1: {  	(tag) =	ssettag $0x0;
	lr =	simm.s32 $0x1  }
0x2: {  	[smem:$0x3F89] =	sst lr;
	_ =	strace $0xD0000000  }
0x3: {  	_ = 	snop  }
0x4: {  	_ = 	snop  }
0x5: {  	_ = 	snop  }
0x6: {  	_ = 	snop  }
0x7: {  	_ = 	snop  }
__scs_overlays_trampoline_lowered:
0x8: {  	[smem:$0x3F98] =	sst s0  }
0x9: {  	[smem:$0x3F99] =	sst s1  }
0xa: {  	[smem:$0x3F9A] =	sst s2  }
0xb: {  	[smem:$0x3F9B] =	sst s3  }
0xc: {  	[smem:$0x3F9C] =	sst s4  }
0xd: {  	[smem:$0x3F9D] =	sst s5  }
0xe: {  	[smem:$0x3F9E] =	sst s6  }
0xf: {  	[smem:$0x3F9F] =	sst s7  }
0x10: {  	[smem:$0x3FA0] =	sst s8  }
0x11: {  	[smem:$0x3FA1] =	sst s9;
	s0 =	simm.s32 @!p0 $0x0  }
0x12: {  	s1 =	sld [smem:$0x3F87];
	s0 =	simm.s32 @p0 $0x1  }
0x13: {  	[smem:$0x3FA2] =	sst s0;
	s0 =	simm.s32 @!p1 $0x0  }
0x14: {  	s2 =	sld [smem:$0x3F86];
	s0 =	simm.s32 @p1 $0x1  }
0x15: {  	[smem:$0x3FA3] =	sst s0;
	s0 =	simm.s32 @!p2 $0x0  }
0x16: {  	s3 =	sld [smem:$0x3FDB];
	s0 =	simm.s32 @p2 $0x1  }
0x17: {  	s4 =	simm.s32 $0x1BF5;
	[smem:$0x3FA5] =	sst s0  }
0x18: {  	s0 =	sld [smem:$0x3F88];
	_ =	swait.ge [sflag:s4], $0x0  }
0x19: {  	s7 =	sld [smem:$0x3F89]  }
0x1a: {  	s8 =	sadd.s32 $0xFFFFE003, lr  }
0x1b: {  	s9 =	sadd.s32 $0xFFFFFEF7, lr;
	s5 =	simm.s32 $0xFFFFFFFF;
	p2 =	slt.u32 s8, $0xFFFFF086  }
0x1c: {  	p1 =	slt.u32 s9, $0xF7A;
	s5 =	simm.s32 @!p2 $0x0  }
0x1d: {  	s5 =	simm.s32 @p1 $0x1;
	p0 =	seq.s32 s7, s2  }
0x1e: {  	s7 =	smul.u32 @!p0 $0xF7A, s2;
	p2 =	seq.s32 @!p0 s5, $0x0  }
0x1f: {  	s9 =	smul.u32 $0xF7A, s1;
	s8 =	simm.s32 @!p0 $0x1BF5;
	p2 =	por !p2, p0  }
0x20: {  	[sflag:s8] =	ssyncset.s32 @!p0 $0xFFFFF086;
	s6 =	sadd.s32 @!p0 s3, s7;
	s7 =	simm.s32 @!p0 $0x108  }
0x21: {  	s3 =	sadd.s32 s3, s9;
	s6 =	sadd.s32 @!p0 $0x88, s6;
	s7 =	simm.s32 @p2 $0x1082  }
0x22: {  	[simem:s7], [sflag:s8] =	dma.local @!p0 [hbm:s6], $0xF7A  }
0x23: {  	s9 =	sor.u32 $0xD0000000, s2;
	s6 =	simm.s32 $0x108;
	_ =	swait.ge @!p0 [sflag:s8], $0x0  }
0x24: {  	s3 =	sadd.s32 $0x88, s3;
	s6 =	simm.s32 @!p1 $0x1082;
	[sflag:s4] =	ssyncset.s32 $0xFFFFF086  }
0x25: {  	[simem:s6], [sflag:s4] =	dma.local [hbm:s3], $0xF7A  }
0x26: {  	[smem:$0x3F89] =	sst s1;
	(tag) =	ssettag s2;
	_ =	strace s9  }
0x27: {  	s1 =	sld [smem:$0x3F99]  }
0x28: {  	s2 =	sld [smem:$0x3F9A]  }
0x29: {  	s4 =	sld [smem:$0x3F9C]  }
0x2a: {  	p0 =	seq.s32 s5, $0x0;
	s5 =	sld [smem:$0x3F9D]  }
0x2b: {  	s6 =	sld [smem:$0x3F9E]  }
0x2c: {  	s7 =	sld [smem:$0x3F9F]  }
0x2d: {  	s3 =	simm.s32 $0x108;
	s8 =	sld [smem:$0x3FA0]  }
0x2e: {  	s3 =	simm.s32 @!p0 $0x1082;
	s9 =	sld [smem:$0x3FA1]  }
0x2f: {  	lr =	sadd.s32 s0, s3;
	s0 =	sld [smem:$0x3F98]  }
0x30: {  	s3 =	sld [smem:$0x3F9B]  }
0x31: {  	[smem:$0x3FA4] =	sst s10  }
0x32: {  	s10 =	sld [smem:$0x3FA2];
	_ =	sdelay $0x3  }
0x33: {  	p0 =	seq.s32 s10, $0x1;
	s10 =	sld [smem:$0x3FA4];
	_ =	sdelay $0x3  }
0x34: {  	[smem:$0x3FA4] =	sst s10  }
0x35: {  	s10 =	sld [smem:$0x3FA3];
	_ =	sdelay $0x3  }
0x36: {  	p1 =	seq.s32 s10, $0x1;
	s10 =	sld [smem:$0x3FA4];
	_ =	sdelay $0x3  }
0x37: {  	[smem:$0x3FA4] =	sst s10  }
0x38: {  	s10 =	sld [smem:$0x3FA5]  }
0x39: {  	_ = 	snop;
	(pc) =	sbr.ind lr, $3  }
0x3a: {  	_ = 	snop  }
0x3b: {  	_ = 	snop  }
0x3c: {  	p2 =	seq.s32 s10, $0x1;
	s10 =	sld [smem:$0x3FA4]  }
0x3d: {  	_ =	shalt  }
0x3e: {  	_ =	shalt  }
0x3f: {  	_ =	shalt  }
0x40: {  	_ =	shalt  }
0x41: {  	_ =	shalt  }
0x42: {  	_ =	shalt  }
0x43: {  	_ =	shalt  }
0x44: {  	_ =	shalt  }
0x45: {  	_ =	shalt  }
0x46: {  	_ =	shalt  }
0x47: {  	_ =	shalt  }
0x48: {  	_ =	shalt  }
0x49: {  	_ =	shalt  }
0x4a: {  	_ =	shalt  }
0x4b: {  	_ =	shalt  }
0x4c: {  	_ =	shalt  }
0x4d: {  	_ =	shalt  }
0x4e: {  	_ =	shalt  }
0x4f: {  	_ =	shalt  }
0x50: {  	_ =	shalt  }
0x51: {  	_ =	shalt  }
0x52: {  	_ =	shalt  }
0x53: {  	_ =	shalt  }
0x54: {  	_ =	shalt  }
0x55: {  	_ =	shalt  }
0x56: {  	_ =	shalt  }
0x57: {  	_ =	shalt  }
0x58: {  	_ =	shalt  }
0x59: {  	_ =	shalt  }
0x5a: {  	_ =	shalt  }
0x5b: {  	_ =	shalt  }
0x5c: {  	_ =	shalt  }
0x5d: {  	_ =	shalt  }
0x5e: {  	_ =	shalt  }
0x5f: {  	_ =	shalt  }
0x60: {  	_ =	shalt  }
0x61: {  	_ =	shalt  }
0x62: {  	_ =	shalt  }
0x63: {  	_ =	shalt  }
0x64: {  	_ =	shalt  }
0x65: {  	_ =	shalt  }
0x66: {  	_ =	shalt  }
0x67: {  	_ =	shalt  }
0x68: {  	_ =	shalt  }
0x69: {  	_ =	shalt  }
0x6a: {  	_ =	shalt  }
0x6b: {  	_ =	shalt  }
0x6c: {  	_ =	shalt  }
0x6d: {  	_ =	shalt  }
0x6e: {  	_ =	shalt  }
0x6f: {  	_ =	shalt  }
0x70: {  	_ =	shalt  }
0x71: {  	_ =	shalt  }
0x72: {  	_ =	shalt  }
0x73: {  	_ =	shalt  }
0x74: {  	_ =	shalt  }
0x75: {  	_ =	shalt  }
0x76: {  	_ =	shalt  }
0x77: {  	_ =	shalt  }
0x78: {  	_ =	shalt  }
0x79: {  	_ =	shalt  }
0x7a: {  	_ =	shalt  }
0x7b: {  	_ =	shalt  }
0x7c: {  	_ =	shalt  }
0x7d: {  	_ =	shalt  }
0x7e: {  	_ =	shalt  }
0x7f: {  	_ =	shalt  }
0x80: {  	_ =	shalt  }
0x81: {  	_ =	shalt  }
0x82: {  	_ =	shalt  }
0x83: {  	_ =	shalt  }
0x84: {  	_ =	shalt  }
0x85: {  	_ =	shalt  }
0x86: {  	_ =	shalt  }
0x87: {  	_ =	shalt  }
.Lfunc_end0:
.L_simem_size_0:
called_computation_lowered:
.L_overlay_start_0:
0x88: {  	s2 =	sld [smem:$0x3FD9]  }
0x89: {  	s3 =	sld [smem:$0x3FFE];
	_ =	sdelay $0x1  }
0x8a: {  	s1 =	srdreg.scid  }
0x8b: {  	s0 =	sand.u32 $0x1, s1  }
0x8c: {  	s17 =	sshll.u32 s0, $0xA;
	s2 =	sadd.s32 s3, s2  }
0x8d: {  	s2 =	sadd.s32 s2, s17  }
0x8e: {  	[smem:$0x3FB0] =	sst s2  }
0x8f: {  	_ = 	snop  }
0x90: {  	s18 =	sld [smem:$0x3FD0];
	(tm) =	ssettm $0x1  }
0x91: {  	s19 =	sld [smem:$0x3FFB];
	_ =	sdelay $0x3  }
0x92: {  	_ =	strace s19  }
0x93: {  	s2 =	sld [smem:$0x3FFC];
	_ =	sdelay $0x3  }
0x94: {  	_ =	strace s2  }
0x95: {  	s2 =	sld [smem:$0x3FFD];
	_ =	sdelay $0x3  }
0x96: {  	_ =	strace s2  }
0x97: {  	_ =	strace $0x8FFFFFFF  }
0x98: {  	s20 =	sld [smem:$0x3FDB];
	_ =	sdelay $0x1  }
0x99: {  	s4 =	simm.s32 $_scs_section_size  }
0x9a: {  	s5 =	simm.s32 $_size__tile_overlayer_lowered;
	s6 =	simm.s32 $_tile_overlayer_lowered  }
0x9b: {  	s7 =	simm.s32 $0x1BFF;
	s21 =	sshll.u32 s6, $0x1;
	s4 =	sadd.s32 s4, s20  }
0x9c: {  	s22 =	simm.s32 $0x0;
	s5 =	sshll.u32 s5, $0x1;
	s6 =	sadd.s32 s21, s4  }
0x9d: {  	[timem:s22], [sflag:s7] =	dma.local [hbm:s6], s5  }
0x9e: {  	_ =	swait.ge [sflag:s7], s5  }
0x9f: {  	s5 =	ssub.s32 $0x0, s5;
	[sflag:s7] =	ssyncset.done $0x0  }
0xa0: {  	[sflag:s7] =	ssyncadd.s32 s5;
	_ =	sdelay $0x1  }
0xa1: {  	s23 =	simm.s32 $0x1B8B  }
0xa2: {  	_ =	swait.ge [sflag:s23], $0x1  }
0xa3: {  	[sflag:s23] =	ssyncset.done $0x0  }
0xa4: {  	[sflag:s23] =	ssyncadd.s32 $0xFFFFFFFF  }
0xa5: {  	s5 =	sld [smem:$0x0]  }
0xa6: {  	s6 =	sand.u32 $0xFFFFFFFE, s1  }
0xa7: {  	p0 =	sne.s32 s1, s6  }
0xa8: {  	s6 =	sshll.u32 @p0 s6, $0xE  }
0xa9: {  	s6 =	sadd.s32 @p0 $0x11B8D, s6;
	s7 =	sshll.u32 @p0 s5, $0x11  }
0xaa: {  	s6 =	sor.u32 @p0 s7, s6  }
0xab: {  	[sflag:s6] =	ssyncadd.remote.s32 @p0 $0x1;
	_ =	sdelay $0x1  }
0xac: {  	s6 =	simm.s32 @p0 $0x1B8D  }
0xad: {  	_ =	swait.eq @p0 [sflag:s6], $0x1  }
0xae: {  	[sflag:s6] =	ssyncadd.s32 @p0 $0xFFFFFFFF  }
0xaf: {  	s7 =	sshll.u32 @!p0 s1, $0xE  }
0xb0: {  	s7 =	sor.u32 @!p0 $0x4000, s7;
	s6 =	simm.s32 @!p0 $0x1B8D  }
0xb1: {  	s5 =	sshll.u32 @!p0 s5, $0x11;
	s7 =	sadd.s32 @!p0 $0x11B8D, s7;
	_ =	swait.eq @!p0 [sflag:s6], $0x1  }
0xb2: {  	s5 =	sor.u32 @!p0 s5, s7;
	[sflag:s6] =	ssyncadd.s32 @!p0 $0xFFFFFFFF  }
0xb3: {  	s25 =	simm.s32 $0x1B8E;
	s24 =	sld [smem:$0x3FFE];
	[sflag:s5] =	ssyncadd.remote.s32 @!p0 $0x1  }
0xb4: {  	s26 =	simm.s32 $execute0_lowered;
	[smem:$0x3FD2] =	sst s25  }
0xb5: {  	s6 =	sshll.u32 s26, $0x1;
	_ =	strace $0x80000049;
	[dreg:$0x1] =	wrdreg $0xFFFFFFFF  }
0xb6: {  	s28 =	simm.s32 $_size_execute0_lowered;
	s4 =	sadd.s32 s4, s6;
	[dreg:$0x0] =	wrdreg $0x0  }
0xb7: {  	s6 =	sshll.u32 s28, $0x1;
	[dreg:$0x2] =	wrdreg s4  }
0xb8: {  	[dreg:$0x3] =	wrdreg s6  }
0xb9: {  	[dreg:$0x4] =	wrdreg $0xC0  }
0xba: {  	_ =	task [dreg:s22], $0x5FFFF  }
0xbb: {  	[dreg:$0x1] =	wrdreg $0xFFFFFFFF  }
0xbc: {  	[dreg:$0x0] =	wrdreg $0x60  }
0xbd: {  	[dreg:$0x2] =	wrdreg s24  }
0xbe: {  	[dreg:$0x3] =	wrdreg s18  }
0xbf: {  	[dreg:$0x4] =	wrdreg $0x81000  }
0xc0: {  	[dreg:$0x5] =	wrdreg $0x9  }
0xc1: {  	_ =	task.clear_ibuf [dreg:s22], $0x6FFFF;
	_ =	strace $0x90000049  }
0xc2: {  	s29 =	simm.s32 $0x9;
	_ =	strace $0x8000004B  }
0xc3: {  	_ =	swait.ge [sflag:s29], $0x1  }
0xc4: {  	[sflag:s29] =	ssyncadd.s32 $0xFFFFFFFF  }
0xc5: {  	_ =	strace $0x9000004B  }
0xc6: {  	_ =	sfence  }
0xc7: {  	s30 =	sld [smem:$0x0];
	_ =	sdelay $0x2  }
0xc8: {  	s31 =	sshll.u32 s1, $0xD;
	s1 =	sshrl.u32 s1, $0x2  }
0xc9: {  	s4 =	sand.u32 $0x4000, s31;
	s1 =	sadd.s32 s1, s30  }
0xca: {  	s0 =	sor.u32 s4, s0;
	s1 =	sshll.u32 s1, $0x11  }
0xcb: {  	s0 =	sor.u32 s1, s0  }
0xcc: {  	s0 =	sadd.s32 $0x8F2B, s0  }
0xcd: {  	[sflag:s0] =	ssyncadd.remote.s32 $0x1  }
0xce: {  	_ =	sfence.sel $0xFFFF  }
0xcf: {  	[dreg:$0x0] =	wrdreg $0xFFFFFFFF;
	(pc) =	sbr.abs _section_cstart, $3  }
0xd0: {  	[dreg:$0x1] =	wrdreg $0xFFFFFFFF  }
0xd1: {  	_ =	task.clear_ibuf [dreg:s22], $0x2FFFF;
	_ =	strace $0x9FFFFFFF  }
0xd2: {  	(tm) =	ssettm $0x7FFFFFFF  }
0xd3: {  	_ =	shalt  }
tec
execute0_lowered:
.L_overlay_start_1:
0x0: {  	(tag) =	ssettag $0x1  }
0x1: {  	s4 =	rddreg [dreg:$0x0]  }
0x2: {  	s9 =	rddreg [dreg:$0x1]  }
0x3: {  	s2 =	rddreg [dreg:$0x2]  }
0x4: {  	s3 =	srdreg.scid;
	s0 =	rddreg [dreg:$0x3]  }
0x5: {  	s1 =	stileid.u32;
	s17 =	sand.u32 $0x1, s3;
	s3 =	simm.s32 $0x0  }
0x6: {  	s5 =	sshll.u32 s1, $0x9;
	s30 =	sshll.u32 s1, $0xC;
	s8 =	sshll.u32 s1, $0xF  }
0x7: {  	s19 =	sshll.u32 s1, $0x6;
	s6 =	sshll.u32 s17, $0x8;
	[smem:$0x7FF] =	sst s3  }
0x8: {  	s18 =	sadd.s32 s30, s4;
	s8 =	sadd.s32 s8, s2;
	s7 =	sor.u32 s6, s5  }
0x9: {  	_ =	strace $0x8000004A;
	s5 =	sshll.u32 s7, $0x4;
	s10 =	sshrl.u32 s7, $0x3  }
0xa: {  	s7 =	sshrl.u32 s8, $0x3;
	s8 =	simm.s32 $0x100;
	s29 =	sadd.s32 s5, s4  }
0xb: {  	s4 =	sadd.s32 $0x1A800, s18;
	s5 =	sor.u32 $0x1C01, s19;
	s6 =	sadd.s32 $0x2A800, s29  }
0xc: {  	[spmem:s7], [sflag:s5] =	dma.local [hbm:s4], $0x1000  }
0xd: {  	[tilespmem:s8], [sflag:$0x2] =	stream.linear.gather [hbm4b:s6+s3], $0x8000, $0x38;
	[tilespmem:$0x10100] =	vst v63  }
0xe: {  	s9 =	sadd.s32 s9, s10  }
0xf: {  	[tilespmem:s3], [sflag:$0x3] =	stream.linear.gather [hbm4b:s9+s3], $0x80, $0x38;
	[tilespmem:$0x10100] =	vst v63  }
0x10: {  	s11 =	simm.s32 $0x80;
	s12 =	simm.s32 $0x1;
	s10 =	sadd.s32 $0x10, s9  }
0x11: {  	[tilespmem:s11], [sflag:$0x3] =	stream.linear.gather [hbm4b:s10+s3], $0x80, $0x38;
	[tilespmem:$0x10100] =	vst v63  }
0x12: {  	_ =	swait.ge [sflag:s12], $0x1000  }
0x13: {  	[sflag:s12] =	ssyncset.done $0x0  }
0x14: {  	s13 =	simm.s32 $0x2;
	[sflag:s12] =	ssyncadd.s32 $0xFFFFF000  }
0x15: {  	_ =	swait.ge [sflag:s13], $0x8000  }
0x16: {  	[sflag:s13] =	ssyncset.done $0x0  }
0x17: {  	s14 =	simm.s32 $0x3;
	[sflag:s13] =	ssyncadd.s32 $0xFFFF8000  }
0x18: {  	_ =	swait.ge [sflag:s14], $0x80  }
0x19: {  	[sflag:s14] =	ssyncset.done $0x0  }
0x1a: {  	[sflag:s14] =	ssyncadd.s32 $0xFFFFFF80  }
0x1b: {  	_ =	swait.ge [sflag:s14], $0x80  }
0x1c: {  	[sflag:s14] =	ssyncset.done $0x0  }
0x1d: {  	[sflag:s14] =	ssyncadd.s32 $0xFFFFFF80  }
0x1e: {  	s15 =	simm.s32 $0x4;
	[bflag:$0x0] =	sbarrier.arrive $0xFFFF  }
0x1f: {  	[spmem:s2] =	stream.indirect.scatter.add.f32 [tilespmem:s8], [sflag:$0x4], $0x80, s3, s11, $0xb8;
	[tilespmem:$0x10100] =	vst v63  }
0x20: {  	s16 =	simm.s32 $0x4100;
	s20 =	ssub.s32 $0x2, s17;
	_ =	swait.ge [sflag:s15], $0x4000  }
0x21: {  	s17 =	sshll.u32 s17, $0x10;
	s31 =	sshrl.u32 s20, $0x1;
	[sflag:s15] =	ssyncset.done $0x0  }
0x22: {  	s17 =	sadd.s32 s17, s18;
	s18 =	ssub.s32 s20, s31;
	[sflag:s15] =	ssyncadd.s32 $0xFFFFC000  }
0x23: {  	[spmem:s2] =	stream.indirect.scatter.add.f32 [tilespmem:s16], [sflag:$0x4], $0x80, s11, s11, $0xb8;
	[tilespmem:$0x10100] =	vst v63  }
0x24: {  	s20 =	smax.u32 s18, $0x1;
	_ =	swait.ge [sflag:s15], $0x4000  }
0x25: {  	p0 =	sne.s32 s20, $0x1;
	[sflag:s15] =	ssyncset.done $0x0  }
.Ltmp0:
0x26: {  	[sflag:s15] =	ssyncadd.s32 $0xFFFFC000;
	(pc) =	sbr.rel @!p0 .LBB2_2-.Ltmp0, $4  }
0x27: {  	s17 =	sadd.s32 $0x6A800, s17;
	s18 =	sor.u32 $0x1C04, s19;
	[bflag:$0x0] =	sbarrier.arrive $0xFFFF  }
0x28: {  	[hbm:s17], [sflag:s18] =	dma.local [spmem:s7], $0x1000  }
0x29: {  	_ =	swait.ge [sflag:s15], $0x1000  }
0x2a: {  	s19 =	sadd.s32 $0xFFFFFFFF, s20;
	[sflag:s15] =	ssyncset.done $0x0  }
.LBB2_1:
0x2b: {  	p0 =	sne.s32 s19, $0x1;
	s19 =	sadd.s32 $0xFFFFFFFF, s19;
	[sflag:s15] =	ssyncadd.s32 $0xFFFFF000  }
0x2c: {  	[spmem:s7], [sflag:s5] =	dma.local [hbm:s4], $0x1000  }
0x2d: {  	[tilespmem:s8], [sflag:$0x2] =	stream.linear.gather [hbm4b:s6+s3], $0x8000, $0x38;
	[tilespmem:$0x10100] =	vst v63  }
0x2e: {  	_ = 	snop  }
0x2f: {  	[tilespmem:s3], [sflag:$0x3] =	stream.linear.gather [hbm4b:s9+s3], $0x80, $0x38;
	[tilespmem:$0x10100] =	vst v63  }
0x30: {  	_ = 	snop  }
0x31: {  	[tilespmem:s11], [sflag:$0x3] =	stream.linear.gather [hbm4b:s10+s3], $0x80, $0x38;
	[tilespmem:$0x10100] =	vst v63  }
0x32: {  	_ =	swait.ge [sflag:s12], $0x1000  }
0x33: {  	[sflag:s12] =	ssyncset.done $0x0  }
0x34: {  	[sflag:s12] =	ssyncadd.s32 $0xFFFFF000  }
0x35: {  	_ =	swait.ge [sflag:s13], $0x8000  }
0x36: {  	[sflag:s13] =	ssyncset.done $0x0  }
0x37: {  	[sflag:s13] =	ssyncadd.s32 $0xFFFF8000  }
0x38: {  	_ =	swait.ge [sflag:s14], $0x80  }
0x39: {  	[sflag:s14] =	ssyncset.done $0x0  }
0x3a: {  	[sflag:s14] =	ssyncadd.s32 $0xFFFFFF80  }
0x3b: {  	_ =	swait.ge [sflag:s14], $0x80  }
0x3c: {  	[sflag:s14] =	ssyncset.done $0x0  }
0x3d: {  	[sflag:s14] =	ssyncadd.s32 $0xFFFFFF80  }
0x3e: {  	[bflag:$0x0] =	sbarrier.arrive $0xFFFF  }
0x3f: {  	[spmem:s2] =	stream.indirect.scatter.add.f32 [tilespmem:s8], [sflag:$0x4], $0x80, s3, s11, $0xb8;
	[tilespmem:$0x10100] =	vst v63  }
0x40: {  	_ =	swait.ge [sflag:s15], $0x4000  }
0x41: {  	[sflag:s15] =	ssyncset.done $0x0  }
0x42: {  	[sflag:s15] =	ssyncadd.s32 $0xFFFFC000  }
0x43: {  	[spmem:s2] =	stream.indirect.scatter.add.f32 [tilespmem:s16], [sflag:$0x4], $0x80, s11, s11, $0xb8;
	[tilespmem:$0x10100] =	vst v63  }
0x44: {  	_ =	swait.ge [sflag:s15], $0x4000  }
0x45: {  	[sflag:s15] =	ssyncset.done $0x0  }
.Ltmp1:
0x46: {  	[sflag:s15] =	ssyncadd.s32 $0xFFFFC000;
	(pc) =	sbr.rel @p0 .LBB2_1-.Ltmp1, $4  }
0x47: {  	[bflag:$0x0] =	sbarrier.arrive $0xFFFF  }
0x48: {  	[hbm:s17], [sflag:s18] =	dma.local [spmem:s7], $0x1000  }
0x49: {  	_ =	swait.ge [sflag:s15], $0x1000  }
0x4a: {  	[sflag:s15] =	ssyncset.done $0x0  }
.LBB2_2:
0x4b: {  	[sflag:s15] =	ssyncadd.s32 $0xFFFFF000  }
0x4c: {  	_ =	sfence.sel $0x180000  }
0x4d: {  	[bflag:$0x0] =	sbarrier.arrive $0xFFFF  }
0x4e: {  	p0 =	sne.s32 s1, $0x0;
	_ =	strace $0x9000004A  }
0x4f: {  	s0 =	sadd.s32 @!p0 $0x100000, s0;
	[bflag:$0x2] =	sbarrier.arrive $0xFFFF  }
0x50: {  	[sflag:s0] =	ssyncadd.tile.s32 @!p0 $0x1;
	_ =	shalt  }
.Lfunc_end2:
_tile_overlayer_lowered:
.L_overlay_start_2:
0x51: {  	(tag) =	ssettag $0x2  }
0x52: {  	s0 =	rddreg [dreg:$0x0];
	s2 =	stileid.u32  }
0x53: {  	s1 =	rddreg [dreg:$0x1];
	p0 =	sne.s32 s2, $0x0  }
0x54: {  	s3 =	rddreg [dreg:$0x2];
	[bflag:$0x3] =	sbarrier.arrive $0xFFFF;
	s2 =	simm.s32 @!p0 $0x1C04  }
0x55: {  	[timem:s3], [sflag:s2] =	dma.local @!p0 [hbm:s0], s1  }
0x56: {  	s0 =	simm.s32 @!p0 $0x4  }
0x57: {  	_ =	swait.ge @!p0 [sflag:s0], s1  }
0x58: {  	s1 =	ssub.s32 @!p0 $0x0, s1;
	[sflag:s0] =	ssyncset.done @!p0 $0x0  }
0x59: {  	[sflag:s0] =	ssyncadd.s32 @!p0 s1  }
0x5a: {  	[bflag:$0x3] =	sbarrier.arrive $0xFFFF  }
0x5b: {  	_ =	shalt  }

// kernel: kernel.28.cloned.1.call-start
scs
__scs_entry_jumppad:
0x0: {  	(pc) =	sbr.rel $0x88, $3  }
0x1: {  	(tag) =	ssettag $0x0;
	lr =	simm.s32 $0x1  }
0x2: {  	[smem:$0x3F89] =	sst lr;
	_ =	strace $0xD0000000  }
0x3: {  	_ = 	snop  }
0x4: {  	_ = 	snop  }
0x5: {  	_ = 	snop  }
0x6: {  	_ = 	snop  }
0x7: {  	_ = 	snop  }
__scs_overlays_trampoline_lowered:
0x8: {  	[smem:$0x3F98] =	sst s0  }
0x9: {  	[smem:$0x3F99] =	sst s1  }
0xa: {  	[smem:$0x3F9A] =	sst s2  }
0xb: {  	[smem:$0x3F9B] =	sst s3  }
0xc: {  	[smem:$0x3F9C] =	sst s4  }
0xd: {  	[smem:$0x3F9D] =	sst s5  }
0xe: {  	[smem:$0x3F9E] =	sst s6  }
0xf: {  	[smem:$0x3F9F] =	sst s7  }
0x10: {  	[smem:$0x3FA0] =	sst s8  }
0x11: {  	[smem:$0x3FA1] =	sst s9;
	s0 =	simm.s32 @!p0 $0x0  }
0x12: {  	s1 =	sld [smem:$0x3F87];
	s0 =	simm.s32 @p0 $0x1  }
0x13: {  	[smem:$0x3FA2] =	sst s0;
	s0 =	simm.s32 @!p1 $0x0  }
0x14: {  	s2 =	sld [smem:$0x3F86];
	s0 =	simm.s32 @p1 $0x1  }
0x15: {  	[smem:$0x3FA3] =	sst s0;
	s0 =	simm.s32 @!p2 $0x0  }
0x16: {  	s3 =	sld [smem:$0x3FDB];
	s0 =	simm.s32 @p2 $0x1  }
0x17: {  	s4 =	simm.s32 $0x1BF5;
	[smem:$0x3FA5] =	sst s0  }
0x18: {  	s0 =	sld [smem:$0x3F88];
	_ =	swait.ge [sflag:s4], $0x0  }
0x19: {  	s7 =	sld [smem:$0x3F89]  }
0x1a: {  	s8 =	sadd.s32 $0xFFFFE003, lr  }
0x1b: {  	s9 =	sadd.s32 $0xFFFFFEF7, lr;
	s5 =	simm.s32 $0xFFFFFFFF;
	p2 =	slt.u32 s8, $0xFFFFF086  }
0x1c: {  	p1 =	slt.u32 s9, $0xF7A;
	s5 =	simm.s32 @!p2 $0x0  }
0x1d: {  	s5 =	simm.s32 @p1 $0x1;
	p0 =	seq.s32 s7, s2  }
0x1e: {  	s7 =	smul.u32 @!p0 $0xF7A, s2;
	p2 =	seq.s32 @!p0 s5, $0x0  }
0x1f: {  	s9 =	smul.u32 $0xF7A, s1;
	s8 =	simm.s32 @!p0 $0x1BF5;
	p2 =	por !p2, p0  }
0x20: {  	[sflag:s8] =	ssyncset.s32 @!p0 $0xFFFFF086;
	s6 =	sadd.s32 @!p0 s3, s7;
	s7 =	simm.s32 @!p0 $0x108  }
0x21: {  	s3 =	sadd.s32 s3, s9;
	s6 =	sadd.s32 @!p0 $0x88, s6;
	s7 =	simm.s32 @p2 $0x1082  }
0x22: {  	[simem:s7], [sflag:s8] =	dma.local @!p0 [hbm:s6], $0xF7A  }
0x23: {  	s9 =	sor.u32 $0xD0000000, s2;
	s6 =	simm.s32 $0x108;
	_ =	swait.ge @!p0 [sflag:s8], $0x0  }
0x24: {  	s3 =	sadd.s32 $0x88, s3;
	s6 =	simm.s32 @!p1 $0x1082;
	[sflag:s4] =	ssyncset.s32 $0xFFFFF086  }
0x25: {  	[simem:s6], [sflag:s4] =	dma.local [hbm:s3], $0xF7A  }
0x26: {  	[smem:$0x3F89] =	sst s1;
	(tag) =	ssettag s2;
	_ =	strace s9  }
0x27: {  	s1 =	sld [smem:$0x3F99]  }
0x28: {  	s2 =	sld [smem:$0x3F9A]  }
0x29: {  	s4 =	sld [smem:$0x3F9C]  }
0x2a: {  	p0 =	seq.s32 s5, $0x0;
	s5 =	sld [smem:$0x3F9D]  }
0x2b: {  	s6 =	sld [smem:$0x3F9E]  }
0x2c: {  	s7 =	sld [smem:$0x3F9F]  }
0x2d: {  	s3 =	simm.s32 $0x108;
	s8 =	sld [smem:$0x3FA0]  }
0x2e: {  	s3 =	simm.s32 @!p0 $0x1082;
	s9 =	sld [smem:$0x3FA1]  }
0x2f: {  	lr =	sadd.s32 s0, s3;
	s0 =	sld [smem:$0x3F98]  }
0x30: {  	s3 =	sld [smem:$0x3F9B]  }
0x31: {  	[smem:$0x3FA4] =	sst s10  }
0x32: {  	s10 =	sld [smem:$0x3FA2];
	_ =	sdelay $0x3  }
0x33: {  	p0 =	seq.s32 s10, $0x1;
	s10 =	sld [smem:$0x3FA4];
	_ =	sdelay $0x3  }
0x34: {  	[smem:$0x3FA4] =	sst s10  }
0x35: {  	s10 =	sld [smem:$0x3FA3];
	_ =	sdelay $0x3  }
0x36: {  	p1 =	seq.s32 s10, $0x1;
	s10 =	sld [smem:$0x3FA4];
	_ =	sdelay $0x3  }
0x37: {  	[smem:$0x3FA4] =	sst s10  }
0x38: {  	s10 =	sld [smem:$0x3FA5]  }
0x39: {  	_ = 	snop;
	(pc) =	sbr.ind lr, $3  }
0x3a: {  	_ = 	snop  }
0x3b: {  	_ = 	snop  }
0x3c: {  	p2 =	seq.s32 s10, $0x1;
	s10 =	sld [smem:$0x3FA4]  }
0x3d: {  	_ =	shalt  }
0x3e: {  	_ =	shalt  }
0x3f: {  	_ =	shalt  }
0x40: {  	_ =	shalt  }
0x41: {  	_ =	shalt  }
0x42: {  	_ =	shalt  }
0x43: {  	_ =	shalt  }
0x44: {  	_ =	shalt  }
0x45: {  	_ =	shalt  }
0x46: {  	_ =	shalt  }
0x47: {  	_ =	shalt  }
0x48: {  	_ =	shalt  }
0x49: {  	_ =	shalt  }
0x4a: {  	_ =	shalt  }
0x4b: {  	_ =	shalt  }
0x4c: {  	_ =	shalt  }
0x4d: {  	_ =	shalt  }
0x4e: {  	_ =	shalt  }
0x4f: {  	_ =	shalt  }
0x50: {  	_ =	shalt  }
0x51: {  	_ =	shalt  }
0x52: {  	_ =	shalt  }
0x53: {  	_ =	shalt  }
0x54: {  	_ =	shalt  }
0x55: {  	_ =	shalt  }
0x56: {  	_ =	shalt  }
0x57: {  	_ =	shalt  }
0x58: {  	_ =	shalt  }
0x59: {  	_ =	shalt  }
0x5a: {  	_ =	shalt  }
0x5b: {  	_ =	shalt  }
0x5c: {  	_ =	shalt  }
0x5d: {  	_ =	shalt  }
0x5e: {  	_ =	shalt  }
0x5f: {  	_ =	shalt  }
0x60: {  	_ =	shalt  }
0x61: {  	_ =	shalt  }
0x62: {  	_ =	shalt  }
0x63: {  	_ =	shalt  }
0x64: {  	_ =	shalt  }
0x65: {  	_ =	shalt  }
0x66: {  	_ =	shalt  }
0x67: {  	_ =	shalt  }
0x68: {  	_ =	shalt  }
0x69: {  	_ =	shalt  }
0x6a: {  	_ =	shalt  }
0x6b: {  	_ =	shalt  }
0x6c: {  	_ =	shalt  }
0x6d: {  	_ =	shalt  }
0x6e: {  	_ =	shalt  }
0x6f: {  	_ =	shalt  }
0x70: {  	_ =	shalt  }
0x71: {  	_ =	shalt  }
0x72: {  	_ =	shalt  }
0x73: {  	_ =	shalt  }
0x74: {  	_ =	shalt  }
0x75: {  	_ =	shalt  }
0x76: {  	_ =	shalt  }
0x77: {  	_ =	shalt  }
0x78: {  	_ =	shalt  }
0x79: {  	_ =	shalt  }
0x7a: {  	_ =	shalt  }
0x7b: {  	_ =	shalt  }
0x7c: {  	_ =	shalt  }
0x7d: {  	_ =	shalt  }
0x7e: {  	_ =	shalt  }
0x7f: {  	_ =	shalt  }
0x80: {  	_ =	shalt  }
0x81: {  	_ =	shalt  }
0x82: {  	_ =	shalt  }
0x83: {  	_ =	shalt  }
0x84: {  	_ =	shalt  }
0x85: {  	_ =	shalt  }
0x86: {  	_ =	shalt  }
0x87: {  	_ =	shalt  }
.Lfunc_end0:
.L_simem_size_0:
called_computation.1_lowered:
.L_overlay_start_0:
0x88: {  	s2 =	sld [smem:$0x3FD9]  }
0x89: {  	s3 =	sld [smem:$0x3FFE];
	_ =	sdelay $0x1  }
0x8a: {  	s1 =	srdreg.scid  }
0x8b: {  	s0 =	sand.u32 $0x1, s1  }
0x8c: {  	s16 =	sshll.u32 s0, $0xA;
	s2 =	sadd.s32 s3, s2  }
0x8d: {  	s2 =	sadd.s32 s2, s16  }
0x8e: {  	[smem:$0x3FB0] =	sst s2  }
0x8f: {  	_ = 	snop  }
0x90: {  	(tm) =	ssettm $0x1  }
0x91: {  	s17 =	sld [smem:$0x3FFB];
	_ =	sdelay $0x3  }
0x92: {  	_ =	strace s17  }
0x93: {  	s2 =	sld [smem:$0x3FFC];
	_ =	sdelay $0x3  }
0x94: {  	_ =	strace s2  }
0x95: {  	s2 =	sld [smem:$0x3FFD];
	_ =	sdelay $0x3  }
0x96: {  	_ =	strace s2  }
0x97: {  	_ =	strace $0x8FFFFFFF  }
0x98: {  	s18 =	sld [smem:$0x3FDB];
	_ =	sdelay $0x1  }
0x99: {  	s19 =	simm.s32 $_scs_section_size  }
0x9a: {  	s4 =	simm.s32 $_size__tile_overlayer_lowered;
	s5 =	simm.s32 $_tile_overlayer_lowered  }
0x9b: {  	s22 =	simm.s32 $0x1BFF;
	s21 =	sshll.u32 s5, $0x1;
	s2 =	sadd.s32 s19, s18  }
0x9c: {  	s6 =	simm.s32 $0x0;
	s20 =	sshll.u32 s4, $0x1;
	s4 =	sadd.s32 s21, s2  }
0x9d: {  	[timem:s6], [sflag:s22] =	dma.local [hbm:s4], s20  }
0x9e: {  	_ =	swait.ge [sflag:s22], s20  }
0x9f: {  	s3 =	ssub.s32 $0x0, s20;
	[sflag:s22] =	ssyncset.done $0x0  }
0xa0: {  	[sflag:s22] =	ssyncadd.s32 s3;
	_ =	sdelay $0x1  }
0xa1: {  	s23 =	simm.s32 $0x1B8B  }
0xa2: {  	_ =	swait.ge [sflag:s23], $0x1  }
0xa3: {  	[sflag:s23] =	ssyncset.done $0x0  }
0xa4: {  	s25 =	simm.s32 $0x1B8E;
	s24 =	sld [smem:$0x3FFE];
	[sflag:s23] =	ssyncadd.s32 $0xFFFFFFFF  }
0xa5: {  	s26 =	simm.s32 $execute0_lowered;
	[smem:$0x3FD2] =	sst s25  }
0xa6: {  	s4 =	sshll.u32 s26, $0x1;
	_ =	strace $0x80000046;
	[dreg:$0x1] =	wrdreg $0xFFFFFFFF  }
0xa7: {  	s28 =	simm.s32 $_size_execute0_lowered;
	s2 =	sadd.s32 s2, s4;
	[dreg:$0x0] =	wrdreg $0x0  }
0xa8: {  	s4 =	sshll.u32 s28, $0x1;
	[dreg:$0x2] =	wrdreg s2  }
0xa9: {  	[dreg:$0x3] =	wrdreg s4  }
0xaa: {  	[dreg:$0x4] =	wrdreg $0xC0  }
0xab: {  	_ =	task [dreg:s6], $0x5FFFF  }
0xac: {  	[dreg:$0x1] =	wrdreg $0xFFFFFFFF  }
0xad: {  	[dreg:$0x0] =	wrdreg $0x60  }
0xae: {  	[dreg:$0x2] =	wrdreg s24  }
0xaf: {  	[dreg:$0x3] =	wrdreg $0xA  }
0xb0: {  	_ =	task.clear_ibuf [dreg:s6], $0x4FFFF;
	_ =	strace $0x90000046  }
0xb1: {  	s29 =	simm.s32 $0xA;
	_ =	strace $0x80000048  }
0xb2: {  	_ =	swait.ge [sflag:s29], $0x1  }
0xb3: {  	[sflag:s29] =	ssyncadd.s32 $0xFFFFFFFF  }
0xb4: {  	_ =	strace $0x90000048  }
0xb5: {  	_ =	sfence  }
0xb6: {  	s30 =	sld [smem:$0x0];
	_ =	sdelay $0x2  }
0xb7: {  	s31 =	sshll.u32 s1, $0xD;
	s1 =	sshrl.u32 s1, $0x2  }
0xb8: {  	s3 =	sand.u32 $0x4000, s31;
	s1 =	sadd.s32 s1, s30  }
0xb9: {  	s0 =	sor.u32 s3, s0;
	s1 =	sshll.u32 s1, $0x11  }
0xba: {  	s0 =	sor.u32 s1, s0  }
0xbb: {  	s0 =	sadd.s32 $0x8F2B, s0  }
0xbc: {  	[sflag:s0] =	ssyncadd.remote.s32 $0x1  }
0xbd: {  	_ =	sfence.sel $0xFFFF  }
0xbe: {  	[dreg:$0x0] =	wrdreg $0xFFFFFFFF;
	(pc) =	sbr.abs _section_cstart, $3  }
0xbf: {  	[dreg:$0x1] =	wrdreg $0xFFFFFFFF  }
0xc0: {  	_ =	task.clear_ibuf [dreg:s6], $0x2FFFF;
	_ =	strace $0x9FFFFFFF  }
0xc1: {  	(tm) =	ssettm $0x7FFFFFFF  }
tec
execute0_lowered:
.L_overlay_start_1:
0x0: {  	(tag) =	ssettag $0x1  }
0x1: {  	s2 =	srdreg.scid  }
0x2: {  	s11 =	rddreg [dreg:$0x0];
	s1 =	stileid.u32;
	s12 =	sand.u32 $0x1, s2  }
0x3: {  	s0 =	rddreg [dreg:$0x1];
	s3 =	sshll.u32 s1, $0x9;
	s4 =	sshll.u32 s12, $0x8  }
0x4: {  	s2 =	simm.s32 $0x0;
	s26 =	sadd.s32 $0xA400, s11;
	s13 =	sor.u32 s4, s3  }
0x5: {  	[smem:$0x7FF] =	sst s2;
	s3 =	sshrl.u32 s13, $0x3;
	s14 =	sor.u32 $0x80, s13  }
0x6: {  	_ =	strace $0x80000047;
	s3 =	sadd.s32 s26, s3;
	s5 =	sshrl.u32 s14, $0x3  }
0x7: {  	[tilespmem:s2], [sflag:$0x1] =	stream.linear.gather [hbm4b:s3+s2], $0x80, $0x38;
	[tilespmem:$0x8100] =	vst v63  }
0x8: {  	s6 =	simm.s32 $0x1;
	s4 =	sadd.s32 s26, s5;
	s5 =	simm.s32 $0x80  }
0x9: {  	[tilespmem:s5], [sflag:$0x2] =	stream.linear.gather [hbm4b:s4+s2], $0x80, $0x38;
	[tilespmem:$0x8100] =	vst v63  }
0xa: {  	_ =	swait.ge [sflag:s6], $0x80  }
0xb: {  	s9 =	simm.s32 $0x100;
	[sflag:s6] =	ssyncset.done $0x0  }
0xc: {  	s8 =	simm.s32 $0x2;
	s7 =	sadd.s32 $0xA800, s11;
	[sflag:s6] =	ssyncadd.s32 $0xFFFFFF80  }
0xd: {  	[tilespmem:s9], [sflag:$0x1] =	stream.indirect.gather [hbm4b:s7+s5], $0x80, s2, s5, $0xb8;
	[tilespmem:$0x8100] =	vst v63  }
0xe: {  	_ =	swait.ge [sflag:s8], $0x80  }
0xf: {  	[sflag:s8] =	ssyncset.done $0x0  }
0x10: {  	s10 =	simm.s32 $0x4100;
	[sflag:s8] =	ssyncadd.s32 $0xFFFFFF80  }
0x11: {  	[tilespmem:s10], [sflag:$0x2] =	stream.indirect.gather [hbm4b:s7+s5], $0x80, s5, s5, $0xb8;
	[tilespmem:$0x8100] =	vst v63  }
0x12: {  	s15 =	sadd.s32 $0x4A800, s11;
	_ =	swait.ge [sflag:s6], $0x4000  }
0x13: {  	s30 =	ssub.s32 $0x2, s12;
	s28 =	sshll.u32 s13, $0x4;
	[sflag:s6] =	ssyncset.done $0x0  }
0x14: {  	s31 =	sshrl.u32 s30, $0x1;
	s11 =	sadd.s32 s15, s28;
	[sflag:s6] =	ssyncadd.s32 $0xFFFFC000  }
0x15: {  	[hbm4b:s11+s2] =	stream.linear.scatter [tilespmem:s9], [sflag:$0x1], $0x4000, $0x38;
	[tilespmem:$0x8100] =	vst v63  }
0x16: {  	s13 =	ssub.s32 s30, s31;
	_ =	swait.ge [sflag:s8], $0x4000  }
0x17: {  	s29 =	sshll.u32 s14, $0x4;
	s13 =	smax.u32 s13, $0x1;
	[sflag:s8] =	ssyncset.done $0x0  }
0x18: {  	s12 =	sadd.s32 s15, s29;
	p0 =	sne.s32 s13, $0x1;
	[sflag:s8] =	ssyncadd.s32 $0xFFFFC000  }
0x19: {  	[hbm4b:s12+s2] =	stream.linear.scatter [tilespmem:s10], [sflag:$0x2], $0x4000, $0x38;
	[tilespmem:$0x8100] =	vst v63  }
.Ltmp0:
0x1a: {  	_ =	swait.ge [sflag:s6], $0x4000;
	(pc) =	sbr.rel @!p0 .LBB2_2-.Ltmp0, $4  }
0x1b: {  	[sflag:s6] =	ssyncset.done $0x0  }
0x1c: {  	[sflag:s6] =	ssyncadd.s32 $0xFFFFC000  }
0x1d: {  	_ =	swait.ge [sflag:s8], $0x4000  }
0x1e: {  	s13 =	sadd.s32 $0xFFFFFFFF, s13;
	[sflag:s8] =	ssyncset.done $0x0  }
.LBB2_1:
0x1f: {  	p0 =	sne.s32 s13, $0x1;
	s13 =	sadd.s32 $0xFFFFFFFF, s13;
	[sflag:s8] =	ssyncadd.s32 $0xFFFFC000  }
0x20: {  	[tilespmem:s2], [sflag:$0x1] =	stream.linear.gather [hbm4b:s3+s2], $0x80, $0x38;
	[tilespmem:$0x8100] =	vst v63  }
0x21: {  	_ = 	snop  }
0x22: {  	[tilespmem:s5], [sflag:$0x2] =	stream.linear.gather [hbm4b:s4+s2], $0x80, $0x38;
	[tilespmem:$0x8100] =	vst v63  }
0x23: {  	_ =	swait.ge [sflag:s6], $0x80  }
0x24: {  	[sflag:s6] =	ssyncset.done $0x0  }
0x25: {  	[sflag:s6] =	ssyncadd.s32 $0xFFFFFF80  }
0x26: {  	[tilespmem:s9], [sflag:$0x1] =	stream.indirect.gather [hbm4b:s7+s5], $0x80, s2, s5, $0xb8;
	[tilespmem:$0x8100] =	vst v63  }
0x27: {  	_ =	swait.ge [sflag:s8], $0x80  }
0x28: {  	[sflag:s8] =	ssyncset.done $0x0  }
0x29: {  	[sflag:s8] =	ssyncadd.s32 $0xFFFFFF80  }
0x2a: {  	[tilespmem:s10], [sflag:$0x2] =	stream.indirect.gather [hbm4b:s7+s5], $0x80, s5, s5, $0xb8;
	[tilespmem:$0x8100] =	vst v63  }
0x2b: {  	_ =	swait.ge [sflag:s6], $0x4000  }
0x2c: {  	[sflag:s6] =	ssyncset.done $0x0  }
0x2d: {  	[sflag:s6] =	ssyncadd.s32 $0xFFFFC000  }
0x2e: {  	[hbm4b:s11+s2] =	stream.linear.scatter [tilespmem:s9], [sflag:$0x1], $0x4000, $0x38;
	[tilespmem:$0x8100] =	vst v63  }
0x2f: {  	_ =	swait.ge [sflag:s8], $0x4000  }
0x30: {  	[sflag:s8] =	ssyncset.done $0x0  }
0x31: {  	[sflag:s8] =	ssyncadd.s32 $0xFFFFC000  }
0x32: {  	[hbm4b:s12+s2] =	stream.linear.scatter [tilespmem:s10], [sflag:$0x2], $0x4000, $0x38;
	[tilespmem:$0x8100] =	vst v63  }
.Ltmp1:
0x33: {  	_ =	swait.ge [sflag:s6], $0x4000;
	(pc) =	sbr.rel @p0 .LBB2_1-.Ltmp1, $4  }
0x34: {  	[sflag:s6] =	ssyncset.done $0x0  }
0x35: {  	[sflag:s6] =	ssyncadd.s32 $0xFFFFC000  }
0x36: {  	_ =	swait.ge [sflag:s8], $0x4000  }
0x37: {  	[sflag:s8] =	ssyncset.done $0x0  }
.LBB2_2:
0x38: {  	[sflag:s8] =	ssyncadd.s32 $0xFFFFC000  }
0x39: {  	_ =	sfence.sel $0x180000  }
0x3a: {  	[bflag:$0x0] =	sbarrier.arrive $0xFFFF  }
0x3b: {  	p0 =	sne.s32 s1, $0x0;
	_ =	strace $0x90000047  }
0x3c: {  	s0 =	sadd.s32 @!p0 $0x100000, s0;
	[bflag:$0x2] =	sbarrier.arrive $0xFFFF  }
0x3d: {  	[sflag:s0] =	ssyncadd.tile.s32 @!p0 $0x1;
	_ =	shalt  }
.Lfunc_end2:
_tile_overlayer_lowered:
.L_overlay_start_2:
0x3e: {  	(tag) =	ssettag $0x2  }
0x3f: {  	s0 =	rddreg [dreg:$0x0];
	s2 =	stileid.u32  }
0x40: {  	s1 =	rddreg [dreg:$0x1];
	p0 =	sne.s32 s2, $0x0  }
0x41: {  	s3 =	rddreg [dreg:$0x2];
	[bflag:$0x3] =	sbarrier.arrive $0xFFFF;
	s2 =	simm.s32 @!p0 $0x1C03  }
0x42: {  	[timem:s3], [sflag:s2] =	dma.local @!p0 [hbm:s0], s1  }
0x43: {  	s0 =	simm.s32 @!p0 $0x3  }
0x44: {  	_ =	swait.ge @!p0 [sflag:s0], s1  }
0x45: {  	s1 =	ssub.s32 @!p0 $0x0, s1;
	[sflag:s0] =	ssyncset.done @!p0 $0x0  }
0x46: {  	[sflag:s0] =	ssyncadd.s32 @!p0 s1  }
0x47: {  	[bflag:$0x3] =	sbarrier.arrive $0xFFFF  }
0x48: {  	_ =	shalt  }

// kernel: kernel.31.cloned.1.call-start
scs
__scs_entry_jumppad:
0x0: {  	(pc) =	sbr.rel $0x88, $3  }
0x1: {  	(tag) =	ssettag $0x0;
	lr =	simm.s32 $0x1  }
0x2: {  	[smem:$0x3F89] =	sst lr;
	_ =	strace $0xD0000000  }
0x3: {  	_ = 	snop  }
0x4: {  	_ = 	snop  }
0x5: {  	_ = 	snop  }
0x6: {  	_ = 	snop  }
0x7: {  	_ = 	snop  }
__scs_overlays_trampoline_lowered:
0x8: {  	[smem:$0x3F98] =	sst s0  }
0x9: {  	[smem:$0x3F99] =	sst s1  }
0xa: {  	[smem:$0x3F9A] =	sst s2  }
0xb: {  	[smem:$0x3F9B] =	sst s3  }
0xc: {  	[smem:$0x3F9C] =	sst s4  }
0xd: {  	[smem:$0x3F9D] =	sst s5  }
0xe: {  	[smem:$0x3F9E] =	sst s6  }
0xf: {  	[smem:$0x3F9F] =	sst s7  }
0x10: {  	[smem:$0x3FA0] =	sst s8  }
0x11: {  	[smem:$0x3FA1] =	sst s9;
	s0 =	simm.s32 @!p0 $0x0  }
0x12: {  	s1 =	sld [smem:$0x3F87];
	s0 =	simm.s32 @p0 $0x1  }
0x13: {  	[smem:$0x3FA2] =	sst s0;
	s0 =	simm.s32 @!p1 $0x0  }
0x14: {  	s2 =	sld [smem:$0x3F86];
	s0 =	simm.s32 @p1 $0x1  }
0x15: {  	[smem:$0x3FA3] =	sst s0;
	s0 =	simm.s32 @!p2 $0x0  }
0x16: {  	s3 =	sld [smem:$0x3FDB];
	s0 =	simm.s32 @p2 $0x1  }
0x17: {  	s4 =	simm.s32 $0x1BF5;
	[smem:$0x3FA5] =	sst s0  }
0x18: {  	s0 =	sld [smem:$0x3F88];
	_ =	swait.ge [sflag:s4], $0x0  }
0x19: {  	s7 =	sld [smem:$0x3F89]  }
0x1a: {  	s8 =	sadd.s32 $0xFFFFE003, lr  }
0x1b: {  	s9 =	sadd.s32 $0xFFFFFEF7, lr;
	s5 =	simm.s32 $0xFFFFFFFF;
	p2 =	slt.u32 s8, $0xFFFFF086  }
0x1c: {  	p1 =	slt.u32 s9, $0xF7A;
	s5 =	simm.s32 @!p2 $0x0  }
0x1d: {  	s5 =	simm.s32 @p1 $0x1;
	p0 =	seq.s32 s7, s2  }
0x1e: {  	s7 =	smul.u32 @!p0 $0xF7A, s2;
	p2 =	seq.s32 @!p0 s5, $0x0  }
0x1f: {  	s9 =	smul.u32 $0xF7A, s1;
	s8 =	simm.s32 @!p0 $0x1BF5;
	p2 =	por !p2, p0  }
0x20: {  	[sflag:s8] =	ssyncset.s32 @!p0 $0xFFFFF086;
	s6 =	sadd.s32 @!p0 s3, s7;
	s7 =	simm.s32 @!p0 $0x108  }
0x21: {  	s3 =	sadd.s32 s3, s9;
	s6 =	sadd.s32 @!p0 $0x88, s6;
	s7 =	simm.s32 @p2 $0x1082  }
0x22: {  	[simem:s7], [sflag:s8] =	dma.local @!p0 [hbm:s6], $0xF7A  }
0x23: {  	s9 =	sor.u32 $0xD0000000, s2;
	s6 =	simm.s32 $0x108;
	_ =	swait.ge @!p0 [sflag:s8], $0x0  }
0x24: {  	s3 =	sadd.s32 $0x88, s3;
	s6 =	simm.s32 @!p1 $0x1082;
	[sflag:s4] =	ssyncset.s32 $0xFFFFF086  }
0x25: {  	[simem:s6], [sflag:s4] =	dma.local [hbm:s3], $0xF7A  }
0x26: {  	[smem:$0x3F89] =	sst s1;
	(tag) =	ssettag s2;
	_ =	strace s9  }
0x27: {  	s1 =	sld [smem:$0x3F99]  }
0x28: {  	s2 =	sld [smem:$0x3F9A]  }
0x29: {  	s4 =	sld [smem:$0x3F9C]  }
0x2a: {  	p0 =	seq.s32 s5, $0x0;
	s5 =	sld [smem:$0x3F9D]  }
0x2b: {  	s6 =	sld [smem:$0x3F9E]  }
0x2c: {  	s7 =	sld [smem:$0x3F9F]  }
0x2d: {  	s3 =	simm.s32 $0x108;
	s8 =	sld [smem:$0x3FA0]  }
0x2e: {  	s3 =	simm.s32 @!p0 $0x1082;
	s9 =	sld [smem:$0x3FA1]  }
0x2f: {  	lr =	sadd.s32 s0, s3;
	s0 =	sld [smem:$0x3F98]  }
0x30: {  	s3 =	sld [smem:$0x3F9B]  }
0x31: {  	[smem:$0x3FA4] =	sst s10  }
0x32: {  	s10 =	sld [smem:$0x3FA2];
	_ =	sdelay $0x3  }
0x33: {  	p0 =	seq.s32 s10, $0x1;
	s10 =	sld [smem:$0x3FA4];
	_ =	sdelay $0x3  }
0x34: {  	[smem:$0x3FA4] =	sst s10  }
0x35: {  	s10 =	sld [smem:$0x3FA3];
	_ =	sdelay $0x3  }
0x36: {  	p1 =	seq.s32 s10, $0x1;
	s10 =	sld [smem:$0x3FA4];
	_ =	sdelay $0x3  }
0x37: {  	[smem:$0x3FA4] =	sst s10  }
0x38: {  	s10 =	sld [smem:$0x3FA5]  }
0x39: {  	_ = 	snop;
	(pc) =	sbr.ind lr, $3  }
0x3a: {  	_ = 	snop  }
0x3b: {  	_ = 	snop  }
0x3c: {  	p2 =	seq.s32 s10, $0x1;
	s10 =	sld [smem:$0x3FA4]  }
0x3d: {  	_ =	shalt  }
0x3e: {  	_ =	shalt  }
0x3f: {  	_ =	shalt  }
0x40: {  	_ =	shalt  }
0x41: {  	_ =	shalt  }
0x42: {  	_ =	shalt  }
0x43: {  	_ =	shalt  }
0x44: {  	_ =	shalt  }
0x45: {  	_ =	shalt  }
0x46: {  	_ =	shalt  }
0x47: {  	_ =	shalt  }
0x48: {  	_ =	shalt  }
0x49: {  	_ =	shalt  }
0x4a: {  	_ =	shalt  }
0x4b: {  	_ =	shalt  }
0x4c: {  	_ =	shalt  }
0x4d: {  	_ =	shalt  }
0x4e: {  	_ =	shalt  }
0x4f: {  	_ =	shalt  }
0x50: {  	_ =	shalt  }
0x51: {  	_ =	shalt  }
0x52: {  	_ =	shalt  }
0x53: {  	_ =	shalt  }
0x54: {  	_ =	shalt  }
0x55: {  	_ =	shalt  }
0x56: {  	_ =	shalt  }
0x57: {  	_ =	shalt  }
0x58: {  	_ =	shalt  }
0x59: {  	_ =	shalt  }
0x5a: {  	_ =	shalt  }
0x5b: {  	_ =	shalt  }
0x5c: {  	_ =	shalt  }
0x5d: {  	_ =	shalt  }
0x5e: {  	_ =	shalt  }
0x5f: {  	_ =	shalt  }
0x60: {  	_ =	shalt  }
0x61: {  	_ =	shalt  }
0x62: {  	_ =	shalt  }
0x63: {  	_ =	shalt  }
0x64: {  	_ =	shalt  }
0x65: {  	_ =	shalt  }
0x66: {  	_ =	shalt  }
0x67: {  	_ =	shalt  }
0x68: {  	_ =	shalt  }
0x69: {  	_ =	shalt  }
0x6a: {  	_ =	shalt  }
0x6b: {  	_ =	shalt  }
0x6c: {  	_ =	shalt  }
0x6d: {  	_ =	shalt  }
0x6e: {  	_ =	shalt  }
0x6f: {  	_ =	shalt  }
0x70: {  	_ =	shalt  }
0x71: {  	_ =	shalt  }
0x72: {  	_ =	shalt  }
0x73: {  	_ =	shalt  }
0x74: {  	_ =	shalt  }
0x75: {  	_ =	shalt  }
0x76: {  	_ =	shalt  }
0x77: {  	_ =	shalt  }
0x78: {  	_ =	shalt  }
0x79: {  	_ =	shalt  }
0x7a: {  	_ =	shalt  }
0x7b: {  	_ =	shalt  }
0x7c: {  	_ =	shalt  }
0x7d: {  	_ =	shalt  }
0x7e: {  	_ =	shalt  }
0x7f: {  	_ =	shalt  }
0x80: {  	_ =	shalt  }
0x81: {  	_ =	shalt  }
0x82: {  	_ =	shalt  }
0x83: {  	_ =	shalt  }
0x84: {  	_ =	shalt  }
0x85: {  	_ =	shalt  }
0x86: {  	_ =	shalt  }
0x87: {  	_ =	shalt  }
.Lfunc_end0:
.L_simem_size_0:
called_computation.2_lowered:
.L_overlay_start_0:
0x88: {  	s2 =	sld [smem:$0x3FD9]  }
0x89: {  	s3 =	sld [smem:$0x3FFE];
	_ =	sdelay $0x1  }
0x8a: {  	s1 =	srdreg.scid  }
0x8b: {  	s0 =	sand.u32 $0x1, s1  }
0x8c: {  	s17 =	sshll.u32 s0, $0xA;
	s2 =	sadd.s32 s3, s2  }
0x8d: {  	s2 =	sadd.s32 s2, s17  }
0x8e: {  	[smem:$0x3FB0] =	sst s2  }
0x8f: {  	_ = 	snop  }
0x90: {  	s18 =	sld [smem:$0x3FD0];
	(tm) =	ssettm $0x1  }
0x91: {  	s19 =	sld [smem:$0x3FFB];
	_ =	sdelay $0x3  }
0x92: {  	_ =	strace s19  }
0x93: {  	s2 =	sld [smem:$0x3FFC];
	_ =	sdelay $0x3  }
0x94: {  	_ =	strace s2  }
0x95: {  	s2 =	sld [smem:$0x3FFD];
	_ =	sdelay $0x3  }
0x96: {  	_ =	strace s2  }
0x97: {  	_ =	strace $0x8FFFFFFF  }
0x98: {  	s20 =	sld [smem:$0x3FDB];
	_ =	sdelay $0x1  }
0x99: {  	s4 =	simm.s32 $_scs_section_size  }
0x9a: {  	s5 =	simm.s32 $_size__tile_overlayer_lowered;
	s6 =	simm.s32 $_tile_overlayer_lowered  }
0x9b: {  	s7 =	simm.s32 $0x1BFF;
	s21 =	sshll.u32 s6, $0x1;
	s4 =	sadd.s32 s4, s20  }
0x9c: {  	s22 =	simm.s32 $0x0;
	s5 =	sshll.u32 s5, $0x1;
	s6 =	sadd.s32 s21, s4  }
0x9d: {  	[timem:s22], [sflag:s7] =	dma.local [hbm:s6], s5  }
0x9e: {  	_ =	swait.ge [sflag:s7], s5  }
0x9f: {  	s5 =	ssub.s32 $0x0, s5;
	[sflag:s7] =	ssyncset.done $0x0  }
0xa0: {  	[sflag:s7] =	ssyncadd.s32 s5;
	_ =	sdelay $0x1  }
0xa1: {  	s23 =	simm.s32 $0x1B8B  }
0xa2: {  	_ =	swait.ge [sflag:s23], $0x1  }
0xa3: {  	[sflag:s23] =	ssyncset.done $0x0  }
0xa4: {  	[sflag:s23] =	ssyncadd.s32 $0xFFFFFFFF  }
0xa5: {  	s5 =	sld [smem:$0x0]  }
0xa6: {  	s6 =	sand.u32 $0xFFFFFFFE, s1  }
0xa7: {  	p0 =	sne.s32 s1, s6  }
0xa8: {  	s6 =	sshll.u32 @p0 s6, $0xE  }
0xa9: {  	s6 =	sadd.s32 @p0 $0x11B8D, s6;
	s7 =	sshll.u32 @p0 s5, $0x11  }
0xaa: {  	s6 =	sor.u32 @p0 s7, s6  }
0xab: {  	[sflag:s6] =	ssyncadd.remote.s32 @p0 $0x1;
	_ =	sdelay $0x1  }
0xac: {  	s6 =	simm.s32 @p0 $0x1B8D  }
0xad: {  	_ =	swait.eq @p0 [sflag:s6], $0x1  }
0xae: {  	[sflag:s6] =	ssyncadd.s32 @p0 $0xFFFFFFFF  }
0xaf: {  	s7 =	sshll.u32 @!p0 s1, $0xE  }
0xb0: {  	s7 =	sor.u32 @!p0 $0x4000, s7;
	s6 =	simm.s32 @!p0 $0x1B8D  }
0xb1: {  	s5 =	sshll.u32 @!p0 s5, $0x11;
	s7 =	sadd.s32 @!p0 $0x11B8D, s7;
	_ =	swait.eq @!p0 [sflag:s6], $0x1  }
0xb2: {  	s5 =	sor.u32 @!p0 s5, s7;
	[sflag:s6] =	ssyncadd.s32 @!p0 $0xFFFFFFFF  }
0xb3: {  	s25 =	simm.s32 $0x1B8E;
	s24 =	sld [smem:$0x3FFE];
	[sflag:s5] =	ssyncadd.remote.s32 @!p0 $0x1  }
0xb4: {  	s26 =	simm.s32 $execute0_lowered;
	[smem:$0x3FD2] =	sst s25  }
0xb5: {  	s6 =	sshll.u32 s26, $0x1;
	_ =	strace $0x8000004C;
	[dreg:$0x1] =	wrdreg $0xFFFFFFFF  }
0xb6: {  	s28 =	simm.s32 $_size_execute0_lowered;
	s4 =	sadd.s32 s4, s6;
	[dreg:$0x0] =	wrdreg $0x0  }
0xb7: {  	s6 =	sshll.u32 s28, $0x1;
	[dreg:$0x2] =	wrdreg s4  }
0xb8: {  	[dreg:$0x3] =	wrdreg s6  }
0xb9: {  	[dreg:$0x4] =	wrdreg $0xC0  }
0xba: {  	_ =	task [dreg:s22], $0x5FFFF  }
0xbb: {  	[dreg:$0x1] =	wrdreg $0xFFFFFFFF  }
0xbc: {  	[dreg:$0x0] =	wrdreg $0x60  }
0xbd: {  	[dreg:$0x2] =	wrdreg s24  }
0xbe: {  	[dreg:$0x3] =	wrdreg s18  }
0xbf: {  	[dreg:$0x4] =	wrdreg $0x81000  }
0xc0: {  	[dreg:$0x5] =	wrdreg $0xA  }
0xc1: {  	_ =	task.clear_ibuf [dreg:s22], $0x6FFFF;
	_ =	strace $0x9000004C  }
0xc2: {  	s29 =	simm.s32 $0xA;
	_ =	strace $0x8000004E  }
0xc3: {  	_ =	swait.ge [sflag:s29], $0x1  }
0xc4: {  	[sflag:s29] =	ssyncadd.s32 $0xFFFFFFFF  }
0xc5: {  	_ =	strace $0x9000004E  }
0xc6: {  	_ =	sfence  }
0xc7: {  	s30 =	sld [smem:$0x0];
	_ =	sdelay $0x2  }
0xc8: {  	s31 =	sshll.u32 s1, $0xD;
	s1 =	sshrl.u32 s1, $0x2  }
0xc9: {  	s4 =	sand.u32 $0x4000, s31;
	s1 =	sadd.s32 s1, s30  }
0xca: {  	s0 =	sor.u32 s4, s0;
	s1 =	sshll.u32 s1, $0x11  }
0xcb: {  	s0 =	sor.u32 s1, s0  }
0xcc: {  	s0 =	sadd.s32 $0x8F2B, s0  }
0xcd: {  	[sflag:s0] =	ssyncadd.remote.s32 $0x1  }
0xce: {  	_ =	sfence.sel $0xFFFF  }
0xcf: {  	[dreg:$0x0] =	wrdreg $0xFFFFFFFF;
	(pc) =	sbr.abs _section_cstart, $3  }
0xd0: {  	[dreg:$0x1] =	wrdreg $0xFFFFFFFF  }
0xd1: {  	_ =	task.clear_ibuf [dreg:s22], $0x2FFFF;
	_ =	strace $0x9FFFFFFF  }
0xd2: {  	(tm) =	ssettm $0x7FFFFFFF  }
0xd3: {  	_ =	shalt  }
tec
execute0_lowered:
.L_overlay_start_1:
0x0: {  	(tag) =	ssettag $0x1  }
0x1: {  	s4 =	rddreg [dreg:$0x0]  }
0x2: {  	s9 =	rddreg [dreg:$0x1]  }
0x3: {  	s2 =	rddreg [dreg:$0x2]  }
0x4: {  	s3 =	srdreg.scid;
	s0 =	rddreg [dreg:$0x3]  }
0x5: {  	s1 =	stileid.u32;
	s17 =	sand.u32 $0x1, s3;
	s3 =	simm.s32 $0x0  }
0x6: {  	s5 =	sshll.u32 s1, $0x9;
	s30 =	sshll.u32 s1, $0xC;
	s8 =	sshll.u32 s1, $0xF  }
0x7: {  	s19 =	sshll.u32 s1, $0x6;
	s6 =	sshll.u32 s17, $0x8;
	[smem:$0x7FF] =	sst s3  }
0x8: {  	s18 =	sadd.s32 s30, s4;
	s8 =	sadd.s32 s8, s2;
	s7 =	sor.u32 s6, s5  }
0x9: {  	_ =	strace $0x8000004D;
	s5 =	sshll.u32 s7, $0x4;
	s10 =	sshrl.u32 s7, $0x3  }
0xa: {  	s7 =	sshrl.u32 s8, $0x3;
	s8 =	simm.s32 $0x100;
	s29 =	sadd.s32 s5, s4  }
0xb: {  	s4 =	sadd.s32 $0x1A800, s18;
	s5 =	sor.u32 $0x1C01, s19;
	s6 =	sadd.s32 $0x4A800, s29  }
0xc: {  	[spmem:s7], [sflag:s5] =	dma.local [hbm:s4], $0x1000  }
0xd: {  	[tilespmem:s8], [sflag:$0x2] =	stream.linear.gather [hbm4b:s6+s3], $0x8000, $0x38;
	[tilespmem:$0x10100] =	vst v63  }
0xe: {  	s9 =	sadd.s32 s9, s10  }
0xf: {  	[tilespmem:s3], [sflag:$0x3] =	stream.linear.gather [hbm4b:s9+s3], $0x80, $0x38;
	[tilespmem:$0x10100] =	vst v63  }
0x10: {  	s11 =	simm.s32 $0x80;
	s12 =	simm.s32 $0x1;
	s10 =	sadd.s32 $0x10, s9  }
0x11: {  	[tilespmem:s11], [sflag:$0x3] =	stream.linear.gather [hbm4b:s10+s3], $0x80, $0x38;
	[tilespmem:$0x10100] =	vst v63  }
0x12: {  	_ =	swait.ge [sflag:s12], $0x1000  }
0x13: {  	[sflag:s12] =	ssyncset.done $0x0  }
0x14: {  	s13 =	simm.s32 $0x2;
	[sflag:s12] =	ssyncadd.s32 $0xFFFFF000  }
0x15: {  	_ =	swait.ge [sflag:s13], $0x8000  }
0x16: {  	[sflag:s13] =	ssyncset.done $0x0  }
0x17: {  	s14 =	simm.s32 $0x3;
	[sflag:s13] =	ssyncadd.s32 $0xFFFF8000  }
0x18: {  	_ =	swait.ge [sflag:s14], $0x80  }
0x19: {  	[sflag:s14] =	ssyncset.done $0x0  }
0x1a: {  	[sflag:s14] =	ssyncadd.s32 $0xFFFFFF80  }
0x1b: {  	_ =	swait.ge [sflag:s14], $0x80  }
0x1c: {  	[sflag:s14] =	ssyncset.done $0x0  }
0x1d: {  	[sflag:s14] =	ssyncadd.s32 $0xFFFFFF80  }
0x1e: {  	s15 =	simm.s32 $0x4;
	[bflag:$0x0] =	sbarrier.arrive $0xFFFF  }
0x1f: {  	[spmem:s2] =	stream.indirect.scatter.add.f32 [tilespmem:s8], [sflag:$0x4], $0x80, s3, s11, $0xb8;
	[tilespmem:$0x10100] =	vst v63  }
0x20: {  	s16 =	simm.s32 $0x4100;
	s20 =	ssub.s32 $0x2, s17;
	_ =	swait.ge [sflag:s15], $0x4000  }
0x21: {  	s17 =	sshll.u32 s17, $0x10;
	s31 =	sshrl.u32 s20, $0x1;
	[sflag:s15] =	ssyncset.done $0x0  }
0x22: {  	s17 =	sadd.s32 s17, s18;
	s18 =	ssub.s32 s20, s31;
	[sflag:s15] =	ssyncadd.s32 $0xFFFFC000  }
0x23: {  	[spmem:s2] =	stream.indirect.scatter.add.f32 [tilespmem:s16], [sflag:$0x4], $0x80, s11, s11, $0xb8;
	[tilespmem:$0x10100] =	vst v63  }
0x24: {  	s20 =	smax.u32 s18, $0x1;
	_ =	swait.ge [sflag:s15], $0x4000  }
0x25: {  	p0 =	sne.s32 s20, $0x1;
	[sflag:s15] =	ssyncset.done $0x0  }
.Ltmp0:
0x26: {  	[sflag:s15] =	ssyncadd.s32 $0xFFFFC000;
	(pc) =	sbr.rel @!p0 .LBB2_2-.Ltmp0, $4  }
0x27: {  	s17 =	sadd.s32 $0x8A800, s17;
	s18 =	sor.u32 $0x1C04, s19;
	[bflag:$0x0] =	sbarrier.arrive $0xFFFF  }
0x28: {  	[hbm:s17], [sflag:s18] =	dma.local [spmem:s7], $0x1000  }
0x29: {  	_ =	swait.ge [sflag:s15], $0x1000  }
0x2a: {  	s19 =	sadd.s32 $0xFFFFFFFF, s20;
	[sflag:s15] =	ssyncset.done $0x0  }
.LBB2_1:
0x2b: {  	p0 =	sne.s32 s19, $0x1;
	s19 =	sadd.s32 $0xFFFFFFFF, s19;
	[sflag:s15] =	ssyncadd.s32 $0xFFFFF000  }
0x2c: {  	[spmem:s7], [sflag:s5] =	dma.local [hbm:s4], $0x1000  }
0x2d: {  	[tilespmem:s8], [sflag:$0x2] =	stream.linear.gather [hbm4b:s6+s3], $0x8000, $0x38;
	[tilespmem:$0x10100] =	vst v63  }
0x2e: {  	_ = 	snop  }
0x2f: {  	[tilespmem:s3], [sflag:$0x3] =	stream.linear.gather [hbm4b:s9+s3], $0x80, $0x38;
	[tilespmem:$0x10100] =	vst v63  }
0x30: {  	_ = 	snop  }
0x31: {  	[tilespmem:s11], [sflag:$0x3] =	stream.linear.gather [hbm4b:s10+s3], $0x80, $0x38;
	[tilespmem:$0x10100] =	vst v63  }
0x32: {  	_ =	swait.ge [sflag:s12], $0x1000  }
0x33: {  	[sflag:s12] =	ssyncset.done $0x0  }
0x34: {  	[sflag:s12] =	ssyncadd.s32 $0xFFFFF000  }
0x35: {  	_ =	swait.ge [sflag:s13], $0x8000  }
0x36: {  	[sflag:s13] =	ssyncset.done $0x0  }
0x37: {  	[sflag:s13] =	ssyncadd.s32 $0xFFFF8000  }
0x38: {  	_ =	swait.ge [sflag:s14], $0x80  }
0x39: {  	[sflag:s14] =	ssyncset.done $0x0  }
0x3a: {  	[sflag:s14] =	ssyncadd.s32 $0xFFFFFF80  }
0x3b: {  	_ =	swait.ge [sflag:s14], $0x80  }
0x3c: {  	[sflag:s14] =	ssyncset.done $0x0  }
0x3d: {  	[sflag:s14] =	ssyncadd.s32 $0xFFFFFF80  }
0x3e: {  	[bflag:$0x0] =	sbarrier.arrive $0xFFFF  }
0x3f: {  	[spmem:s2] =	stream.indirect.scatter.add.f32 [tilespmem:s8], [sflag:$0x4], $0x80, s3, s11, $0xb8;
	[tilespmem:$0x10100] =	vst v63  }
0x40: {  	_ =	swait.ge [sflag:s15], $0x4000  }
0x41: {  	[sflag:s15] =	ssyncset.done $0x0  }
0x42: {  	[sflag:s15] =	ssyncadd.s32 $0xFFFFC000  }
0x43: {  	[spmem:s2] =	stream.indirect.scatter.add.f32 [tilespmem:s16], [sflag:$0x4], $0x80, s11, s11, $0xb8;
	[tilespmem:$0x10100] =	vst v63  }
0x44: {  	_ =	swait.ge [sflag:s15], $0x4000  }
0x45: {  	[sflag:s15] =	ssyncset.done $0x0  }
.Ltmp1:
0x46: {  	[sflag:s15] =	ssyncadd.s32 $0xFFFFC000;
	(pc) =	sbr.rel @p0 .LBB2_1-.Ltmp1, $4  }
0x47: {  	[bflag:$0x0] =	sbarrier.arrive $0xFFFF  }
0x48: {  	[hbm:s17], [sflag:s18] =	dma.local [spmem:s7], $0x1000  }
0x49: {  	_ =	swait.ge [sflag:s15], $0x1000  }
0x4a: {  	[sflag:s15] =	ssyncset.done $0x0  }
.LBB2_2:
0x4b: {  	[sflag:s15] =	ssyncadd.s32 $0xFFFFF000  }
0x4c: {  	_ =	sfence.sel $0x180000  }
0x4d: {  	[bflag:$0x0] =	sbarrier.arrive $0xFFFF  }
0x4e: {  	p0 =	sne.s32 s1, $0x0;
	_ =	strace $0x9000004D  }
0x4f: {  	s0 =	sadd.s32 @!p0 $0x100000, s0;
	[bflag:$0x2] =	sbarrier.arrive $0xFFFF  }
0x50: {  	[sflag:s0] =	ssyncadd.tile.s32 @!p0 $0x1;
	_ =	shalt  }
.Lfunc_end2:
_tile_overlayer_lowered:
.L_overlay_start_2:
0x51: {  	(tag) =	ssettag $0x2  }
0x52: {  	s0 =	rddreg [dreg:$0x0];
	s2 =	stileid.u32  }
0x53: {  	s1 =	rddreg [dreg:$0x1];
	p0 =	sne.s32 s2, $0x0  }
0x54: {  	s3 =	rddreg [dreg:$0x2];
	[bflag:$0x3] =	sbarrier.arrive $0xFFFF;
	s2 =	simm.s32 @!p0 $0x1C04  }
0x55: {  	[timem:s3], [sflag:s2] =	dma.local @!p0 [hbm:s0], s1  }
0x56: {  	s0 =	simm.s32 @!p0 $0x4  }
0x57: {  	_ =	swait.ge @!p0 [sflag:s0], s1  }
0x58: {  	s1 =	ssub.s32 @!p0 $0x0, s1;
	[sflag:s0] =	ssyncset.done @!p0 $0x0  }
0x59: {  	[sflag:s0] =	ssyncadd.s32 @!p0 s1  }
0x5a: {  	[bflag:$0x3] =	sbarrier.arrive $0xFFFF  }
0x5b: {  	_ =	shalt  }

// kernel: kernel.34.cloned.1.call-start
scs
__scs_entry_jumppad:
0x0: {  	(pc) =	sbr.rel $0x88, $3  }
0x1: {  	(tag) =	ssettag $0x0;
	lr =	simm.s32 $0x1  }
0x2: {  	[smem:$0x3F89] =	sst lr;
	_ =	strace $0xD0000000  }
0x3: {  	_ = 	snop  }
0x4: {  	_ = 	snop  }
0x5: {  	_ = 	snop  }
0x6: {  	_ = 	snop  }
0x7: {  	_ = 	snop  }
__scs_overlays_trampoline_lowered:
0x8: {  	[smem:$0x3F98] =	sst s0  }
0x9: {  	[smem:$0x3F99] =	sst s1  }
0xa: {  	[smem:$0x3F9A] =	sst s2  }
0xb: {  	[smem:$0x3F9B] =	sst s3  }
0xc: {  	[smem:$0x3F9C] =	sst s4  }
0xd: {  	[smem:$0x3F9D] =	sst s5  }
0xe: {  	[smem:$0x3F9E] =	sst s6  }
0xf: {  	[smem:$0x3F9F] =	sst s7  }
0x10: {  	[smem:$0x3FA0] =	sst s8  }
0x11: {  	[smem:$0x3FA1] =	sst s9;
	s0 =	simm.s32 @!p0 $0x0  }
0x12: {  	s1 =	sld [smem:$0x3F87];
	s0 =	simm.s32 @p0 $0x1  }
0x13: {  	[smem:$0x3FA2] =	sst s0;
	s0 =	simm.s32 @!p1 $0x0  }
0x14: {  	s2 =	sld [smem:$0x3F86];
	s0 =	simm.s32 @p1 $0x1  }
0x15: {  	[smem:$0x3FA3] =	sst s0;
	s0 =	simm.s32 @!p2 $0x0  }
0x16: {  	s3 =	sld [smem:$0x3FDB];
	s0 =	simm.s32 @p2 $0x1  }
0x17: {  	s4 =	simm.s32 $0x1BF5;
	[smem:$0x3FA5] =	sst s0  }
0x18: {  	s0 =	sld [smem:$0x3F88];
	_ =	swait.ge [sflag:s4], $0x0  }
0x19: {  	s7 =	sld [smem:$0x3F89]  }
0x1a: {  	s8 =	sadd.s32 $0xFFFFE003, lr  }
0x1b: {  	s9 =	sadd.s32 $0xFFFFFEF7, lr;
	s5 =	simm.s32 $0xFFFFFFFF;
	p2 =	slt.u32 s8, $0xFFFFF086  }
0x1c: {  	p1 =	slt.u32 s9, $0xF7A;
	s5 =	simm.s32 @!p2 $0x0  }
0x1d: {  	s5 =	simm.s32 @p1 $0x1;
	p0 =	seq.s32 s7, s2  }
0x1e: {  	s7 =	smul.u32 @!p0 $0xF7A, s2;
	p2 =	seq.s32 @!p0 s5, $0x0  }
0x1f: {  	s9 =	smul.u32 $0xF7A, s1;
	s8 =	simm.s32 @!p0 $0x1BF5;
	p2 =	por !p2, p0  }
0x20: {  	[sflag:s8] =	ssyncset.s32 @!p0 $0xFFFFF086;
	s6 =	sadd.s32 @!p0 s3, s7;
	s7 =	simm.s32 @!p0 $0x108  }
0x21: {  	s3 =	sadd.s32 s3, s9;
	s6 =	sadd.s32 @!p0 $0x88, s6;
	s7 =	simm.s32 @p2 $0x1082  }
0x22: {  	[simem:s7], [sflag:s8] =	dma.local @!p0 [hbm:s6], $0xF7A  }
0x23: {  	s9 =	sor.u32 $0xD0000000, s2;
	s6 =	simm.s32 $0x108;
	_ =	swait.ge @!p0 [sflag:s8], $0x0  }
0x24: {  	s3 =	sadd.s32 $0x88, s3;
	s6 =	simm.s32 @!p1 $0x1082;
	[sflag:s4] =	ssyncset.s32 $0xFFFFF086  }
0x25: {  	[simem:s6], [sflag:s4] =	dma.local [hbm:s3], $0xF7A  }
0x26: {  	[smem:$0x3F89] =	sst s1;
	(tag) =	ssettag s2;
	_ =	strace s9  }
0x27: {  	s1 =	sld [smem:$0x3F99]  }
0x28: {  	s2 =	sld [smem:$0x3F9A]  }
0x29: {  	s4 =	sld [smem:$0x3F9C]  }
0x2a: {  	p0 =	seq.s32 s5, $0x0;
	s5 =	sld [smem:$0x3F9D]  }
0x2b: {  	s6 =	sld [smem:$0x3F9E]  }
0x2c: {  	s7 =	sld [smem:$0x3F9F]  }
0x2d: {  	s3 =	simm.s32 $0x108;
	s8 =	sld [smem:$0x3FA0]  }
0x2e: {  	s3 =	simm.s32 @!p0 $0x1082;
	s9 =	sld [smem:$0x3FA1]  }
0x2f: {  	lr =	sadd.s32 s0, s3;
	s0 =	sld [smem:$0x3F98]  }
0x30: {  	s3 =	sld [smem:$0x3F9B]  }
0x31: {  	[smem:$0x3FA4] =	sst s10  }
0x32: {  	s10 =	sld [smem:$0x3FA2];
	_ =	sdelay $0x3  }
0x33: {  	p0 =	seq.s32 s10, $0x1;
	s10 =	sld [smem:$0x3FA4];
	_ =	sdelay $0x3  }
0x34: {  	[smem:$0x3FA4] =	sst s10  }
0x35: {  	s10 =	sld [smem:$0x3FA3];
	_ =	sdelay $0x3  }
0x36: {  	p1 =	seq.s32 s10, $0x1;
	s10 =	sld [smem:$0x3FA4];
	_ =	sdelay $0x3  }
0x37: {  	[smem:$0x3FA4] =	sst s10  }
0x38: {  	s10 =	sld [smem:$0x3FA5]  }
0x39: {  	_ = 	snop;
	(pc) =	sbr.ind lr, $3  }
0x3a: {  	_ = 	snop  }
0x3b: {  	_ = 	snop  }
0x3c: {  	p2 =	seq.s32 s10, $0x1;
	s10 =	sld [smem:$0x3FA4]  }
0x3d: {  	_ =	shalt  }
0x3e: {  	_ =	shalt  }
0x3f: {  	_ =	shalt  }
0x40: {  	_ =	shalt  }
0x41: {  	_ =	shalt  }
0x42: {  	_ =	shalt  }
0x43: {  	_ =	shalt  }
0x44: {  	_ =	shalt  }
0x45: {  	_ =	shalt  }
0x46: {  	_ =	shalt  }
0x47: {  	_ =	shalt  }
0x48: {  	_ =	shalt  }
0x49: {  	_ =	shalt  }
0x4a: {  	_ =	shalt  }
0x4b: {  	_ =	shalt  }
0x4c: {  	_ =	shalt  }
0x4d: {  	_ =	shalt  }
0x4e: {  	_ =	shalt  }
0x4f: {  	_ =	shalt  }
0x50: {  	_ =	shalt  }
0x51: {  	_ =	shalt  }
0x52: {  	_ =	shalt  }
0x53: {  	_ =	shalt  }
0x54: {  	_ =	shalt  }
0x55: {  	_ =	shalt  }
0x56: {  	_ =	shalt  }
0x57: {  	_ =	shalt  }
0x58: {  	_ =	shalt  }
0x59: {  	_ =	shalt  }
0x5a: {  	_ =	shalt  }
0x5b: {  	_ =	shalt  }
0x5c: {  	_ =	shalt  }
0x5d: {  	_ =	shalt  }
0x5e: {  	_ =	shalt  }
0x5f: {  	_ =	shalt  }
0x60: {  	_ =	shalt  }
0x61: {  	_ =	shalt  }
0x62: {  	_ =	shalt  }
0x63: {  	_ =	shalt  }
0x64: {  	_ =	shalt  }
0x65: {  	_ =	shalt  }
0x66: {  	_ =	shalt  }
0x67: {  	_ =	shalt  }
0x68: {  	_ =	shalt  }
0x69: {  	_ =	shalt  }
0x6a: {  	_ =	shalt  }
0x6b: {  	_ =	shalt  }
0x6c: {  	_ =	shalt  }
0x6d: {  	_ =	shalt  }
0x6e: {  	_ =	shalt  }
0x6f: {  	_ =	shalt  }
0x70: {  	_ =	shalt  }
0x71: {  	_ =	shalt  }
0x72: {  	_ =	shalt  }
0x73: {  	_ =	shalt  }
0x74: {  	_ =	shalt  }
0x75: {  	_ =	shalt  }
0x76: {  	_ =	shalt  }
0x77: {  	_ =	shalt  }
0x78: {  	_ =	shalt  }
0x79: {  	_ =	shalt  }
0x7a: {  	_ =	shalt  }
0x7b: {  	_ =	shalt  }
0x7c: {  	_ =	shalt  }
0x7d: {  	_ =	shalt  }
0x7e: {  	_ =	shalt  }
0x7f: {  	_ =	shalt  }
0x80: {  	_ =	shalt  }
0x81: {  	_ =	shalt  }
0x82: {  	_ =	shalt  }
0x83: {  	_ =	shalt  }
0x84: {  	_ =	shalt  }
0x85: {  	_ =	shalt  }
0x86: {  	_ =	shalt  }
0x87: {  	_ =	shalt  }
.Lfunc_end0:
.L_simem_size_0:
called_computation.3_lowered:
.L_overlay_start_0:
0x88: {  	s2 =	sld [smem:$0x3FD9]  }
0x89: {  	s3 =	sld [smem:$0x3FFE];
	_ =	sdelay $0x1  }
0x8a: {  	s1 =	srdreg.scid  }
0x8b: {  	s0 =	sand.u32 $0x1, s1  }
0x8c: {  	s16 =	sshll.u32 s0, $0xA;
	s2 =	sadd.s32 s3, s2  }
0x8d: {  	s2 =	sadd.s32 s2, s16  }
0x8e: {  	[smem:$0x3FB0] =	sst s2  }
0x8f: {  	_ = 	snop  }
0x90: {  	(tm) =	ssettm $0x1  }
0x91: {  	s17 =	sld [smem:$0x3FFB];
	_ =	sdelay $0x3  }
0x92: {  	_ =	strace s17  }
0x93: {  	s2 =	sld [smem:$0x3FFC];
	_ =	sdelay $0x3  }
0x94: {  	_ =	strace s2  }
0x95: {  	s2 =	sld [smem:$0x3FFD];
	_ =	sdelay $0x3  }
0x96: {  	_ =	strace s2  }
0x97: {  	_ =	strace $0x8FFFFFFF  }
0x98: {  	s18 =	sld [smem:$0x3FDB];
	_ =	sdelay $0x1  }
0x99: {  	s19 =	simm.s32 $_scs_section_size  }
0x9a: {  	s4 =	simm.s32 $_size__tile_overlayer_lowered;
	s5 =	simm.s32 $_tile_overlayer_lowered  }
0x9b: {  	s22 =	simm.s32 $0x1BFF;
	s21 =	sshll.u32 s5, $0x1;
	s2 =	sadd.s32 s19, s18  }
0x9c: {  	s6 =	simm.s32 $0x0;
	s20 =	sshll.u32 s4, $0x1;
	s4 =	sadd.s32 s21, s2  }
0x9d: {  	[timem:s6], [sflag:s22] =	dma.local [hbm:s4], s20  }
0x9e: {  	_ =	swait.ge [sflag:s22], s20  }
0x9f: {  	s3 =	ssub.s32 $0x0, s20;
	[sflag:s22] =	ssyncset.done $0x0  }
0xa0: {  	[sflag:s22] =	ssyncadd.s32 s3;
	_ =	sdelay $0x1  }
0xa1: {  	s23 =	simm.s32 $0x1B8B  }
0xa2: {  	_ =	swait.ge [sflag:s23], $0x1  }
0xa3: {  	[sflag:s23] =	ssyncset.done $0x0  }
0xa4: {  	s25 =	simm.s32 $0x1B8E;
	s24 =	sld [smem:$0x3FFE];
	[sflag:s23] =	ssyncadd.s32 $0xFFFFFFFF  }
0xa5: {  	s26 =	simm.s32 $execute0_lowered;
	[smem:$0x3FD2] =	sst s25  }
0xa6: {  	s4 =	sshll.u32 s26, $0x1;
	_ =	strace $0x8000004F;
	[dreg:$0x1] =	wrdreg $0xFFFFFFFF  }
0xa7: {  	s28 =	simm.s32 $_size_execute0_lowered;
	s2 =	sadd.s32 s2, s4;
	[dreg:$0x0] =	wrdreg $0x0  }
0xa8: {  	s4 =	sshll.u32 s28, $0x1;
	[dreg:$0x2] =	wrdreg s2  }
0xa9: {  	[dreg:$0x3] =	wrdreg s4  }
0xaa: {  	[dreg:$0x4] =	wrdreg $0xC0  }
0xab: {  	_ =	task [dreg:s6], $0x5FFFF  }
0xac: {  	[dreg:$0x1] =	wrdreg $0xFFFFFFFF  }
0xad: {  	[dreg:$0x0] =	wrdreg $0x60  }
0xae: {  	[dreg:$0x2] =	wrdreg s24  }
0xaf: {  	[dreg:$0x3] =	wrdreg $0x9  }
0xb0: {  	_ =	task.clear_ibuf [dreg:s6], $0x4FFFF;
	_ =	strace $0x9000004F  }
0xb1: {  	s29 =	simm.s32 $0x9;
	_ =	strace $0x80000051  }
0xb2: {  	_ =	swait.ge [sflag:s29], $0x1  }
0xb3: {  	[sflag:s29] =	ssyncadd.s32 $0xFFFFFFFF  }
0xb4: {  	_ =	strace $0x90000051  }
0xb5: {  	_ =	sfence  }
0xb6: {  	s30 =	sld [smem:$0x0];
	_ =	sdelay $0x2  }
0xb7: {  	s31 =	sshll.u32 s1, $0xD;
	s1 =	sshrl.u32 s1, $0x2  }
0xb8: {  	s3 =	sand.u32 $0x4000, s31;
	s1 =	sadd.s32 s1, s30  }
0xb9: {  	s0 =	sor.u32 s3, s0;
	s1 =	sshll.u32 s1, $0x11  }
0xba: {  	s0 =	sor.u32 s1, s0  }
0xbb: {  	s0 =	sadd.s32 $0x8F2B, s0  }
0xbc: {  	[sflag:s0] =	ssyncadd.remote.s32 $0x1  }
0xbd: {  	_ =	sfence.sel $0xFFFF  }
0xbe: {  	[dreg:$0x0] =	wrdreg $0xFFFFFFFF;
	(pc) =	sbr.abs _section_cstart, $3  }
0xbf: {  	[dreg:$0x1] =	wrdreg $0xFFFFFFFF  }
0xc0: {  	_ =	task.clear_ibuf [dreg:s6], $0x2FFFF;
	_ =	strace $0x9FFFFFFF  }
0xc1: {  	(tm) =	ssettm $0x7FFFFFFF  }
tec
execute0_lowered:
.L_overlay_start_1:
0x0: {  	(tag) =	ssettag $0x1  }
0x1: {  	s2 =	srdreg.scid  }
0x2: {  	s11 =	rddreg [dreg:$0x0];
	s1 =	stileid.u32;
	s12 =	sand.u32 $0x1, s2  }
0x3: {  	s0 =	rddreg [dreg:$0x1];
	s3 =	sshll.u32 s1, $0x9;
	s4 =	sshll.u32 s12, $0x8  }
0x4: {  	s2 =	simm.s32 $0x0;
	s26 =	sadd.s32 $0xA400, s11;
	s13 =	sor.u32 s4, s3  }
0x5: {  	[smem:$0x7FF] =	sst s2;
	s3 =	sshrl.u32 s13, $0x3;
	s14 =	sor.u32 $0x80, s13  }
0x6: {  	_ =	strace $0x80000050;
	s3 =	sadd.s32 s26, s3;
	s5 =	sshrl.u32 s14, $0x3  }
0x7: {  	[tilespmem:s2], [sflag:$0x1] =	stream.linear.gather [hbm4b:s3+s2], $0x80, $0x38;
	[tilespmem:$0x8100] =	vst v63  }
0x8: {  	s6 =	simm.s32 $0x1;
	s4 =	sadd.s32 s26, s5;
	s5 =	simm.s32 $0x80  }
0x9: {  	[tilespmem:s5], [sflag:$0x2] =	stream.linear.gather [hbm4b:s4+s2], $0x80, $0x38;
	[tilespmem:$0x8100] =	vst v63  }
0xa: {  	_ =	swait.ge [sflag:s6], $0x80  }
0xb: {  	s9 =	simm.s32 $0x100;
	[sflag:s6] =	ssyncset.done $0x0  }
0xc: {  	s8 =	simm.s32 $0x2;
	s7 =	sadd.s32 $0xA800, s11;
	[sflag:s6] =	ssyncadd.s32 $0xFFFFFF80  }
0xd: {  	[tilespmem:s9], [sflag:$0x1] =	stream.indirect.gather [hbm4b:s7+s5], $0x80, s2, s5, $0xb8;
	[tilespmem:$0x8100] =	vst v63  }
0xe: {  	_ =	swait.ge [sflag:s8], $0x80  }
0xf: {  	[sflag:s8] =	ssyncset.done $0x0  }
0x10: {  	s10 =	simm.s32 $0x4100;
	[sflag:s8] =	ssyncadd.s32 $0xFFFFFF80  }
0x11: {  	[tilespmem:s10], [sflag:$0x2] =	stream.indirect.gather [hbm4b:s7+s5], $0x80, s5, s5, $0xb8;
	[tilespmem:$0x8100] =	vst v63  }
0x12: {  	s15 =	sadd.s32 $0x2A800, s11;
	_ =	swait.ge [sflag:s6], $0x4000  }
0x13: {  	s30 =	ssub.s32 $0x2, s12;
	s28 =	sshll.u32 s13, $0x4;
	[sflag:s6] =	ssyncset.done $0x0  }
0x14: {  	s31 =	sshrl.u32 s30, $0x1;
	s11 =	sadd.s32 s15, s28;
	[sflag:s6] =	ssyncadd.s32 $0xFFFFC000  }
0x15: {  	[hbm4b:s11+s2] =	stream.linear.scatter [tilespmem:s9], [sflag:$0x1], $0x4000, $0x38;
	[tilespmem:$0x8100] =	vst v63  }
0x16: {  	s13 =	ssub.s32 s30, s31;
	_ =	swait.ge [sflag:s8], $0x4000  }
0x17: {  	s29 =	sshll.u32 s14, $0x4;
	s13 =	smax.u32 s13, $0x1;
	[sflag:s8] =	ssyncset.done $0x0  }
0x18: {  	s12 =	sadd.s32 s15, s29;
	p0 =	sne.s32 s13, $0x1;
	[sflag:s8] =	ssyncadd.s32 $0xFFFFC000  }
0x19: {  	[hbm4b:s12+s2] =	stream.linear.scatter [tilespmem:s10], [sflag:$0x2], $0x4000, $0x38;
	[tilespmem:$0x8100] =	vst v63  }
.Ltmp0:
0x1a: {  	_ =	swait.ge [sflag:s6], $0x4000;
	(pc) =	sbr.rel @!p0 .LBB2_2-.Ltmp0, $4  }
0x1b: {  	[sflag:s6] =	ssyncset.done $0x0  }
0x1c: {  	[sflag:s6] =	ssyncadd.s32 $0xFFFFC000  }
0x1d: {  	_ =	swait.ge [sflag:s8], $0x4000  }
0x1e: {  	s13 =	sadd.s32 $0xFFFFFFFF, s13;
	[sflag:s8] =	ssyncset.done $0x0  }
.LBB2_1:
0x1f: {  	p0 =	sne.s32 s13, $0x1;
	s13 =	sadd.s32 $0xFFFFFFFF, s13;
	[sflag:s8] =	ssyncadd.s32 $0xFFFFC000  }
0x20: {  	[tilespmem:s2], [sflag:$0x1] =	stream.linear.gather [hbm4b:s3+s2], $0x80, $0x38;
	[tilespmem:$0x8100] =	vst v63  }
0x21: {  	_ = 	snop  }
0x22: {  	[tilespmem:s5], [sflag:$0x2] =	stream.linear.gather [hbm4b:s4+s2], $0x80, $0x38;
	[tilespmem:$0x8100] =	vst v63  }
0x23: {  	_ =	swait.ge [sflag:s6], $0x80  }
0x24: {  	[sflag:s6] =	ssyncset.done $0x0  }
0x25: {  	[sflag:s6] =	ssyncadd.s32 $0xFFFFFF80  }
0x26: {  	[tilespmem:s9], [sflag:$0x1] =	stream.indirect.gather [hbm4b:s7+s5], $0x80, s2, s5, $0xb8;
	[tilespmem:$0x8100] =	vst v63  }
0x27: {  	_ =	swait.ge [sflag:s8], $0x80  }
0x28: {  	[sflag:s8] =	ssyncset.done $0x0  }
0x29: {  	[sflag:s8] =	ssyncadd.s32 $0xFFFFFF80  }
0x2a: {  	[tilespmem:s10], [sflag:$0x2] =	stream.indirect.gather [hbm4b:s7+s5], $0x80, s5, s5, $0xb8;
	[tilespmem:$0x8100] =	vst v63  }
0x2b: {  	_ =	swait.ge [sflag:s6], $0x4000  }
0x2c: {  	[sflag:s6] =	ssyncset.done $0x0  }
0x2d: {  	[sflag:s6] =	ssyncadd.s32 $0xFFFFC000  }
0x2e: {  	[hbm4b:s11+s2] =	stream.linear.scatter [tilespmem:s9], [sflag:$0x1], $0x4000, $0x38;
	[tilespmem:$0x8100] =	vst v63  }
0x2f: {  	_ =	swait.ge [sflag:s8], $0x4000  }
0x30: {  	[sflag:s8] =	ssyncset.done $0x0  }
0x31: {  	[sflag:s8] =	ssyncadd.s32 $0xFFFFC000  }
0x32: {  	[hbm4b:s12+s2] =	stream.linear.scatter [tilespmem:s10], [sflag:$0x2], $0x4000, $0x38;
	[tilespmem:$0x8100] =	vst v63  }
.Ltmp1:
0x33: {  	_ =	swait.ge [sflag:s6], $0x4000;
	(pc) =	sbr.rel @p0 .LBB2_1-.Ltmp1, $4  }
0x34: {  	[sflag:s6] =	ssyncset.done $0x0  }
0x35: {  	[sflag:s6] =	ssyncadd.s32 $0xFFFFC000  }
0x36: {  	_ =	swait.ge [sflag:s8], $0x4000  }
0x37: {  	[sflag:s8] =	ssyncset.done $0x0  }
.LBB2_2:
0x38: {  	[sflag:s8] =	ssyncadd.s32 $0xFFFFC000  }
0x39: {  	_ =	sfence.sel $0x180000  }
0x3a: {  	[bflag:$0x0] =	sbarrier.arrive $0xFFFF  }
0x3b: {  	p0 =	sne.s32 s1, $0x0;
	_ =	strace $0x90000050  }
0x3c: {  	s0 =	sadd.s32 @!p0 $0x100000, s0;
	[bflag:$0x2] =	sbarrier.arrive $0xFFFF  }
0x3d: {  	[sflag:s0] =	ssyncadd.tile.s32 @!p0 $0x1;
	_ =	shalt  }
.Lfunc_end2:
_tile_overlayer_lowered:
.L_overlay_start_2:
0x3e: {  	(tag) =	ssettag $0x2  }
0x3f: {  	s0 =	rddreg [dreg:$0x0];
	s2 =	stileid.u32  }
0x40: {  	s1 =	rddreg [dreg:$0x1];
	p0 =	sne.s32 s2, $0x0  }
0x41: {  	s3 =	rddreg [dreg:$0x2];
	[bflag:$0x3] =	sbarrier.arrive $0xFFFF;
	s2 =	simm.s32 @!p0 $0x1C03  }
0x42: {  	[timem:s3], [sflag:s2] =	dma.local @!p0 [hbm:s0], s1  }
0x43: {  	s0 =	simm.s32 @!p0 $0x3  }
0x44: {  	_ =	swait.ge @!p0 [sflag:s0], s1  }
0x45: {  	s1 =	ssub.s32 @!p0 $0x0, s1;
	[sflag:s0] =	ssyncset.done @!p0 $0x0  }
0x46: {  	[sflag:s0] =	ssyncadd.s32 @!p0 s1  }
0x47: {  	[bflag:$0x3] =	sbarrier.arrive $0xFFFF  }
0x48: {  	_ =	shalt  }

// kernel: kernel.37.cloned.1.call-start
scs
__scs_entry_jumppad:
0x0: {  	(pc) =	sbr.rel $0x88, $3  }
0x1: {  	(tag) =	ssettag $0x0;
	lr =	simm.s32 $0x1  }
0x2: {  	[smem:$0x3F89] =	sst lr;
	_ =	strace $0xD0000000  }
0x3: {  	_ = 	snop  }
0x4: {  	_ = 	snop  }
0x5: {  	_ = 	snop  }
0x6: {  	_ = 	snop  }
0x7: {  	_ = 	snop  }
__scs_overlays_trampoline_lowered:
0x8: {  	[smem:$0x3F98] =	sst s0  }
0x9: {  	[smem:$0x3F99] =	sst s1  }
0xa: {  	[smem:$0x3F9A] =	sst s2  }
0xb: {  	[smem:$0x3F9B] =	sst s3  }
0xc: {  	[smem:$0x3F9C] =	sst s4  }
0xd: {  	[smem:$0x3F9D] =	sst s5  }
0xe: {  	[smem:$0x3F9E] =	sst s6  }
0xf: {  	[smem:$0x3F9F] =	sst s7  }
0x10: {  	[smem:$0x3FA0] =	sst s8  }
0x11: {  	[smem:$0x3FA1] =	sst s9;
	s0 =	simm.s32 @!p0 $0x0  }
0x12: {  	s1 =	sld [smem:$0x3F87];
	s0 =	simm.s32 @p0 $0x1  }
0x13: {  	[smem:$0x3FA2] =	sst s0;
	s0 =	simm.s32 @!p1 $0x0  }
0x14: {  	s2 =	sld [smem:$0x3F86];
	s0 =	simm.s32 @p1 $0x1  }
0x15: {  	[smem:$0x3FA3] =	sst s0;
	s0 =	simm.s32 @!p2 $0x0  }
0x16: {  	s3 =	sld [smem:$0x3FDB];
	s0 =	simm.s32 @p2 $0x1  }
0x17: {  	s4 =	simm.s32 $0x1BF5;
	[smem:$0x3FA5] =	sst s0  }
0x18: {  	s0 =	sld [smem:$0x3F88];
	_ =	swait.ge [sflag:s4], $0x0  }
0x19: {  	s7 =	sld [smem:$0x3F89]  }
0x1a: {  	s8 =	sadd.s32 $0xFFFFE003, lr  }
0x1b: {  	s9 =	sadd.s32 $0xFFFFFEF7, lr;
	s5 =	simm.s32 $0xFFFFFFFF;
	p2 =	slt.u32 s8, $0xFFFFF086  }
0x1c: {  	p1 =	slt.u32 s9, $0xF7A;
	s5 =	simm.s32 @!p2 $0x0  }
0x1d: {  	s5 =	simm.s32 @p1 $0x1;
	p0 =	seq.s32 s7, s2  }
0x1e: {  	s7 =	smul.u32 @!p0 $0xF7A, s2;
	p2 =	seq.s32 @!p0 s5, $0x0  }
0x1f: {  	s9 =	smul.u32 $0xF7A, s1;
	s8 =	simm.s32 @!p0 $0x1BF5;
	p2 =	por !p2, p0  }
0x20: {  	[sflag:s8] =	ssyncset.s32 @!p0 $0xFFFFF086;
	s6 =	sadd.s32 @!p0 s3, s7;
	s7 =	simm.s32 @!p0 $0x108  }
0x21: {  	s3 =	sadd.s32 s3, s9;
	s6 =	sadd.s32 @!p0 $0x88, s6;
	s7 =	simm.s32 @p2 $0x1082  }
0x22: {  	[simem:s7], [sflag:s8] =	dma.local @!p0 [hbm:s6], $0xF7A  }
0x23: {  	s9 =	sor.u32 $0xD0000000, s2;
	s6 =	simm.s32 $0x108;
	_ =	swait.ge @!p0 [sflag:s8], $0x0  }
0x24: {  	s3 =	sadd.s32 $0x88, s3;
	s6 =	simm.s32 @!p1 $0x1082;
	[sflag:s4] =	ssyncset.s32 $0xFFFFF086  }
0x25: {  	[simem:s6], [sflag:s4] =	dma.local [hbm:s3], $0xF7A  }
0x26: {  	[smem:$0x3F89] =	sst s1;
	(tag) =	ssettag s2;
	_ =	strace s9  }
0x27: {  	s1 =	sld [smem:$0x3F99]  }
0x28: {  	s2 =	sld [smem:$0x3F9A]  }
0x29: {  	s4 =	sld [smem:$0x3F9C]  }
0x2a: {  	p0 =	seq.s32 s5, $0x0;
	s5 =	sld [smem:$0x3F9D]  }
0x2b: {  	s6 =	sld [smem:$0x3F9E]  }
0x2c: {  	s7 =	sld [smem:$0x3F9F]  }
0x2d: {  	s3 =	simm.s32 $0x108;
	s8 =	sld [smem:$0x3FA0]  }
0x2e: {  	s3 =	simm.s32 @!p0 $0x1082;
	s9 =	sld [smem:$0x3FA1]  }
0x2f: {  	lr =	sadd.s32 s0, s3;
	s0 =	sld [smem:$0x3F98]  }
0x30: {  	s3 =	sld [smem:$0x3F9B]  }
0x31: {  	[smem:$0x3FA4] =	sst s10  }
0x32: {  	s10 =	sld [smem:$0x3FA2];
	_ =	sdelay $0x3  }
0x33: {  	p0 =	seq.s32 s10, $0x1;
	s10 =	sld [smem:$0x3FA4];
	_ =	sdelay $0x3  }
0x34: {  	[smem:$0x3FA4] =	sst s10  }
0x35: {  	s10 =	sld [smem:$0x3FA3];
	_ =	sdelay $0x3  }
0x36: {  	p1 =	seq.s32 s10, $0x1;
	s10 =	sld [smem:$0x3FA4];
	_ =	sdelay $0x3  }
0x37: {  	[smem:$0x3FA4] =	sst s10  }
0x38: {  	s10 =	sld [smem:$0x3FA5]  }
0x39: {  	_ = 	snop;
	(pc) =	sbr.ind lr, $3  }
0x3a: {  	_ = 	snop  }
0x3b: {  	_ = 	snop  }
0x3c: {  	p2 =	seq.s32 s10, $0x1;
	s10 =	sld [smem:$0x3FA4]  }
0x3d: {  	_ =	shalt  }
0x3e: {  	_ =	shalt  }
0x3f: {  	_ =	shalt  }
0x40: {  	_ =	shalt  }
0x41: {  	_ =	shalt  }
0x42: {  	_ =	shalt  }
0x43: {  	_ =	shalt  }
0x44: {  	_ =	shalt  }
0x45: {  	_ =	shalt  }
0x46: {  	_ =	shalt  }
0x47: {  	_ =	shalt  }
0x48: {  	_ =	shalt  }
0x49: {  	_ =	shalt  }
0x4a: {  	_ =	shalt  }
0x4b: {  	_ =	shalt  }
0x4c: {  	_ =	shalt  }
0x4d: {  	_ =	shalt  }
0x4e: {  	_ =	shalt  }
0x4f: {  	_ =	shalt  }
0x50: {  	_ =	shalt  }
0x51: {  	_ =	shalt  }
0x52: {  	_ =	shalt  }
0x53: {  	_ =	shalt  }
0x54: {  	_ =	shalt  }
0x55: {  	_ =	shalt  }
0x56: {  	_ =	shalt  }
0x57: {  	_ =	shalt  }
0x58: {  	_ =	shalt  }
0x59: {  	_ =	shalt  }
0x5a: {  	_ =	shalt  }
0x5b: {  	_ =	shalt  }
0x5c: {  	_ =	shalt  }
0x5d: {  	_ =	shalt  }
0x5e: {  	_ =	shalt  }
0x5f: {  	_ =	shalt  }
0x60: {  	_ =	shalt  }
0x61: {  	_ =	shalt  }
0x62: {  	_ =	shalt  }
0x63: {  	_ =	shalt  }
0x64: {  	_ =	shalt  }
0x65: {  	_ =	shalt  }
0x66: {  	_ =	shalt  }
0x67: {  	_ =	shalt  }
0x68: {  	_ =	shalt  }
0x69: {  	_ =	shalt  }
0x6a: {  	_ =	shalt  }
0x6b: {  	_ =	shalt  }
0x6c: {  	_ =	shalt  }
0x6d: {  	_ =	shalt  }
0x6e: {  	_ =	shalt  }
0x6f: {  	_ =	shalt  }
0x70: {  	_ =	shalt  }
0x71: {  	_ =	shalt  }
0x72: {  	_ =	shalt  }
0x73: {  	_ =	shalt  }
0x74: {  	_ =	shalt  }
0x75: {  	_ =	shalt  }
0x76: {  	_ =	shalt  }
0x77: {  	_ =	shalt  }
0x78: {  	_ =	shalt  }
0x79: {  	_ =	shalt  }
0x7a: {  	_ =	shalt  }
0x7b: {  	_ =	shalt  }
0x7c: {  	_ =	shalt  }
0x7d: {  	_ =	shalt  }
0x7e: {  	_ =	shalt  }
0x7f: {  	_ =	shalt  }
0x80: {  	_ =	shalt  }
0x81: {  	_ =	shalt  }
0x82: {  	_ =	shalt  }
0x83: {  	_ =	shalt  }
0x84: {  	_ =	shalt  }
0x85: {  	_ =	shalt  }
0x86: {  	_ =	shalt  }
0x87: {  	_ =	shalt  }
.Lfunc_end0:
.L_simem_size_0:
called_computation.4_lowered:
.L_overlay_start_0:
0x88: {  	s2 =	sld [smem:$0x3FD9]  }
0x89: {  	s3 =	sld [smem:$0x3FFE];
	_ =	sdelay $0x1  }
0x8a: {  	s1 =	srdreg.scid  }
0x8b: {  	s0 =	sand.u32 $0x1, s1  }
0x8c: {  	s17 =	sshll.u32 s0, $0xA;
	s2 =	sadd.s32 s3, s2  }
0x8d: {  	s2 =	sadd.s32 s2, s17  }
0x8e: {  	[smem:$0x3FB0] =	sst s2  }
0x8f: {  	_ = 	snop  }
0x90: {  	s2 =	sld [smem:$0x3FD0];
	(tm) =	ssettm $0x1  }
0x91: {  	s18 =	sld [smem:$0x3FFB];
	_ =	sdelay $0x3  }
0x92: {  	_ =	strace s18  }
0x93: {  	s3 =	sld [smem:$0x3FFC];
	_ =	sdelay $0x3  }
0x94: {  	_ =	strace s3  }
0x95: {  	s3 =	sld [smem:$0x3FFD];
	_ =	sdelay $0x3  }
0x96: {  	_ =	strace s3  }
0x97: {  	_ =	strace $0x8FFFFFFF  }
0x98: {  	s19 =	sld [smem:$0x3FDB];
	_ =	sdelay $0x1  }
0x99: {  	s4 =	simm.s32 $_scs_section_size  }
0x9a: {  	s5 =	simm.s32 $_size__tile_overlayer_lowered;
	s6 =	simm.s32 $_tile_overlayer_lowered  }
0x9b: {  	s22 =	simm.s32 $0x1BFF;
	s21 =	sshll.u32 s6, $0x1;
	s3 =	sadd.s32 s4, s19  }
0x9c: {  	s7 =	simm.s32 $0x0;
	s20 =	sshll.u32 s5, $0x1;
	s5 =	sadd.s32 s21, s3  }
0x9d: {  	[timem:s7], [sflag:s22] =	dma.local [hbm:s5], s20  }
0x9e: {  	_ =	swait.ge [sflag:s22], s20  }
0x9f: {  	s4 =	ssub.s32 $0x0, s20;
	[sflag:s22] =	ssyncset.done $0x0  }
0xa0: {  	[sflag:s22] =	ssyncadd.s32 s4;
	_ =	sdelay $0x1  }
0xa1: {  	s23 =	simm.s32 $0x1B8B  }
0xa2: {  	_ =	swait.ge [sflag:s23], $0x1  }
0xa3: {  	[sflag:s23] =	ssyncset.done $0x0  }
0xa4: {  	s25 =	simm.s32 $0x1B8E;
	s24 =	sld [smem:$0x3FFE];
	[sflag:s23] =	ssyncadd.s32 $0xFFFFFFFF  }
0xa5: {  	s26 =	simm.s32 $execute0_lowered;
	[smem:$0x3FD2] =	sst s25  }
0xa6: {  	s5 =	sshll.u32 s26, $0x1;
	_ =	strace $0x80000052;
	[dreg:$0x1] =	wrdreg $0xFFFFFFFF  }
0xa7: {  	s28 =	simm.s32 $_size_execute0_lowered;
	s3 =	sadd.s32 s3, s5;
	[dreg:$0x0] =	wrdreg $0x0  }
0xa8: {  	s5 =	sshll.u32 s28, $0x1;
	[dreg:$0x2] =	wrdreg s3  }
0xa9: {  	[dreg:$0x3] =	wrdreg s5  }
0xaa: {  	[dreg:$0x4] =	wrdreg $0xC0  }
0xab: {  	_ =	task [dreg:s7], $0x5FFFF  }
0xac: {  	[dreg:$0x1] =	wrdreg $0xFFFFFFFF  }
0xad: {  	[dreg:$0x0] =	wrdreg $0x60  }
0xae: {  	[dreg:$0x2] =	wrdreg s24  }
0xaf: {  	[dreg:$0x3] =	wrdreg s2  }
0xb0: {  	[dreg:$0x4] =	wrdreg $0x81000  }
0xb1: {  	[dreg:$0x5] =	wrdreg $0x9  }
0xb2: {  	_ =	task.clear_ibuf [dreg:s7], $0x6FFFF;
	_ =	strace $0x90000052  }
0xb3: {  	s29 =	simm.s32 $0x9;
	_ =	strace $0x80000054  }
0xb4: {  	_ =	swait.ge [sflag:s29], $0x1  }
0xb5: {  	[sflag:s29] =	ssyncadd.s32 $0xFFFFFFFF  }
0xb6: {  	_ =	strace $0x90000054  }
0xb7: {  	_ =	sfence  }
0xb8: {  	s30 =	sld [smem:$0x0];
	_ =	sdelay $0x2  }
0xb9: {  	s31 =	sshll.u32 s1, $0xD;
	s1 =	sshrl.u32 s1, $0x2  }
0xba: {  	s3 =	sand.u32 $0x4000, s31;
	s1 =	sadd.s32 s1, s30  }
0xbb: {  	s0 =	sor.u32 s3, s0;
	s1 =	sshll.u32 s1, $0x11  }
0xbc: {  	s0 =	sor.u32 s1, s0  }
0xbd: {  	s0 =	sadd.s32 $0x8F2B, s0  }
0xbe: {  	[sflag:s0] =	ssyncadd.remote.s32 $0x1  }
0xbf: {  	_ =	sfence.sel $0xFFFF  }
0xc0: {  	[dreg:$0x0] =	wrdreg $0xFFFFFFFF;
	(pc) =	sbr.abs _section_cstart, $3  }
0xc1: {  	[dreg:$0x1] =	wrdreg $0xFFFFFFFF  }
0xc2: {  	_ =	task.clear_ibuf [dreg:s7], $0x2FFFF;
	_ =	strace $0x9FFFFFFF  }
0xc3: {  	(tm) =	ssettm $0x7FFFFFFF  }
tec
execute0_lowered:
.L_overlay_start_1:
0x0: {  	(tag) =	ssettag $0x1  }
0x1: {  	s4 =	rddreg [dreg:$0x0]  }
0x2: {  	s9 =	rddreg [dreg:$0x1]  }
0x3: {  	s2 =	rddreg [dreg:$0x2]  }
0x4: {  	s3 =	srdreg.scid;
	s0 =	rddreg [dreg:$0x3]  }
0x5: {  	s1 =	stileid.u32;
	s17 =	sand.u32 $0x1, s3;
	s3 =	simm.s32 $0x0  }
0x6: {  	s5 =	sshll.u32 s1, $0x9;
	s30 =	sshll.u32 s1, $0xC;
	s8 =	sshll.u32 s1, $0xF  }
0x7: {  	s19 =	sshll.u32 s1, $0x6;
	s6 =	sshll.u32 s17, $0x8;
	[smem:$0x7FF] =	sst s3  }
0x8: {  	s18 =	sadd.s32 s30, s4;
	s8 =	sadd.s32 s8, s2;
	s7 =	sor.u32 s6, s5  }
0x9: {  	_ =	strace $0x80000053;
	s5 =	sshll.u32 s7, $0x4;
	s10 =	sshrl.u32 s7, $0x3  }
0xa: {  	s7 =	sshrl.u32 s8, $0x3;
	s8 =	simm.s32 $0x100;
	s29 =	sadd.s32 s5, s4  }
0xb: {  	s4 =	sadd.s32 $0x1A800, s18;
	s5 =	sor.u32 $0x1C01, s19;
	s6 =	sadd.s32 $0x2A800, s29  }
0xc: {  	[spmem:s7], [sflag:s5] =	dma.local [hbm:s4], $0x1000  }
0xd: {  	[tilespmem:s8], [sflag:$0x2] =	stream.linear.gather [hbm4b:s6+s3], $0x8000, $0x38;
	[tilespmem:$0x10100] =	vst v63  }
0xe: {  	s9 =	sadd.s32 s9, s10  }
0xf: {  	[tilespmem:s3], [sflag:$0x3] =	stream.linear.gather [hbm4b:s9+s3], $0x80, $0x38;
	[tilespmem:$0x10100] =	vst v63  }
0x10: {  	s11 =	simm.s32 $0x80;
	s12 =	simm.s32 $0x1;
	s10 =	sadd.s32 $0x10, s9  }
0x11: {  	[tilespmem:s11], [sflag:$0x3] =	stream.linear.gather [hbm4b:s10+s3], $0x80, $0x38;
	[tilespmem:$0x10100] =	vst v63  }
0x12: {  	_ =	swait.ge [sflag:s12], $0x1000  }
0x13: {  	[sflag:s12] =	ssyncset.done $0x0  }
0x14: {  	s13 =	simm.s32 $0x2;
	[sflag:s12] =	ssyncadd.s32 $0xFFFFF000  }
0x15: {  	_ =	swait.ge [sflag:s13], $0x8000  }
0x16: {  	[sflag:s13] =	ssyncset.done $0x0  }
0x17: {  	s14 =	simm.s32 $0x3;
	[sflag:s13] =	ssyncadd.s32 $0xFFFF8000  }
0x18: {  	_ =	swait.ge [sflag:s14], $0x80  }
0x19: {  	[sflag:s14] =	ssyncset.done $0x0  }
0x1a: {  	[sflag:s14] =	ssyncadd.s32 $0xFFFFFF80  }
0x1b: {  	_ =	swait.ge [sflag:s14], $0x80  }
0x1c: {  	[sflag:s14] =	ssyncset.done $0x0  }
0x1d: {  	[sflag:s14] =	ssyncadd.s32 $0xFFFFFF80  }
0x1e: {  	s15 =	simm.s32 $0x4;
	[bflag:$0x0] =	sbarrier.arrive $0xFFFF  }
0x1f: {  	[spmem:s2] =	stream.indirect.scatter.add.f32 [tilespmem:s8], [sflag:$0x4], $0x80, s3, s11, $0xb8;
	[tilespmem:$0x10100] =	vst v63  }
0x20: {  	s16 =	simm.s32 $0x4100;
	s20 =	ssub.s32 $0x2, s17;
	_ =	swait.ge [sflag:s15], $0x4000  }
0x21: {  	s17 =	sshll.u32 s17, $0x10;
	s31 =	sshrl.u32 s20, $0x1;
	[sflag:s15] =	ssyncset.done $0x0  }
0x22: {  	s17 =	sadd.s32 s17, s18;
	s18 =	ssub.s32 s20, s31;
	[sflag:s15] =	ssyncadd.s32 $0xFFFFC000  }
0x23: {  	[spmem:s2] =	stream.indirect.scatter.add.f32 [tilespmem:s16], [sflag:$0x4], $0x80, s11, s11, $0xb8;
	[tilespmem:$0x10100] =	vst v63  }
0x24: {  	s20 =	smax.u32 s18, $0x1;
	_ =	swait.ge [sflag:s15], $0x4000  }
0x25: {  	p0 =	sne.s32 s20, $0x1;
	[sflag:s15] =	ssyncset.done $0x0  }
.Ltmp0:
0x26: {  	[sflag:s15] =	ssyncadd.s32 $0xFFFFC000;
	(pc) =	sbr.rel @!p0 .LBB2_2-.Ltmp0, $4  }
0x27: {  	s17 =	sadd.s32 $0x4A800, s17;
	s18 =	sor.u32 $0x1C04, s19;
	[bflag:$0x0] =	sbarrier.arrive $0xFFFF  }
0x28: {  	[hbm:s17], [sflag:s18] =	dma.local [spmem:s7], $0x1000  }
0x29: {  	_ =	swait.ge [sflag:s15], $0x1000  }
0x2a: {  	s19 =	sadd.s32 $0xFFFFFFFF, s20;
	[sflag:s15] =	ssyncset.done $0x0  }
.LBB2_1:
0x2b: {  	p0 =	sne.s32 s19, $0x1;
	s19 =	sadd.s32 $0xFFFFFFFF, s19;
	[sflag:s15] =	ssyncadd.s32 $0xFFFFF000  }
0x2c: {  	[spmem:s7], [sflag:s5] =	dma.local [hbm:s4], $0x1000  }
0x2d: {  	[tilespmem:s8], [sflag:$0x2] =	stream.linear.gather [hbm4b:s6+s3], $0x8000, $0x38;
	[tilespmem:$0x10100] =	vst v63  }
0x2e: {  	_ = 	snop  }
0x2f: {  	[tilespmem:s3], [sflag:$0x3] =	stream.linear.gather [hbm4b:s9+s3], $0x80, $0x38;
	[tilespmem:$0x10100] =	vst v63  }
0x30: {  	_ = 	snop  }
0x31: {  	[tilespmem:s11], [sflag:$0x3] =	stream.linear.gather [hbm4b:s10+s3], $0x80, $0x38;
	[tilespmem:$0x10100] =	vst v63  }
0x32: {  	_ =	swait.ge [sflag:s12], $0x1000  }
0x33: {  	[sflag:s12] =	ssyncset.done $0x0  }
0x34: {  	[sflag:s12] =	ssyncadd.s32 $0xFFFFF000  }
0x35: {  	_ =	swait.ge [sflag:s13], $0x8000  }
0x36: {  	[sflag:s13] =	ssyncset.done $0x0  }
0x37: {  	[sflag:s13] =	ssyncadd.s32 $0xFFFF8000  }
0x38: {  	_ =	swait.ge [sflag:s14], $0x80  }
0x39: {  	[sflag:s14] =	ssyncset.done $0x0  }
0x3a: {  	[sflag:s14] =	ssyncadd.s32 $0xFFFFFF80  }
0x3b: {  	_ =	swait.ge [sflag:s14], $0x80  }
0x3c: {  	[sflag:s14] =	ssyncset.done $0x0  }
0x3d: {  	[sflag:s14] =	ssyncadd.s32 $0xFFFFFF80  }
0x3e: {  	[bflag:$0x0] =	sbarrier.arrive $0xFFFF  }
0x3f: {  	[spmem:s2] =	stream.indirect.scatter.add.f32 [tilespmem:s8], [sflag:$0x4], $0x80, s3, s11, $0xb8;
	[tilespmem:$0x10100] =	vst v63  }
0x40: {  	_ =	swait.ge [sflag:s15], $0x4000  }
0x41: {  	[sflag:s15] =	ssyncset.done $0x0  }
0x42: {  	[sflag:s15] =	ssyncadd.s32 $0xFFFFC000  }
0x43: {  	[spmem:s2] =	stream.indirect.scatter.add.f32 [tilespmem:s16], [sflag:$0x4], $0x80, s11, s11, $0xb8;
	[tilespmem:$0x10100] =	vst v63  }
0x44: {  	_ =	swait.ge [sflag:s15], $0x4000  }
0x45: {  	[sflag:s15] =	ssyncset.done $0x0  }
.Ltmp1:
0x46: {  	[sflag:s15] =	ssyncadd.s32 $0xFFFFC000;
	(pc) =	sbr.rel @p0 .LBB2_1-.Ltmp1, $4  }
0x47: {  	[bflag:$0x0] =	sbarrier.arrive $0xFFFF  }
0x48: {  	[hbm:s17], [sflag:s18] =	dma.local [spmem:s7], $0x1000  }
0x49: {  	_ =	swait.ge [sflag:s15], $0x1000  }
0x4a: {  	[sflag:s15] =	ssyncset.done $0x0  }
.LBB2_2:
0x4b: {  	[sflag:s15] =	ssyncadd.s32 $0xFFFFF000  }
0x4c: {  	_ =	sfence.sel $0x180000  }
0x4d: {  	[bflag:$0x0] =	sbarrier.arrive $0xFFFF  }
0x4e: {  	p0 =	sne.s32 s1, $0x0;
	_ =	strace $0x90000053  }
0x4f: {  	s0 =	sadd.s32 @!p0 $0x100000, s0;
	[bflag:$0x2] =	sbarrier.arrive $0xFFFF  }
0x50: {  	[sflag:s0] =	ssyncadd.tile.s32 @!p0 $0x1;
	_ =	shalt  }
.Lfunc_end2:
_tile_overlayer_lowered:
.L_overlay_start_2:
0x51: {  	(tag) =	ssettag $0x2  }
0x52: {  	s0 =	rddreg [dreg:$0x0];
	s2 =	stileid.u32  }
0x53: {  	s1 =	rddreg [dreg:$0x1];
	p0 =	sne.s32 s2, $0x0  }
0x54: {  	s3 =	rddreg [dreg:$0x2];
	[bflag:$0x3] =	sbarrier.arrive $0xFFFF;
	s2 =	simm.s32 @!p0 $0x1C04  }
0x55: {  	[timem:s3], [sflag:s2] =	dma.local @!p0 [hbm:s0], s1  }
0x56: {  	s0 =	simm.s32 @!p0 $0x4  }
0x57: {  	_ =	swait.ge @!p0 [sflag:s0], s1  }
0x58: {  	s1 =	ssub.s32 @!p0 $0x0, s1;
	[sflag:s0] =	ssyncset.done @!p0 $0x0  }
0x59: {  	[sflag:s0] =	ssyncadd.s32 @!p0 s1  }
0x5a: {  	[bflag:$0x3] =	sbarrier.arrive $0xFFFF  }
0x5b: {  	_ =	shalt  }

// kernel: kernel.40.cloned.1.call-start
scs
__scs_entry_jumppad:
0x0: {  	(pc) =	sbr.rel $0x88, $3  }
0x1: {  	(tag) =	ssettag $0x0;
	lr =	simm.s32 $0x1  }
0x2: {  	[smem:$0x3F89] =	sst lr;
	_ =	strace $0xD0000000  }
0x3: {  	_ = 	snop  }
0x4: {  	_ = 	snop  }
0x5: {  	_ = 	snop  }
0x6: {  	_ = 	snop  }
0x7: {  	_ = 	snop  }
__scs_overlays_trampoline_lowered:
0x8: {  	[smem:$0x3F98] =	sst s0  }
0x9: {  	[smem:$0x3F99] =	sst s1  }
0xa: {  	[smem:$0x3F9A] =	sst s2  }
0xb: {  	[smem:$0x3F9B] =	sst s3  }
0xc: {  	[smem:$0x3F9C] =	sst s4  }
0xd: {  	[smem:$0x3F9D] =	sst s5  }
0xe: {  	[smem:$0x3F9E] =	sst s6  }
0xf: {  	[smem:$0x3F9F] =	sst s7  }
0x10: {  	[smem:$0x3FA0] =	sst s8  }
0x11: {  	[smem:$0x3FA1] =	sst s9;
	s0 =	simm.s32 @!p0 $0x0  }
0x12: {  	s1 =	sld [smem:$0x3F87];
	s0 =	simm.s32 @p0 $0x1  }
0x13: {  	[smem:$0x3FA2] =	sst s0;
	s0 =	simm.s32 @!p1 $0x0  }
0x14: {  	s2 =	sld [smem:$0x3F86];
	s0 =	simm.s32 @p1 $0x1  }
0x15: {  	[smem:$0x3FA3] =	sst s0;
	s0 =	simm.s32 @!p2 $0x0  }
0x16: {  	s3 =	sld [smem:$0x3FDB];
	s0 =	simm.s32 @p2 $0x1  }
0x17: {  	s4 =	simm.s32 $0x1BF5;
	[smem:$0x3FA5] =	sst s0  }
0x18: {  	s0 =	sld [smem:$0x3F88];
	_ =	swait.ge [sflag:s4], $0x0  }
0x19: {  	s7 =	sld [smem:$0x3F89]  }
0x1a: {  	s8 =	sadd.s32 $0xFFFFE003, lr  }
0x1b: {  	s9 =	sadd.s32 $0xFFFFFEF7, lr;
	s5 =	simm.s32 $0xFFFFFFFF;
	p2 =	slt.u32 s8, $0xFFFFF086  }
0x1c: {  	p1 =	slt.u32 s9, $0xF7A;
	s5 =	simm.s32 @!p2 $0x0  }
0x1d: {  	s5 =	simm.s32 @p1 $0x1;
	p0 =	seq.s32 s7, s2  }
0x1e: {  	s7 =	smul.u32 @!p0 $0xF7A, s2;
	p2 =	seq.s32 @!p0 s5, $0x0  }
0x1f: {  	s9 =	smul.u32 $0xF7A, s1;
	s8 =	simm.s32 @!p0 $0x1BF5;
	p2 =	por !p2, p0  }
0x20: {  	[sflag:s8] =	ssyncset.s32 @!p0 $0xFFFFF086;
	s6 =	sadd.s32 @!p0 s3, s7;
	s7 =	simm.s32 @!p0 $0x108  }
0x21: {  	s3 =	sadd.s32 s3, s9;
	s6 =	sadd.s32 @!p0 $0x88, s6;
	s7 =	simm.s32 @p2 $0x1082  }
0x22: {  	[simem:s7], [sflag:s8] =	dma.local @!p0 [hbm:s6], $0xF7A  }
0x23: {  	s9 =	sor.u32 $0xD0000000, s2;
	s6 =	simm.s32 $0x108;
	_ =	swait.ge @!p0 [sflag:s8], $0x0  }
0x24: {  	s3 =	sadd.s32 $0x88, s3;
	s6 =	simm.s32 @!p1 $0x1082;
	[sflag:s4] =	ssyncset.s32 $0xFFFFF086  }
0x25: {  	[simem:s6], [sflag:s4] =	dma.local [hbm:s3], $0xF7A  }
0x26: {  	[smem:$0x3F89] =	sst s1;
	(tag) =	ssettag s2;
	_ =	strace s9  }
0x27: {  	s1 =	sld [smem:$0x3F99]  }
0x28: {  	s2 =	sld [smem:$0x3F9A]  }
0x29: {  	s4 =	sld [smem:$0x3F9C]  }
0x2a: {  	p0 =	seq.s32 s5, $0x0;
	s5 =	sld [smem:$0x3F9D]  }
0x2b: {  	s6 =	sld [smem:$0x3F9E]  }
0x2c: {  	s7 =	sld [smem:$0x3F9F]  }
0x2d: {  	s3 =	simm.s32 $0x108;
	s8 =	sld [smem:$0x3FA0]  }
0x2e: {  	s3 =	simm.s32 @!p0 $0x1082;
	s9 =	sld [smem:$0x3FA1]  }
0x2f: {  	lr =	sadd.s32 s0, s3;
	s0 =	sld [smem:$0x3F98]  }
0x30: {  	s3 =	sld [smem:$0x3F9B]  }
0x31: {  	[smem:$0x3FA4] =	sst s10  }
0x32: {  	s10 =	sld [smem:$0x3FA2];
	_ =	sdelay $0x3  }
0x33: {  	p0 =	seq.s32 s10, $0x1;
	s10 =	sld [smem:$0x3FA4];
	_ =	sdelay $0x3  }
0x34: {  	[smem:$0x3FA4] =	sst s10  }
0x35: {  	s10 =	sld [smem:$0x3FA3];
	_ =	sdelay $0x3  }
0x36: {  	p1 =	seq.s32 s10, $0x1;
	s10 =	sld [smem:$0x3FA4];
	_ =	sdelay $0x3  }
0x37: {  	[smem:$0x3FA4] =	sst s10  }
0x38: {  	s10 =	sld [smem:$0x3FA5]  }
0x39: {  	_ = 	snop;
	(pc) =	sbr.ind lr, $3  }
0x3a: {  	_ = 	snop  }
0x3b: {  	_ = 	snop  }
0x3c: {  	p2 =	seq.s32 s10, $0x1;
	s10 =	sld [smem:$0x3FA4]  }
0x3d: {  	_ =	shalt  }
0x3e: {  	_ =	shalt  }
0x3f: {  	_ =	shalt  }
0x40: {  	_ =	shalt  }
0x41: {  	_ =	shalt  }
0x42: {  	_ =	shalt  }
0x43: {  	_ =	shalt  }
0x44: {  	_ =	shalt  }
0x45: {  	_ =	shalt  }
0x46: {  	_ =	shalt  }
0x47: {  	_ =	shalt  }
0x48: {  	_ =	shalt  }
0x49: {  	_ =	shalt  }
0x4a: {  	_ =	shalt  }
0x4b: {  	_ =	shalt  }
0x4c: {  	_ =	shalt  }
0x4d: {  	_ =	shalt  }
0x4e: {  	_ =	shalt  }
0x4f: {  	_ =	shalt  }
0x50: {  	_ =	shalt  }
0x51: {  	_ =	shalt  }
0x52: {  	_ =	shalt  }
0x53: {  	_ =	shalt  }
0x54: {  	_ =	shalt  }
0x55: {  	_ =	shalt  }
0x56: {  	_ =	shalt  }
0x57: {  	_ =	shalt  }
0x58: {  	_ =	shalt  }
0x59: {  	_ =	shalt  }
0x5a: {  	_ =	shalt  }
0x5b: {  	_ =	shalt  }
0x5c: {  	_ =	shalt  }
0x5d: {  	_ =	shalt  }
0x5e: {  	_ =	shalt  }
0x5f: {  	_ =	shalt  }
0x60: {  	_ =	shalt  }
0x61: {  	_ =	shalt  }
0x62: {  	_ =	shalt  }
0x63: {  	_ =	shalt  }
0x64: {  	_ =	shalt  }
0x65: {  	_ =	shalt  }
0x66: {  	_ =	shalt  }
0x67: {  	_ =	shalt  }
0x68: {  	_ =	shalt  }
0x69: {  	_ =	shalt  }
0x6a: {  	_ =	shalt  }
0x6b: {  	_ =	shalt  }
0x6c: {  	_ =	shalt  }
0x6d: {  	_ =	shalt  }
0x6e: {  	_ =	shalt  }
0x6f: {  	_ =	shalt  }
0x70: {  	_ =	shalt  }
0x71: {  	_ =	shalt  }
0x72: {  	_ =	shalt  }
0x73: {  	_ =	shalt  }
0x74: {  	_ =	shalt  }
0x75: {  	_ =	shalt  }
0x76: {  	_ =	shalt  }
0x77: {  	_ =	shalt  }
0x78: {  	_ =	shalt  }
0x79: {  	_ =	shalt  }
0x7a: {  	_ =	shalt  }
0x7b: {  	_ =	shalt  }
0x7c: {  	_ =	shalt  }
0x7d: {  	_ =	shalt  }
0x7e: {  	_ =	shalt  }
0x7f: {  	_ =	shalt  }
0x80: {  	_ =	shalt  }
0x81: {  	_ =	shalt  }
0x82: {  	_ =	shalt  }
0x83: {  	_ =	shalt  }
0x84: {  	_ =	shalt  }
0x85: {  	_ =	shalt  }
0x86: {  	_ =	shalt  }
0x87: {  	_ =	shalt  }
.Lfunc_end0:
.L_simem_size_0:
called_computation.5_lowered:
.L_overlay_start_0:
0x88: {  	s2 =	sld [smem:$0x3FD9]  }
0x89: {  	s3 =	sld [smem:$0x3FFE];
	_ =	sdelay $0x1  }
0x8a: {  	s1 =	srdreg.scid  }
0x8b: {  	s0 =	sand.u32 $0x1, s1  }
0x8c: {  	s16 =	sshll.u32 s0, $0xA;
	s2 =	sadd.s32 s3, s2  }
0x8d: {  	s2 =	sadd.s32 s2, s16  }
0x8e: {  	[smem:$0x3FB0] =	sst s2  }
0x8f: {  	_ = 	snop  }
0x90: {  	(tm) =	ssettm $0x1  }
0x91: {  	s17 =	sld [smem:$0x3FFB];
	_ =	sdelay $0x3  }
0x92: {  	_ =	strace s17  }
0x93: {  	s2 =	sld [smem:$0x3FFC];
	_ =	sdelay $0x3  }
0x94: {  	_ =	strace s2  }
0x95: {  	s2 =	sld [smem:$0x3FFD];
	_ =	sdelay $0x3  }
0x96: {  	_ =	strace s2  }
0x97: {  	_ =	strace $0x8FFFFFFF  }
0x98: {  	s18 =	sld [smem:$0x3FDB];
	_ =	sdelay $0x1  }
0x99: {  	s19 =	simm.s32 $_scs_section_size  }
0x9a: {  	s4 =	simm.s32 $_size__tile_overlayer_lowered;
	s5 =	simm.s32 $_tile_overlayer_lowered  }
0x9b: {  	s22 =	simm.s32 $0x1BFF;
	s21 =	sshll.u32 s5, $0x1;
	s2 =	sadd.s32 s19, s18  }
0x9c: {  	s6 =	simm.s32 $0x0;
	s20 =	sshll.u32 s4, $0x1;
	s4 =	sadd.s32 s21, s2  }
0x9d: {  	[timem:s6], [sflag:s22] =	dma.local [hbm:s4], s20  }
0x9e: {  	_ =	swait.ge [sflag:s22], s20  }
0x9f: {  	s3 =	ssub.s32 $0x0, s20;
	[sflag:s22] =	ssyncset.done $0x0  }
0xa0: {  	[sflag:s22] =	ssyncadd.s32 s3;
	_ =	sdelay $0x1  }
0xa1: {  	s23 =	simm.s32 $0x1B8B  }
0xa2: {  	_ =	swait.ge [sflag:s23], $0x1  }
0xa3: {  	[sflag:s23] =	ssyncset.done $0x0  }
0xa4: {  	s25 =	simm.s32 $0x1B8E;
	s24 =	sld [smem:$0x3FFE];
	[sflag:s23] =	ssyncadd.s32 $0xFFFFFFFF  }
0xa5: {  	s26 =	simm.s32 $execute0_lowered;
	[smem:$0x3FD2] =	sst s25  }
0xa6: {  	s4 =	sshll.u32 s26, $0x1;
	_ =	strace $0x80000055;
	[dreg:$0x1] =	wrdreg $0xFFFFFFFF  }
0xa7: {  	s28 =	simm.s32 $_size_execute0_lowered;
	s2 =	sadd.s32 s2, s4;
	[dreg:$0x0] =	wrdreg $0x0  }
0xa8: {  	s4 =	sshll.u32 s28, $0x1;
	[dreg:$0x2] =	wrdreg s2  }
0xa9: {  	[dreg:$0x3] =	wrdreg s4  }
0xaa: {  	[dreg:$0x4] =	wrdreg $0xC0  }
0xab: {  	_ =	task [dreg:s6], $0x5FFFF  }
0xac: {  	[dreg:$0x1] =	wrdreg $0xFFFFFFFF  }
0xad: {  	[dreg:$0x0] =	wrdreg $0x60  }
0xae: {  	[dreg:$0x2] =	wrdreg s24  }
0xaf: {  	[dreg:$0x3] =	wrdreg $0x9  }
0xb0: {  	_ =	task.clear_ibuf [dreg:s6], $0x4FFFF;
	_ =	strace $0x90000055  }
0xb1: {  	s29 =	simm.s32 $0x9;
	_ =	strace $0x80000057  }
0xb2: {  	_ =	swait.ge [sflag:s29], $0x1  }
0xb3: {  	[sflag:s29] =	ssyncadd.s32 $0xFFFFFFFF  }
0xb4: {  	_ =	strace $0x90000057  }
0xb5: {  	_ =	sfence  }
0xb6: {  	s30 =	sld [smem:$0x0];
	_ =	sdelay $0x2  }
0xb7: {  	s31 =	sshll.u32 s1, $0xD;
	s1 =	sshrl.u32 s1, $0x2  }
0xb8: {  	s3 =	sand.u32 $0x4000, s31;
	s1 =	sadd.s32 s1, s30  }
0xb9: {  	s0 =	sor.u32 s3, s0;
	s1 =	sshll.u32 s1, $0x11  }
0xba: {  	s0 =	sor.u32 s1, s0  }
0xbb: {  	s0 =	sadd.s32 $0x8F2B, s0  }
0xbc: {  	[sflag:s0] =	ssyncadd.remote.s32 $0x1  }
0xbd: {  	_ =	sfence.sel $0xFFFF  }
0xbe: {  	[dreg:$0x0] =	wrdreg $0xFFFFFFFF;
	(pc) =	sbr.abs _section_cstart, $3  }
0xbf: {  	[dreg:$0x1] =	wrdreg $0xFFFFFFFF  }
0xc0: {  	_ =	task.clear_ibuf [dreg:s6], $0x2FFFF;
	_ =	strace $0x9FFFFFFF  }
0xc1: {  	(tm) =	ssettm $0x7FFFFFFF  }
tec
execute0_lowered:
.L_overlay_start_1:
0x0: {  	(tag) =	ssettag $0x1  }
0x1: {  	s2 =	srdreg.scid  }
0x2: {  	s11 =	rddreg [dreg:$0x0];
	s1 =	stileid.u32;
	s12 =	sand.u32 $0x1, s2  }
0x3: {  	s0 =	rddreg [dreg:$0x1];
	s3 =	sshll.u32 s1, $0x9;
	s4 =	sshll.u32 s12, $0x8  }
0x4: {  	s2 =	simm.s32 $0x0;
	s26 =	sadd.s32 $0xA400, s11;
	s13 =	sor.u32 s4, s3  }
0x5: {  	[smem:$0x7FF] =	sst s2;
	s3 =	sshrl.u32 s13, $0x3;
	s14 =	sor.u32 $0x80, s13  }
0x6: {  	_ =	strace $0x80000056;
	s3 =	sadd.s32 s26, s3;
	s5 =	sshrl.u32 s14, $0x3  }
0x7: {  	[tilespmem:s2], [sflag:$0x1] =	stream.linear.gather [hbm4b:s3+s2], $0x80, $0x38;
	[tilespmem:$0x8100] =	vst v63  }
0x8: {  	s6 =	simm.s32 $0x1;
	s4 =	sadd.s32 s26, s5;
	s5 =	simm.s32 $0x80  }
0x9: {  	[tilespmem:s5], [sflag:$0x2] =	stream.linear.gather [hbm4b:s4+s2], $0x80, $0x38;
	[tilespmem:$0x8100] =	vst v63  }
0xa: {  	_ =	swait.ge [sflag:s6], $0x80  }
0xb: {  	s9 =	simm.s32 $0x100;
	[sflag:s6] =	ssyncset.done $0x0  }
0xc: {  	s8 =	simm.s32 $0x2;
	s7 =	sadd.s32 $0xA800, s11;
	[sflag:s6] =	ssyncadd.s32 $0xFFFFFF80  }
0xd: {  	[tilespmem:s9], [sflag:$0x1] =	stream.indirect.gather [hbm4b:s7+s5], $0x80, s2, s5, $0xb8;
	[tilespmem:$0x8100] =	vst v63  }
0xe: {  	_ =	swait.ge [sflag:s8], $0x80  }
0xf: {  	[sflag:s8] =	ssyncset.done $0x0  }
0x10: {  	s10 =	simm.s32 $0x4100;
	[sflag:s8] =	ssyncadd.s32 $0xFFFFFF80  }
0x11: {  	[tilespmem:s10], [sflag:$0x2] =	stream.indirect.gather [hbm4b:s7+s5], $0x80, s5, s5, $0xb8;
	[tilespmem:$0x8100] =	vst v63  }
0x12: {  	s15 =	sadd.s32 $0x2A800, s11;
	_ =	swait.ge [sflag:s6], $0x4000  }
0x13: {  	s30 =	ssub.s32 $0x2, s12;
	s28 =	sshll.u32 s13, $0x4;
	[sflag:s6] =	ssyncset.done $0x0  }
0x14: {  	s31 =	sshrl.u32 s30, $0x1;
	s11 =	sadd.s32 s15, s28;
	[sflag:s6] =	ssyncadd.s32 $0xFFFFC000  }
0x15: {  	[hbm4b:s11+s2] =	stream.linear.scatter [tilespmem:s9], [sflag:$0x1], $0x4000, $0x38;
	[tilespmem:$0x8100] =	vst v63  }
0x16: {  	s13 =	ssub.s32 s30, s31;
	_ =	swait.ge [sflag:s8], $0x4000  }
0x17: {  	s29 =	sshll.u32 s14, $0x4;
	s13 =	smax.u32 s13, $0x1;
	[sflag:s8] =	ssyncset.done $0x0  }
0x18: {  	s12 =	sadd.s32 s15, s29;
	p0 =	sne.s32 s13, $0x1;
	[sflag:s8] =	ssyncadd.s32 $0xFFFFC000  }
0x19: {  	[hbm4b:s12+s2] =	stream.linear.scatter [tilespmem:s10], [sflag:$0x2], $0x4000, $0x38;
	[tilespmem:$0x8100] =	vst v63  }
.Ltmp0:
0x1a: {  	_ =	swait.ge [sflag:s6], $0x4000;
	(pc) =	sbr.rel @!p0 .LBB2_2-.Ltmp0, $4  }
0x1b: {  	[sflag:s6] =	ssyncset.done $0x0  }
0x1c: {  	[sflag:s6] =	ssyncadd.s32 $0xFFFFC000  }
0x1d: {  	_ =	swait.ge [sflag:s8], $0x4000  }
0x1e: {  	s13 =	sadd.s32 $0xFFFFFFFF, s13;
	[sflag:s8] =	ssyncset.done $0x0  }
.LBB2_1:
0x1f: {  	p0 =	sne.s32 s13, $0x1;
	s13 =	sadd.s32 $0xFFFFFFFF, s13;
	[sflag:s8] =	ssyncadd.s32 $0xFFFFC000  }
0x20: {  	[tilespmem:s2], [sflag:$0x1] =	stream.linear.gather [hbm4b:s3+s2], $0x80, $0x38;
	[tilespmem:$0x8100] =	vst v63  }
0x21: {  	_ = 	snop  }
0x22: {  	[tilespmem:s5], [sflag:$0x2] =	stream.linear.gather [hbm4b:s4+s2], $0x80, $0x38;
	[tilespmem:$0x8100] =	vst v63  }
0x23: {  	_ =	swait.ge [sflag:s6], $0x80  }
0x24: {  	[sflag:s6] =	ssyncset.done $0x0  }
0x25: {  	[sflag:s6] =	ssyncadd.s32 $0xFFFFFF80  }
0x26: {  	[tilespmem:s9], [sflag:$0x1] =	stream.indirect.gather [hbm4b:s7+s5], $0x80, s2, s5, $0xb8;
	[tilespmem:$0x8100] =	vst v63  }
0x27: {  	_ =	swait.ge [sflag:s8], $0x80  }
0x28: {  	[sflag:s8] =	ssyncset.done $0x0  }
0x29: {  	[sflag:s8] =	ssyncadd.s32 $0xFFFFFF80  }
0x2a: {  	[tilespmem:s10], [sflag:$0x2] =	stream.indirect.gather [hbm4b:s7+s5], $0x80, s5, s5, $0xb8;
	[tilespmem:$0x8100] =	vst v63  }
0x2b: {  	_ =	swait.ge [sflag:s6], $0x4000  }
0x2c: {  	[sflag:s6] =	ssyncset.done $0x0  }
0x2d: {  	[sflag:s6] =	ssyncadd.s32 $0xFFFFC000  }
0x2e: {  	[hbm4b:s11+s2] =	stream.linear.scatter [tilespmem:s9], [sflag:$0x1], $0x4000, $0x38;
	[tilespmem:$0x8100] =	vst v63  }
0x2f: {  	_ =	swait.ge [sflag:s8], $0x4000  }
0x30: {  	[sflag:s8] =	ssyncset.done $0x0  }
0x31: {  	[sflag:s8] =	ssyncadd.s32 $0xFFFFC000  }
0x32: {  	[hbm4b:s12+s2] =	stream.linear.scatter [tilespmem:s10], [sflag:$0x2], $0x4000, $0x38;
	[tilespmem:$0x8100] =	vst v63  }
.Ltmp1:
0x33: {  	_ =	swait.ge [sflag:s6], $0x4000;
	(pc) =	sbr.rel @p0 .LBB2_1-.Ltmp1, $4  }
0x34: {  	[sflag:s6] =	ssyncset.done $0x0  }
0x35: {  	[sflag:s6] =	ssyncadd.s32 $0xFFFFC000  }
0x36: {  	_ =	swait.ge [sflag:s8], $0x4000  }
0x37: {  	[sflag:s8] =	ssyncset.done $0x0  }
.LBB2_2:
0x38: {  	[sflag:s8] =	ssyncadd.s32 $0xFFFFC000  }
0x39: {  	_ =	sfence.sel $0x180000  }
0x3a: {  	[bflag:$0x0] =	sbarrier.arrive $0xFFFF  }
0x3b: {  	p0 =	sne.s32 s1, $0x0;
	_ =	strace $0x90000056  }
0x3c: {  	s0 =	sadd.s32 @!p0 $0x100000, s0;
	[bflag:$0x2] =	sbarrier.arrive $0xFFFF  }
0x3d: {  	[sflag:s0] =	ssyncadd.tile.s32 @!p0 $0x1;
	_ =	shalt  }
.Lfunc_end2:
_tile_overlayer_lowered:
.L_overlay_start_2:
0x3e: {  	(tag) =	ssettag $0x2  }
0x3f: {  	s0 =	rddreg [dreg:$0x0];
	s2 =	stileid.u32  }
0x40: {  	s1 =	rddreg [dreg:$0x1];
	p0 =	sne.s32 s2, $0x0  }
0x41: {  	s3 =	rddreg [dreg:$0x2];
	[bflag:$0x3] =	sbarrier.arrive $0xFFFF;
	s2 =	simm.s32 @!p0 $0x1C03  }
0x42: {  	[timem:s3], [sflag:s2] =	dma.local @!p0 [hbm:s0], s1  }
0x43: {  	s0 =	simm.s32 @!p0 $0x3  }
0x44: {  	_ =	swait.ge @!p0 [sflag:s0], s1  }
0x45: {  	s1 =	ssub.s32 @!p0 $0x0, s1;
	[sflag:s0] =	ssyncset.done @!p0 $0x0  }
0x46: {  	[sflag:s0] =	ssyncadd.s32 @!p0 s1  }
0x47: {  	[bflag:$0x3] =	sbarrier.arrive $0xFFFF  }
0x48: {  	_ =	shalt  }

// kernel: kernel.43.cloned.1.call-start
scs
__scs_entry_jumppad:
0x0: {  	(pc) =	sbr.rel $0x88, $3  }
0x1: {  	(tag) =	ssettag $0x0;
	lr =	simm.s32 $0x1  }
0x2: {  	[smem:$0x3F89] =	sst lr;
	_ =	strace $0xD0000000  }
0x3: {  	_ = 	snop  }
0x4: {  	_ = 	snop  }
0x5: {  	_ = 	snop  }
0x6: {  	_ = 	snop  }
0x7: {  	_ = 	snop  }
__scs_overlays_trampoline_lowered:
0x8: {  	[smem:$0x3F98] =	sst s0  }
0x9: {  	[smem:$0x3F99] =	sst s1  }
0xa: {  	[smem:$0x3F9A] =	sst s2  }
0xb: {  	[smem:$0x3F9B] =	sst s3  }
0xc: {  	[smem:$0x3F9C] =	sst s4  }
0xd: {  	[smem:$0x3F9D] =	sst s5  }
0xe: {  	[smem:$0x3F9E] =	sst s6  }
0xf: {  	[smem:$0x3F9F] =	sst s7  }
0x10: {  	[smem:$0x3FA0] =	sst s8  }
0x11: {  	[smem:$0x3FA1] =	sst s9;
	s0 =	simm.s32 @!p0 $0x0  }
0x12: {  	s1 =	sld [smem:$0x3F87];
	s0 =	simm.s32 @p0 $0x1  }
0x13: {  	[smem:$0x3FA2] =	sst s0;
	s0 =	simm.s32 @!p1 $0x0  }
0x14: {  	s2 =	sld [smem:$0x3F86];
	s0 =	simm.s32 @p1 $0x1  }
0x15: {  	[smem:$0x3FA3] =	sst s0;
	s0 =	simm.s32 @!p2 $0x0  }
0x16: {  	s3 =	sld [smem:$0x3FDB];
	s0 =	simm.s32 @p2 $0x1  }
0x17: {  	s4 =	simm.s32 $0x1BF5;
	[smem:$0x3FA5] =	sst s0  }
0x18: {  	s0 =	sld [smem:$0x3F88];
	_ =	swait.ge [sflag:s4], $0x0  }
0x19: {  	s7 =	sld [smem:$0x3F89]  }
0x1a: {  	s8 =	sadd.s32 $0xFFFFE003, lr  }
0x1b: {  	s9 =	sadd.s32 $0xFFFFFEF7, lr;
	s5 =	simm.s32 $0xFFFFFFFF;
	p2 =	slt.u32 s8, $0xFFFFF086  }
0x1c: {  	p1 =	slt.u32 s9, $0xF7A;
	s5 =	simm.s32 @!p2 $0x0  }
0x1d: {  	s5 =	simm.s32 @p1 $0x1;
	p0 =	seq.s32 s7, s2  }
0x1e: {  	s7 =	smul.u32 @!p0 $0xF7A, s2;
	p2 =	seq.s32 @!p0 s5, $0x0  }
0x1f: {  	s9 =	smul.u32 $0xF7A, s1;
	s8 =	simm.s32 @!p0 $0x1BF5;
	p2 =	por !p2, p0  }
0x20: {  	[sflag:s8] =	ssyncset.s32 @!p0 $0xFFFFF086;
	s6 =	sadd.s32 @!p0 s3, s7;
	s7 =	simm.s32 @!p0 $0x108  }
0x21: {  	s3 =	sadd.s32 s3, s9;
	s6 =	sadd.s32 @!p0 $0x88, s6;
	s7 =	simm.s32 @p2 $0x1082  }
0x22: {  	[simem:s7], [sflag:s8] =	dma.local @!p0 [hbm:s6], $0xF7A  }
0x23: {  	s9 =	sor.u32 $0xD0000000, s2;
	s6 =	simm.s32 $0x108;
	_ =	swait.ge @!p0 [sflag:s8], $0x0  }
0x24: {  	s3 =	sadd.s32 $0x88, s3;
	s6 =	simm.s32 @!p1 $0x1082;
	[sflag:s4] =	ssyncset.s32 $0xFFFFF086  }
0x25: {  	[simem:s6], [sflag:s4] =	dma.local [hbm:s3], $0xF7A  }
0x26: {  	[smem:$0x3F89] =	sst s1;
	(tag) =	ssettag s2;
	_ =	strace s9  }
0x27: {  	s1 =	sld [smem:$0x3F99]  }
0x28: {  	s2 =	sld [smem:$0x3F9A]  }
0x29: {  	s4 =	sld [smem:$0x3F9C]  }
0x2a: {  	p0 =	seq.s32 s5, $0x0;
	s5 =	sld [smem:$0x3F9D]  }
0x2b: {  	s6 =	sld [smem:$0x3F9E]  }
0x2c: {  	s7 =	sld [smem:$0x3F9F]  }
0x2d: {  	s3 =	simm.s32 $0x108;
	s8 =	sld [smem:$0x3FA0]  }
0x2e: {  	s3 =	simm.s32 @!p0 $0x1082;
	s9 =	sld [smem:$0x3FA1]  }
0x2f: {  	lr =	sadd.s32 s0, s3;
	s0 =	sld [smem:$0x3F98]  }
0x30: {  	s3 =	sld [smem:$0x3F9B]  }
0x31: {  	[smem:$0x3FA4] =	sst s10  }
0x32: {  	s10 =	sld [smem:$0x3FA2];
	_ =	sdelay $0x3  }
0x33: {  	p0 =	seq.s32 s10, $0x1;
	s10 =	sld [smem:$0x3FA4];
	_ =	sdelay $0x3  }
0x34: {  	[smem:$0x3FA4] =	sst s10  }
0x35: {  	s10 =	sld [smem:$0x3FA3];
	_ =	sdelay $0x3  }
0x36: {  	p1 =	seq.s32 s10, $0x1;
	s10 =	sld [smem:$0x3FA4];
	_ =	sdelay $0x3  }
0x37: {  	[smem:$0x3FA4] =	sst s10  }
0x38: {  	s10 =	sld [smem:$0x3FA5]  }
0x39: {  	_ = 	snop;
	(pc) =	sbr.ind lr, $3  }
0x3a: {  	_ = 	snop  }
0x3b: {  	_ = 	snop  }
0x3c: {  	p2 =	seq.s32 s10, $0x1;
	s10 =	sld [smem:$0x3FA4]  }
0x3d: {  	_ =	shalt  }
0x3e: {  	_ =	shalt  }
0x3f: {  	_ =	shalt  }
0x40: {  	_ =	shalt  }
0x41: {  	_ =	shalt  }
0x42: {  	_ =	shalt  }
0x43: {  	_ =	shalt  }
0x44: {  	_ =	shalt  }
0x45: {  	_ =	shalt  }
0x46: {  	_ =	shalt  }
0x47: {  	_ =	shalt  }
0x48: {  	_ =	shalt  }
0x49: {  	_ =	shalt  }
0x4a: {  	_ =	shalt  }
0x4b: {  	_ =	shalt  }
0x4c: {  	_ =	shalt  }
0x4d: {  	_ =	shalt  }
0x4e: {  	_ =	shalt  }
0x4f: {  	_ =	shalt  }
0x50: {  	_ =	shalt  }
0x51: {  	_ =	shalt  }
0x52: {  	_ =	shalt  }
0x53: {  	_ =	shalt  }
0x54: {  	_ =	shalt  }
0x55: {  	_ =	shalt  }
0x56: {  	_ =	shalt  }
0x57: {  	_ =	shalt  }
0x58: {  	_ =	shalt  }
0x59: {  	_ =	shalt  }
0x5a: {  	_ =	shalt  }
0x5b: {  	_ =	shalt  }
0x5c: {  	_ =	shalt  }
0x5d: {  	_ =	shalt  }
0x5e: {  	_ =	shalt  }
0x5f: {  	_ =	shalt  }
0x60: {  	_ =	shalt  }
0x61: {  	_ =	shalt  }
0x62: {  	_ =	shalt  }
0x63: {  	_ =	shalt  }
0x64: {  	_ =	shalt  }
0x65: {  	_ =	shalt  }
0x66: {  	_ =	shalt  }
0x67: {  	_ =	shalt  }
0x68: {  	_ =	shalt  }
0x69: {  	_ =	shalt  }
0x6a: {  	_ =	shalt  }
0x6b: {  	_ =	shalt  }
0x6c: {  	_ =	shalt  }
0x6d: {  	_ =	shalt  }
0x6e: {  	_ =	shalt  }
0x6f: {  	_ =	shalt  }
0x70: {  	_ =	shalt  }
0x71: {  	_ =	shalt  }
0x72: {  	_ =	shalt  }
0x73: {  	_ =	shalt  }
0x74: {  	_ =	shalt  }
0x75: {  	_ =	shalt  }
0x76: {  	_ =	shalt  }
0x77: {  	_ =	shalt  }
0x78: {  	_ =	shalt  }
0x79: {  	_ =	shalt  }
0x7a: {  	_ =	shalt  }
0x7b: {  	_ =	shalt  }
0x7c: {  	_ =	shalt  }
0x7d: {  	_ =	shalt  }
0x7e: {  	_ =	shalt  }
0x7f: {  	_ =	shalt  }
0x80: {  	_ =	shalt  }
0x81: {  	_ =	shalt  }
0x82: {  	_ =	shalt  }
0x83: {  	_ =	shalt  }
0x84: {  	_ =	shalt  }
0x85: {  	_ =	shalt  }
0x86: {  	_ =	shalt  }
0x87: {  	_ =	shalt  }
.Lfunc_end0:
.L_simem_size_0:
called_computation.6_lowered:
.L_overlay_start_0:
0x88: {  	s2 =	sld [smem:$0x3FD9]  }
0x89: {  	s3 =	sld [smem:$0x3FFE];
	_ =	sdelay $0x1  }
0x8a: {  	s1 =	srdreg.scid  }
0x8b: {  	s0 =	sand.u32 $0x1, s1  }
0x8c: {  	s17 =	sshll.u32 s0, $0xA;
	s2 =	sadd.s32 s3, s2  }
0x8d: {  	s2 =	sadd.s32 s2, s17  }
0x8e: {  	[smem:$0x3FB0] =	sst s2  }
0x8f: {  	_ = 	snop  }
0x90: {  	s2 =	sld [smem:$0x3FD0];
	(tm) =	ssettm $0x1  }
0x91: {  	s18 =	sld [smem:$0x3FFB];
	_ =	sdelay $0x3  }
0x92: {  	_ =	strace s18  }
0x93: {  	s3 =	sld [smem:$0x3FFC];
	_ =	sdelay $0x3  }
0x94: {  	_ =	strace s3  }
0x95: {  	s3 =	sld [smem:$0x3FFD];
	_ =	sdelay $0x3  }
0x96: {  	_ =	strace s3  }
0x97: {  	_ =	strace $0x8FFFFFFF  }
0x98: {  	s19 =	sld [smem:$0x3FDB];
	_ =	sdelay $0x1  }
0x99: {  	s4 =	simm.s32 $_scs_section_size  }
0x9a: {  	s5 =	simm.s32 $_size__tile_overlayer_lowered;
	s6 =	simm.s32 $_tile_overlayer_lowered  }
0x9b: {  	s22 =	simm.s32 $0x1BFF;
	s21 =	sshll.u32 s6, $0x1;
	s3 =	sadd.s32 s4, s19  }
0x9c: {  	s7 =	simm.s32 $0x0;
	s20 =	sshll.u32 s5, $0x1;
	s5 =	sadd.s32 s21, s3  }
0x9d: {  	[timem:s7], [sflag:s22] =	dma.local [hbm:s5], s20  }
0x9e: {  	_ =	swait.ge [sflag:s22], s20  }
0x9f: {  	s4 =	ssub.s32 $0x0, s20;
	[sflag:s22] =	ssyncset.done $0x0  }
0xa0: {  	[sflag:s22] =	ssyncadd.s32 s4;
	_ =	sdelay $0x1  }
0xa1: {  	s23 =	simm.s32 $0x1B8B  }
0xa2: {  	_ =	swait.ge [sflag:s23], $0x1  }
0xa3: {  	[sflag:s23] =	ssyncset.done $0x0  }
0xa4: {  	s25 =	simm.s32 $0x1B8E;
	s24 =	sld [smem:$0x3FFE];
	[sflag:s23] =	ssyncadd.s32 $0xFFFFFFFF  }
0xa5: {  	s26 =	simm.s32 $execute0_lowered;
	[smem:$0x3FD2] =	sst s25  }
0xa6: {  	s5 =	sshll.u32 s26, $0x1;
	_ =	strace $0x80000058;
	[dreg:$0x1] =	wrdreg $0xFFFFFFFF  }
0xa7: {  	s28 =	simm.s32 $_size_execute0_lowered;
	s3 =	sadd.s32 s3, s5;
	[dreg:$0x0] =	wrdreg $0x0  }
0xa8: {  	s5 =	sshll.u32 s28, $0x1;
	[dreg:$0x2] =	wrdreg s3  }
0xa9: {  	[dreg:$0x3] =	wrdreg s5  }
0xaa: {  	[dreg:$0x4] =	wrdreg $0xC0  }
0xab: {  	_ =	task [dreg:s7], $0x5FFFF  }
0xac: {  	[dreg:$0x1] =	wrdreg $0xFFFFFFFF  }
0xad: {  	[dreg:$0x0] =	wrdreg $0x60  }
0xae: {  	[dreg:$0x2] =	wrdreg s24  }
0xaf: {  	[dreg:$0x3] =	wrdreg s2  }
0xb0: {  	[dreg:$0x4] =	wrdreg $0x81000  }
0xb1: {  	[dreg:$0x5] =	wrdreg $0x9  }
0xb2: {  	_ =	task.clear_ibuf [dreg:s7], $0x6FFFF;
	_ =	strace $0x90000058  }
0xb3: {  	s29 =	simm.s32 $0x9;
	_ =	strace $0x8000005A  }
0xb4: {  	_ =	swait.ge [sflag:s29], $0x1  }
0xb5: {  	[sflag:s29] =	ssyncadd.s32 $0xFFFFFFFF  }
0xb6: {  	_ =	strace $0x9000005A  }
0xb7: {  	_ =	sfence  }
0xb8: {  	s30 =	sld [smem:$0x0];
	_ =	sdelay $0x2  }
0xb9: {  	s31 =	sshll.u32 s1, $0xD;
	s1 =	sshrl.u32 s1, $0x2  }
0xba: {  	s3 =	sand.u32 $0x4000, s31;
	s1 =	sadd.s32 s1, s30  }
0xbb: {  	s0 =	sor.u32 s3, s0;
	s1 =	sshll.u32 s1, $0x11  }
0xbc: {  	s0 =	sor.u32 s1, s0  }
0xbd: {  	s0 =	sadd.s32 $0x8F2B, s0  }
0xbe: {  	[sflag:s0] =	ssyncadd.remote.s32 $0x1  }
0xbf: {  	_ =	sfence.sel $0xFFFF  }
0xc0: {  	[dreg:$0x0] =	wrdreg $0xFFFFFFFF;
	(pc) =	sbr.abs _section_cstart, $3  }
0xc1: {  	[dreg:$0x1] =	wrdreg $0xFFFFFFFF  }
0xc2: {  	_ =	task.clear_ibuf [dreg:s7], $0x2FFFF;
	_ =	strace $0x9FFFFFFF  }
0xc3: {  	(tm) =	ssettm $0x7FFFFFFF  }
tec
execute0_lowered:
.L_overlay_start_1:
0x0: {  	(tag) =	ssettag $0x1  }
0x1: {  	s4 =	rddreg [dreg:$0x0]  }
0x2: {  	s9 =	rddreg [dreg:$0x1]  }
0x3: {  	s2 =	rddreg [dreg:$0x2]  }
0x4: {  	s3 =	srdreg.scid;
	s0 =	rddreg [dreg:$0x3]  }
0x5: {  	s1 =	stileid.u32;
	s17 =	sand.u32 $0x1, s3;
	s3 =	simm.s32 $0x0  }
0x6: {  	s5 =	sshll.u32 s1, $0x9;
	s30 =	sshll.u32 s1, $0xC;
	s8 =	sshll.u32 s1, $0xF  }
0x7: {  	s19 =	sshll.u32 s1, $0x6;
	s6 =	sshll.u32 s17, $0x8;
	[smem:$0x7FF] =	sst s3  }
0x8: {  	s18 =	sadd.s32 s30, s4;
	s8 =	sadd.s32 s8, s2;
	s7 =	sor.u32 s6, s5  }
0x9: {  	_ =	strace $0x80000059;
	s5 =	sshll.u32 s7, $0x4;
	s10 =	sshrl.u32 s7, $0x3  }
0xa: {  	s7 =	sshrl.u32 s8, $0x3;
	s8 =	simm.s32 $0x100;
	s29 =	sadd.s32 s5, s4  }
0xb: {  	s4 =	sadd.s32 $0x1A800, s18;
	s5 =	sor.u32 $0x1C01, s19;
	s6 =	sadd.s32 $0x2A800, s29  }
0xc: {  	[spmem:s7], [sflag:s5] =	dma.local [hbm:s4], $0x1000  }
0xd: {  	[tilespmem:s8], [sflag:$0x2] =	stream.linear.gather [hbm4b:s6+s3], $0x8000, $0x38;
	[tilespmem:$0x10100] =	vst v63  }
0xe: {  	s9 =	sadd.s32 s9, s10  }
0xf: {  	[tilespmem:s3], [sflag:$0x3] =	stream.linear.gather [hbm4b:s9+s3], $0x80, $0x38;
	[tilespmem:$0x10100] =	vst v63  }
0x10: {  	s11 =	simm.s32 $0x80;
	s12 =	simm.s32 $0x1;
	s10 =	sadd.s32 $0x10, s9  }
0x11: {  	[tilespmem:s11], [sflag:$0x3] =	stream.linear.gather [hbm4b:s10+s3], $0x80, $0x38;
	[tilespmem:$0x10100] =	vst v63  }
0x12: {  	_ =	swait.ge [sflag:s12], $0x1000  }
0x13: {  	[sflag:s12] =	ssyncset.done $0x0  }
0x14: {  	s13 =	simm.s32 $0x2;
	[sflag:s12] =	ssyncadd.s32 $0xFFFFF000  }
0x15: {  	_ =	swait.ge [sflag:s13], $0x8000  }
0x16: {  	[sflag:s13] =	ssyncset.done $0x0  }
0x17: {  	s14 =	simm.s32 $0x3;
	[sflag:s13] =	ssyncadd.s32 $0xFFFF8000  }
0x18: {  	_ =	swait.ge [sflag:s14], $0x80  }
0x19: {  	[sflag:s14] =	ssyncset.done $0x0  }
0x1a: {  	[sflag:s14] =	ssyncadd.s32 $0xFFFFFF80  }
0x1b: {  	_ =	swait.ge [sflag:s14], $0x80  }
0x1c: {  	[sflag:s14] =	ssyncset.done $0x0  }
0x1d: {  	[sflag:s14] =	ssyncadd.s32 $0xFFFFFF80  }
0x1e: {  	s15 =	simm.s32 $0x4;
	[bflag:$0x0] =	sbarrier.arrive $0xFFFF  }
0x1f: {  	[spmem:s2] =	stream.indirect.scatter.add.f32 [tilespmem:s8], [sflag:$0x4], $0x80, s3, s11, $0xb8;
	[tilespmem:$0x10100] =	vst v63  }
0x20: {  	s16 =	simm.s32 $0x4100;
	s20 =	ssub.s32 $0x2, s17;
	_ =	swait.ge [sflag:s15], $0x4000  }
0x21: {  	s17 =	sshll.u32 s17, $0x10;
	s31 =	sshrl.u32 s20, $0x1;
	[sflag:s15] =	ssyncset.done $0x0  }
0x22: {  	s17 =	sadd.s32 s17, s18;
	s18 =	ssub.s32 s20, s31;
	[sflag:s15] =	ssyncadd.s32 $0xFFFFC000  }
0x23: {  	[spmem:s2] =	stream.indirect.scatter.add.f32 [tilespmem:s16], [sflag:$0x4], $0x80, s11, s11, $0xb8;
	[tilespmem:$0x10100] =	vst v63  }
0x24: {  	s20 =	smax.u32 s18, $0x1;
	_ =	swait.ge [sflag:s15], $0x4000  }
0x25: {  	p0 =	sne.s32 s20, $0x1;
	[sflag:s15] =	ssyncset.done $0x0  }
.Ltmp0:
0x26: {  	[sflag:s15] =	ssyncadd.s32 $0xFFFFC000;
	(pc) =	sbr.rel @!p0 .LBB2_2-.Ltmp0, $4  }
0x27: {  	s17 =	sadd.s32 $0x4A800, s17;
	s18 =	sor.u32 $0x1C04, s19;
	[bflag:$0x0] =	sbarrier.arrive $0xFFFF  }
0x28: {  	[hbm:s17], [sflag:s18] =	dma.local [spmem:s7], $0x1000  }
0x29: {  	_ =	swait.ge [sflag:s15], $0x1000  }
0x2a: {  	s19 =	sadd.s32 $0xFFFFFFFF, s20;
	[sflag:s15] =	ssyncset.done $0x0  }
.LBB2_1:
0x2b: {  	p0 =	sne.s32 s19, $0x1;
	s19 =	sadd.s32 $0xFFFFFFFF, s19;
	[sflag:s15] =	ssyncadd.s32 $0xFFFFF000  }
0x2c: {  	[spmem:s7], [sflag:s5] =	dma.local [hbm:s4], $0x1000  }
0x2d: {  	[tilespmem:s8], [sflag:$0x2] =	stream.linear.gather [hbm4b:s6+s3], $0x8000, $0x38;
	[tilespmem:$0x10100] =	vst v63  }
0x2e: {  	_ = 	snop  }
0x2f: {  	[tilespmem:s3], [sflag:$0x3] =	stream.linear.gather [hbm4b:s9+s3], $0x80, $0x38;
	[tilespmem:$0x10100] =	vst v63  }
0x30: {  	_ = 	snop  }
0x31: {  	[tilespmem:s11], [sflag:$0x3] =	stream.linear.gather [hbm4b:s10+s3], $0x80, $0x38;
	[tilespmem:$0x10100] =	vst v63  }
0x32: {  	_ =	swait.ge [sflag:s12], $0x1000  }
0x33: {  	[sflag:s12] =	ssyncset.done $0x0  }
0x34: {  	[sflag:s12] =	ssyncadd.s32 $0xFFFFF000  }
0x35: {  	_ =	swait.ge [sflag:s13], $0x8000  }
0x36: {  	[sflag:s13] =	ssyncset.done $0x0  }
0x37: {  	[sflag:s13] =	ssyncadd.s32 $0xFFFF8000  }
0x38: {  	_ =	swait.ge [sflag:s14], $0x80  }
0x39: {  	[sflag:s14] =	ssyncset.done $0x0  }
0x3a: {  	[sflag:s14] =	ssyncadd.s32 $0xFFFFFF80  }
0x3b: {  	_ =	swait.ge [sflag:s14], $0x80  }
0x3c: {  	[sflag:s14] =	ssyncset.done $0x0  }
0x3d: {  	[sflag:s14] =	ssyncadd.s32 $0xFFFFFF80  }
0x3e: {  	[bflag:$0x0] =	sbarrier.arrive $0xFFFF  }
0x3f: {  	[spmem:s2] =	stream.indirect.scatter.add.f32 [tilespmem:s8], [sflag:$0x4], $0x80, s3, s11, $0xb8;
	[tilespmem:$0x10100] =	vst v63  }
0x40: {  	_ =	swait.ge [sflag:s15], $0x4000  }
0x41: {  	[sflag:s15] =	ssyncset.done $0x0  }
0x42: {  	[sflag:s15] =	ssyncadd.s32 $0xFFFFC000  }
0x43: {  	[spmem:s2] =	stream.indirect.scatter.add.f32 [tilespmem:s16], [sflag:$0x4], $0x80, s11, s11, $0xb8;
	[tilespmem:$0x10100] =	vst v63  }
0x44: {  	_ =	swait.ge [sflag:s15], $0x4000  }
0x45: {  	[sflag:s15] =	ssyncset.done $0x0  }
.Ltmp1:
0x46: {  	[sflag:s15] =	ssyncadd.s32 $0xFFFFC000;
	(pc) =	sbr.rel @p0 .LBB2_1-.Ltmp1, $4  }
0x47: {  	[bflag:$0x0] =	sbarrier.arrive $0xFFFF  }
0x48: {  	[hbm:s17], [sflag:s18] =	dma.local [spmem:s7], $0x1000  }
0x49: {  	_ =	swait.ge [sflag:s15], $0x1000  }
0x4a: {  	[sflag:s15] =	ssyncset.done $0x0  }
.LBB2_2:
0x4b: {  	[sflag:s15] =	ssyncadd.s32 $0xFFFFF000  }
0x4c: {  	_ =	sfence.sel $0x180000  }
0x4d: {  	[bflag:$0x0] =	sbarrier.arrive $0xFFFF  }
0x4e: {  	p0 =	sne.s32 s1, $0x0;
	_ =	strace $0x90000059  }
0x4f: {  	s0 =	sadd.s32 @!p0 $0x100000, s0;
	[bflag:$0x2] =	sbarrier.arrive $0xFFFF  }
0x50: {  	[sflag:s0] =	ssyncadd.tile.s32 @!p0 $0x1;
	_ =	shalt  }
.Lfunc_end2:
_tile_overlayer_lowered:
.L_overlay_start_2:
0x51: {  	(tag) =	ssettag $0x2  }
0x52: {  	s0 =	rddreg [dreg:$0x0];
	s2 =	stileid.u32  }
0x53: {  	s1 =	rddreg [dreg:$0x1];
	p0 =	sne.s32 s2, $0x0  }
0x54: {  	s3 =	rddreg [dreg:$0x2];
	[bflag:$0x3] =	sbarrier.arrive $0xFFFF;
	s2 =	simm.s32 @!p0 $0x1C04  }
0x55: {  	[timem:s3], [sflag:s2] =	dma.local @!p0 [hbm:s0], s1  }
0x56: {  	s0 =	simm.s32 @!p0 $0x4  }
0x57: {  	_ =	swait.ge @!p0 [sflag:s0], s1  }
0x58: {  	s1 =	ssub.s32 @!p0 $0x0, s1;
	[sflag:s0] =	ssyncset.done @!p0 $0x0  }
0x59: {  	[sflag:s0] =	ssyncadd.s32 @!p0 s1  }
0x5a: {  	[bflag:$0x3] =	sbarrier.arrive $0xFFFF  }
0x5b: {  	_ =	shalt  }

// kernel: kernel.46.cloned.1.call-start
scs
__scs_entry_jumppad:
0x0: {  	(pc) =	sbr.rel $0x88, $3  }
0x1: {  	(tag) =	ssettag $0x0;
	lr =	simm.s32 $0x1  }
0x2: {  	[smem:$0x3F89] =	sst lr;
	_ =	strace $0xD0000000  }
0x3: {  	_ = 	snop  }
0x4: {  	_ = 	snop  }
0x5: {  	_ = 	snop  }
0x6: {  	_ = 	snop  }
0x7: {  	_ = 	snop  }
__scs_overlays_trampoline_lowered:
0x8: {  	[smem:$0x3F98] =	sst s0  }
0x9: {  	[smem:$0x3F99] =	sst s1  }
0xa: {  	[smem:$0x3F9A] =	sst s2  }
0xb: {  	[smem:$0x3F9B] =	sst s3  }
0xc: {  	[smem:$0x3F9C] =	sst s4  }
0xd: {  	[smem:$0x3F9D] =	sst s5  }
0xe: {  	[smem:$0x3F9E] =	sst s6  }
0xf: {  	[smem:$0x3F9F] =	sst s7  }
0x10: {  	[smem:$0x3FA0] =	sst s8  }
0x11: {  	[smem:$0x3FA1] =	sst s9;
	s0 =	simm.s32 @!p0 $0x0  }
0x12: {  	s1 =	sld [smem:$0x3F87];
	s0 =	simm.s32 @p0 $0x1  }
0x13: {  	[smem:$0x3FA2] =	sst s0;
	s0 =	simm.s32 @!p1 $0x0  }
0x14: {  	s2 =	sld [smem:$0x3F86];
	s0 =	simm.s32 @p1 $0x1  }
0x15: {  	[smem:$0x3FA3] =	sst s0;
	s0 =	simm.s32 @!p2 $0x0  }
0x16: {  	s3 =	sld [smem:$0x3FDB];
	s0 =	simm.s32 @p2 $0x1  }
0x17: {  	s4 =	simm.s32 $0x1BF5;
	[smem:$0x3FA5] =	sst s0  }
0x18: {  	s0 =	sld [smem:$0x3F88];
	_ =	swait.ge [sflag:s4], $0x0  }
0x19: {  	s7 =	sld [smem:$0x3F89]  }
0x1a: {  	s8 =	sadd.s32 $0xFFFFE003, lr  }
0x1b: {  	s9 =	sadd.s32 $0xFFFFFEF7, lr;
	s5 =	simm.s32 $0xFFFFFFFF;
	p2 =	slt.u32 s8, $0xFFFFF086  }
0x1c: {  	p1 =	slt.u32 s9, $0xF7A;
	s5 =	simm.s32 @!p2 $0x0  }
0x1d: {  	s5 =	simm.s32 @p1 $0x1;
	p0 =	seq.s32 s7, s2  }
0x1e: {  	s7 =	smul.u32 @!p0 $0xF7A, s2;
	p2 =	seq.s32 @!p0 s5, $0x0  }
0x1f: {  	s9 =	smul.u32 $0xF7A, s1;
	s8 =	simm.s32 @!p0 $0x1BF5;
	p2 =	por !p2, p0  }
0x20: {  	[sflag:s8] =	ssyncset.s32 @!p0 $0xFFFFF086;
	s6 =	sadd.s32 @!p0 s3, s7;
	s7 =	simm.s32 @!p0 $0x108  }
0x21: {  	s3 =	sadd.s32 s3, s9;
	s6 =	sadd.s32 @!p0 $0x88, s6;
	s7 =	simm.s32 @p2 $0x1082  }
0x22: {  	[simem:s7], [sflag:s8] =	dma.local @!p0 [hbm:s6], $0xF7A  }
0x23: {  	s9 =	sor.u32 $0xD0000000, s2;
	s6 =	simm.s32 $0x108;
	_ =	swait.ge @!p0 [sflag:s8], $0x0  }
0x24: {  	s3 =	sadd.s32 $0x88, s3;
	s6 =	simm.s32 @!p1 $0x1082;
	[sflag:s4] =	ssyncset.s32 $0xFFFFF086  }
0x25: {  	[simem:s6], [sflag:s4] =	dma.local [hbm:s3], $0xF7A  }
0x26: {  	[smem:$0x3F89] =	sst s1;
	(tag) =	ssettag s2;
	_ =	strace s9  }
0x27: {  	s1 =	sld [smem:$0x3F99]  }
0x28: {  	s2 =	sld [smem:$0x3F9A]  }
0x29: {  	s4 =	sld [smem:$0x3F9C]  }
0x2a: {  	p0 =	seq.s32 s5, $0x0;
	s5 =	sld [smem:$0x3F9D]  }
0x2b: {  	s6 =	sld [smem:$0x3F9E]  }
0x2c: {  	s7 =	sld [smem:$0x3F9F]  }
0x2d: {  	s3 =	simm.s32 $0x108;
	s8 =	sld [smem:$0x3FA0]  }
0x2e: {  	s3 =	simm.s32 @!p0 $0x1082;
	s9 =	sld [smem:$0x3FA1]  }
0x2f: {  	lr =	sadd.s32 s0, s3;
	s0 =	sld [smem:$0x3F98]  }
0x30: {  	s3 =	sld [smem:$0x3F9B]  }
0x31: {  	[smem:$0x3FA4] =	sst s10  }
0x32: {  	s10 =	sld [smem:$0x3FA2];
	_ =	sdelay $0x3  }
0x33: {  	p0 =	seq.s32 s10, $0x1;
	s10 =	sld [smem:$0x3FA4];
	_ =	sdelay $0x3  }
0x34: {  	[smem:$0x3FA4] =	sst s10  }
0x35: {  	s10 =	sld [smem:$0x3FA3];
	_ =	sdelay $0x3  }
0x36: {  	p1 =	seq.s32 s10, $0x1;
	s10 =	sld [smem:$0x3FA4];
	_ =	sdelay $0x3  }
0x37: {  	[smem:$0x3FA4] =	sst s10  }
0x38: {  	s10 =	sld [smem:$0x3FA5]  }
0x39: {  	_ = 	snop;
	(pc) =	sbr.ind lr, $3  }
0x3a: {  	_ = 	snop  }
0x3b: {  	_ = 	snop  }
0x3c: {  	p2 =	seq.s32 s10, $0x1;
	s10 =	sld [smem:$0x3FA4]  }
0x3d: {  	_ =	shalt  }
0x3e: {  	_ =	shalt  }
0x3f: {  	_ =	shalt  }
0x40: {  	_ =	shalt  }
0x41: {  	_ =	shalt  }
0x42: {  	_ =	shalt  }
0x43: {  	_ =	shalt  }
0x44: {  	_ =	shalt  }
0x45: {  	_ =	shalt  }
0x46: {  	_ =	shalt  }
0x47: {  	_ =	shalt  }
0x48: {  	_ =	shalt  }
0x49: {  	_ =	shalt  }
0x4a: {  	_ =	shalt  }
0x4b: {  	_ =	shalt  }
0x4c: {  	_ =	shalt  }
0x4d: {  	_ =	shalt  }
0x4e: {  	_ =	shalt  }
0x4f: {  	_ =	shalt  }
0x50: {  	_ =	shalt  }
0x51: {  	_ =	shalt  }
0x52: {  	_ =	shalt  }
0x53: {  	_ =	shalt  }
0x54: {  	_ =	shalt  }
0x55: {  	_ =	shalt  }
0x56: {  	_ =	shalt  }
0x57: {  	_ =	shalt  }
0x58: {  	_ =	shalt  }
0x59: {  	_ =	shalt  }
0x5a: {  	_ =	shalt  }
0x5b: {  	_ =	shalt  }
0x5c: {  	_ =	shalt  }
0x5d: {  	_ =	shalt  }
0x5e: {  	_ =	shalt  }
0x5f: {  	_ =	shalt  }
0x60: {  	_ =	shalt  }
0x61: {  	_ =	shalt  }
0x62: {  	_ =	shalt  }
0x63: {  	_ =	shalt  }
0x64: {  	_ =	shalt  }
0x65: {  	_ =	shalt  }
0x66: {  	_ =	shalt  }
0x67: {  	_ =	shalt  }
0x68: {  	_ =	shalt  }
0x69: {  	_ =	shalt  }
0x6a: {  	_ =	shalt  }
0x6b: {  	_ =	shalt  }
0x6c: {  	_ =	shalt  }
0x6d: {  	_ =	shalt  }
0x6e: {  	_ =	shalt  }
0x6f: {  	_ =	shalt  }
0x70: {  	_ =	shalt  }
0x71: {  	_ =	shalt  }
0x72: {  	_ =	shalt  }
0x73: {  	_ =	shalt  }
0x74: {  	_ =	shalt  }
0x75: {  	_ =	shalt  }
0x76: {  	_ =	shalt  }
0x77: {  	_ =	shalt  }
0x78: {  	_ =	shalt  }
0x79: {  	_ =	shalt  }
0x7a: {  	_ =	shalt  }
0x7b: {  	_ =	shalt  }
0x7c: {  	_ =	shalt  }
0x7d: {  	_ =	shalt  }
0x7e: {  	_ =	shalt  }
0x7f: {  	_ =	shalt  }
0x80: {  	_ =	shalt  }
0x81: {  	_ =	shalt  }
0x82: {  	_ =	shalt  }
0x83: {  	_ =	shalt  }
0x84: {  	_ =	shalt  }
0x85: {  	_ =	shalt  }
0x86: {  	_ =	shalt  }
0x87: {  	_ =	shalt  }
.Lfunc_end0:
.L_simem_size_0:
called_computation.7_lowered:
.L_overlay_start_0:
0x88: {  	s2 =	sld [smem:$0x3FD9]  }
0x89: {  	s3 =	sld [smem:$0x3FFE];
	_ =	sdelay $0x1  }
0x8a: {  	s1 =	srdreg.scid  }
0x8b: {  	s0 =	sand.u32 $0x1, s1  }
0x8c: {  	s16 =	sshll.u32 s0, $0xA;
	s2 =	sadd.s32 s3, s2  }
0x8d: {  	s2 =	sadd.s32 s2, s16  }
0x8e: {  	[smem:$0x3FB0] =	sst s2  }
0x8f: {  	_ = 	snop  }
0x90: {  	(tm) =	ssettm $0x1  }
0x91: {  	s17 =	sld [smem:$0x3FFB];
	_ =	sdelay $0x3  }
0x92: {  	_ =	strace s17  }
0x93: {  	s2 =	sld [smem:$0x3FFC];
	_ =	sdelay $0x3  }
0x94: {  	_ =	strace s2  }
0x95: {  	s2 =	sld [smem:$0x3FFD];
	_ =	sdelay $0x3  }
0x96: {  	_ =	strace s2  }
0x97: {  	_ =	strace $0x8FFFFFFF  }
0x98: {  	s18 =	sld [smem:$0x3FDB];
	_ =	sdelay $0x1  }
0x99: {  	s19 =	simm.s32 $_scs_section_size  }
0x9a: {  	s4 =	simm.s32 $_size__tile_overlayer_lowered;
	s5 =	simm.s32 $_tile_overlayer_lowered  }
0x9b: {  	s22 =	simm.s32 $0x1BFF;
	s21 =	sshll.u32 s5, $0x1;
	s2 =	sadd.s32 s19, s18  }
0x9c: {  	s6 =	simm.s32 $0x0;
	s20 =	sshll.u32 s4, $0x1;
	s4 =	sadd.s32 s21, s2  }
0x9d: {  	[timem:s6], [sflag:s22] =	dma.local [hbm:s4], s20  }
0x9e: {  	_ =	swait.ge [sflag:s22], s20  }
0x9f: {  	s3 =	ssub.s32 $0x0, s20;
	[sflag:s22] =	ssyncset.done $0x0  }
0xa0: {  	[sflag:s22] =	ssyncadd.s32 s3;
	_ =	sdelay $0x1  }
0xa1: {  	s23 =	simm.s32 $0x1B8B  }
0xa2: {  	_ =	swait.ge [sflag:s23], $0x1  }
0xa3: {  	[sflag:s23] =	ssyncset.done $0x0  }
0xa4: {  	s25 =	simm.s32 $0x1B8E;
	s24 =	sld [smem:$0x3FFE];
	[sflag:s23] =	ssyncadd.s32 $0xFFFFFFFF  }
0xa5: {  	s26 =	simm.s32 $execute0_lowered;
	[smem:$0x3FD2] =	sst s25  }
0xa6: {  	s4 =	sshll.u32 s26, $0x1;
	_ =	strace $0x8000005B;
	[dreg:$0x1] =	wrdreg $0xFFFFFFFF  }
0xa7: {  	s28 =	simm.s32 $_size_execute0_lowered;
	s2 =	sadd.s32 s2, s4;
	[dreg:$0x0] =	wrdreg $0x0  }
0xa8: {  	s4 =	sshll.u32 s28, $0x1;
	[dreg:$0x2] =	wrdreg s2  }
0xa9: {  	[dreg:$0x3] =	wrdreg s4  }
0xaa: {  	[dreg:$0x4] =	wrdreg $0xC0  }
0xab: {  	_ =	task [dreg:s6], $0x5FFFF  }
0xac: {  	[dreg:$0x1] =	wrdreg $0xFFFFFFFF  }
0xad: {  	[dreg:$0x0] =	wrdreg $0x60  }
0xae: {  	[dreg:$0x2] =	wrdreg s24  }
0xaf: {  	[dreg:$0x3] =	wrdreg $0x9  }
0xb0: {  	_ =	task.clear_ibuf [dreg:s6], $0x4FFFF;
	_ =	strace $0x9000005B  }
0xb1: {  	s29 =	simm.s32 $0x9;
	_ =	strace $0x8000005D  }
0xb2: {  	_ =	swait.ge [sflag:s29], $0x1  }
0xb3: {  	[sflag:s29] =	ssyncadd.s32 $0xFFFFFFFF  }
0xb4: {  	_ =	strace $0x9000005D  }
0xb5: {  	_ =	sfence  }
0xb6: {  	s30 =	sld [smem:$0x0];
	_ =	sdelay $0x2  }
0xb7: {  	s31 =	sshll.u32 s1, $0xD;
	s1 =	sshrl.u32 s1, $0x2  }
0xb8: {  	s3 =	sand.u32 $0x4000, s31;
	s1 =	sadd.s32 s1, s30  }
0xb9: {  	s0 =	sor.u32 s3, s0;
	s1 =	sshll.u32 s1, $0x11  }
0xba: {  	s0 =	sor.u32 s1, s0  }
0xbb: {  	s0 =	sadd.s32 $0x8F2B, s0  }
0xbc: {  	[sflag:s0] =	ssyncadd.remote.s32 $0x1  }
0xbd: {  	_ =	sfence.sel $0xFFFF  }
0xbe: {  	[dreg:$0x0] =	wrdreg $0xFFFFFFFF;
	(pc) =	sbr.abs _section_cstart, $3  }
0xbf: {  	[dreg:$0x1] =	wrdreg $0xFFFFFFFF  }
0xc0: {  	_ =	task.clear_ibuf [dreg:s6], $0x2FFFF;
	_ =	strace $0x9FFFFFFF  }
0xc1: {  	(tm) =	ssettm $0x7FFFFFFF  }
tec
execute0_lowered:
.L_overlay_start_1:
0x0: {  	(tag) =	ssettag $0x1  }
0x1: {  	s2 =	srdreg.scid  }
0x2: {  	s11 =	rddreg [dreg:$0x0];
	s1 =	stileid.u32;
	s12 =	sand.u32 $0x1, s2  }
0x3: {  	s0 =	rddreg [dreg:$0x1];
	s3 =	sshll.u32 s1, $0x9;
	s4 =	sshll.u32 s12, $0x8  }
0x4: {  	s2 =	simm.s32 $0x0;
	s26 =	sadd.s32 $0xA400, s11;
	s13 =	sor.u32 s4, s3  }
0x5: {  	[smem:$0x7FF] =	sst s2;
	s3 =	sshrl.u32 s13, $0x3;
	s14 =	sor.u32 $0x80, s13  }
0x6: {  	_ =	strace $0x8000005C;
	s3 =	sadd.s32 s26, s3;
	s5 =	sshrl.u32 s14, $0x3  }
0x7: {  	[tilespmem:s2], [sflag:$0x1] =	stream.linear.gather [hbm4b:s3+s2], $0x80, $0x38;
	[tilespmem:$0x8100] =	vst v63  }
0x8: {  	s6 =	simm.s32 $0x1;
	s4 =	sadd.s32 s26, s5;
	s5 =	simm.s32 $0x80  }
0x9: {  	[tilespmem:s5], [sflag:$0x2] =	stream.linear.gather [hbm4b:s4+s2], $0x80, $0x38;
	[tilespmem:$0x8100] =	vst v63  }
0xa: {  	_ =	swait.ge [sflag:s6], $0x80  }
0xb: {  	s9 =	simm.s32 $0x100;
	[sflag:s6] =	ssyncset.done $0x0  }
0xc: {  	s8 =	simm.s32 $0x2;
	s7 =	sadd.s32 $0xA800, s11;
	[sflag:s6] =	ssyncadd.s32 $0xFFFFFF80  }
0xd: {  	[tilespmem:s9], [sflag:$0x1] =	stream.indirect.gather [hbm4b:s7+s5], $0x80, s2, s5, $0xb8;
	[tilespmem:$0x8100] =	vst v63  }
0xe: {  	_ =	swait.ge [sflag:s8], $0x80  }
0xf: {  	[sflag:s8] =	ssyncset.done $0x0  }
0x10: {  	s10 =	simm.s32 $0x4100;
	[sflag:s8] =	ssyncadd.s32 $0xFFFFFF80  }
0x11: {  	[tilespmem:s10], [sflag:$0x2] =	stream.indirect.gather [hbm4b:s7+s5], $0x80, s5, s5, $0xb8;
	[tilespmem:$0x8100] =	vst v63  }
0x12: {  	s15 =	sadd.s32 $0x2A800, s11;
	_ =	swait.ge [sflag:s6], $0x4000  }
0x13: {  	s30 =	ssub.s32 $0x2, s12;
	s28 =	sshll.u32 s13, $0x4;
	[sflag:s6] =	ssyncset.done $0x0  }
0x14: {  	s31 =	sshrl.u32 s30, $0x1;
	s11 =	sadd.s32 s15, s28;
	[sflag:s6] =	ssyncadd.s32 $0xFFFFC000  }
0x15: {  	[hbm4b:s11+s2] =	stream.linear.scatter [tilespmem:s9], [sflag:$0x1], $0x4000, $0x38;
	[tilespmem:$0x8100] =	vst v63  }
0x16: {  	s13 =	ssub.s32 s30, s31;
	_ =	swait.ge [sflag:s8], $0x4000  }
0x17: {  	s29 =	sshll.u32 s14, $0x4;
	s13 =	smax.u32 s13, $0x1;
	[sflag:s8] =	ssyncset.done $0x0  }
0x18: {  	s12 =	sadd.s32 s15, s29;
	p0 =	sne.s32 s13, $0x1;
	[sflag:s8] =	ssyncadd.s32 $0xFFFFC000  }
0x19: {  	[hbm4b:s12+s2] =	stream.linear.scatter [tilespmem:s10], [sflag:$0x2], $0x4000, $0x38;
	[tilespmem:$0x8100] =	vst v63  }
.Ltmp0:
0x1a: {  	_ =	swait.ge [sflag:s6], $0x4000;
	(pc) =	sbr.rel @!p0 .LBB2_2-.Ltmp0, $4  }
0x1b: {  	[sflag:s6] =	ssyncset.done $0x0  }
0x1c: {  	[sflag:s6] =	ssyncadd.s32 $0xFFFFC000  }
0x1d: {  	_ =	swait.ge [sflag:s8], $0x4000  }
0x1e: {  	s13 =	sadd.s32 $0xFFFFFFFF, s13;
	[sflag:s8] =	ssyncset.done $0x0  }
.LBB2_1:
0x1f: {  	p0 =	sne.s32 s13, $0x1;
	s13 =	sadd.s32 $0xFFFFFFFF, s13;
	[sflag:s8] =	ssyncadd.s32 $0xFFFFC000  }
0x20: {  	[tilespmem:s2], [sflag:$0x1] =	stream.linear.gather [hbm4b:s3+s2], $0x80, $0x38;
	[tilespmem:$0x8100] =	vst v63  }
0x21: {  	_ = 	snop  }
0x22: {  	[tilespmem:s5], [sflag:$0x2] =	stream.linear.gather [hbm4b:s4+s2], $0x80, $0x38;
	[tilespmem:$0x8100] =	vst v63  }
0x23: {  	_ =	swait.ge [sflag:s6], $0x80  }
0x24: {  	[sflag:s6] =	ssyncset.done $0x0  }
0x25: {  	[sflag:s6] =	ssyncadd.s32 $0xFFFFFF80  }
0x26: {  	[tilespmem:s9], [sflag:$0x1] =	stream.indirect.gather [hbm4b:s7+s5], $0x80, s2, s5, $0xb8;
	[tilespmem:$0x8100] =	vst v63  }
0x27: {  	_ =	swait.ge [sflag:s8], $0x80  }
0x28: {  	[sflag:s8] =	ssyncset.done $0x0  }
0x29: {  	[sflag:s8] =	ssyncadd.s32 $0xFFFFFF80  }
0x2a: {  	[tilespmem:s10], [sflag:$0x2] =	stream.indirect.gather [hbm4b:s7+s5], $0x80, s5, s5, $0xb8;
	[tilespmem:$0x8100] =	vst v63  }
0x2b: {  	_ =	swait.ge [sflag:s6], $0x4000  }
0x2c: {  	[sflag:s6] =	ssyncset.done $0x0  }
0x2d: {  	[sflag:s6] =	ssyncadd.s32 $0xFFFFC000  }
0x2e: {  	[hbm4b:s11+s2] =	stream.linear.scatter [tilespmem:s9], [sflag:$0x1], $0x4000, $0x38;
	[tilespmem:$0x8100] =	vst v63  }
0x2f: {  	_ =	swait.ge [sflag:s8], $0x4000  }
0x30: {  	[sflag:s8] =	ssyncset.done $0x0  }
0x31: {  	[sflag:s8] =	ssyncadd.s32 $0xFFFFC000  }
0x32: {  	[hbm4b:s12+s2] =	stream.linear.scatter [tilespmem:s10], [sflag:$0x2], $0x4000, $0x38;
	[tilespmem:$0x8100] =	vst v63  }
.Ltmp1:
0x33: {  	_ =	swait.ge [sflag:s6], $0x4000;
	(pc) =	sbr.rel @p0 .LBB2_1-.Ltmp1, $4  }
0x34: {  	[sflag:s6] =	ssyncset.done $0x0  }
0x35: {  	[sflag:s6] =	ssyncadd.s32 $0xFFFFC000  }
0x36: {  	_ =	swait.ge [sflag:s8], $0x4000  }
0x37: {  	[sflag:s8] =	ssyncset.done $0x0  }
.LBB2_2:
0x38: {  	[sflag:s8] =	ssyncadd.s32 $0xFFFFC000  }
0x39: {  	_ =	sfence.sel $0x180000  }
0x3a: {  	[bflag:$0x0] =	sbarrier.arrive $0xFFFF  }
0x3b: {  	p0 =	sne.s32 s1, $0x0;
	_ =	strace $0x9000005C  }
0x3c: {  	s0 =	sadd.s32 @!p0 $0x100000, s0;
	[bflag:$0x2] =	sbarrier.arrive $0xFFFF  }
0x3d: {  	[sflag:s0] =	ssyncadd.tile.s32 @!p0 $0x1;
	_ =	shalt  }
.Lfunc_end2:
_tile_overlayer_lowered:
.L_overlay_start_2:
0x3e: {  	(tag) =	ssettag $0x2  }
0x3f: {  	s0 =	rddreg [dreg:$0x0];
	s2 =	stileid.u32  }
0x40: {  	s1 =	rddreg [dreg:$0x1];
	p0 =	sne.s32 s2, $0x0  }
0x41: {  	s3 =	rddreg [dreg:$0x2];
	[bflag:$0x3] =	sbarrier.arrive $0xFFFF;
	s2 =	simm.s32 @!p0 $0x1C03  }
0x42: {  	[timem:s3], [sflag:s2] =	dma.local @!p0 [hbm:s0], s1  }
0x43: {  	s0 =	simm.s32 @!p0 $0x3  }
0x44: {  	_ =	swait.ge @!p0 [sflag:s0], s1  }
0x45: {  	s1 =	ssub.s32 @!p0 $0x0, s1;
	[sflag:s0] =	ssyncset.done @!p0 $0x0  }
0x46: {  	[sflag:s0] =	ssyncadd.s32 @!p0 s1  }
0x47: {  	[bflag:$0x3] =	sbarrier.arrive $0xFFFF  }
0x48: {  	_ =	shalt  }

// kernel: kernel.49.cloned.1.call-start
scs
__scs_entry_jumppad:
0x0: {  	(pc) =	sbr.rel $0x88, $3  }
0x1: {  	(tag) =	ssettag $0x0;
	lr =	simm.s32 $0x1  }
0x2: {  	[smem:$0x3F89] =	sst lr;
	_ =	strace $0xD0000000  }
0x3: {  	_ = 	snop  }
0x4: {  	_ = 	snop  }
0x5: {  	_ = 	snop  }
0x6: {  	_ = 	snop  }
0x7: {  	_ = 	snop  }
__scs_overlays_trampoline_lowered:
0x8: {  	[smem:$0x3F98] =	sst s0  }
0x9: {  	[smem:$0x3F99] =	sst s1  }
0xa: {  	[smem:$0x3F9A] =	sst s2  }
0xb: {  	[smem:$0x3F9B] =	sst s3  }
0xc: {  	[smem:$0x3F9C] =	sst s4  }
0xd: {  	[smem:$0x3F9D] =	sst s5  }
0xe: {  	[smem:$0x3F9E] =	sst s6  }
0xf: {  	[smem:$0x3F9F] =	sst s7  }
0x10: {  	[smem:$0x3FA0] =	sst s8  }
0x11: {  	[smem:$0x3FA1] =	sst s9;
	s0 =	simm.s32 @!p0 $0x0  }
0x12: {  	s1 =	sld [smem:$0x3F87];
	s0 =	simm.s32 @p0 $0x1  }
0x13: {  	[smem:$0x3FA2] =	sst s0;
	s0 =	simm.s32 @!p1 $0x0  }
0x14: {  	s2 =	sld [smem:$0x3F86];
	s0 =	simm.s32 @p1 $0x1  }
0x15: {  	[smem:$0x3FA3] =	sst s0;
	s0 =	simm.s32 @!p2 $0x0  }
0x16: {  	s3 =	sld [smem:$0x3FDB];
	s0 =	simm.s32 @p2 $0x1  }
0x17: {  	s4 =	simm.s32 $0x1BF5;
	[smem:$0x3FA5] =	sst s0  }
0x18: {  	s0 =	sld [smem:$0x3F88];
	_ =	swait.ge [sflag:s4], $0x0  }
0x19: {  	s7 =	sld [smem:$0x3F89]  }
0x1a: {  	s8 =	sadd.s32 $0xFFFFE003, lr  }
0x1b: {  	s9 =	sadd.s32 $0xFFFFFEF7, lr;
	s5 =	simm.s32 $0xFFFFFFFF;
	p2 =	slt.u32 s8, $0xFFFFF086  }
0x1c: {  	p1 =	slt.u32 s9, $0xF7A;
	s5 =	simm.s32 @!p2 $0x0  }
0x1d: {  	s5 =	simm.s32 @p1 $0x1;
	p0 =	seq.s32 s7, s2  }
0x1e: {  	s7 =	smul.u32 @!p0 $0xF7A, s2;
	p2 =	seq.s32 @!p0 s5, $0x0  }
0x1f: {  	s9 =	smul.u32 $0xF7A, s1;
	s8 =	simm.s32 @!p0 $0x1BF5;
	p2 =	por !p2, p0  }
0x20: {  	[sflag:s8] =	ssyncset.s32 @!p0 $0xFFFFF086;
	s6 =	sadd.s32 @!p0 s3, s7;
	s7 =	simm.s32 @!p0 $0x108  }
0x21: {  	s3 =	sadd.s32 s3, s9;
	s6 =	sadd.s32 @!p0 $0x88, s6;
	s7 =	simm.s32 @p2 $0x1082  }
0x22: {  	[simem:s7], [sflag:s8] =	dma.local @!p0 [hbm:s6], $0xF7A  }
0x23: {  	s9 =	sor.u32 $0xD0000000, s2;
	s6 =	simm.s32 $0x108;
	_ =	swait.ge @!p0 [sflag:s8], $0x0  }
0x24: {  	s3 =	sadd.s32 $0x88, s3;
	s6 =	simm.s32 @!p1 $0x1082;
	[sflag:s4] =	ssyncset.s32 $0xFFFFF086  }
0x25: {  	[simem:s6], [sflag:s4] =	dma.local [hbm:s3], $0xF7A  }
0x26: {  	[smem:$0x3F89] =	sst s1;
	(tag) =	ssettag s2;
	_ =	strace s9  }
0x27: {  	s1 =	sld [smem:$0x3F99]  }
0x28: {  	s2 =	sld [smem:$0x3F9A]  }
0x29: {  	s4 =	sld [smem:$0x3F9C]  }
0x2a: {  	p0 =	seq.s32 s5, $0x0;
	s5 =	sld [smem:$0x3F9D]  }
0x2b: {  	s6 =	sld [smem:$0x3F9E]  }
0x2c: {  	s7 =	sld [smem:$0x3F9F]  }
0x2d: {  	s3 =	simm.s32 $0x108;
	s8 =	sld [smem:$0x3FA0]  }
0x2e: {  	s3 =	simm.s32 @!p0 $0x1082;
	s9 =	sld [smem:$0x3FA1]  }
0x2f: {  	lr =	sadd.s32 s0, s3;
	s0 =	sld [smem:$0x3F98]  }
0x30: {  	s3 =	sld [smem:$0x3F9B]  }
0x31: {  	[smem:$0x3FA4] =	sst s10  }
0x32: {  	s10 =	sld [smem:$0x3FA2];
	_ =	sdelay $0x3  }
0x33: {  	p0 =	seq.s32 s10, $0x1;
	s10 =	sld [smem:$0x3FA4];
	_ =	sdelay $0x3  }
0x34: {  	[smem:$0x3FA4] =	sst s10  }
0x35: {  	s10 =	sld [smem:$0x3FA3];
	_ =	sdelay $0x3  }
0x36: {  	p1 =	seq.s32 s10, $0x1;
	s10 =	sld [smem:$0x3FA4];
	_ =	sdelay $0x3  }
0x37: {  	[smem:$0x3FA4] =	sst s10  }
0x38: {  	s10 =	sld [smem:$0x3FA5]  }
0x39: {  	_ = 	snop;
	(pc) =	sbr.ind lr, $3  }
0x3a: {  	_ = 	snop  }
0x3b: {  	_ = 	snop  }
0x3c: {  	p2 =	seq.s32 s10, $0x1;
	s10 =	sld [smem:$0x3FA4]  }
0x3d: {  	_ =	shalt  }
0x3e: {  	_ =	shalt  }
0x3f: {  	_ =	shalt  }
0x40: {  	_ =	shalt  }
0x41: {  	_ =	shalt  }
0x42: {  	_ =	shalt  }
0x43: {  	_ =	shalt  }
0x44: {  	_ =	shalt  }
0x45: {  	_ =	shalt  }
0x46: {  	_ =	shalt  }
0x47: {  	_ =	shalt  }
0x48: {  	_ =	shalt  }
0x49: {  	_ =	shalt  }
0x4a: {  	_ =	shalt  }
0x4b: {  	_ =	shalt  }
0x4c: {  	_ =	shalt  }
0x4d: {  	_ =	shalt  }
0x4e: {  	_ =	shalt  }
0x4f: {  	_ =	shalt  }
0x50: {  	_ =	shalt  }
0x51: {  	_ =	shalt  }
0x52: {  	_ =	shalt  }
0x53: {  	_ =	shalt  }
0x54: {  	_ =	shalt  }
0x55: {  	_ =	shalt  }
0x56: {  	_ =	shalt  }
0x57: {  	_ =	shalt  }
0x58: {  	_ =	shalt  }
0x59: {  	_ =	shalt  }
0x5a: {  	_ =	shalt  }
0x5b: {  	_ =	shalt  }
0x5c: {  	_ =	shalt  }
0x5d: {  	_ =	shalt  }
0x5e: {  	_ =	shalt  }
0x5f: {  	_ =	shalt  }
0x60: {  	_ =	shalt  }
0x61: {  	_ =	shalt  }
0x62: {  	_ =	shalt  }
0x63: {  	_ =	shalt  }
0x64: {  	_ =	shalt  }
0x65: {  	_ =	shalt  }
0x66: {  	_ =	shalt  }
0x67: {  	_ =	shalt  }
0x68: {  	_ =	shalt  }
0x69: {  	_ =	shalt  }
0x6a: {  	_ =	shalt  }
0x6b: {  	_ =	shalt  }
0x6c: {  	_ =	shalt  }
0x6d: {  	_ =	shalt  }
0x6e: {  	_ =	shalt  }
0x6f: {  	_ =	shalt  }
0x70: {  	_ =	shalt  }
0x71: {  	_ =	shalt  }
0x72: {  	_ =	shalt  }
0x73: {  	_ =	shalt  }
0x74: {  	_ =	shalt  }
0x75: {  	_ =	shalt  }
0x76: {  	_ =	shalt  }
0x77: {  	_ =	shalt  }
0x78: {  	_ =	shalt  }
0x79: {  	_ =	shalt  }
0x7a: {  	_ =	shalt  }
0x7b: {  	_ =	shalt  }
0x7c: {  	_ =	shalt  }
0x7d: {  	_ =	shalt  }
0x7e: {  	_ =	shalt  }
0x7f: {  	_ =	shalt  }
0x80: {  	_ =	shalt  }
0x81: {  	_ =	shalt  }
0x82: {  	_ =	shalt  }
0x83: {  	_ =	shalt  }
0x84: {  	_ =	shalt  }
0x85: {  	_ =	shalt  }
0x86: {  	_ =	shalt  }
0x87: {  	_ =	shalt  }
.Lfunc_end0:
.L_simem_size_0:
called_computation.8_lowered:
.L_overlay_start_0:
0x88: {  	s2 =	sld [smem:$0x3FD9]  }
0x89: {  	s3 =	sld [smem:$0x3FFE];
	_ =	sdelay $0x1  }
0x8a: {  	s1 =	srdreg.scid  }
0x8b: {  	s0 =	sand.u32 $0x1, s1  }
0x8c: {  	s17 =	sshll.u32 s0, $0xA;
	s2 =	sadd.s32 s3, s2  }
0x8d: {  	s2 =	sadd.s32 s2, s17  }
0x8e: {  	[smem:$0x3FB0] =	sst s2  }
0x8f: {  	_ = 	snop  }
0x90: {  	s2 =	sld [smem:$0x3FD0];
	(tm) =	ssettm $0x1  }
0x91: {  	s18 =	sld [smem:$0x3FFB];
	_ =	sdelay $0x3  }
0x92: {  	_ =	strace s18  }
0x93: {  	s3 =	sld [smem:$0x3FFC];
	_ =	sdelay $0x3  }
0x94: {  	_ =	strace s3  }
0x95: {  	s3 =	sld [smem:$0x3FFD];
	_ =	sdelay $0x3  }
0x96: {  	_ =	strace s3  }
0x97: {  	_ =	strace $0x8FFFFFFF  }
0x98: {  	s19 =	sld [smem:$0x3FDB];
	_ =	sdelay $0x1  }
0x99: {  	s4 =	simm.s32 $_scs_section_size  }
0x9a: {  	s5 =	simm.s32 $_size__tile_overlayer_lowered;
	s6 =	simm.s32 $_tile_overlayer_lowered  }
0x9b: {  	s22 =	simm.s32 $0x1BFF;
	s21 =	sshll.u32 s6, $0x1;
	s3 =	sadd.s32 s4, s19  }
0x9c: {  	s7 =	simm.s32 $0x0;
	s20 =	sshll.u32 s5, $0x1;
	s5 =	sadd.s32 s21, s3  }
0x9d: {  	[timem:s7], [sflag:s22] =	dma.local [hbm:s5], s20  }
0x9e: {  	_ =	swait.ge [sflag:s22], s20  }
0x9f: {  	s4 =	ssub.s32 $0x0, s20;
	[sflag:s22] =	ssyncset.done $0x0  }
0xa0: {  	[sflag:s22] =	ssyncadd.s32 s4;
	_ =	sdelay $0x1  }
0xa1: {  	s23 =	simm.s32 $0x1B8B  }
0xa2: {  	_ =	swait.ge [sflag:s23], $0x1  }
0xa3: {  	[sflag:s23] =	ssyncset.done $0x0  }
0xa4: {  	s25 =	simm.s32 $0x1B8E;
	s24 =	sld [smem:$0x3FFE];
	[sflag:s23] =	ssyncadd.s32 $0xFFFFFFFF  }
0xa5: {  	s26 =	simm.s32 $execute0_lowered;
	[smem:$0x3FD2] =	sst s25  }
0xa6: {  	s5 =	sshll.u32 s26, $0x1;
	_ =	strace $0x8000005E;
	[dreg:$0x1] =	wrdreg $0xFFFFFFFF  }
0xa7: {  	s28 =	simm.s32 $_size_execute0_lowered;
	s3 =	sadd.s32 s3, s5;
	[dreg:$0x0] =	wrdreg $0x0  }
0xa8: {  	s5 =	sshll.u32 s28, $0x1;
	[dreg:$0x2] =	wrdreg s3  }
0xa9: {  	[dreg:$0x3] =	wrdreg s5  }
0xaa: {  	[dreg:$0x4] =	wrdreg $0xC0  }
0xab: {  	_ =	task [dreg:s7], $0x5FFFF  }
0xac: {  	[dreg:$0x1] =	wrdreg $0xFFFFFFFF  }
0xad: {  	[dreg:$0x0] =	wrdreg $0x60  }
0xae: {  	[dreg:$0x2] =	wrdreg s24  }
0xaf: {  	[dreg:$0x3] =	wrdreg s2  }
0xb0: {  	[dreg:$0x4] =	wrdreg $0x81000  }
0xb1: {  	[dreg:$0x5] =	wrdreg $0x9  }
0xb2: {  	_ =	task.clear_ibuf [dreg:s7], $0x6FFFF;
	_ =	strace $0x9000005E  }
0xb3: {  	s29 =	simm.s32 $0x9;
	_ =	strace $0x80000060  }
0xb4: {  	_ =	swait.ge [sflag:s29], $0x1  }
0xb5: {  	[sflag:s29] =	ssyncadd.s32 $0xFFFFFFFF  }
0xb6: {  	_ =	strace $0x90000060  }
0xb7: {  	_ =	sfence  }
0xb8: {  	s30 =	sld [smem:$0x0];
	_ =	sdelay $0x2  }
0xb9: {  	s31 =	sshll.u32 s1, $0xD;
	s1 =	sshrl.u32 s1, $0x2  }
0xba: {  	s3 =	sand.u32 $0x4000, s31;
	s1 =	sadd.s32 s1, s30  }
0xbb: {  	s0 =	sor.u32 s3, s0;
	s1 =	sshll.u32 s1, $0x11  }
0xbc: {  	s0 =	sor.u32 s1, s0  }
0xbd: {  	s0 =	sadd.s32 $0x8F2B, s0  }
0xbe: {  	[sflag:s0] =	ssyncadd.remote.s32 $0x1  }
0xbf: {  	_ =	sfence.sel $0xFFFF  }
0xc0: {  	[dreg:$0x0] =	wrdreg $0xFFFFFFFF;
	(pc) =	sbr.abs _section_cstart, $3  }
0xc1: {  	[dreg:$0x1] =	wrdreg $0xFFFFFFFF  }
0xc2: {  	_ =	task.clear_ibuf [dreg:s7], $0x2FFFF;
	_ =	strace $0x9FFFFFFF  }
0xc3: {  	(tm) =	ssettm $0x7FFFFFFF  }
tec
execute0_lowered:
.L_overlay_start_1:
0x0: {  	(tag) =	ssettag $0x1  }
0x1: {  	s4 =	rddreg [dreg:$0x0]  }
0x2: {  	s9 =	rddreg [dreg:$0x1]  }
0x3: {  	s2 =	rddreg [dreg:$0x2]  }
0x4: {  	s3 =	srdreg.scid;
	s0 =	rddreg [dreg:$0x3]  }
0x5: {  	s1 =	stileid.u32;
	s17 =	sand.u32 $0x1, s3;
	s3 =	simm.s32 $0x0  }
0x6: {  	s5 =	sshll.u32 s1, $0x9;
	s30 =	sshll.u32 s1, $0xC;
	s8 =	sshll.u32 s1, $0xF  }
0x7: {  	s19 =	sshll.u32 s1, $0x6;
	s6 =	sshll.u32 s17, $0x8;
	[smem:$0x7FF] =	sst s3  }
0x8: {  	s18 =	sadd.s32 s30, s4;
	s8 =	sadd.s32 s8, s2;
	s7 =	sor.u32 s6, s5  }
0x9: {  	_ =	strace $0x8000005F;
	s5 =	sshll.u32 s7, $0x4;
	s10 =	sshrl.u32 s7, $0x3  }
0xa: {  	s7 =	sshrl.u32 s8, $0x3;
	s8 =	simm.s32 $0x100;
	s29 =	sadd.s32 s5, s4  }
0xb: {  	s4 =	sadd.s32 $0x1A800, s18;
	s5 =	sor.u32 $0x1C01, s19;
	s6 =	sadd.s32 $0x2A800, s29  }
0xc: {  	[spmem:s7], [sflag:s5] =	dma.local [hbm:s4], $0x1000  }
0xd: {  	[tilespmem:s8], [sflag:$0x2] =	stream.linear.gather [hbm4b:s6+s3], $0x8000, $0x38;
	[tilespmem:$0x10100] =	vst v63  }
0xe: {  	s9 =	sadd.s32 s9, s10  }
0xf: {  	[tilespmem:s3], [sflag:$0x3] =	stream.linear.gather [hbm4b:s9+s3], $0x80, $0x38;
	[tilespmem:$0x10100] =	vst v63  }
0x10: {  	s11 =	simm.s32 $0x80;
	s12 =	simm.s32 $0x1;
	s10 =	sadd.s32 $0x10, s9  }
0x11: {  	[tilespmem:s11], [sflag:$0x3] =	stream.linear.gather [hbm4b:s10+s3], $0x80, $0x38;
	[tilespmem:$0x10100] =	vst v63  }
0x12: {  	_ =	swait.ge [sflag:s12], $0x1000  }
0x13: {  	[sflag:s12] =	ssyncset.done $0x0  }
0x14: {  	s13 =	simm.s32 $0x2;
	[sflag:s12] =	ssyncadd.s32 $0xFFFFF000  }
0x15: {  	_ =	swait.ge [sflag:s13], $0x8000  }
0x16: {  	[sflag:s13] =	ssyncset.done $0x0  }
0x17: {  	s14 =	simm.s32 $0x3;
	[sflag:s13] =	ssyncadd.s32 $0xFFFF8000  }
0x18: {  	_ =	swait.ge [sflag:s14], $0x80  }
0x19: {  	[sflag:s14] =	ssyncset.done $0x0  }
0x1a: {  	[sflag:s14] =	ssyncadd.s32 $0xFFFFFF80  }
0x1b: {  	_ =	swait.ge [sflag:s14], $0x80  }
0x1c: {  	[sflag:s14] =	ssyncset.done $0x0  }
0x1d: {  	[sflag:s14] =	ssyncadd.s32 $0xFFFFFF80  }
0x1e: {  	s15 =	simm.s32 $0x4;
	[bflag:$0x0] =	sbarrier.arrive $0xFFFF  }
0x1f: {  	[spmem:s2] =	stream.indirect.scatter.add.f32 [tilespmem:s8], [sflag:$0x4], $0x80, s3, s11, $0xb8;
	[tilespmem:$0x10100] =	vst v63  }
0x20: {  	s16 =	simm.s32 $0x4100;
	s20 =	ssub.s32 $0x2, s17;
	_ =	swait.ge [sflag:s15], $0x4000  }
0x21: {  	s17 =	sshll.u32 s17, $0x10;
	s31 =	sshrl.u32 s20, $0x1;
	[sflag:s15] =	ssyncset.done $0x0  }
0x22: {  	s17 =	sadd.s32 s17, s18;
	s18 =	ssub.s32 s20, s31;
	[sflag:s15] =	ssyncadd.s32 $0xFFFFC000  }
0x23: {  	[spmem:s2] =	stream.indirect.scatter.add.f32 [tilespmem:s16], [sflag:$0x4], $0x80, s11, s11, $0xb8;
	[tilespmem:$0x10100] =	vst v63  }
0x24: {  	s20 =	smax.u32 s18, $0x1;
	_ =	swait.ge [sflag:s15], $0x4000  }
0x25: {  	p0 =	sne.s32 s20, $0x1;
	[sflag:s15] =	ssyncset.done $0x0  }
.Ltmp0:
0x26: {  	[sflag:s15] =	ssyncadd.s32 $0xFFFFC000;
	(pc) =	sbr.rel @!p0 .LBB2_2-.Ltmp0, $4  }
0x27: {  	s17 =	sadd.s32 $0x4A800, s17;
	s18 =	sor.u32 $0x1C04, s19;
	[bflag:$0x0] =	sbarrier.arrive $0xFFFF  }
0x28: {  	[hbm:s17], [sflag:s18] =	dma.local [spmem:s7], $0x1000  }
0x29: {  	_ =	swait.ge [sflag:s15], $0x1000  }
0x2a: {  	s19 =	sadd.s32 $0xFFFFFFFF, s20;
	[sflag:s15] =	ssyncset.done $0x0  }
.LBB2_1:
0x2b: {  	p0 =	sne.s32 s19, $0x1;
	s19 =	sadd.s32 $0xFFFFFFFF, s19;
	[sflag:s15] =	ssyncadd.s32 $0xFFFFF000  }
0x2c: {  	[spmem:s7], [sflag:s5] =	dma.local [hbm:s4], $0x1000  }
0x2d: {  	[tilespmem:s8], [sflag:$0x2] =	stream.linear.gather [hbm4b:s6+s3], $0x8000, $0x38;
	[tilespmem:$0x10100] =	vst v63  }
0x2e: {  	_ = 	snop  }
0x2f: {  	[tilespmem:s3], [sflag:$0x3] =	stream.linear.gather [hbm4b:s9+s3], $0x80, $0x38;
	[tilespmem:$0x10100] =	vst v63  }
0x30: {  	_ = 	snop  }
0x31: {  	[tilespmem:s11], [sflag:$0x3] =	stream.linear.gather [hbm4b:s10+s3], $0x80, $0x38;
	[tilespmem:$0x10100] =	vst v63  }
0x32: {  	_ =	swait.ge [sflag:s12], $0x1000  }
0x33: {  	[sflag:s12] =	ssyncset.done $0x0  }
0x34: {  	[sflag:s12] =	ssyncadd.s32 $0xFFFFF000  }
0x35: {  	_ =	swait.ge [sflag:s13], $0x8000  }
0x36: {  	[sflag:s13] =	ssyncset.done $0x0  }
0x37: {  	[sflag:s13] =	ssyncadd.s32 $0xFFFF8000  }
0x38: {  	_ =	swait.ge [sflag:s14], $0x80  }
0x39: {  	[sflag:s14] =	ssyncset.done $0x0  }
0x3a: {  	[sflag:s14] =	ssyncadd.s32 $0xFFFFFF80  }
0x3b: {  	_ =	swait.ge [sflag:s14], $0x80  }
0x3c: {  	[sflag:s14] =	ssyncset.done $0x0  }
0x3d: {  	[sflag:s14] =	ssyncadd.s32 $0xFFFFFF80  }
0x3e: {  	[bflag:$0x0] =	sbarrier.arrive $0xFFFF  }
0x3f: {  	[spmem:s2] =	stream.indirect.scatter.add.f32 [tilespmem:s8], [sflag:$0x4], $0x80, s3, s11, $0xb8;
	[tilespmem:$0x10100] =	vst v63  }
0x40: {  	_ =	swait.ge [sflag:s15], $0x4000  }
0x41: {  	[sflag:s15] =	ssyncset.done $0x0  }
0x42: {  	[sflag:s15] =	ssyncadd.s32 $0xFFFFC000  }
0x43: {  	[spmem:s2] =	stream.indirect.scatter.add.f32 [tilespmem:s16], [sflag:$0x4], $0x80, s11, s11, $0xb8;
	[tilespmem:$0x10100] =	vst v63  }
0x44: {  	_ =	swait.ge [sflag:s15], $0x4000  }
0x45: {  	[sflag:s15] =	ssyncset.done $0x0  }
.Ltmp1:
0x46: {  	[sflag:s15] =	ssyncadd.s32 $0xFFFFC000;
	(pc) =	sbr.rel @p0 .LBB2_1-.Ltmp1, $4  }
0x47: {  	[bflag:$0x0] =	sbarrier.arrive $0xFFFF  }
0x48: {  	[hbm:s17], [sflag:s18] =	dma.local [spmem:s7], $0x1000  }
0x49: {  	_ =	swait.ge [sflag:s15], $0x1000  }
0x4a: {  	[sflag:s15] =	ssyncset.done $0x0  }
.LBB2_2:
0x4b: {  	[sflag:s15] =	ssyncadd.s32 $0xFFFFF000  }
0x4c: {  	_ =	sfence.sel $0x180000  }
0x4d: {  	[bflag:$0x0] =	sbarrier.arrive $0xFFFF  }
0x4e: {  	p0 =	sne.s32 s1, $0x0;
	_ =	strace $0x9000005F  }
0x4f: {  	s0 =	sadd.s32 @!p0 $0x100000, s0;
	[bflag:$0x2] =	sbarrier.arrive $0xFFFF  }
0x50: {  	[sflag:s0] =	ssyncadd.tile.s32 @!p0 $0x1;
	_ =	shalt  }
.Lfunc_end2:
_tile_overlayer_lowered:
.L_overlay_start_2:
0x51: {  	(tag) =	ssettag $0x2  }
0x52: {  	s0 =	rddreg [dreg:$0x0];
	s2 =	stileid.u32  }
0x53: {  	s1 =	rddreg [dreg:$0x1];
	p0 =	sne.s32 s2, $0x0  }
0x54: {  	s3 =	rddreg [dreg:$0x2];
	[bflag:$0x3] =	sbarrier.arrive $0xFFFF;
	s2 =	simm.s32 @!p0 $0x1C04  }
0x55: {  	[timem:s3], [sflag:s2] =	dma.local @!p0 [hbm:s0], s1  }
0x56: {  	s0 =	simm.s32 @!p0 $0x4  }
0x57: {  	_ =	swait.ge @!p0 [sflag:s0], s1  }
0x58: {  	s1 =	ssub.s32 @!p0 $0x0, s1;
	[sflag:s0] =	ssyncset.done @!p0 $0x0  }
0x59: {  	[sflag:s0] =	ssyncadd.s32 @!p0 s1  }
0x5a: {  	[bflag:$0x3] =	sbarrier.arrive $0xFFFF  }
0x5b: {  	_ =	shalt  }

// kernel: kernel.52.cloned.1.call-start
scs
__scs_entry_jumppad:
0x0: {  	(pc) =	sbr.rel $0x88, $3  }
0x1: {  	(tag) =	ssettag $0x0;
	lr =	simm.s32 $0x1  }
0x2: {  	[smem:$0x3F89] =	sst lr;
	_ =	strace $0xD0000000  }
0x3: {  	_ = 	snop  }
0x4: {  	_ = 	snop  }
0x5: {  	_ = 	snop  }
0x6: {  	_ = 	snop  }
0x7: {  	_ = 	snop  }
__scs_overlays_trampoline_lowered:
0x8: {  	[smem:$0x3F98] =	sst s0  }
0x9: {  	[smem:$0x3F99] =	sst s1  }
0xa: {  	[smem:$0x3F9A] =	sst s2  }
0xb: {  	[smem:$0x3F9B] =	sst s3  }
0xc: {  	[smem:$0x3F9C] =	sst s4  }
0xd: {  	[smem:$0x3F9D] =	sst s5  }
0xe: {  	[smem:$0x3F9E] =	sst s6  }
0xf: {  	[smem:$0x3F9F] =	sst s7  }
0x10: {  	[smem:$0x3FA0] =	sst s8  }
0x11: {  	[smem:$0x3FA1] =	sst s9;
	s0 =	simm.s32 @!p0 $0x0  }
0x12: {  	s1 =	sld [smem:$0x3F87];
	s0 =	simm.s32 @p0 $0x1  }
0x13: {  	[smem:$0x3FA2] =	sst s0;
	s0 =	simm.s32 @!p1 $0x0  }
0x14: {  	s2 =	sld [smem:$0x3F86];
	s0 =	simm.s32 @p1 $0x1  }
0x15: {  	[smem:$0x3FA3] =	sst s0;
	s0 =	simm.s32 @!p2 $0x0  }
0x16: {  	s3 =	sld [smem:$0x3FDB];
	s0 =	simm.s32 @p2 $0x1  }
0x17: {  	s4 =	simm.s32 $0x1BF5;
	[smem:$0x3FA5] =	sst s0  }
0x18: {  	s0 =	sld [smem:$0x3F88];
	_ =	swait.ge [sflag:s4], $0x0  }
0x19: {  	s7 =	sld [smem:$0x3F89]  }
0x1a: {  	s8 =	sadd.s32 $0xFFFFE003, lr  }
0x1b: {  	s9 =	sadd.s32 $0xFFFFFEF7, lr;
	s5 =	simm.s32 $0xFFFFFFFF;
	p2 =	slt.u32 s8, $0xFFFFF086  }
0x1c: {  	p1 =	slt.u32 s9, $0xF7A;
	s5 =	simm.s32 @!p2 $0x0  }
0x1d: {  	s5 =	simm.s32 @p1 $0x1;
	p0 =	seq.s32 s7, s2  }
0x1e: {  	s7 =	smul.u32 @!p0 $0xF7A, s2;
	p2 =	seq.s32 @!p0 s5, $0x0  }
0x1f: {  	s9 =	smul.u32 $0xF7A, s1;
	s8 =	simm.s32 @!p0 $0x1BF5;
	p2 =	por !p2, p0  }
0x20: {  	[sflag:s8] =	ssyncset.s32 @!p0 $0xFFFFF086;
	s6 =	sadd.s32 @!p0 s3, s7;
	s7 =	simm.s32 @!p0 $0x108  }
0x21: {  	s3 =	sadd.s32 s3, s9;
	s6 =	sadd.s32 @!p0 $0x88, s6;
	s7 =	simm.s32 @p2 $0x1082  }
0x22: {  	[simem:s7], [sflag:s8] =	dma.local @!p0 [hbm:s6], $0xF7A  }
0x23: {  	s9 =	sor.u32 $0xD0000000, s2;
	s6 =	simm.s32 $0x108;
	_ =	swait.ge @!p0 [sflag:s8], $0x0  }
0x24: {  	s3 =	sadd.s32 $0x88, s3;
	s6 =	simm.s32 @!p1 $0x1082;
	[sflag:s4] =	ssyncset.s32 $0xFFFFF086  }
0x25: {  	[simem:s6], [sflag:s4] =	dma.local [hbm:s3], $0xF7A  }
0x26: {  	[smem:$0x3F89] =	sst s1;
	(tag) =	ssettag s2;
	_ =	strace s9  }
0x27: {  	s1 =	sld [smem:$0x3F99]  }
0x28: {  	s2 =	sld [smem:$0x3F9A]  }
0x29: {  	s4 =	sld [smem:$0x3F9C]  }
0x2a: {  	p0 =	seq.s32 s5, $0x0;
	s5 =	sld [smem:$0x3F9D]  }
0x2b: {  	s6 =	sld [smem:$0x3F9E]  }
0x2c: {  	s7 =	sld [smem:$0x3F9F]  }
0x2d: {  	s3 =	simm.s32 $0x108;
	s8 =	sld [smem:$0x3FA0]  }
0x2e: {  	s3 =	simm.s32 @!p0 $0x1082;
	s9 =	sld [smem:$0x3FA1]  }
0x2f: {  	lr =	sadd.s32 s0, s3;
	s0 =	sld [smem:$0x3F98]  }
0x30: {  	s3 =	sld [smem:$0x3F9B]  }
0x31: {  	[smem:$0x3FA4] =	sst s10  }
0x32: {  	s10 =	sld [smem:$0x3FA2];
	_ =	sdelay $0x3  }
0x33: {  	p0 =	seq.s32 s10, $0x1;
	s10 =	sld [smem:$0x3FA4];
	_ =	sdelay $0x3  }
0x34: {  	[smem:$0x3FA4] =	sst s10  }
0x35: {  	s10 =	sld [smem:$0x3FA3];
	_ =	sdelay $0x3  }
0x36: {  	p1 =	seq.s32 s10, $0x1;
	s10 =	sld [smem:$0x3FA4];
	_ =	sdelay $0x3  }
0x37: {  	[smem:$0x3FA4] =	sst s10  }
0x38: {  	s10 =	sld [smem:$0x3FA5]  }
0x39: {  	_ = 	snop;
	(pc) =	sbr.ind lr, $3  }
0x3a: {  	_ = 	snop  }
0x3b: {  	_ = 	snop  }
0x3c: {  	p2 =	seq.s32 s10, $0x1;
	s10 =	sld [smem:$0x3FA4]  }
0x3d: {  	_ =	shalt  }
0x3e: {  	_ =	shalt  }
0x3f: {  	_ =	shalt  }
0x40: {  	_ =	shalt  }
0x41: {  	_ =	shalt  }
0x42: {  	_ =	shalt  }
0x43: {  	_ =	shalt  }
0x44: {  	_ =	shalt  }
0x45: {  	_ =	shalt  }
0x46: {  	_ =	shalt  }
0x47: {  	_ =	shalt  }
0x48: {  	_ =	shalt  }
0x49: {  	_ =	shalt  }
0x4a: {  	_ =	shalt  }
0x4b: {  	_ =	shalt  }
0x4c: {  	_ =	shalt  }
0x4d: {  	_ =	shalt  }
0x4e: {  	_ =	shalt  }
0x4f: {  	_ =	shalt  }
0x50: {  	_ =	shalt  }
0x51: {  	_ =	shalt  }
0x52: {  	_ =	shalt  }
0x53: {  	_ =	shalt  }
0x54: {  	_ =	shalt  }
0x55: {  	_ =	shalt  }
0x56: {  	_ =	shalt  }
0x57: {  	_ =	shalt  }
0x58: {  	_ =	shalt  }
0x59: {  	_ =	shalt  }
0x5a: {  	_ =	shalt  }
0x5b: {  	_ =	shalt  }
0x5c: {  	_ =	shalt  }
0x5d: {  	_ =	shalt  }
0x5e: {  	_ =	shalt  }
0x5f: {  	_ =	shalt  }
0x60: {  	_ =	shalt  }
0x61: {  	_ =	shalt  }
0x62: {  	_ =	shalt  }
0x63: {  	_ =	shalt  }
0x64: {  	_ =	shalt  }
0x65: {  	_ =	shalt  }
0x66: {  	_ =	shalt  }
0x67: {  	_ =	shalt  }
0x68: {  	_ =	shalt  }
0x69: {  	_ =	shalt  }
0x6a: {  	_ =	shalt  }
0x6b: {  	_ =	shalt  }
0x6c: {  	_ =	shalt  }
0x6d: {  	_ =	shalt  }
0x6e: {  	_ =	shalt  }
0x6f: {  	_ =	shalt  }
0x70: {  	_ =	shalt  }
0x71: {  	_ =	shalt  }
0x72: {  	_ =	shalt  }
0x73: {  	_ =	shalt  }
0x74: {  	_ =	shalt  }
0x75: {  	_ =	shalt  }
0x76: {  	_ =	shalt  }
0x77: {  	_ =	shalt  }
0x78: {  	_ =	shalt  }
0x79: {  	_ =	shalt  }
0x7a: {  	_ =	shalt  }
0x7b: {  	_ =	shalt  }
0x7c: {  	_ =	shalt  }
0x7d: {  	_ =	shalt  }
0x7e: {  	_ =	shalt  }
0x7f: {  	_ =	shalt  }
0x80: {  	_ =	shalt  }
0x81: {  	_ =	shalt  }
0x82: {  	_ =	shalt  }
0x83: {  	_ =	shalt  }
0x84: {  	_ =	shalt  }
0x85: {  	_ =	shalt  }
0x86: {  	_ =	shalt  }
0x87: {  	_ =	shalt  }
.Lfunc_end0:
.L_simem_size_0:
called_computation.9_lowered:
.L_overlay_start_0:
0x88: {  	s2 =	sld [smem:$0x3FD9]  }
0x89: {  	s3 =	sld [smem:$0x3FFE];
	_ =	sdelay $0x1  }
0x8a: {  	s1 =	srdreg.scid  }
0x8b: {  	s0 =	sand.u32 $0x1, s1  }
0x8c: {  	s16 =	sshll.u32 s0, $0xA;
	s2 =	sadd.s32 s3, s2  }
0x8d: {  	s2 =	sadd.s32 s2, s16  }
0x8e: {  	[smem:$0x3FB0] =	sst s2  }
0x8f: {  	_ = 	snop  }
0x90: {  	(tm) =	ssettm $0x1  }
0x91: {  	s17 =	sld [smem:$0x3FFB];
	_ =	sdelay $0x3  }
0x92: {  	_ =	strace s17  }
0x93: {  	s2 =	sld [smem:$0x3FFC];
	_ =	sdelay $0x3  }
0x94: {  	_ =	strace s2  }
0x95: {  	s2 =	sld [smem:$0x3FFD];
	_ =	sdelay $0x3  }
0x96: {  	_ =	strace s2  }
0x97: {  	_ =	strace $0x8FFFFFFF  }
0x98: {  	s18 =	sld [smem:$0x3FDB];
	_ =	sdelay $0x1  }
0x99: {  	s19 =	simm.s32 $_scs_section_size  }
0x9a: {  	s4 =	simm.s32 $_size__tile_overlayer_lowered;
	s5 =	simm.s32 $_tile_overlayer_lowered  }
0x9b: {  	s22 =	simm.s32 $0x1BFF;
	s21 =	sshll.u32 s5, $0x1;
	s2 =	sadd.s32 s19, s18  }
0x9c: {  	s6 =	simm.s32 $0x0;
	s20 =	sshll.u32 s4, $0x1;
	s4 =	sadd.s32 s21, s2  }
0x9d: {  	[timem:s6], [sflag:s22] =	dma.local [hbm:s4], s20  }
0x9e: {  	_ =	swait.ge [sflag:s22], s20  }
0x9f: {  	s3 =	ssub.s32 $0x0, s20;
	[sflag:s22] =	ssyncset.done $0x0  }
0xa0: {  	[sflag:s22] =	ssyncadd.s32 s3;
	_ =	sdelay $0x1  }
0xa1: {  	s23 =	simm.s32 $0x1B8B  }
0xa2: {  	_ =	swait.ge [sflag:s23], $0x1  }
0xa3: {  	[sflag:s23] =	ssyncset.done $0x0  }
0xa4: {  	s25 =	simm.s32 $0x1B8E;
	s24 =	sld [smem:$0x3FFE];
	[sflag:s23] =	ssyncadd.s32 $0xFFFFFFFF  }
0xa5: {  	s26 =	simm.s32 $execute0_lowered;
	[smem:$0x3FD2] =	sst s25  }
0xa6: {  	s4 =	sshll.u32 s26, $0x1;
	_ =	strace $0x80000061;
	[dreg:$0x1] =	wrdreg $0xFFFFFFFF  }
0xa7: {  	s28 =	simm.s32 $_size_execute0_lowered;
	s2 =	sadd.s32 s2, s4;
	[dreg:$0x0] =	wrdreg $0x0  }
0xa8: {  	s4 =	sshll.u32 s28, $0x1;
	[dreg:$0x2] =	wrdreg s2  }
0xa9: {  	[dreg:$0x3] =	wrdreg s4  }
0xaa: {  	[dreg:$0x4] =	wrdreg $0xC0  }
0xab: {  	_ =	task [dreg:s6], $0x5FFFF  }
0xac: {  	[dreg:$0x1] =	wrdreg $0xFFFFFFFF  }
0xad: {  	[dreg:$0x0] =	wrdreg $0x60  }
0xae: {  	[dreg:$0x2] =	wrdreg s24  }
0xaf: {  	[dreg:$0x3] =	wrdreg $0x9  }
0xb0: {  	_ =	task.clear_ibuf [dreg:s6], $0x4FFFF;
	_ =	strace $0x90000061  }
0xb1: {  	s29 =	simm.s32 $0x9;
	_ =	strace $0x80000063  }
0xb2: {  	_ =	swait.ge [sflag:s29], $0x1  }
0xb3: {  	[sflag:s29] =	ssyncadd.s32 $0xFFFFFFFF  }
0xb4: {  	_ =	strace $0x90000063  }
0xb5: {  	_ =	sfence  }
0xb6: {  	s30 =	sld [smem:$0x0];
	_ =	sdelay $0x2  }
0xb7: {  	s31 =	sshll.u32 s1, $0xD;
	s1 =	sshrl.u32 s1, $0x2  }
0xb8: {  	s3 =	sand.u32 $0x4000, s31;
	s1 =	sadd.s32 s1, s30  }
0xb9: {  	s0 =	sor.u32 s3, s0;
	s1 =	sshll.u32 s1, $0x11  }
0xba: {  	s0 =	sor.u32 s1, s0  }
0xbb: {  	s0 =	sadd.s32 $0x8F2B, s0  }
0xbc: {  	[sflag:s0] =	ssyncadd.remote.s32 $0x1  }
0xbd: {  	_ =	sfence.sel $0xFFFF  }
0xbe: {  	[dreg:$0x0] =	wrdreg $0xFFFFFFFF;
	(pc) =	sbr.abs _section_cstart, $3  }
0xbf: {  	[dreg:$0x1] =	wrdreg $0xFFFFFFFF  }
0xc0: {  	_ =	task.clear_ibuf [dreg:s6], $0x2FFFF;
	_ =	strace $0x9FFFFFFF  }
0xc1: {  	(tm) =	ssettm $0x7FFFFFFF  }
tec
execute0_lowered:
.L_overlay_start_1:
0x0: {  	(tag) =	ssettag $0x1  }
0x1: {  	s2 =	srdreg.scid  }
0x2: {  	s11 =	rddreg [dreg:$0x0];
	s1 =	stileid.u32;
	s12 =	sand.u32 $0x1, s2  }
0x3: {  	s0 =	rddreg [dreg:$0x1];
	s3 =	sshll.u32 s1, $0x9;
	s4 =	sshll.u32 s12, $0x8  }
0x4: {  	s2 =	simm.s32 $0x0;
	s26 =	sadd.s32 $0xA400, s11;
	s13 =	sor.u32 s4, s3  }
0x5: {  	[smem:$0x7FF] =	sst s2;
	s3 =	sshrl.u32 s13, $0x3;
	s14 =	sor.u32 $0x80, s13  }
0x6: {  	_ =	strace $0x80000062;
	s3 =	sadd.s32 s26, s3;
	s5 =	sshrl.u32 s14, $0x3  }
0x7: {  	[tilespmem:s2], [sflag:$0x1] =	stream.linear.gather [hbm4b:s3+s2], $0x80, $0x38;
	[tilespmem:$0x8100] =	vst v63  }
0x8: {  	s6 =	simm.s32 $0x1;
	s4 =	sadd.s32 s26, s5;
	s5 =	simm.s32 $0x80  }
0x9: {  	[tilespmem:s5], [sflag:$0x2] =	stream.linear.gather [hbm4b:s4+s2], $0x80, $0x38;
	[tilespmem:$0x8100] =	vst v63  }
0xa: {  	_ =	swait.ge [sflag:s6], $0x80  }
0xb: {  	s9 =	simm.s32 $0x100;
	[sflag:s6] =	ssyncset.done $0x0  }
0xc: {  	s8 =	simm.s32 $0x2;
	s7 =	sadd.s32 $0xA800, s11;
	[sflag:s6] =	ssyncadd.s32 $0xFFFFFF80  }
0xd: {  	[tilespmem:s9], [sflag:$0x1] =	stream.indirect.gather [hbm4b:s7+s5], $0x80, s2, s5, $0xb8;
	[tilespmem:$0x8100] =	vst v63  }
0xe: {  	_ =	swait.ge [sflag:s8], $0x80  }
0xf: {  	[sflag:s8] =	ssyncset.done $0x0  }
0x10: {  	s10 =	simm.s32 $0x4100;
	[sflag:s8] =	ssyncadd.s32 $0xFFFFFF80  }
0x11: {  	[tilespmem:s10], [sflag:$0x2] =	stream.indirect.gather [hbm4b:s7+s5], $0x80, s5, s5, $0xb8;
	[tilespmem:$0x8100] =	vst v63  }
0x12: {  	s15 =	sadd.s32 $0x2A800, s11;
	_ =	swait.ge [sflag:s6], $0x4000  }
0x13: {  	s30 =	ssub.s32 $0x2, s12;
	s28 =	sshll.u32 s13, $0x4;
	[sflag:s6] =	ssyncset.done $0x0  }
0x14: {  	s31 =	sshrl.u32 s30, $0x1;
	s11 =	sadd.s32 s15, s28;
	[sflag:s6] =	ssyncadd.s32 $0xFFFFC000  }
0x15: {  	[hbm4b:s11+s2] =	stream.linear.scatter [tilespmem:s9], [sflag:$0x1], $0x4000, $0x38;
	[tilespmem:$0x8100] =	vst v63  }
0x16: {  	s13 =	ssub.s32 s30, s31;
	_ =	swait.ge [sflag:s8], $0x4000  }
0x17: {  	s29 =	sshll.u32 s14, $0x4;
	s13 =	smax.u32 s13, $0x1;
	[sflag:s8] =	ssyncset.done $0x0  }
0x18: {  	s12 =	sadd.s32 s15, s29;
	p0 =	sne.s32 s13, $0x1;
	[sflag:s8] =	ssyncadd.s32 $0xFFFFC000  }
0x19: {  	[hbm4b:s12+s2] =	stream.linear.scatter [tilespmem:s10], [sflag:$0x2], $0x4000, $0x38;
	[tilespmem:$0x8100] =	vst v63  }
.Ltmp0:
0x1a: {  	_ =	swait.ge [sflag:s6], $0x4000;
	(pc) =	sbr.rel @!p0 .LBB2_2-.Ltmp0, $4  }
0x1b: {  	[sflag:s6] =	ssyncset.done $0x0  }
0x1c: {  	[sflag:s6] =	ssyncadd.s32 $0xFFFFC000  }
0x1d: {  	_ =	swait.ge [sflag:s8], $0x4000  }
0x1e: {  	s13 =	sadd.s32 $0xFFFFFFFF, s13;
	[sflag:s8] =	ssyncset.done $0x0  }
.LBB2_1:
0x1f: {  	p0 =	sne.s32 s13, $0x1;
	s13 =	sadd.s32 $0xFFFFFFFF, s13;
	[sflag:s8] =	ssyncadd.s32 $0xFFFFC000  }
0x20: {  	[tilespmem:s2], [sflag:$0x1] =	stream.linear.gather [hbm4b:s3+s2], $0x80, $0x38;
	[tilespmem:$0x8100] =	vst v63  }
0x21: {  	_ = 	snop  }
0x22: {  	[tilespmem:s5], [sflag:$0x2] =	stream.linear.gather [hbm4b:s4+s2], $0x80, $0x38;
	[tilespmem:$0x8100] =	vst v63  }
0x23: {  	_ =	swait.ge [sflag:s6], $0x80  }
0x24: {  	[sflag:s6] =	ssyncset.done $0x0  }
0x25: {  	[sflag:s6] =	ssyncadd.s32 $0xFFFFFF80  }
0x26: {  	[tilespmem:s9], [sflag:$0x1] =	stream.indirect.gather [hbm4b:s7+s5], $0x80, s2, s5, $0xb8;
	[tilespmem:$0x8100] =	vst v63  }
0x27: {  	_ =	swait.ge [sflag:s8], $0x80  }
0x28: {  	[sflag:s8] =	ssyncset.done $0x0  }
0x29: {  	[sflag:s8] =	ssyncadd.s32 $0xFFFFFF80  }
0x2a: {  	[tilespmem:s10], [sflag:$0x2] =	stream.indirect.gather [hbm4b:s7+s5], $0x80, s5, s5, $0xb8;
	[tilespmem:$0x8100] =	vst v63  }
0x2b: {  	_ =	swait.ge [sflag:s6], $0x4000  }
0x2c: {  	[sflag:s6] =	ssyncset.done $0x0  }
0x2d: {  	[sflag:s6] =	ssyncadd.s32 $0xFFFFC000  }
0x2e: {  	[hbm4b:s11+s2] =	stream.linear.scatter [tilespmem:s9], [sflag:$0x1], $0x4000, $0x38;
	[tilespmem:$0x8100] =	vst v63  }
0x2f: {  	_ =	swait.ge [sflag:s8], $0x4000  }
0x30: {  	[sflag:s8] =	ssyncset.done $0x0  }
0x31: {  	[sflag:s8] =	ssyncadd.s32 $0xFFFFC000  }
0x32: {  	[hbm4b:s12+s2] =	stream.linear.scatter [tilespmem:s10], [sflag:$0x2], $0x4000, $0x38;
	[tilespmem:$0x8100] =	vst v63  }
.Ltmp1:
0x33: {  	_ =	swait.ge [sflag:s6], $0x4000;
	(pc) =	sbr.rel @p0 .LBB2_1-.Ltmp1, $4  }
0x34: {  	[sflag:s6] =	ssyncset.done $0x0  }
0x35: {  	[sflag:s6] =	ssyncadd.s32 $0xFFFFC000  }
0x36: {  	_ =	swait.ge [sflag:s8], $0x4000  }
0x37: {  	[sflag:s8] =	ssyncset.done $0x0  }
.LBB2_2:
0x38: {  	[sflag:s8] =	ssyncadd.s32 $0xFFFFC000  }
0x39: {  	_ =	sfence.sel $0x180000  }
0x3a: {  	[bflag:$0x0] =	sbarrier.arrive $0xFFFF  }
0x3b: {  	p0 =	sne.s32 s1, $0x0;
	_ =	strace $0x90000062  }
0x3c: {  	s0 =	sadd.s32 @!p0 $0x100000, s0;
	[bflag:$0x2] =	sbarrier.arrive $0xFFFF  }
0x3d: {  	[sflag:s0] =	ssyncadd.tile.s32 @!p0 $0x1;
	_ =	shalt  }
.Lfunc_end2:
_tile_overlayer_lowered:
.L_overlay_start_2:
0x3e: {  	(tag) =	ssettag $0x2  }
0x3f: {  	s0 =	rddreg [dreg:$0x0];
	s2 =	stileid.u32  }
0x40: {  	s1 =	rddreg [dreg:$0x1];
	p0 =	sne.s32 s2, $0x0  }
0x41: {  	s3 =	rddreg [dreg:$0x2];
	[bflag:$0x3] =	sbarrier.arrive $0xFFFF;
	s2 =	simm.s32 @!p0 $0x1C03  }
0x42: {  	[timem:s3], [sflag:s2] =	dma.local @!p0 [hbm:s0], s1  }
0x43: {  	s0 =	simm.s32 @!p0 $0x3  }
0x44: {  	_ =	swait.ge @!p0 [sflag:s0], s1  }
0x45: {  	s1 =	ssub.s32 @!p0 $0x0, s1;
	[sflag:s0] =	ssyncset.done @!p0 $0x0  }
0x46: {  	[sflag:s0] =	ssyncadd.s32 @!p0 s1  }
0x47: {  	[bflag:$0x3] =	sbarrier.arrive $0xFFFF  }
0x48: {  	_ =	shalt  }

// kernel: kernel.55.cloned.1.call-start
scs
__scs_entry_jumppad:
0x0: {  	(pc) =	sbr.rel $0x88, $3  }
0x1: {  	(tag) =	ssettag $0x0;
	lr =	simm.s32 $0x1  }
0x2: {  	[smem:$0x3F89] =	sst lr;
	_ =	strace $0xD0000000  }
0x3: {  	_ = 	snop  }
0x4: {  	_ = 	snop  }
0x5: {  	_ = 	snop  }
0x6: {  	_ = 	snop  }
0x7: {  	_ = 	snop  }
__scs_overlays_trampoline_lowered:
0x8: {  	[smem:$0x3F98] =	sst s0  }
0x9: {  	[smem:$0x3F99] =	sst s1  }
0xa: {  	[smem:$0x3F9A] =	sst s2  }
0xb: {  	[smem:$0x3F9B] =	sst s3  }
0xc: {  	[smem:$0x3F9C] =	sst s4  }
0xd: {  	[smem:$0x3F9D] =	sst s5  }
0xe: {  	[smem:$0x3F9E] =	sst s6  }
0xf: {  	[smem:$0x3F9F] =	sst s7  }
0x10: {  	[smem:$0x3FA0] =	sst s8  }
0x11: {  	[smem:$0x3FA1] =	sst s9;
	s0 =	simm.s32 @!p0 $0x0  }
0x12: {  	s1 =	sld [smem:$0x3F87];
	s0 =	simm.s32 @p0 $0x1  }
0x13: {  	[smem:$0x3FA2] =	sst s0;
	s0 =	simm.s32 @!p1 $0x0  }
0x14: {  	s2 =	sld [smem:$0x3F86];
	s0 =	simm.s32 @p1 $0x1  }
0x15: {  	[smem:$0x3FA3] =	sst s0;
	s0 =	simm.s32 @!p2 $0x0  }
0x16: {  	s3 =	sld [smem:$0x3FDB];
	s0 =	simm.s32 @p2 $0x1  }
0x17: {  	s4 =	simm.s32 $0x1BF5;
	[smem:$0x3FA5] =	sst s0  }
0x18: {  	s0 =	sld [smem:$0x3F88];
	_ =	swait.ge [sflag:s4], $0x0  }
0x19: {  	s7 =	sld [smem:$0x3F89]  }
0x1a: {  	s8 =	sadd.s32 $0xFFFFE003, lr  }
0x1b: {  	s9 =	sadd.s32 $0xFFFFFEF7, lr;
	s5 =	simm.s32 $0xFFFFFFFF;
	p2 =	slt.u32 s8, $0xFFFFF086  }
0x1c: {  	p1 =	slt.u32 s9, $0xF7A;
	s5 =	simm.s32 @!p2 $0x0  }
0x1d: {  	s5 =	simm.s32 @p1 $0x1;
	p0 =	seq.s32 s7, s2  }
0x1e: {  	s7 =	smul.u32 @!p0 $0xF7A, s2;
	p2 =	seq.s32 @!p0 s5, $0x0  }
0x1f: {  	s9 =	smul.u32 $0xF7A, s1;
	s8 =	simm.s32 @!p0 $0x1BF5;
	p2 =	por !p2, p0  }
0x20: {  	[sflag:s8] =	ssyncset.s32 @!p0 $0xFFFFF086;
	s6 =	sadd.s32 @!p0 s3, s7;
	s7 =	simm.s32 @!p0 $0x108  }
0x21: {  	s3 =	sadd.s32 s3, s9;
	s6 =	sadd.s32 @!p0 $0x88, s6;
	s7 =	simm.s32 @p2 $0x1082  }
0x22: {  	[simem:s7], [sflag:s8] =	dma.local @!p0 [hbm:s6], $0xF7A  }
0x23: {  	s9 =	sor.u32 $0xD0000000, s2;
	s6 =	simm.s32 $0x108;
	_ =	swait.ge @!p0 [sflag:s8], $0x0  }
0x24: {  	s3 =	sadd.s32 $0x88, s3;
	s6 =	simm.s32 @!p1 $0x1082;
	[sflag:s4] =	ssyncset.s32 $0xFFFFF086  }
0x25: {  	[simem:s6], [sflag:s4] =	dma.local [hbm:s3], $0xF7A  }
0x26: {  	[smem:$0x3F89] =	sst s1;
	(tag) =	ssettag s2;
	_ =	strace s9  }
0x27: {  	s1 =	sld [smem:$0x3F99]  }
0x28: {  	s2 =	sld [smem:$0x3F9A]  }
0x29: {  	s4 =	sld [smem:$0x3F9C]  }
0x2a: {  	p0 =	seq.s32 s5, $0x0;
	s5 =	sld [smem:$0x3F9D]  }
0x2b: {  	s6 =	sld [smem:$0x3F9E]  }
0x2c: {  	s7 =	sld [smem:$0x3F9F]  }
0x2d: {  	s3 =	simm.s32 $0x108;
	s8 =	sld [smem:$0x3FA0]  }
0x2e: {  	s3 =	simm.s32 @!p0 $0x1082;
	s9 =	sld [smem:$0x3FA1]  }
0x2f: {  	lr =	sadd.s32 s0, s3;
	s0 =	sld [smem:$0x3F98]  }
0x30: {  	s3 =	sld [smem:$0x3F9B]  }
0x31: {  	[smem:$0x3FA4] =	sst s10  }
0x32: {  	s10 =	sld [smem:$0x3FA2];
	_ =	sdelay $0x3  }
0x33: {  	p0 =	seq.s32 s10, $0x1;
	s10 =	sld [smem:$0x3FA4];
	_ =	sdelay $0x3  }
0x34: {  	[smem:$0x3FA4] =	sst s10  }
0x35: {  	s10 =	sld [smem:$0x3FA3];
	_ =	sdelay $0x3  }
0x36: {  	p1 =	seq.s32 s10, $0x1;
	s10 =	sld [smem:$0x3FA4];
	_ =	sdelay $0x3  }
0x37: {  	[smem:$0x3FA4] =	sst s10  }
0x38: {  	s10 =	sld [smem:$0x3FA5]  }
0x39: {  	_ = 	snop;
	(pc) =	sbr.ind lr, $3  }
0x3a: {  	_ = 	snop  }
0x3b: {  	_ = 	snop  }
0x3c: {  	p2 =	seq.s32 s10, $0x1;
	s10 =	sld [smem:$0x3FA4]  }
0x3d: {  	_ =	shalt  }
0x3e: {  	_ =	shalt  }
0x3f: {  	_ =	shalt  }
0x40: {  	_ =	shalt  }
0x41: {  	_ =	shalt  }
0x42: {  	_ =	shalt  }
0x43: {  	_ =	shalt  }
0x44: {  	_ =	shalt  }
0x45: {  	_ =	shalt  }
0x46: {  	_ =	shalt  }
0x47: {  	_ =	shalt  }
0x48: {  	_ =	shalt  }
0x49: {  	_ =	shalt  }
0x4a: {  	_ =	shalt  }
0x4b: {  	_ =	shalt  }
0x4c: {  	_ =	shalt  }
0x4d: {  	_ =	shalt  }
0x4e: {  	_ =	shalt  }
0x4f: {  	_ =	shalt  }
0x50: {  	_ =	shalt  }
0x51: {  	_ =	shalt  }
0x52: {  	_ =	shalt  }
0x53: {  	_ =	shalt  }
0x54: {  	_ =	shalt  }
0x55: {  	_ =	shalt  }
0x56: {  	_ =	shalt  }
0x57: {  	_ =	shalt  }
0x58: {  	_ =	shalt  }
0x59: {  	_ =	shalt  }
0x5a: {  	_ =	shalt  }
0x5b: {  	_ =	shalt  }
0x5c: {  	_ =	shalt  }
0x5d: {  	_ =	shalt  }
0x5e: {  	_ =	shalt  }
0x5f: {  	_ =	shalt  }
0x60: {  	_ =	shalt  }
0x61: {  	_ =	shalt  }
0x62: {  	_ =	shalt  }
0x63: {  	_ =	shalt  }
0x64: {  	_ =	shalt  }
0x65: {  	_ =	shalt  }
0x66: {  	_ =	shalt  }
0x67: {  	_ =	shalt  }
0x68: {  	_ =	shalt  }
0x69: {  	_ =	shalt  }
0x6a: {  	_ =	shalt  }
0x6b: {  	_ =	shalt  }
0x6c: {  	_ =	shalt  }
0x6d: {  	_ =	shalt  }
0x6e: {  	_ =	shalt  }
0x6f: {  	_ =	shalt  }
0x70: {  	_ =	shalt  }
0x71: {  	_ =	shalt  }
0x72: {  	_ =	shalt  }
0x73: {  	_ =	shalt  }
0x74: {  	_ =	shalt  }
0x75: {  	_ =	shalt  }
0x76: {  	_ =	shalt  }
0x77: {  	_ =	shalt  }
0x78: {  	_ =	shalt  }
0x79: {  	_ =	shalt  }
0x7a: {  	_ =	shalt  }
0x7b: {  	_ =	shalt  }
0x7c: {  	_ =	shalt  }
0x7d: {  	_ =	shalt  }
0x7e: {  	_ =	shalt  }
0x7f: {  	_ =	shalt  }
0x80: {  	_ =	shalt  }
0x81: {  	_ =	shalt  }
0x82: {  	_ =	shalt  }
0x83: {  	_ =	shalt  }
0x84: {  	_ =	shalt  }
0x85: {  	_ =	shalt  }
0x86: {  	_ =	shalt  }
0x87: {  	_ =	shalt  }
.Lfunc_end0:
.L_simem_size_0:
called_computation.10_lowered:
.L_overlay_start_0:
0x88: {  	s2 =	sld [smem:$0x3FD9]  }
0x89: {  	s3 =	sld [smem:$0x3FFE];
	_ =	sdelay $0x1  }
0x8a: {  	s1 =	srdreg.scid  }
0x8b: {  	s0 =	sand.u32 $0x1, s1  }
0x8c: {  	s17 =	sshll.u32 s0, $0xA;
	s2 =	sadd.s32 s3, s2  }
0x8d: {  	s2 =	sadd.s32 s2, s17  }
0x8e: {  	[smem:$0x3FB0] =	sst s2  }
0x8f: {  	_ = 	snop  }
0x90: {  	s2 =	sld [smem:$0x3FD0];
	(tm) =	ssettm $0x1  }
0x91: {  	s18 =	sld [smem:$0x3FFB];
	_ =	sdelay $0x3  }
0x92: {  	_ =	strace s18  }
0x93: {  	s3 =	sld [smem:$0x3FFC];
	_ =	sdelay $0x3  }
0x94: {  	_ =	strace s3  }
0x95: {  	s3 =	sld [smem:$0x3FFD];
	_ =	sdelay $0x3  }
0x96: {  	_ =	strace s3  }
0x97: {  	_ =	strace $0x8FFFFFFF  }
0x98: {  	s19 =	sld [smem:$0x3FDB];
	_ =	sdelay $0x1  }
0x99: {  	s4 =	simm.s32 $_scs_section_size  }
0x9a: {  	s5 =	simm.s32 $_size__tile_overlayer_lowered;
	s6 =	simm.s32 $_tile_overlayer_lowered  }
0x9b: {  	s22 =	simm.s32 $0x1BFF;
	s21 =	sshll.u32 s6, $0x1;
	s3 =	sadd.s32 s4, s19  }
0x9c: {  	s7 =	simm.s32 $0x0;
	s20 =	sshll.u32 s5, $0x1;
	s5 =	sadd.s32 s21, s3  }
0x9d: {  	[timem:s7], [sflag:s22] =	dma.local [hbm:s5], s20  }
0x9e: {  	_ =	swait.ge [sflag:s22], s20  }
0x9f: {  	s4 =	ssub.s32 $0x0, s20;
	[sflag:s22] =	ssyncset.done $0x0  }
0xa0: {  	[sflag:s22] =	ssyncadd.s32 s4;
	_ =	sdelay $0x1  }
0xa1: {  	s23 =	simm.s32 $0x1B8B  }
0xa2: {  	_ =	swait.ge [sflag:s23], $0x1  }
0xa3: {  	[sflag:s23] =	ssyncset.done $0x0  }
0xa4: {  	s25 =	simm.s32 $0x1B8E;
	s24 =	sld [smem:$0x3FFE];
	[sflag:s23] =	ssyncadd.s32 $0xFFFFFFFF  }
0xa5: {  	s26 =	simm.s32 $execute0_lowered;
	[smem:$0x3FD2] =	sst s25  }
0xa6: {  	s5 =	sshll.u32 s26, $0x1;
	_ =	strace $0x80000064;
	[dreg:$0x1] =	wrdreg $0xFFFFFFFF  }
0xa7: {  	s28 =	simm.s32 $_size_execute0_lowered;
	s3 =	sadd.s32 s3, s5;
	[dreg:$0x0] =	wrdreg $0x0  }
0xa8: {  	s5 =	sshll.u32 s28, $0x1;
	[dreg:$0x2] =	wrdreg s3  }
0xa9: {  	[dreg:$0x3] =	wrdreg s5  }
0xaa: {  	[dreg:$0x4] =	wrdreg $0xC0  }
0xab: {  	_ =	task [dreg:s7], $0x5FFFF  }
0xac: {  	[dreg:$0x1] =	wrdreg $0xFFFFFFFF  }
0xad: {  	[dreg:$0x0] =	wrdreg $0x60  }
0xae: {  	[dreg:$0x2] =	wrdreg s24  }
0xaf: {  	[dreg:$0x3] =	wrdreg s2  }
0xb0: {  	[dreg:$0x4] =	wrdreg $0x81000  }
0xb1: {  	[dreg:$0x5] =	wrdreg $0x9  }
0xb2: {  	_ =	task.clear_ibuf [dreg:s7], $0x6FFFF;
	_ =	strace $0x90000064  }
0xb3: {  	s29 =	simm.s32 $0x9;
	_ =	strace $0x80000066  }
0xb4: {  	_ =	swait.ge [sflag:s29], $0x1  }
0xb5: {  	[sflag:s29] =	ssyncadd.s32 $0xFFFFFFFF  }
0xb6: {  	_ =	strace $0x90000066  }
0xb7: {  	_ =	sfence  }
0xb8: {  	s30 =	sld [smem:$0x0];
	_ =	sdelay $0x2  }
0xb9: {  	s31 =	sshll.u32 s1, $0xD;
	s1 =	sshrl.u32 s1, $0x2  }
0xba: {  	s3 =	sand.u32 $0x4000, s31;
	s1 =	sadd.s32 s1, s30  }
0xbb: {  	s0 =	sor.u32 s3, s0;
	s1 =	sshll.u32 s1, $0x11  }
0xbc: {  	s0 =	sor.u32 s1, s0  }
0xbd: {  	s0 =	sadd.s32 $0x8F2B, s0  }
0xbe: {  	[sflag:s0] =	ssyncadd.remote.s32 $0x1  }
0xbf: {  	_ =	sfence.sel $0xFFFF  }
0xc0: {  	[dreg:$0x0] =	wrdreg $0xFFFFFFFF;
	(pc) =	sbr.abs _section_cstart, $3  }
0xc1: {  	[dreg:$0x1] =	wrdreg $0xFFFFFFFF  }
0xc2: {  	_ =	task.clear_ibuf [dreg:s7], $0x2FFFF;
	_ =	strace $0x9FFFFFFF  }
0xc3: {  	(tm) =	ssettm $0x7FFFFFFF  }
tec
execute0_lowered:
.L_overlay_start_1:
0x0: {  	(tag) =	ssettag $0x1  }
0x1: {  	s4 =	rddreg [dreg:$0x0]  }
0x2: {  	s9 =	rddreg [dreg:$0x1]  }
0x3: {  	s2 =	rddreg [dreg:$0x2]  }
0x4: {  	s3 =	srdreg.scid;
	s0 =	rddreg [dreg:$0x3]  }
0x5: {  	s1 =	stileid.u32;
	s17 =	sand.u32 $0x1, s3;
	s3 =	simm.s32 $0x0  }
0x6: {  	s5 =	sshll.u32 s1, $0x9;
	s30 =	sshll.u32 s1, $0xC;
	s8 =	sshll.u32 s1, $0xF  }
0x7: {  	s19 =	sshll.u32 s1, $0x6;
	s6 =	sshll.u32 s17, $0x8;
	[smem:$0x7FF] =	sst s3  }
0x8: {  	s18 =	sadd.s32 s30, s4;
	s8 =	sadd.s32 s8, s2;
	s7 =	sor.u32 s6, s5  }
0x9: {  	_ =	strace $0x80000065;
	s5 =	sshll.u32 s7, $0x4;
	s10 =	sshrl.u32 s7, $0x3  }
0xa: {  	s7 =	sshrl.u32 s8, $0x3;
	s8 =	simm.s32 $0x100;
	s29 =	sadd.s32 s5, s4  }
0xb: {  	s4 =	sadd.s32 $0x1A800, s18;
	s5 =	sor.u32 $0x1C01, s19;
	s6 =	sadd.s32 $0x2A800, s29  }
0xc: {  	[spmem:s7], [sflag:s5] =	dma.local [hbm:s4], $0x1000  }
0xd: {  	[tilespmem:s8], [sflag:$0x2] =	stream.linear.gather [hbm4b:s6+s3], $0x8000, $0x38;
	[tilespmem:$0x10100] =	vst v63  }
0xe: {  	s9 =	sadd.s32 s9, s10  }
0xf: {  	[tilespmem:s3], [sflag:$0x3] =	stream.linear.gather [hbm4b:s9+s3], $0x80, $0x38;
	[tilespmem:$0x10100] =	vst v63  }
0x10: {  	s11 =	simm.s32 $0x80;
	s12 =	simm.s32 $0x1;
	s10 =	sadd.s32 $0x10, s9  }
0x11: {  	[tilespmem:s11], [sflag:$0x3] =	stream.linear.gather [hbm4b:s10+s3], $0x80, $0x38;
	[tilespmem:$0x10100] =	vst v63  }
0x12: {  	_ =	swait.ge [sflag:s12], $0x1000  }
0x13: {  	[sflag:s12] =	ssyncset.done $0x0  }
0x14: {  	s13 =	simm.s32 $0x2;
	[sflag:s12] =	ssyncadd.s32 $0xFFFFF000  }
0x15: {  	_ =	swait.ge [sflag:s13], $0x8000  }
0x16: {  	[sflag:s13] =	ssyncset.done $0x0  }
0x17: {  	s14 =	simm.s32 $0x3;
	[sflag:s13] =	ssyncadd.s32 $0xFFFF8000  }
0x18: {  	_ =	swait.ge [sflag:s14], $0x80  }
0x19: {  	[sflag:s14] =	ssyncset.done $0x0  }
0x1a: {  	[sflag:s14] =	ssyncadd.s32 $0xFFFFFF80  }
0x1b: {  	_ =	swait.ge [sflag:s14], $0x80  }
0x1c: {  	[sflag:s14] =	ssyncset.done $0x0  }
0x1d: {  	[sflag:s14] =	ssyncadd.s32 $0xFFFFFF80  }
0x1e: {  	s15 =	simm.s32 $0x4;
	[bflag:$0x0] =	sbarrier.arrive $0xFFFF  }
0x1f: {  	[spmem:s2] =	stream.indirect.scatter.add.f32 [tilespmem:s8], [sflag:$0x4], $0x80, s3, s11, $0xb8;
	[tilespmem:$0x10100] =	vst v63  }
0x20: {  	s16 =	simm.s32 $0x4100;
	s20 =	ssub.s32 $0x2, s17;
	_ =	swait.ge [sflag:s15], $0x4000  }
0x21: {  	s17 =	sshll.u32 s17, $0x10;
	s31 =	sshrl.u32 s20, $0x1;
	[sflag:s15] =	ssyncset.done $0x0  }
0x22: {  	s17 =	sadd.s32 s17, s18;
	s18 =	ssub.s32 s20, s31;
	[sflag:s15] =	ssyncadd.s32 $0xFFFFC000  }
0x23: {  	[spmem:s2] =	stream.indirect.scatter.add.f32 [tilespmem:s16], [sflag:$0x4], $0x80, s11, s11, $0xb8;
	[tilespmem:$0x10100] =	vst v63  }
0x24: {  	s20 =	smax.u32 s18, $0x1;
	_ =	swait.ge [sflag:s15], $0x4000  }
0x25: {  	p0 =	sne.s32 s20, $0x1;
	[sflag:s15] =	ssyncset.done $0x0  }
.Ltmp0:
0x26: {  	[sflag:s15] =	ssyncadd.s32 $0xFFFFC000;
	(pc) =	sbr.rel @!p0 .LBB2_2-.Ltmp0, $4  }
0x27: {  	s17 =	sadd.s32 $0x4A800, s17;
	s18 =	sor.u32 $0x1C04, s19;
	[bflag:$0x0] =	sbarrier.arrive $0xFFFF  }
0x28: {  	[hbm:s17], [sflag:s18] =	dma.local [spmem:s7], $0x1000  }
0x29: {  	_ =	swait.ge [sflag:s15], $0x1000  }
0x2a: {  	s19 =	sadd.s32 $0xFFFFFFFF, s20;
	[sflag:s15] =	ssyncset.done $0x0  }
.LBB2_1:
0x2b: {  	p0 =	sne.s32 s19, $0x1;
	s19 =	sadd.s32 $0xFFFFFFFF, s19;
	[sflag:s15] =	ssyncadd.s32 $0xFFFFF000  }
0x2c: {  	[spmem:s7], [sflag:s5] =	dma.local [hbm:s4], $0x1000  }
0x2d: {  	[tilespmem:s8], [sflag:$0x2] =	stream.linear.gather [hbm4b:s6+s3], $0x8000, $0x38;
	[tilespmem:$0x10100] =	vst v63  }
0x2e: {  	_ = 	snop  }
0x2f: {  	[tilespmem:s3], [sflag:$0x3] =	stream.linear.gather [hbm4b:s9+s3], $0x80, $0x38;
	[tilespmem:$0x10100] =	vst v63  }
0x30: {  	_ = 	snop  }
0x31: {  	[tilespmem:s11], [sflag:$0x3] =	stream.linear.gather [hbm4b:s10+s3], $0x80, $0x38;
	[tilespmem:$0x10100] =	vst v63  }
0x32: {  	_ =	swait.ge [sflag:s12], $0x1000  }
0x33: {  	[sflag:s12] =	ssyncset.done $0x0  }
0x34: {  	[sflag:s12] =	ssyncadd.s32 $0xFFFFF000  }
0x35: {  	_ =	swait.ge [sflag:s13], $0x8000  }
0x36: {  	[sflag:s13] =	ssyncset.done $0x0  }
0x37: {  	[sflag:s13] =	ssyncadd.s32 $0xFFFF8000  }
0x38: {  	_ =	swait.ge [sflag:s14], $0x80  }
0x39: {  	[sflag:s14] =	ssyncset.done $0x0  }
0x3a: {  	[sflag:s14] =	ssyncadd.s32 $0xFFFFFF80  }
0x3b: {  	_ =	swait.ge [sflag:s14], $0x80  }
0x3c: {  	[sflag:s14] =	ssyncset.done $0x0  }
0x3d: {  	[sflag:s14] =	ssyncadd.s32 $0xFFFFFF80  }
0x3e: {  	[bflag:$0x0] =	sbarrier.arrive $0xFFFF  }
0x3f: {  	[spmem:s2] =	stream.indirect.scatter.add.f32 [tilespmem:s8], [sflag:$0x4], $0x80, s3, s11, $0xb8;
	[tilespmem:$0x10100] =	vst v63  }
0x40: {  	_ =	swait.ge [sflag:s15], $0x4000  }
0x41: {  	[sflag:s15] =	ssyncset.done $0x0  }
0x42: {  	[sflag:s15] =	ssyncadd.s32 $0xFFFFC000  }
0x43: {  	[spmem:s2] =	stream.indirect.scatter.add.f32 [tilespmem:s16], [sflag:$0x4], $0x80, s11, s11, $0xb8;
	[tilespmem:$0x10100] =	vst v63  }
0x44: {  	_ =	swait.ge [sflag:s15], $0x4000  }
0x45: {  	[sflag:s15] =	ssyncset.done $0x0  }
.Ltmp1:
0x46: {  	[sflag:s15] =	ssyncadd.s32 $0xFFFFC000;
	(pc) =	sbr.rel @p0 .LBB2_1-.Ltmp1, $4  }
0x47: {  	[bflag:$0x0] =	sbarrier.arrive $0xFFFF  }
0x48: {  	[hbm:s17], [sflag:s18] =	dma.local [spmem:s7], $0x1000  }
0x49: {  	_ =	swait.ge [sflag:s15], $0x1000  }
0x4a: {  	[sflag:s15] =	ssyncset.done $0x0  }
.LBB2_2:
0x4b: {  	[sflag:s15] =	ssyncadd.s32 $0xFFFFF000  }
0x4c: {  	_ =	sfence.sel $0x180000  }
0x4d: {  	[bflag:$0x0] =	sbarrier.arrive $0xFFFF  }
0x4e: {  	p0 =	sne.s32 s1, $0x0;
	_ =	strace $0x90000065  }
0x4f: {  	s0 =	sadd.s32 @!p0 $0x100000, s0;
	[bflag:$0x2] =	sbarrier.arrive $0xFFFF  }
0x50: {  	[sflag:s0] =	ssyncadd.tile.s32 @!p0 $0x1;
	_ =	shalt  }
.Lfunc_end2:
_tile_overlayer_lowered:
.L_overlay_start_2:
0x51: {  	(tag) =	ssettag $0x2  }
0x52: {  	s0 =	rddreg [dreg:$0x0];
	s2 =	stileid.u32  }
0x53: {  	s1 =	rddreg [dreg:$0x1];
	p0 =	sne.s32 s2, $0x0  }
0x54: {  	s3 =	rddreg [dreg:$0x2];
	[bflag:$0x3] =	sbarrier.arrive $0xFFFF;
	s2 =	simm.s32 @!p0 $0x1C04  }
0x55: {  	[timem:s3], [sflag:s2] =	dma.local @!p0 [hbm:s0], s1  }
0x56: {  	s0 =	simm.s32 @!p0 $0x4  }
0x57: {  	_ =	swait.ge @!p0 [sflag:s0], s1  }
0x58: {  	s1 =	ssub.s32 @!p0 $0x0, s1;
	[sflag:s0] =	ssyncset.done @!p0 $0x0  }
0x59: {  	[sflag:s0] =	ssyncadd.s32 @!p0 s1  }
0x5a: {  	[bflag:$0x3] =	sbarrier.arrive $0xFFFF  }
0x5b: {  	_ =	shalt  }

</sc_bundles>
